<compile_context>
chip_gen: v7x
topology: tpu7x:2x2x1
jax: 0.10.2.dev20260603
libtpu: 0.0.44.dev20260713+nightly
codegen_flags: <defaults>
</compile_context>

<pallas_src>
import jax
import jax.numpy as jnp
from jax import lax
from jax.experimental import pallas as pl
from jax.experimental.pallas import tpu as pltpu
from jax.experimental.pallas import tpu_sc as plsc

_B = 16384
_L = 16
_S = 4
_CPS = _B // (_L * _S)
_K = 256
_EPS = 1e-7


def _sc_body(lh_hbm, d_hbm, s_hbm, lhw, dS, key_a, key_b, idx_a, idx_b, cnt):
    c = lax.axis_index("c")
    s = lax.axis_index("s")

    @pl.when(jnp.logical_and(c == 0, s == 0))
    def _():
        pltpu.sync_copy(lh_hbm, lhw)
        pltpu.sync_copy(d_hbm, dS)

        lane = lax.iota(jnp.int32, _L)
        base = lane * (_B // _L)
        laneS = lane * _S
        ones = jnp.ones((_L,), jnp.int32)
        m255 = jnp.full((_L,), 255, jnp.int32)
        _NSUB = _L * _S

        def zero_cnt():
            @plsc.parallel_loop(0, _K * _S, unroll=4)
            def _z(g):
                cnt[pl.ds(g * _L, _L)] = jnp.zeros((_L,), jnp.int32)

        @plsc.parallel_loop(0, _B // _L, unroll=4,
                            carry=jnp.full((_L,), -jnp.inf, jnp.float32))
        def mvec(v, m):
            idx_a[pl.ds(v * _L, _L)] = v * _L + lane
            return jnp.maximum(m, lhw[pl.ds(v * _L, _L)])
        gamma = plsc.sort_key_val(mvec, mvec)[0][_L - 1]

        zero_cnt()

        @plsc.parallel_loop(0, _CPS, unroll=2)
        def _f(v):
            for st in range(_S):
                iv = base + (st * _CPS + v)
                d16 = plsc.load_gather(dS, [iv])
                ub = ~plsc.bitcast(d16, jnp.int32)
                plsc.store_scatter(key_a, [iv], ub)
                plsc.addupdate_scatter(
                    cnt, [(ub & m255) * _NSUB + laneS + st], ones)

        def scan_cnt():
            @plsc.parallel_loop(0, _K, unroll=2, carry=jnp.int32(0))
            def _s(g, carry):
                ix = [g * _NSUB + laneS + st for st in range(_S)]
                rows = [plsc.load_gather(cnt, [ix[st]]) for st in range(_S)]
                tot = rows[0]
                for st in range(1, _S):
                    tot = tot + rows[st]
                inc = plsc.cumsum(tot)
                e = inc - tot + carry
                for st in range(_S):
                    plsc.store_scatter(cnt, [ix[st]], e)
                    e = e + rows[st]
                return carry + inc[_L - 1]

        def hist(key_src, shift):
            sh = jnp.full((_L,), shift, jnp.int32)
            @plsc.parallel_loop(0, _CPS, unroll=2)
            def _h(v):
                for st in range(_S):
                    iv = base + (st * _CPS + v)
                    k = plsc.load_gather(key_src, [iv])
                    dig = lax.shift_right_logical(k, sh) & m255
                    plsc.addupdate_scatter(
                        cnt, [dig * _NSUB + laneS + st], ones)

        def permute(key_src, idx_src, key_dst, idx_dst, shift):
            sh = jnp.full((_L,), shift, jnp.int32)
            def pbody(v, _):
                @plsc.parallel_loop(0, _S, unroll=_S)
                def _p(st):
                    iv = base + (st * _CPS + v)
                    k = plsc.load_gather(key_src, [iv])
                    pay = plsc.load_gather(idx_src, [iv])
                    dig = lax.shift_right_logical(k, sh) & m255
                    slot = dig * _NSUB + laneS + st
                    pos = plsc.load_gather(cnt, [slot])
                    plsc.store_scatter(key_dst, [pos], k)
                    plsc.store_scatter(idx_dst, [pos], pay)
                    plsc.addupdate_scatter(cnt, [slot], ones)
                return 0
            lax.fori_loop(0, _CPS, pbody, 0)

        scan_cnt()
        permute(key_a, idx_a, key_b, idx_b, 0)

        zero_cnt()
        hist(key_b, 8)
        scan_cnt()
        permute(key_b, idx_b, key_a, idx_a, 8)

        zero_cnt()
        hist(key_a, 16)
        scan_cnt()
        permute(key_a, idx_a, key_b, idx_b, 16)

        zero_cnt()
        hist(key_b, 24)
        scan_cnt()
        permute(key_b, idx_b, key_a, idx_a, 24)

        zf = tuple(jnp.zeros((_L,), jnp.float32) for _ in range(_S))

        @plsc.parallel_loop(0, _B // (_S * _L), unroll=2, carry=zf)
        def tot(v, carry):
            acc = list(carry)
            for st in range(_S):
                sv = idx_a[pl.ds(st * (_B // _S) + v * _L, _L)]
                wv = jnp.exp(plsc.load_gather(lhw, [sv]) - gamma)
                acc[st] = acc[st] + wv
            return tuple(acc)

        offs = []
        run = jnp.float32(0.0)
        for st in range(_S):
            offs.append(run)
            run = run + plsc.cumsum(tot[st])[_L - 1]

        @plsc.parallel_loop(0, _B // (_S * _L), unroll=2, carry=tuple(offs))
        def _f2(v, carry):
            cs = list(carry)
            for st in range(_S):
                sv = idx_a[pl.ds(st * (_B // _S) + v * _L, _L)]
                wv = jnp.exp(plsc.load_gather(lhw, [sv]) - gamma)
                inc = plsc.cumsum(wv) + cs[st]
                plsc.store_scatter(dS, [sv], inc)
                cs[st] = inc[_L - 1]
            return tuple(cs)

        pltpu.sync_copy(dS, s_hbm)


def _risk_set_sums(lh, d):
    mesh = plsc.VectorSubcoreMesh(core_axis_name="c", subcore_axis_name="s")
    return pl.kernel(
        _sc_body,
        out_type=jax.ShapeDtypeStruct((_B,), jnp.float32),
        mesh=mesh,
        compiler_params=pltpu.CompilerParams(needs_layout_passes=False),
        scratch_types=[
            pltpu.VMEM((_B,), jnp.float32),
            pltpu.VMEM((_B,), jnp.float32),
            pltpu.VMEM((_B,), jnp.int32),
            pltpu.VMEM((_B,), jnp.int32),
            pltpu.VMEM((_B,), jnp.int32),
            pltpu.VMEM((_B,), jnp.int32),
            pltpu.VMEM((_K * _L * _S,), jnp.int32),
        ],
    )(lh, d)


def _loss_kernel(lh_ref, e_ref, s_ref, out_ref):
    lh = lh_ref[:, :]
    e = e_ref[:, :]
    srow = s_ref[:, :]
    gamma = jnp.max(lh)
    num = jnp.sum(e * (lh - (jnp.log(srow + _EPS) + gamma)))
    den = jnp.sum(e)
    loss = -num / den
    loss = jnp.where(jnp.isnan(loss), jnp.inf, loss)
    loss = jnp.where(jnp.isneginf(loss), jnp.inf, loss)
    out_ref[0, 0] = loss


def kernel(input, target, weight):
    s = _risk_set_sums(input, target)
    out = pl.pallas_call(
        _loss_kernel,
        out_shape=jax.ShapeDtypeStruct((1, 1), jnp.float32),
        out_specs=pl.BlockSpec(memory_space=pltpu.SMEM),
    )(input.reshape(1, _B), weight.reshape(1, _B), s.reshape(1, _B))
    return out[0, 0]

# --- scband reference (transcript-rebuilt; emitter-appended) ---
"""Pipeline reference for scband-approximate-npll-loss-25391846654276 (READ-ONLY COPY).

The authoritative reference and input builder live on the scoring server;
editing this copy changes nothing except your own understanding.
"""

import jax, jax.numpy as jnp
import numpy as np

B = 16384

def setup_inputs(seed: int = 0) -> dict:
    key = jax.random.key(seed)
    k1, k2, k3 = jax.random.split(key, 3)
    inp = jax.random.normal(k1, (B,), dtype=jnp.float32)
    target = jax.random.uniform(k2, (B,), dtype=jnp.float32) * 100.0
    weight = jax.random.randint(k3, (B,), 0, 2).astype(jnp.float32)
    return {"input": inp, "target": target, "weight": weight}

def _cox_ph_loss(log_h, durations, events, eps=1e-07):
    # pycox.models.loss.cox_ph_loss: sort by duration descending, then sorted loss
    idx = jnp.argsort(-durations.reshape(-1))
    events_s = events.reshape(-1)[idx]
    log_h_s = log_h.reshape(-1)[idx]
    gamma = jnp.max(log_h_s)
    log_cumsum_h = jnp.log(jnp.cumsum(jnp.exp(log_h_s - gamma)) + eps) + gamma
    return -jnp.sum((log_h_s - log_cumsum_h) * events_s) / jnp.sum(events_s)

def reference(input, target, weight):
    result = _cox_ph_loss(input, target, weight, eps=1e-07)
    # nan -> +inf
    result = jnp.where(jnp.isnan(result), jnp.inf, result)
    # -inf -> +inf
    result = jnp.where(jnp.isneginf(result), -result, result)
    return result

if __name__ == "__main__":
    import jax
    _d = setup_inputs()
    print(jax.jit(kernel)(*tuple(_d.values())))

</pallas_src>

<mosaic_0001>
#map = affine_map<(d0, d1) -> (0)>
module attributes {stable_mosaic.version = 14 : i64} {
  func.func @_sc_body(%arg0: i32, %arg1: i32, %arg2: memref<16384xf32, #tpu.memory_space<hbm>>, %arg3: memref<16384xf32, #tpu.memory_space<hbm>>, %arg4: memref<16384xf32, #tpu.memory_space<hbm>>, %arg5: memref<16384xf32, #tpu.memory_space<vmem>>, %arg6: memref<16384xf32, #tpu.memory_space<vmem>>, %arg7: memref<16384xi32, #tpu.memory_space<vmem>>, %arg8: memref<16384xi32, #tpu.memory_space<vmem>>, %arg9: memref<16384xi32, #tpu.memory_space<vmem>>, %arg10: memref<16384xi32, #tpu.memory_space<vmem>>, %arg11: memref<16384xi32, #tpu.memory_space<vmem>>) attributes {dimension_semantics = [#tpu.dimension_semantics<core_parallel>, #tpu.dimension_semantics<subcore_parallel>], iteration_bounds = array<i64: 2, 16>, scalar_prefetch = 0 : i64, scratch_operands = 7 : i64, tpu.core_type = #tpu.core_type<sc_vector_subcore>, window_params = [{transform_indices = #map}, {transform_indices = #map}, {transform_indices = #map}]} {
    %eq3A = arith.constant 0 : i32
    %eq3A_0 = arith.cmpi eq, %arg0, %eq3A : i32
    %eq3A_1 = arith.constant 0 : i32
    %eq3A_2 = arith.cmpi eq, %arg1, %eq3A_1 : i32
    %and3A = arith.andi %eq3A_0, %eq3A_2 : i1
    %convert_element_type3A = arith.extui %and3A : i1 to i32
    %cond3A = arith.constant 0 : i32
    %cond3A_3 = arith.cmpi ne, %convert_element_type3A, %cond3A : i32
    scf.if %cond3A_3 {
      "tpu.region"() ({
        %run_scoped3A = tpu.sem_alloc : memref<!tpu.dma_semaphore, #tpu.memory_space<semaphore_mem>>
        tpu.enqueue_dma source(%arg2 : memref<16384xf32, #tpu.memory_space<hbm>>) target(%arg5 : memref<16384xf32, #tpu.memory_space<vmem>>) target_semaphore(%run_scoped3A : memref<!tpu.dma_semaphore, #tpu.memory_space<semaphore_mem>>)
        tpu.wait_dma2 semaphore(%run_scoped3A : memref<!tpu.dma_semaphore, #tpu.memory_space<semaphore_mem>>) src(%arg2 : memref<16384xf32, #tpu.memory_space<hbm>>) dst(%arg5 : memref<16384xf32, #tpu.memory_space<vmem>>)
        tpu.yield
      }) : () -> ()
      "tpu.region"() ({
        %run_scoped3A = tpu.sem_alloc : memref<!tpu.dma_semaphore, #tpu.memory_space<semaphore_mem>>
        tpu.enqueue_dma source(%arg3 : memref<16384xf32, #tpu.memory_space<hbm>>) target(%arg6 : memref<16384xf32, #tpu.memory_space<vmem>>) target_semaphore(%run_scoped3A : memref<!tpu.dma_semaphore, #tpu.memory_space<semaphore_mem>>)
        tpu.wait_dma2 semaphore(%run_scoped3A : memref<!tpu.dma_semaphore, #tpu.memory_space<semaphore_mem>>) src(%arg3 : memref<16384xf32, #tpu.memory_space<hbm>>) dst(%arg6 : memref<16384xf32, #tpu.memory_space<vmem>>)
        tpu.yield
      }) : () -> ()
      %iota3A = tpu.iota {dimensions = array<i32: 0>} : vector<16xi32>
      %mul3A = arith.constant 1024 : i32
      %mul3A_4 = vector.broadcast %mul3A : i32 to vector<16xi32>
      %mul3A_5 = arith.muli %iota3A, %mul3A_4 : vector<16xi32>
      %mul3A_6 = arith.constant 4 : i32
      %mul3A_7 = vector.broadcast %mul3A_6 : i32 to vector<16xi32>
      %mul3A_8 = arith.muli %iota3A, %mul3A_7 : vector<16xi32>
      %broadcast_in_dim3A = arith.constant 1 : i32
      %broadcast_in_dim3A_9 = vector.broadcast %broadcast_in_dim3A : i32 to vector<16xi32>
      %broadcast_in_dim3A_10 = arith.constant 255 : i32
      %broadcast_in_dim3A_11 = vector.broadcast %broadcast_in_dim3A_10 : i32 to vector<16xi32>
      %broadcast_in_dim3A_12 = arith.constant 0xFF800000 : f32
      %broadcast_in_dim3A_13 = vector.broadcast %broadcast_in_dim3A_12 : f32 to vector<16xf32>
      %parallel_loop3A = arith.constant 0 : i32
      %parallel_loop3A_14 = arith.constant 1024 : i32
      %parallel_loop3A_15 = arith.constant 1 : i32
      %parallel_loop3A_16 = scf.for %parallel_loop3A_145 = %parallel_loop3A to %parallel_loop3A_14 step %parallel_loop3A_15 iter_args(%parallel_loop3A_146 = %broadcast_in_dim3A_13) -> (vector<16xf32>)  : i32 {
        %parallel_loop3A_147 = arith.constant 16 : i32
        %parallel_loop3A_148 = arith.muli %parallel_loop3A_145, %parallel_loop3A_147 : i32
        %parallel_loop3A_149 = vector.broadcast %parallel_loop3A_148 : i32 to vector<16xi32>
        %parallel_loop3A_150 = arith.addi %parallel_loop3A_149, %iota3A : vector<16xi32>
        %parallel_loop3A_151 = arith.constant 16 : i32
        %parallel_loop3A_152 = arith.muli %parallel_loop3A_145, %parallel_loop3A_151 : i32
        %parallel_loop3A_153 = arith.index_cast %parallel_loop3A_152 : i32 to index
        %parallel_loop3A_154 = tpu.vector_load %arg9[%parallel_loop3A_153] {strides = array<i32>} : memref<16384xi32, #tpu.memory_space<vmem>>, vector<16xi32>,
        tpu.vector_store %arg9[%parallel_loop3A_153], %parallel_loop3A_150 {strides = array<i32>} : memref<16384xi32, #tpu.memory_space<vmem>>, vector<16xi32>,
        %parallel_loop3A_155 = arith.constant 16 : i32
        %parallel_loop3A_156 = arith.muli %parallel_loop3A_145, %parallel_loop3A_155 : i32
        %parallel_loop3A_157 = arith.index_cast %parallel_loop3A_156 : i32 to index
        %parallel_loop3A_158 = tpu.vector_load %arg5[%parallel_loop3A_157] {strides = array<i32>} : memref<16384xf32, #tpu.memory_space<vmem>>, vector<16xf32>,
        %parallel_loop3A_159 = arith.maximumf %parallel_loop3A_146, %parallel_loop3A_158 : vector<16xf32>
        scf.yield %parallel_loop3A_159 : vector<16xf32>
      } {sc.loop_unroll_factor = 4 : i64, sc.parallel_access}
      %masked_sort3A = arith.constant dense<true> : vector<16xi1>
      %masked_sort3A_17, %masked_sort3A_18, %masked_sort3A_19 = tpu.sort %parallel_loop3A_16, %parallel_loop3A_16 masked %masked_sort3A : (vector<16xf32>, vector<16xf32>, vector<16xi1>) -> (vector<16xi1>, vector<16xf32>, vector<16xf32>)
      %slice3A = vector.extract_strided_slice %masked_sort3A_18 {offsets = [15], sizes = [1], strides = [1]} : vector<16xf32> to vector<1xf32>
      %squeeze3A = vector.extract %slice3A[0] : f32 from vector<1xf32>
      %parallel_loop3A_20 = arith.constant 0 : i32
      %parallel_loop3A_21 = arith.constant 1024 : i32
      %parallel_loop3A_22 = arith.constant 1 : i32
      scf.for %parallel_loop3A_145 = %parallel_loop3A_20 to %parallel_loop3A_21 step %parallel_loop3A_22  : i32 {
        %parallel_loop3A_146 = arith.constant 0 : i32
        %parallel_loop3A_147 = vector.broadcast %parallel_loop3A_146 : i32 to vector<16xi32>
        %parallel_loop3A_148 = arith.constant 16 : i32
        %parallel_loop3A_149 = arith.muli %parallel_loop3A_145, %parallel_loop3A_148 : i32
        %parallel_loop3A_150 = arith.index_cast %parallel_loop3A_149 : i32 to index
        %parallel_loop3A_151 = tpu.vector_load %arg11[%parallel_loop3A_150] {strides = array<i32>} : memref<16384xi32, #tpu.memory_space<vmem>>, vector<16xi32>,
        tpu.vector_store %arg11[%parallel_loop3A_150], %parallel_loop3A_147 {strides = array<i32>} : memref<16384xi32, #tpu.memory_space<vmem>>, vector<16xi32>,
      } {sc.loop_unroll_factor = 4 : i64, sc.parallel_access}
      %parallel_loop3A_23 = arith.constant 0 : i32
      %parallel_loop3A_24 = arith.constant 256 : i32
      %parallel_loop3A_25 = arith.constant 1 : i32
      scf.for %parallel_loop3A_145 = %parallel_loop3A_23 to %parallel_loop3A_24 step %parallel_loop3A_25  : i32 {
        %parallel_loop3A_146 = arith.constant 0 : i32
        %parallel_loop3A_147 = arith.addi %parallel_loop3A_146, %parallel_loop3A_145 : i32
        %parallel_loop3A_148 = vector.broadcast %parallel_loop3A_147 : i32 to vector<16xi32>
        %parallel_loop3A_149 = arith.addi %mul3A_5, %parallel_loop3A_148 : vector<16xi32>
        %parallel_loop3A_150 = tpu.vector_load_idx %arg6[%parallel_loop3A_149] : memref<16384xf32, #tpu.memory_space<vmem>>[vector<16xi32>], vector<16xf32>,
        %parallel_loop3A_151 = vector.bitcast %parallel_loop3A_150 : vector<16xf32> to vector<16xi32>
        %parallel_loop3A_152 = arith.constant dense<-1> : vector<16xi32>
        %parallel_loop3A_153 = arith.xori %parallel_loop3A_151, %parallel_loop3A_152 : vector<16xi32>
        tpu.vector_store_idx %arg7[%parallel_loop3A_149], %parallel_loop3A_153 : memref<16384xi32, #tpu.memory_space<vmem>>[vector<16xi32>], vector<16xi32>,
        %parallel_loop3A_154 = arith.andi %parallel_loop3A_153, %broadcast_in_dim3A_11 : vector<16xi32>
        %parallel_loop3A_155 = arith.constant 64 : i32
        %parallel_loop3A_156 = vector.broadcast %parallel_loop3A_155 : i32 to vector<16xi32>
        %parallel_loop3A_157 = arith.muli %parallel_loop3A_154, %parallel_loop3A_156 : vector<16xi32>
        %parallel_loop3A_158 = arith.addi %parallel_loop3A_157, %mul3A_8 : vector<16xi32>
        %parallel_loop3A_159 = arith.constant 0 : i32
        %parallel_loop3A_160 = vector.broadcast %parallel_loop3A_159 : i32 to vector<16xi32>
        %parallel_loop3A_161 = arith.addi %parallel_loop3A_158, %parallel_loop3A_160 : vector<16xi32>
        tpu.vector_store_idx %arg11[%parallel_loop3A_161], %broadcast_in_dim3A_9 {add = true} : memref<16384xi32, #tpu.memory_space<vmem>>[vector<16xi32>], vector<16xi32>,
        %parallel_loop3A_162 = arith.constant 256 : i32
        %parallel_loop3A_163 = arith.addi %parallel_loop3A_162, %parallel_loop3A_145 : i32
        %parallel_loop3A_164 = vector.broadcast %parallel_loop3A_163 : i32 to vector<16xi32>
        %parallel_loop3A_165 = arith.addi %mul3A_5, %parallel_loop3A_164 : vector<16xi32>
        %parallel_loop3A_166 = tpu.vector_load_idx %arg6[%parallel_loop3A_165] : memref<16384xf32, #tpu.memory_space<vmem>>[vector<16xi32>], vector<16xf32>,
        %parallel_loop3A_167 = vector.bitcast %parallel_loop3A_166 : vector<16xf32> to vector<16xi32>
        %parallel_loop3A_168 = arith.constant dense<-1> : vector<16xi32>
        %parallel_loop3A_169 = arith.xori %parallel_loop3A_167, %parallel_loop3A_168 : vector<16xi32>
        tpu.vector_store_idx %arg7[%parallel_loop3A_165], %parallel_loop3A_169 : memref<16384xi32, #tpu.memory_space<vmem>>[vector<16xi32>], vector<16xi32>,
        %parallel_loop3A_170 = arith.andi %parallel_loop3A_169, %broadcast_in_dim3A_11 : vector<16xi32>
        %parallel_loop3A_171 = arith.constant 64 : i32
        %parallel_loop3A_172 = vector.broadcast %parallel_loop3A_171 : i32 to vector<16xi32>
        %parallel_loop3A_173 = arith.muli %parallel_loop3A_170, %parallel_loop3A_172 : vector<16xi32>
        %parallel_loop3A_174 = arith.addi %parallel_loop3A_173, %mul3A_8 : vector<16xi32>
        %parallel_loop3A_175 = arith.constant 1 : i32
        %parallel_loop3A_176 = vector.broadcast %parallel_loop3A_175 : i32 to vector<16xi32>
        %parallel_loop3A_177 = arith.addi %parallel_loop3A_174, %parallel_loop3A_176 : vector<16xi32>
        tpu.vector_store_idx %arg11[%parallel_loop3A_177], %broadcast_in_dim3A_9 {add = true} : memref<16384xi32, #tpu.memory_space<vmem>>[vector<16xi32>], vector<16xi32>,
        %parallel_loop3A_178 = arith.constant 512 : i32
        %parallel_loop3A_179 = arith.addi %parallel_loop3A_178, %parallel_loop3A_145 : i32
        %parallel_loop3A_180 = vector.broadcast %parallel_loop3A_179 : i32 to vector<16xi32>
        %parallel_loop3A_181 = arith.addi %mul3A_5, %parallel_loop3A_180 : vector<16xi32>
        %parallel_loop3A_182 = tpu.vector_load_idx %arg6[%parallel_loop3A_181] : memref<16384xf32, #tpu.memory_space<vmem>>[vector<16xi32>], vector<16xf32>,
        %parallel_loop3A_183 = vector.bitcast %parallel_loop3A_182 : vector<16xf32> to vector<16xi32>
        %parallel_loop3A_184 = arith.constant dense<-1> : vector<16xi32>
        %parallel_loop3A_185 = arith.xori %parallel_loop3A_183, %parallel_loop3A_184 : vector<16xi32>
        tpu.vector_store_idx %arg7[%parallel_loop3A_181], %parallel_loop3A_185 : memref<16384xi32, #tpu.memory_space<vmem>>[vector<16xi32>], vector<16xi32>,
        %parallel_loop3A_186 = arith.andi %parallel_loop3A_185, %broadcast_in_dim3A_11 : vector<16xi32>
        %parallel_loop3A_187 = arith.constant 64 : i32
        %parallel_loop3A_188 = vector.broadcast %parallel_loop3A_187 : i32 to vector<16xi32>
        %parallel_loop3A_189 = arith.muli %parallel_loop3A_186, %parallel_loop3A_188 : vector<16xi32>
        %parallel_loop3A_190 = arith.addi %parallel_loop3A_189, %mul3A_8 : vector<16xi32>
        %parallel_loop3A_191 = arith.constant 2 : i32
        %parallel_loop3A_192 = vector.broadcast %parallel_loop3A_191 : i32 to vector<16xi32>
        %parallel_loop3A_193 = arith.addi %parallel_loop3A_190, %parallel_loop3A_192 : vector<16xi32>
        tpu.vector_store_idx %arg11[%parallel_loop3A_193], %broadcast_in_dim3A_9 {add = true} : memref<16384xi32, #tpu.memory_space<vmem>>[vector<16xi32>], vector<16xi32>,
        %parallel_loop3A_194 = arith.constant 768 : i32
        %parallel_loop3A_195 = arith.addi %parallel_loop3A_194, %parallel_loop3A_145 : i32
        %parallel_loop3A_196 = vector.broadcast %parallel_loop3A_195 : i32 to vector<16xi32>
        %parallel_loop3A_197 = arith.addi %mul3A_5, %parallel_loop3A_196 : vector<16xi32>
        %parallel_loop3A_198 = tpu.vector_load_idx %arg6[%parallel_loop3A_197] : memref<16384xf32, #tpu.memory_space<vmem>>[vector<16xi32>], vector<16xf32>,
        %parallel_loop3A_199 = vector.bitcast %parallel_loop3A_198 : vector<16xf32> to vector<16xi32>
        %parallel_loop3A_200 = arith.constant dense<-1> : vector<16xi32>
        %parallel_loop3A_201 = arith.xori %parallel_loop3A_199, %parallel_loop3A_200 : vector<16xi32>
        tpu.vector_store_idx %arg7[%parallel_loop3A_197], %parallel_loop3A_201 : memref<16384xi32, #tpu.memory_space<vmem>>[vector<16xi32>], vector<16xi32>,
        %parallel_loop3A_202 = arith.andi %parallel_loop3A_201, %broadcast_in_dim3A_11 : vector<16xi32>
        %parallel_loop3A_203 = arith.constant 64 : i32
        %parallel_loop3A_204 = vector.broadcast %parallel_loop3A_203 : i32 to vector<16xi32>
        %parallel_loop3A_205 = arith.muli %parallel_loop3A_202, %parallel_loop3A_204 : vector<16xi32>
        %parallel_loop3A_206 = arith.addi %parallel_loop3A_205, %mul3A_8 : vector<16xi32>
        %parallel_loop3A_207 = arith.constant 3 : i32
        %parallel_loop3A_208 = vector.broadcast %parallel_loop3A_207 : i32 to vector<16xi32>
        %parallel_loop3A_209 = arith.addi %parallel_loop3A_206, %parallel_loop3A_208 : vector<16xi32>
        tpu.vector_store_idx %arg11[%parallel_loop3A_209], %broadcast_in_dim3A_9 {add = true} : memref<16384xi32, #tpu.memory_space<vmem>>[vector<16xi32>], vector<16xi32>,
      } {sc.loop_unroll_factor = 2 : i64, sc.parallel_access}
      %parallel_loop3A_26 = arith.constant 0 : i32
      %parallel_loop3A_27 = arith.constant 256 : i32
      %parallel_loop3A_28 = arith.constant 1 : i32
      %parallel_loop3A_29 = arith.constant 0 : i32
      %parallel_loop3A_30 = scf.for %parallel_loop3A_145 = %parallel_loop3A_26 to %parallel_loop3A_27 step %parallel_loop3A_28 iter_args(%parallel_loop3A_146 = %parallel_loop3A_29) -> (i32)  : i32 {
        %parallel_loop3A_147 = arith.constant 64 : i32
        %parallel_loop3A_148 = arith.muli %parallel_loop3A_145, %parallel_loop3A_147 : i32
        %parallel_loop3A_149 = vector.broadcast %parallel_loop3A_148 : i32 to vector<16xi32>
        %parallel_loop3A_150 = arith.addi %parallel_loop3A_149, %mul3A_8 : vector<16xi32>
        %parallel_loop3A_151 = arith.constant 0 : i32
        %parallel_loop3A_152 = vector.broadcast %parallel_loop3A_151 : i32 to vector<16xi32>
        %parallel_loop3A_153 = arith.addi %parallel_loop3A_150, %parallel_loop3A_152 : vector<16xi32>
        %parallel_loop3A_154 = arith.constant 64 : i32
        %parallel_loop3A_155 = arith.muli %parallel_loop3A_145, %parallel_loop3A_154 : i32
        %parallel_loop3A_156 = vector.broadcast %parallel_loop3A_155 : i32 to vector<16xi32>
        %parallel_loop3A_157 = arith.addi %parallel_loop3A_156, %mul3A_8 : vector<16xi32>
        %parallel_loop3A_158 = arith.constant 1 : i32
        %parallel_loop3A_159 = vector.broadcast %parallel_loop3A_158 : i32 to vector<16xi32>
        %parallel_loop3A_160 = arith.addi %parallel_loop3A_157, %parallel_loop3A_159 : vector<16xi32>
        %parallel_loop3A_161 = arith.constant 64 : i32
        %parallel_loop3A_162 = arith.muli %parallel_loop3A_145, %parallel_loop3A_161 : i32
        %parallel_loop3A_163 = vector.broadcast %parallel_loop3A_162 : i32 to vector<16xi32>
        %parallel_loop3A_164 = arith.addi %parallel_loop3A_163, %mul3A_8 : vector<16xi32>
        %parallel_loop3A_165 = arith.constant 2 : i32
        %parallel_loop3A_166 = vector.broadcast %parallel_loop3A_165 : i32 to vector<16xi32>
        %parallel_loop3A_167 = arith.addi %parallel_loop3A_164, %parallel_loop3A_166 : vector<16xi32>
        %parallel_loop3A_168 = arith.constant 64 : i32
        %parallel_loop3A_169 = arith.muli %parallel_loop3A_145, %parallel_loop3A_168 : i32
        %parallel_loop3A_170 = vector.broadcast %parallel_loop3A_169 : i32 to vector<16xi32>
        %parallel_loop3A_171 = arith.addi %parallel_loop3A_170, %mul3A_8 : vector<16xi32>
        %parallel_loop3A_172 = arith.constant 3 : i32
        %parallel_loop3A_173 = vector.broadcast %parallel_loop3A_172 : i32 to vector<16xi32>
        %parallel_loop3A_174 = arith.addi %parallel_loop3A_171, %parallel_loop3A_173 : vector<16xi32>
        %parallel_loop3A_175 = tpu.vector_load_idx %arg11[%parallel_loop3A_153] : memref<16384xi32, #tpu.memory_space<vmem>>[vector<16xi32>], vector<16xi32>,
        %parallel_loop3A_176 = tpu.vector_load_idx %arg11[%parallel_loop3A_160] : memref<16384xi32, #tpu.memory_space<vmem>>[vector<16xi32>], vector<16xi32>,
        %parallel_loop3A_177 = tpu.vector_load_idx %arg11[%parallel_loop3A_167] : memref<16384xi32, #tpu.memory_space<vmem>>[vector<16xi32>], vector<16xi32>,
        %parallel_loop3A_178 = tpu.vector_load_idx %arg11[%parallel_loop3A_174] : memref<16384xi32, #tpu.memory_space<vmem>>[vector<16xi32>], vector<16xi32>,
        %parallel_loop3A_179 = arith.addi %parallel_loop3A_175, %parallel_loop3A_176 : vector<16xi32>
        %parallel_loop3A_180 = arith.addi %parallel_loop3A_179, %parallel_loop3A_177 : vector<16xi32>
        %parallel_loop3A_181 = arith.addi %parallel_loop3A_180, %parallel_loop3A_178 : vector<16xi32>
        %parallel_loop3A_182 = arith.constant true
        %parallel_loop3A_183 = vector.broadcast %parallel_loop3A_182 : i1 to vector<16xi1>
        %parallel_loop3A_184 = tpu.scan <sum>, %parallel_loop3A_181 masked %parallel_loop3A_183 : vector<16xi32>, vector<16xi1> -> vector<16xi32>
        %parallel_loop3A_185 = arith.subi %parallel_loop3A_184, %parallel_loop3A_181 : vector<16xi32>
        %parallel_loop3A_186 = vector.broadcast %parallel_loop3A_146 : i32 to vector<16xi32>
        %parallel_loop3A_187 = arith.addi %parallel_loop3A_185, %parallel_loop3A_186 : vector<16xi32>
        tpu.vector_store_idx %arg11[%parallel_loop3A_153], %parallel_loop3A_187 : memref<16384xi32, #tpu.memory_space<vmem>>[vector<16xi32>], vector<16xi32>,
        %parallel_loop3A_188 = arith.addi %parallel_loop3A_187, %parallel_loop3A_175 : vector<16xi32>
        tpu.vector_store_idx %arg11[%parallel_loop3A_160], %parallel_loop3A_188 : memref<16384xi32, #tpu.memory_space<vmem>>[vector<16xi32>], vector<16xi32>,
        %parallel_loop3A_189 = arith.addi %parallel_loop3A_188, %parallel_loop3A_176 : vector<16xi32>
        tpu.vector_store_idx %arg11[%parallel_loop3A_167], %parallel_loop3A_189 : memref<16384xi32, #tpu.memory_space<vmem>>[vector<16xi32>], vector<16xi32>,
        %parallel_loop3A_190 = arith.addi %parallel_loop3A_189, %parallel_loop3A_177 : vector<16xi32>
        tpu.vector_store_idx %arg11[%parallel_loop3A_174], %parallel_loop3A_190 : memref<16384xi32, #tpu.memory_space<vmem>>[vector<16xi32>], vector<16xi32>,
        %parallel_loop3A_191 = arith.addi %parallel_loop3A_190, %parallel_loop3A_178 : vector<16xi32>
        %parallel_loop3A_192 = vector.extract_strided_slice %parallel_loop3A_184 {offsets = [15], sizes = [1], strides = [1]} : vector<16xi32> to vector<1xi32>
        %parallel_loop3A_193 = vector.extract %parallel_loop3A_192[0] : i32 from vector<1xi32>
        %parallel_loop3A_194 = arith.addi %parallel_loop3A_146, %parallel_loop3A_193 : i32
        scf.yield %parallel_loop3A_194 : i32
      } {sc.loop_unroll_factor = 2 : i64, sc.parallel_access}
      %broadcast_in_dim3A_31 = arith.constant 0 : i32
      %broadcast_in_dim3A_32 = vector.broadcast %broadcast_in_dim3A_31 : i32 to vector<16xi32>
      %scan3A = arith.constant 0 : i32
      %scan3A_33 = arith.constant 0 : i32
      %scan3A_34 = arith.constant 256 : i32
      %scan3A_35 = arith.addi %scan3A_33, %scan3A_34 : i32
      %scan3A_36 = arith.constant 1 : i32
      %scan3A_37 = scf.for %scan3A_145 = %scan3A_33 to %scan3A_35 step %scan3A_36 iter_args(%scan3A_146 = %scan3A) -> (i32)  : i32 {
        %parallel_loop3A_147 = arith.constant 0 : i32
        %parallel_loop3A_148 = arith.constant 4 : i32
        %parallel_loop3A_149 = arith.constant 1 : i32
        scf.for %parallel_loop3A_151 = %parallel_loop3A_147 to %parallel_loop3A_148 step %parallel_loop3A_149  : i32 {
          %parallel_loop3A_152 = arith.constant 256 : i32
          %parallel_loop3A_153 = arith.muli %parallel_loop3A_151, %parallel_loop3A_152 : i32
          %parallel_loop3A_154 = arith.addi %parallel_loop3A_153, %scan3A_145 : i32
          %parallel_loop3A_155 = vector.broadcast %parallel_loop3A_154 : i32 to vector<16xi32>
          %parallel_loop3A_156 = arith.addi %mul3A_5, %parallel_loop3A_155 : vector<16xi32>
          %parallel_loop3A_157 = tpu.vector_load_idx %arg7[%parallel_loop3A_156] : memref<16384xi32, #tpu.memory_space<vmem>>[vector<16xi32>], vector<16xi32>,
          %parallel_loop3A_158 = tpu.vector_load_idx %arg9[%parallel_loop3A_156] : memref<16384xi32, #tpu.memory_space<vmem>>[vector<16xi32>], vector<16xi32>,
          %parallel_loop3A_159 = arith.shrui %parallel_loop3A_157, %broadcast_in_dim3A_32 : vector<16xi32>
          %parallel_loop3A_160 = arith.andi %parallel_loop3A_159, %broadcast_in_dim3A_11 : vector<16xi32>
          %parallel_loop3A_161 = arith.constant 64 : i32
          %parallel_loop3A_162 = vector.broadcast %parallel_loop3A_161 : i32 to vector<16xi32>
          %parallel_loop3A_163 = arith.muli %parallel_loop3A_160, %parallel_loop3A_162 : vector<16xi32>
          %parallel_loop3A_164 = arith.addi %parallel_loop3A_163, %mul3A_8 : vector<16xi32>
          %parallel_loop3A_165 = vector.broadcast %parallel_loop3A_151 : i32 to vector<16xi32>
          %parallel_loop3A_166 = arith.addi %parallel_loop3A_164, %parallel_loop3A_165 : vector<16xi32>
          %parallel_loop3A_167 = tpu.vector_load_idx %arg11[%parallel_loop3A_166] : memref<16384xi32, #tpu.memory_space<vmem>>[vector<16xi32>], vector<16xi32>,
          tpu.vector_store_idx %arg8[%parallel_loop3A_167], %parallel_loop3A_157 : memref<16384xi32, #tpu.memory_space<vmem>>[vector<16xi32>], vector<16xi32>,
          tpu.vector_store_idx %arg10[%parallel_loop3A_167], %parallel_loop3A_158 : memref<16384xi32, #tpu.memory_space<vmem>>[vector<16xi32>], vector<16xi32>,
          tpu.vector_store_idx %arg11[%parallel_loop3A_166], %broadcast_in_dim3A_9 {add = true} : memref<16384xi32, #tpu.memory_space<vmem>>[vector<16xi32>], vector<16xi32>,
        } {sc.loop_unroll_factor = 4 : i64, sc.parallel_access}
        %scan3A_150 = arith.constant 0 : i32
        scf.yield %scan3A_150 : i32
      }
      %scan3A_38 = arith.constant 256 : i32
      %parallel_loop3A_39 = arith.constant 0 : i32
      %parallel_loop3A_40 = arith.constant 1024 : i32
      %parallel_loop3A_41 = arith.constant 1 : i32
      scf.for %parallel_loop3A_145 = %parallel_loop3A_39 to %parallel_loop3A_40 step %parallel_loop3A_41  : i32 {
        %parallel_loop3A_146 = arith.constant 0 : i32
        %parallel_loop3A_147 = vector.broadcast %parallel_loop3A_146 : i32 to vector<16xi32>
        %parallel_loop3A_148 = arith.constant 16 : i32
        %parallel_loop3A_149 = arith.muli %parallel_loop3A_145, %parallel_loop3A_148 : i32
        %parallel_loop3A_150 = arith.index_cast %parallel_loop3A_149 : i32 to index
        %parallel_loop3A_151 = tpu.vector_load %arg11[%parallel_loop3A_150] {strides = array<i32>} : memref<16384xi32, #tpu.memory_space<vmem>>, vector<16xi32>,
        tpu.vector_store %arg11[%parallel_loop3A_150], %parallel_loop3A_147 {strides = array<i32>} : memref<16384xi32, #tpu.memory_space<vmem>>, vector<16xi32>,
      } {sc.loop_unroll_factor = 4 : i64, sc.parallel_access}
      %broadcast_in_dim3A_42 = arith.constant 8 : i32
      %broadcast_in_dim3A_43 = vector.broadcast %broadcast_in_dim3A_42 : i32 to vector<16xi32>
      %parallel_loop3A_44 = arith.constant 0 : i32
      %parallel_loop3A_45 = arith.constant 256 : i32
      %parallel_loop3A_46 = arith.constant 1 : i32
      scf.for %parallel_loop3A_145 = %parallel_loop3A_44 to %parallel_loop3A_45 step %parallel_loop3A_46  : i32 {
        %parallel_loop3A_146 = arith.constant 0 : i32
        %parallel_loop3A_147 = arith.addi %parallel_loop3A_146, %parallel_loop3A_145 : i32
        %parallel_loop3A_148 = vector.broadcast %parallel_loop3A_147 : i32 to vector<16xi32>
        %parallel_loop3A_149 = arith.addi %mul3A_5, %parallel_loop3A_148 : vector<16xi32>
        %parallel_loop3A_150 = tpu.vector_load_idx %arg8[%parallel_loop3A_149] : memref<16384xi32, #tpu.memory_space<vmem>>[vector<16xi32>], vector<16xi32>,
        %parallel_loop3A_151 = arith.shrui %parallel_loop3A_150, %broadcast_in_dim3A_43 : vector<16xi32>
        %parallel_loop3A_152 = arith.andi %parallel_loop3A_151, %broadcast_in_dim3A_11 : vector<16xi32>
        %parallel_loop3A_153 = arith.constant 64 : i32
        %parallel_loop3A_154 = vector.broadcast %parallel_loop3A_153 : i32 to vector<16xi32>
        %parallel_loop3A_155 = arith.muli %parallel_loop3A_152, %parallel_loop3A_154 : vector<16xi32>
        %parallel_loop3A_156 = arith.addi %parallel_loop3A_155, %mul3A_8 : vector<16xi32>
        %parallel_loop3A_157 = arith.constant 0 : i32
        %parallel_loop3A_158 = vector.broadcast %parallel_loop3A_157 : i32 to vector<16xi32>
        %parallel_loop3A_159 = arith.addi %parallel_loop3A_156, %parallel_loop3A_158 : vector<16xi32>
        tpu.vector_store_idx %arg11[%parallel_loop3A_159], %broadcast_in_dim3A_9 {add = true} : memref<16384xi32, #tpu.memory_space<vmem>>[vector<16xi32>], vector<16xi32>,
        %parallel_loop3A_160 = arith.constant 256 : i32
        %parallel_loop3A_161 = arith.addi %parallel_loop3A_160, %parallel_loop3A_145 : i32
        %parallel_loop3A_162 = vector.broadcast %parallel_loop3A_161 : i32 to vector<16xi32>
        %parallel_loop3A_163 = arith.addi %mul3A_5, %parallel_loop3A_162 : vector<16xi32>
        %parallel_loop3A_164 = tpu.vector_load_idx %arg8[%parallel_loop3A_163] : memref<16384xi32, #tpu.memory_space<vmem>>[vector<16xi32>], vector<16xi32>,
        %parallel_loop3A_165 = arith.shrui %parallel_loop3A_164, %broadcast_in_dim3A_43 : vector<16xi32>
        %parallel_loop3A_166 = arith.andi %parallel_loop3A_165, %broadcast_in_dim3A_11 : vector<16xi32>
        %parallel_loop3A_167 = arith.constant 64 : i32
        %parallel_loop3A_168 = vector.broadcast %parallel_loop3A_167 : i32 to vector<16xi32>
        %parallel_loop3A_169 = arith.muli %parallel_loop3A_166, %parallel_loop3A_168 : vector<16xi32>
        %parallel_loop3A_170 = arith.addi %parallel_loop3A_169, %mul3A_8 : vector<16xi32>
        %parallel_loop3A_171 = arith.constant 1 : i32
        %parallel_loop3A_172 = vector.broadcast %parallel_loop3A_171 : i32 to vector<16xi32>
        %parallel_loop3A_173 = arith.addi %parallel_loop3A_170, %parallel_loop3A_172 : vector<16xi32>
        tpu.vector_store_idx %arg11[%parallel_loop3A_173], %broadcast_in_dim3A_9 {add = true} : memref<16384xi32, #tpu.memory_space<vmem>>[vector<16xi32>], vector<16xi32>,
        %parallel_loop3A_174 = arith.constant 512 : i32
        %parallel_loop3A_175 = arith.addi %parallel_loop3A_174, %parallel_loop3A_145 : i32
        %parallel_loop3A_176 = vector.broadcast %parallel_loop3A_175 : i32 to vector<16xi32>
        %parallel_loop3A_177 = arith.addi %mul3A_5, %parallel_loop3A_176 : vector<16xi32>
        %parallel_loop3A_178 = tpu.vector_load_idx %arg8[%parallel_loop3A_177] : memref<16384xi32, #tpu.memory_space<vmem>>[vector<16xi32>], vector<16xi32>,
        %parallel_loop3A_179 = arith.shrui %parallel_loop3A_178, %broadcast_in_dim3A_43 : vector<16xi32>
        %parallel_loop3A_180 = arith.andi %parallel_loop3A_179, %broadcast_in_dim3A_11 : vector<16xi32>
        %parallel_loop3A_181 = arith.constant 64 : i32
        %parallel_loop3A_182 = vector.broadcast %parallel_loop3A_181 : i32 to vector<16xi32>
        %parallel_loop3A_183 = arith.muli %parallel_loop3A_180, %parallel_loop3A_182 : vector<16xi32>
        %parallel_loop3A_184 = arith.addi %parallel_loop3A_183, %mul3A_8 : vector<16xi32>
        %parallel_loop3A_185 = arith.constant 2 : i32
        %parallel_loop3A_186 = vector.broadcast %parallel_loop3A_185 : i32 to vector<16xi32>
        %parallel_loop3A_187 = arith.addi %parallel_loop3A_184, %parallel_loop3A_186 : vector<16xi32>
        tpu.vector_store_idx %arg11[%parallel_loop3A_187], %broadcast_in_dim3A_9 {add = true} : memref<16384xi32, #tpu.memory_space<vmem>>[vector<16xi32>], vector<16xi32>,
        %parallel_loop3A_188 = arith.constant 768 : i32
        %parallel_loop3A_189 = arith.addi %parallel_loop3A_188, %parallel_loop3A_145 : i32
        %parallel_loop3A_190 = vector.broadcast %parallel_loop3A_189 : i32 to vector<16xi32>
        %parallel_loop3A_191 = arith.addi %mul3A_5, %parallel_loop3A_190 : vector<16xi32>
        %parallel_loop3A_192 = tpu.vector_load_idx %arg8[%parallel_loop3A_191] : memref<16384xi32, #tpu.memory_space<vmem>>[vector<16xi32>], vector<16xi32>,
        %parallel_loop3A_193 = arith.shrui %parallel_loop3A_192, %broadcast_in_dim3A_43 : vector<16xi32>
        %parallel_loop3A_194 = arith.andi %parallel_loop3A_193, %broadcast_in_dim3A_11 : vector<16xi32>
        %parallel_loop3A_195 = arith.constant 64 : i32
        %parallel_loop3A_196 = vector.broadcast %parallel_loop3A_195 : i32 to vector<16xi32>
        %parallel_loop3A_197 = arith.muli %parallel_loop3A_194, %parallel_loop3A_196 : vector<16xi32>
        %parallel_loop3A_198 = arith.addi %parallel_loop3A_197, %mul3A_8 : vector<16xi32>
        %parallel_loop3A_199 = arith.constant 3 : i32
        %parallel_loop3A_200 = vector.broadcast %parallel_loop3A_199 : i32 to vector<16xi32>
        %parallel_loop3A_201 = arith.addi %parallel_loop3A_198, %parallel_loop3A_200 : vector<16xi32>
        tpu.vector_store_idx %arg11[%parallel_loop3A_201], %broadcast_in_dim3A_9 {add = true} : memref<16384xi32, #tpu.memory_space<vmem>>[vector<16xi32>], vector<16xi32>,
      } {sc.loop_unroll_factor = 2 : i64, sc.parallel_access}
      %parallel_loop3A_47 = arith.constant 0 : i32
      %parallel_loop3A_48 = arith.constant 256 : i32
      %parallel_loop3A_49 = arith.constant 1 : i32
      %parallel_loop3A_50 = arith.constant 0 : i32
      %parallel_loop3A_51 = scf.for %parallel_loop3A_145 = %parallel_loop3A_47 to %parallel_loop3A_48 step %parallel_loop3A_49 iter_args(%parallel_loop3A_146 = %parallel_loop3A_50) -> (i32)  : i32 {
        %parallel_loop3A_147 = arith.constant 64 : i32
        %parallel_loop3A_148 = arith.muli %parallel_loop3A_145, %parallel_loop3A_147 : i32
        %parallel_loop3A_149 = vector.broadcast %parallel_loop3A_148 : i32 to vector<16xi32>
        %parallel_loop3A_150 = arith.addi %parallel_loop3A_149, %mul3A_8 : vector<16xi32>
        %parallel_loop3A_151 = arith.constant 0 : i32
        %parallel_loop3A_152 = vector.broadcast %parallel_loop3A_151 : i32 to vector<16xi32>
        %parallel_loop3A_153 = arith.addi %parallel_loop3A_150, %parallel_loop3A_152 : vector<16xi32>
        %parallel_loop3A_154 = arith.constant 64 : i32
        %parallel_loop3A_155 = arith.muli %parallel_loop3A_145, %parallel_loop3A_154 : i32
        %parallel_loop3A_156 = vector.broadcast %parallel_loop3A_155 : i32 to vector<16xi32>
        %parallel_loop3A_157 = arith.addi %parallel_loop3A_156, %mul3A_8 : vector<16xi32>
        %parallel_loop3A_158 = arith.constant 1 : i32
        %parallel_loop3A_159 = vector.broadcast %parallel_loop3A_158 : i32 to vector<16xi32>
        %parallel_loop3A_160 = arith.addi %parallel_loop3A_157, %parallel_loop3A_159 : vector<16xi32>
        %parallel_loop3A_161 = arith.constant 64 : i32
        %parallel_loop3A_162 = arith.muli %parallel_loop3A_145, %parallel_loop3A_161 : i32
        %parallel_loop3A_163 = vector.broadcast %parallel_loop3A_162 : i32 to vector<16xi32>
        %parallel_loop3A_164 = arith.addi %parallel_loop3A_163, %mul3A_8 : vector<16xi32>
        %parallel_loop3A_165 = arith.constant 2 : i32
        %parallel_loop3A_166 = vector.broadcast %parallel_loop3A_165 : i32 to vector<16xi32>
        %parallel_loop3A_167 = arith.addi %parallel_loop3A_164, %parallel_loop3A_166 : vector<16xi32>
        %parallel_loop3A_168 = arith.constant 64 : i32
        %parallel_loop3A_169 = arith.muli %parallel_loop3A_145, %parallel_loop3A_168 : i32
        %parallel_loop3A_170 = vector.broadcast %parallel_loop3A_169 : i32 to vector<16xi32>
        %parallel_loop3A_171 = arith.addi %parallel_loop3A_170, %mul3A_8 : vector<16xi32>
        %parallel_loop3A_172 = arith.constant 3 : i32
        %parallel_loop3A_173 = vector.broadcast %parallel_loop3A_172 : i32 to vector<16xi32>
        %parallel_loop3A_174 = arith.addi %parallel_loop3A_171, %parallel_loop3A_173 : vector<16xi32>
        %parallel_loop3A_175 = tpu.vector_load_idx %arg11[%parallel_loop3A_153] : memref<16384xi32, #tpu.memory_space<vmem>>[vector<16xi32>], vector<16xi32>,
        %parallel_loop3A_176 = tpu.vector_load_idx %arg11[%parallel_loop3A_160] : memref<16384xi32, #tpu.memory_space<vmem>>[vector<16xi32>], vector<16xi32>,
        %parallel_loop3A_177 = tpu.vector_load_idx %arg11[%parallel_loop3A_167] : memref<16384xi32, #tpu.memory_space<vmem>>[vector<16xi32>], vector<16xi32>,
        %parallel_loop3A_178 = tpu.vector_load_idx %arg11[%parallel_loop3A_174] : memref<16384xi32, #tpu.memory_space<vmem>>[vector<16xi32>], vector<16xi32>,
        %parallel_loop3A_179 = arith.addi %parallel_loop3A_175, %parallel_loop3A_176 : vector<16xi32>
        %parallel_loop3A_180 = arith.addi %parallel_loop3A_179, %parallel_loop3A_177 : vector<16xi32>
        %parallel_loop3A_181 = arith.addi %parallel_loop3A_180, %parallel_loop3A_178 : vector<16xi32>
        %parallel_loop3A_182 = arith.constant true
        %parallel_loop3A_183 = vector.broadcast %parallel_loop3A_182 : i1 to vector<16xi1>
        %parallel_loop3A_184 = tpu.scan <sum>, %parallel_loop3A_181 masked %parallel_loop3A_183 : vector<16xi32>, vector<16xi1> -> vector<16xi32>
        %parallel_loop3A_185 = arith.subi %parallel_loop3A_184, %parallel_loop3A_181 : vector<16xi32>
        %parallel_loop3A_186 = vector.broadcast %parallel_loop3A_146 : i32 to vector<16xi32>
        %parallel_loop3A_187 = arith.addi %parallel_loop3A_185, %parallel_loop3A_186 : vector<16xi32>
        tpu.vector_store_idx %arg11[%parallel_loop3A_153], %parallel_loop3A_187 : memref<16384xi32, #tpu.memory_space<vmem>>[vector<16xi32>], vector<16xi32>,
        %parallel_loop3A_188 = arith.addi %parallel_loop3A_187, %parallel_loop3A_175 : vector<16xi32>
        tpu.vector_store_idx %arg11[%parallel_loop3A_160], %parallel_loop3A_188 : memref<16384xi32, #tpu.memory_space<vmem>>[vector<16xi32>], vector<16xi32>,
        %parallel_loop3A_189 = arith.addi %parallel_loop3A_188, %parallel_loop3A_176 : vector<16xi32>
        tpu.vector_store_idx %arg11[%parallel_loop3A_167], %parallel_loop3A_189 : memref<16384xi32, #tpu.memory_space<vmem>>[vector<16xi32>], vector<16xi32>,
        %parallel_loop3A_190 = arith.addi %parallel_loop3A_189, %parallel_loop3A_177 : vector<16xi32>
        tpu.vector_store_idx %arg11[%parallel_loop3A_174], %parallel_loop3A_190 : memref<16384xi32, #tpu.memory_space<vmem>>[vector<16xi32>], vector<16xi32>,
        %parallel_loop3A_191 = arith.addi %parallel_loop3A_190, %parallel_loop3A_178 : vector<16xi32>
        %parallel_loop3A_192 = vector.extract_strided_slice %parallel_loop3A_184 {offsets = [15], sizes = [1], strides = [1]} : vector<16xi32> to vector<1xi32>
        %parallel_loop3A_193 = vector.extract %parallel_loop3A_192[0] : i32 from vector<1xi32>
        %parallel_loop3A_194 = arith.addi %parallel_loop3A_146, %parallel_loop3A_193 : i32
        scf.yield %parallel_loop3A_194 : i32
      } {sc.loop_unroll_factor = 2 : i64, sc.parallel_access}
      %broadcast_in_dim3A_52 = arith.constant 8 : i32
      %broadcast_in_dim3A_53 = vector.broadcast %broadcast_in_dim3A_52 : i32 to vector<16xi32>
      %scan3A_54 = arith.constant 0 : i32
      %scan3A_55 = arith.constant 0 : i32
      %scan3A_56 = arith.constant 256 : i32
      %scan3A_57 = arith.addi %scan3A_55, %scan3A_56 : i32
      %scan3A_58 = arith.constant 1 : i32
      %scan3A_59 = scf.for %scan3A_145 = %scan3A_55 to %scan3A_57 step %scan3A_58 iter_args(%scan3A_146 = %scan3A_54) -> (i32)  : i32 {
        %parallel_loop3A_147 = arith.constant 0 : i32
        %parallel_loop3A_148 = arith.constant 4 : i32
        %parallel_loop3A_149 = arith.constant 1 : i32
        scf.for %parallel_loop3A_151 = %parallel_loop3A_147 to %parallel_loop3A_148 step %parallel_loop3A_149  : i32 {
          %parallel_loop3A_152 = arith.constant 256 : i32
          %parallel_loop3A_153 = arith.muli %parallel_loop3A_151, %parallel_loop3A_152 : i32
          %parallel_loop3A_154 = arith.addi %parallel_loop3A_153, %scan3A_145 : i32
          %parallel_loop3A_155 = vector.broadcast %parallel_loop3A_154 : i32 to vector<16xi32>
          %parallel_loop3A_156 = arith.addi %mul3A_5, %parallel_loop3A_155 : vector<16xi32>
          %parallel_loop3A_157 = tpu.vector_load_idx %arg8[%parallel_loop3A_156] : memref<16384xi32, #tpu.memory_space<vmem>>[vector<16xi32>], vector<16xi32>,
          %parallel_loop3A_158 = tpu.vector_load_idx %arg10[%parallel_loop3A_156] : memref<16384xi32, #tpu.memory_space<vmem>>[vector<16xi32>], vector<16xi32>,
          %parallel_loop3A_159 = arith.shrui %parallel_loop3A_157, %broadcast_in_dim3A_53 : vector<16xi32>
          %parallel_loop3A_160 = arith.andi %parallel_loop3A_159, %broadcast_in_dim3A_11 : vector<16xi32>
          %parallel_loop3A_161 = arith.constant 64 : i32
          %parallel_loop3A_162 = vector.broadcast %parallel_loop3A_161 : i32 to vector<16xi32>
          %parallel_loop3A_163 = arith.muli %parallel_loop3A_160, %parallel_loop3A_162 : vector<16xi32>
          %parallel_loop3A_164 = arith.addi %parallel_loop3A_163, %mul3A_8 : vector<16xi32>
          %parallel_loop3A_165 = vector.broadcast %parallel_loop3A_151 : i32 to vector<16xi32>
          %parallel_loop3A_166 = arith.addi %parallel_loop3A_164, %parallel_loop3A_165 : vector<16xi32>
          %parallel_loop3A_167 = tpu.vector_load_idx %arg11[%parallel_loop3A_166] : memref<16384xi32, #tpu.memory_space<vmem>>[vector<16xi32>], vector<16xi32>,
          tpu.vector_store_idx %arg7[%parallel_loop3A_167], %parallel_loop3A_157 : memref<16384xi32, #tpu.memory_space<vmem>>[vector<16xi32>], vector<16xi32>,
          tpu.vector_store_idx %arg9[%parallel_loop3A_167], %parallel_loop3A_158 : memref<16384xi32, #tpu.memory_space<vmem>>[vector<16xi32>], vector<16xi32>,
          tpu.vector_store_idx %arg11[%parallel_loop3A_166], %broadcast_in_dim3A_9 {add = true} : memref<16384xi32, #tpu.memory_space<vmem>>[vector<16xi32>], vector<16xi32>,
        } {sc.loop_unroll_factor = 4 : i64, sc.parallel_access}
        %scan3A_150 = arith.constant 0 : i32
        scf.yield %scan3A_150 : i32
      }
      %scan3A_60 = arith.constant 256 : i32
      %parallel_loop3A_61 = arith.constant 0 : i32
      %parallel_loop3A_62 = arith.constant 1024 : i32
      %parallel_loop3A_63 = arith.constant 1 : i32
      scf.for %parallel_loop3A_145 = %parallel_loop3A_61 to %parallel_loop3A_62 step %parallel_loop3A_63  : i32 {
        %parallel_loop3A_146 = arith.constant 0 : i32
        %parallel_loop3A_147 = vector.broadcast %parallel_loop3A_146 : i32 to vector<16xi32>
        %parallel_loop3A_148 = arith.constant 16 : i32
        %parallel_loop3A_149 = arith.muli %parallel_loop3A_145, %parallel_loop3A_148 : i32
        %parallel_loop3A_150 = arith.index_cast %parallel_loop3A_149 : i32 to index
        %parallel_loop3A_151 = tpu.vector_load %arg11[%parallel_loop3A_150] {strides = array<i32>} : memref<16384xi32, #tpu.memory_space<vmem>>, vector<16xi32>,
        tpu.vector_store %arg11[%parallel_loop3A_150], %parallel_loop3A_147 {strides = array<i32>} : memref<16384xi32, #tpu.memory_space<vmem>>, vector<16xi32>,
      } {sc.loop_unroll_factor = 4 : i64, sc.parallel_access}
      %broadcast_in_dim3A_64 = arith.constant 16 : i32
      %broadcast_in_dim3A_65 = vector.broadcast %broadcast_in_dim3A_64 : i32 to vector<16xi32>
      %parallel_loop3A_66 = arith.constant 0 : i32
      %parallel_loop3A_67 = arith.constant 256 : i32
      %parallel_loop3A_68 = arith.constant 1 : i32
      scf.for %parallel_loop3A_145 = %parallel_loop3A_66 to %parallel_loop3A_67 step %parallel_loop3A_68  : i32 {
        %parallel_loop3A_146 = arith.constant 0 : i32
        %parallel_loop3A_147 = arith.addi %parallel_loop3A_146, %parallel_loop3A_145 : i32
        %parallel_loop3A_148 = vector.broadcast %parallel_loop3A_147 : i32 to vector<16xi32>
        %parallel_loop3A_149 = arith.addi %mul3A_5, %parallel_loop3A_148 : vector<16xi32>
        %parallel_loop3A_150 = tpu.vector_load_idx %arg7[%parallel_loop3A_149] : memref<16384xi32, #tpu.memory_space<vmem>>[vector<16xi32>], vector<16xi32>,
        %parallel_loop3A_151 = arith.shrui %parallel_loop3A_150, %broadcast_in_dim3A_65 : vector<16xi32>
        %parallel_loop3A_152 = arith.andi %parallel_loop3A_151, %broadcast_in_dim3A_11 : vector<16xi32>
        %parallel_loop3A_153 = arith.constant 64 : i32
        %parallel_loop3A_154 = vector.broadcast %parallel_loop3A_153 : i32 to vector<16xi32>
        %parallel_loop3A_155 = arith.muli %parallel_loop3A_152, %parallel_loop3A_154 : vector<16xi32>
        %parallel_loop3A_156 = arith.addi %parallel_loop3A_155, %mul3A_8 : vector<16xi32>
        %parallel_loop3A_157 = arith.constant 0 : i32
        %parallel_loop3A_158 = vector.broadcast %parallel_loop3A_157 : i32 to vector<16xi32>
        %parallel_loop3A_159 = arith.addi %parallel_loop3A_156, %parallel_loop3A_158 : vector<16xi32>
        tpu.vector_store_idx %arg11[%parallel_loop3A_159], %broadcast_in_dim3A_9 {add = true} : memref<16384xi32, #tpu.memory_space<vmem>>[vector<16xi32>], vector<16xi32>,
        %parallel_loop3A_160 = arith.constant 256 : i32
        %parallel_loop3A_161 = arith.addi %parallel_loop3A_160, %parallel_loop3A_145 : i32
        %parallel_loop3A_162 = vector.broadcast %parallel_loop3A_161 : i32 to vector<16xi32>
        %parallel_loop3A_163 = arith.addi %mul3A_5, %parallel_loop3A_162 : vector<16xi32>
        %parallel_loop3A_164 = tpu.vector_load_idx %arg7[%parallel_loop3A_163] : memref<16384xi32, #tpu.memory_space<vmem>>[vector<16xi32>], vector<16xi32>,
        %parallel_loop3A_165 = arith.shrui %parallel_loop3A_164, %broadcast_in_dim3A_65 : vector<16xi32>
        %parallel_loop3A_166 = arith.andi %parallel_loop3A_165, %broadcast_in_dim3A_11 : vector<16xi32>
        %parallel_loop3A_167 = arith.constant 64 : i32
        %parallel_loop3A_168 = vector.broadcast %parallel_loop3A_167 : i32 to vector<16xi32>
        %parallel_loop3A_169 = arith.muli %parallel_loop3A_166, %parallel_loop3A_168 : vector<16xi32>
        %parallel_loop3A_170 = arith.addi %parallel_loop3A_169, %mul3A_8 : vector<16xi32>
        %parallel_loop3A_171 = arith.constant 1 : i32
        %parallel_loop3A_172 = vector.broadcast %parallel_loop3A_171 : i32 to vector<16xi32>
        %parallel_loop3A_173 = arith.addi %parallel_loop3A_170, %parallel_loop3A_172 : vector<16xi32>
        tpu.vector_store_idx %arg11[%parallel_loop3A_173], %broadcast_in_dim3A_9 {add = true} : memref<16384xi32, #tpu.memory_space<vmem>>[vector<16xi32>], vector<16xi32>,
        %parallel_loop3A_174 = arith.constant 512 : i32
        %parallel_loop3A_175 = arith.addi %parallel_loop3A_174, %parallel_loop3A_145 : i32
        %parallel_loop3A_176 = vector.broadcast %parallel_loop3A_175 : i32 to vector<16xi32>
        %parallel_loop3A_177 = arith.addi %mul3A_5, %parallel_loop3A_176 : vector<16xi32>
        %parallel_loop3A_178 = tpu.vector_load_idx %arg7[%parallel_loop3A_177] : memref<16384xi32, #tpu.memory_space<vmem>>[vector<16xi32>], vector<16xi32>,
        %parallel_loop3A_179 = arith.shrui %parallel_loop3A_178, %broadcast_in_dim3A_65 : vector<16xi32>
        %parallel_loop3A_180 = arith.andi %parallel_loop3A_179, %broadcast_in_dim3A_11 : vector<16xi32>
        %parallel_loop3A_181 = arith.constant 64 : i32
        %parallel_loop3A_182 = vector.broadcast %parallel_loop3A_181 : i32 to vector<16xi32>
        %parallel_loop3A_183 = arith.muli %parallel_loop3A_180, %parallel_loop3A_182 : vector<16xi32>
        %parallel_loop3A_184 = arith.addi %parallel_loop3A_183, %mul3A_8 : vector<16xi32>
        %parallel_loop3A_185 = arith.constant 2 : i32
        %parallel_loop3A_186 = vector.broadcast %parallel_loop3A_185 : i32 to vector<16xi32>
        %parallel_loop3A_187 = arith.addi %parallel_loop3A_184, %parallel_loop3A_186 : vector<16xi32>
        tpu.vector_store_idx %arg11[%parallel_loop3A_187], %broadcast_in_dim3A_9 {add = true} : memref<16384xi32, #tpu.memory_space<vmem>>[vector<16xi32>], vector<16xi32>,
        %parallel_loop3A_188 = arith.constant 768 : i32
        %parallel_loop3A_189 = arith.addi %parallel_loop3A_188, %parallel_loop3A_145 : i32
        %parallel_loop3A_190 = vector.broadcast %parallel_loop3A_189 : i32 to vector<16xi32>
        %parallel_loop3A_191 = arith.addi %mul3A_5, %parallel_loop3A_190 : vector<16xi32>
        %parallel_loop3A_192 = tpu.vector_load_idx %arg7[%parallel_loop3A_191] : memref<16384xi32, #tpu.memory_space<vmem>>[vector<16xi32>], vector<16xi32>,
        %parallel_loop3A_193 = arith.shrui %parallel_loop3A_192, %broadcast_in_dim3A_65 : vector<16xi32>
        %parallel_loop3A_194 = arith.andi %parallel_loop3A_193, %broadcast_in_dim3A_11 : vector<16xi32>
        %parallel_loop3A_195 = arith.constant 64 : i32
        %parallel_loop3A_196 = vector.broadcast %parallel_loop3A_195 : i32 to vector<16xi32>
        %parallel_loop3A_197 = arith.muli %parallel_loop3A_194, %parallel_loop3A_196 : vector<16xi32>
        %parallel_loop3A_198 = arith.addi %parallel_loop3A_197, %mul3A_8 : vector<16xi32>
        %parallel_loop3A_199 = arith.constant 3 : i32
        %parallel_loop3A_200 = vector.broadcast %parallel_loop3A_199 : i32 to vector<16xi32>
        %parallel_loop3A_201 = arith.addi %parallel_loop3A_198, %parallel_loop3A_200 : vector<16xi32>
        tpu.vector_store_idx %arg11[%parallel_loop3A_201], %broadcast_in_dim3A_9 {add = true} : memref<16384xi32, #tpu.memory_space<vmem>>[vector<16xi32>], vector<16xi32>,
      } {sc.loop_unroll_factor = 2 : i64, sc.parallel_access}
      %parallel_loop3A_69 = arith.constant 0 : i32
      %parallel_loop3A_70 = arith.constant 256 : i32
      %parallel_loop3A_71 = arith.constant 1 : i32
      %parallel_loop3A_72 = arith.constant 0 : i32
      %parallel_loop3A_73 = scf.for %parallel_loop3A_145 = %parallel_loop3A_69 to %parallel_loop3A_70 step %parallel_loop3A_71 iter_args(%parallel_loop3A_146 = %parallel_loop3A_72) -> (i32)  : i32 {
        %parallel_loop3A_147 = arith.constant 64 : i32
        %parallel_loop3A_148 = arith.muli %parallel_loop3A_145, %parallel_loop3A_147 : i32
        %parallel_loop3A_149 = vector.broadcast %parallel_loop3A_148 : i32 to vector<16xi32>
        %parallel_loop3A_150 = arith.addi %parallel_loop3A_149, %mul3A_8 : vector<16xi32>
        %parallel_loop3A_151 = arith.constant 0 : i32
        %parallel_loop3A_152 = vector.broadcast %parallel_loop3A_151 : i32 to vector<16xi32>
        %parallel_loop3A_153 = arith.addi %parallel_loop3A_150, %parallel_loop3A_152 : vector<16xi32>
        %parallel_loop3A_154 = arith.constant 64 : i32
        %parallel_loop3A_155 = arith.muli %parallel_loop3A_145, %parallel_loop3A_154 : i32
        %parallel_loop3A_156 = vector.broadcast %parallel_loop3A_155 : i32 to vector<16xi32>
        %parallel_loop3A_157 = arith.addi %parallel_loop3A_156, %mul3A_8 : vector<16xi32>
        %parallel_loop3A_158 = arith.constant 1 : i32
        %parallel_loop3A_159 = vector.broadcast %parallel_loop3A_158 : i32 to vector<16xi32>
        %parallel_loop3A_160 = arith.addi %parallel_loop3A_157, %parallel_loop3A_159 : vector<16xi32>
        %parallel_loop3A_161 = arith.constant 64 : i32
        %parallel_loop3A_162 = arith.muli %parallel_loop3A_145, %parallel_loop3A_161 : i32
        %parallel_loop3A_163 = vector.broadcast %parallel_loop3A_162 : i32 to vector<16xi32>
        %parallel_loop3A_164 = arith.addi %parallel_loop3A_163, %mul3A_8 : vector<16xi32>
        %parallel_loop3A_165 = arith.constant 2 : i32
        %parallel_loop3A_166 = vector.broadcast %parallel_loop3A_165 : i32 to vector<16xi32>
        %parallel_loop3A_167 = arith.addi %parallel_loop3A_164, %parallel_loop3A_166 : vector<16xi32>
        %parallel_loop3A_168 = arith.constant 64 : i32
        %parallel_loop3A_169 = arith.muli %parallel_loop3A_145, %parallel_loop3A_168 : i32
        %parallel_loop3A_170 = vector.broadcast %parallel_loop3A_169 : i32 to vector<16xi32>
        %parallel_loop3A_171 = arith.addi %parallel_loop3A_170, %mul3A_8 : vector<16xi32>
        %parallel_loop3A_172 = arith.constant 3 : i32
        %parallel_loop3A_173 = vector.broadcast %parallel_loop3A_172 : i32 to vector<16xi32>
        %parallel_loop3A_174 = arith.addi %parallel_loop3A_171, %parallel_loop3A_173 : vector<16xi32>
        %parallel_loop3A_175 = tpu.vector_load_idx %arg11[%parallel_loop3A_153] : memref<16384xi32, #tpu.memory_space<vmem>>[vector<16xi32>], vector<16xi32>,
        %parallel_loop3A_176 = tpu.vector_load_idx %arg11[%parallel_loop3A_160] : memref<16384xi32, #tpu.memory_space<vmem>>[vector<16xi32>], vector<16xi32>,
        %parallel_loop3A_177 = tpu.vector_load_idx %arg11[%parallel_loop3A_167] : memref<16384xi32, #tpu.memory_space<vmem>>[vector<16xi32>], vector<16xi32>,
        %parallel_loop3A_178 = tpu.vector_load_idx %arg11[%parallel_loop3A_174] : memref<16384xi32, #tpu.memory_space<vmem>>[vector<16xi32>], vector<16xi32>,
        %parallel_loop3A_179 = arith.addi %parallel_loop3A_175, %parallel_loop3A_176 : vector<16xi32>
        %parallel_loop3A_180 = arith.addi %parallel_loop3A_179, %parallel_loop3A_177 : vector<16xi32>
        %parallel_loop3A_181 = arith.addi %parallel_loop3A_180, %parallel_loop3A_178 : vector<16xi32>
        %parallel_loop3A_182 = arith.constant true
        %parallel_loop3A_183 = vector.broadcast %parallel_loop3A_182 : i1 to vector<16xi1>
        %parallel_loop3A_184 = tpu.scan <sum>, %parallel_loop3A_181 masked %parallel_loop3A_183 : vector<16xi32>, vector<16xi1> -> vector<16xi32>
        %parallel_loop3A_185 = arith.subi %parallel_loop3A_184, %parallel_loop3A_181 : vector<16xi32>
        %parallel_loop3A_186 = vector.broadcast %parallel_loop3A_146 : i32 to vector<16xi32>
        %parallel_loop3A_187 = arith.addi %parallel_loop3A_185, %parallel_loop3A_186 : vector<16xi32>
        tpu.vector_store_idx %arg11[%parallel_loop3A_153], %parallel_loop3A_187 : memref<16384xi32, #tpu.memory_space<vmem>>[vector<16xi32>], vector<16xi32>,
        %parallel_loop3A_188 = arith.addi %parallel_loop3A_187, %parallel_loop3A_175 : vector<16xi32>
        tpu.vector_store_idx %arg11[%parallel_loop3A_160], %parallel_loop3A_188 : memref<16384xi32, #tpu.memory_space<vmem>>[vector<16xi32>], vector<16xi32>,
        %parallel_loop3A_189 = arith.addi %parallel_loop3A_188, %parallel_loop3A_176 : vector<16xi32>
        tpu.vector_store_idx %arg11[%parallel_loop3A_167], %parallel_loop3A_189 : memref<16384xi32, #tpu.memory_space<vmem>>[vector<16xi32>], vector<16xi32>,
        %parallel_loop3A_190 = arith.addi %parallel_loop3A_189, %parallel_loop3A_177 : vector<16xi32>
        tpu.vector_store_idx %arg11[%parallel_loop3A_174], %parallel_loop3A_190 : memref<16384xi32, #tpu.memory_space<vmem>>[vector<16xi32>], vector<16xi32>,
        %parallel_loop3A_191 = arith.addi %parallel_loop3A_190, %parallel_loop3A_178 : vector<16xi32>
        %parallel_loop3A_192 = vector.extract_strided_slice %parallel_loop3A_184 {offsets = [15], sizes = [1], strides = [1]} : vector<16xi32> to vector<1xi32>
        %parallel_loop3A_193 = vector.extract %parallel_loop3A_192[0] : i32 from vector<1xi32>
        %parallel_loop3A_194 = arith.addi %parallel_loop3A_146, %parallel_loop3A_193 : i32
        scf.yield %parallel_loop3A_194 : i32
      } {sc.loop_unroll_factor = 2 : i64, sc.parallel_access}
      %broadcast_in_dim3A_74 = arith.constant 16 : i32
      %broadcast_in_dim3A_75 = vector.broadcast %broadcast_in_dim3A_74 : i32 to vector<16xi32>
      %scan3A_76 = arith.constant 0 : i32
      %scan3A_77 = arith.constant 0 : i32
      %scan3A_78 = arith.constant 256 : i32
      %scan3A_79 = arith.addi %scan3A_77, %scan3A_78 : i32
      %scan3A_80 = arith.constant 1 : i32
      %scan3A_81 = scf.for %scan3A_145 = %scan3A_77 to %scan3A_79 step %scan3A_80 iter_args(%scan3A_146 = %scan3A_76) -> (i32)  : i32 {
        %parallel_loop3A_147 = arith.constant 0 : i32
        %parallel_loop3A_148 = arith.constant 4 : i32
        %parallel_loop3A_149 = arith.constant 1 : i32
        scf.for %parallel_loop3A_151 = %parallel_loop3A_147 to %parallel_loop3A_148 step %parallel_loop3A_149  : i32 {
          %parallel_loop3A_152 = arith.constant 256 : i32
          %parallel_loop3A_153 = arith.muli %parallel_loop3A_151, %parallel_loop3A_152 : i32
          %parallel_loop3A_154 = arith.addi %parallel_loop3A_153, %scan3A_145 : i32
          %parallel_loop3A_155 = vector.broadcast %parallel_loop3A_154 : i32 to vector<16xi32>
          %parallel_loop3A_156 = arith.addi %mul3A_5, %parallel_loop3A_155 : vector<16xi32>
          %parallel_loop3A_157 = tpu.vector_load_idx %arg7[%parallel_loop3A_156] : memref<16384xi32, #tpu.memory_space<vmem>>[vector<16xi32>], vector<16xi32>,
          %parallel_loop3A_158 = tpu.vector_load_idx %arg9[%parallel_loop3A_156] : memref<16384xi32, #tpu.memory_space<vmem>>[vector<16xi32>], vector<16xi32>,
          %parallel_loop3A_159 = arith.shrui %parallel_loop3A_157, %broadcast_in_dim3A_75 : vector<16xi32>
          %parallel_loop3A_160 = arith.andi %parallel_loop3A_159, %broadcast_in_dim3A_11 : vector<16xi32>
          %parallel_loop3A_161 = arith.constant 64 : i32
          %parallel_loop3A_162 = vector.broadcast %parallel_loop3A_161 : i32 to vector<16xi32>
          %parallel_loop3A_163 = arith.muli %parallel_loop3A_160, %parallel_loop3A_162 : vector<16xi32>
          %parallel_loop3A_164 = arith.addi %parallel_loop3A_163, %mul3A_8 : vector<16xi32>
          %parallel_loop3A_165 = vector.broadcast %parallel_loop3A_151 : i32 to vector<16xi32>
          %parallel_loop3A_166 = arith.addi %parallel_loop3A_164, %parallel_loop3A_165 : vector<16xi32>
          %parallel_loop3A_167 = tpu.vector_load_idx %arg11[%parallel_loop3A_166] : memref<16384xi32, #tpu.memory_space<vmem>>[vector<16xi32>], vector<16xi32>,
          tpu.vector_store_idx %arg8[%parallel_loop3A_167], %parallel_loop3A_157 : memref<16384xi32, #tpu.memory_space<vmem>>[vector<16xi32>], vector<16xi32>,
          tpu.vector_store_idx %arg10[%parallel_loop3A_167], %parallel_loop3A_158 : memref<16384xi32, #tpu.memory_space<vmem>>[vector<16xi32>], vector<16xi32>,
          tpu.vector_store_idx %arg11[%parallel_loop3A_166], %broadcast_in_dim3A_9 {add = true} : memref<16384xi32, #tpu.memory_space<vmem>>[vector<16xi32>], vector<16xi32>,
        } {sc.loop_unroll_factor = 4 : i64, sc.parallel_access}
        %scan3A_150 = arith.constant 0 : i32
        scf.yield %scan3A_150 : i32
      }
      %scan3A_82 = arith.constant 256 : i32
      %parallel_loop3A_83 = arith.constant 0 : i32
      %parallel_loop3A_84 = arith.constant 1024 : i32
      %parallel_loop3A_85 = arith.constant 1 : i32
      scf.for %parallel_loop3A_145 = %parallel_loop3A_83 to %parallel_loop3A_84 step %parallel_loop3A_85  : i32 {
        %parallel_loop3A_146 = arith.constant 0 : i32
        %parallel_loop3A_147 = vector.broadcast %parallel_loop3A_146 : i32 to vector<16xi32>
        %parallel_loop3A_148 = arith.constant 16 : i32
        %parallel_loop3A_149 = arith.muli %parallel_loop3A_145, %parallel_loop3A_148 : i32
        %parallel_loop3A_150 = arith.index_cast %parallel_loop3A_149 : i32 to index
        %parallel_loop3A_151 = tpu.vector_load %arg11[%parallel_loop3A_150] {strides = array<i32>} : memref<16384xi32, #tpu.memory_space<vmem>>, vector<16xi32>,
        tpu.vector_store %arg11[%parallel_loop3A_150], %parallel_loop3A_147 {strides = array<i32>} : memref<16384xi32, #tpu.memory_space<vmem>>, vector<16xi32>,
      } {sc.loop_unroll_factor = 4 : i64, sc.parallel_access}
      %broadcast_in_dim3A_86 = arith.constant 24 : i32
      %broadcast_in_dim3A_87 = vector.broadcast %broadcast_in_dim3A_86 : i32 to vector<16xi32>
      %parallel_loop3A_88 = arith.constant 0 : i32
      %parallel_loop3A_89 = arith.constant 256 : i32
      %parallel_loop3A_90 = arith.constant 1 : i32
      scf.for %parallel_loop3A_145 = %parallel_loop3A_88 to %parallel_loop3A_89 step %parallel_loop3A_90  : i32 {
        %parallel_loop3A_146 = arith.constant 0 : i32
        %parallel_loop3A_147 = arith.addi %parallel_loop3A_146, %parallel_loop3A_145 : i32
        %parallel_loop3A_148 = vector.broadcast %parallel_loop3A_147 : i32 to vector<16xi32>
        %parallel_loop3A_149 = arith.addi %mul3A_5, %parallel_loop3A_148 : vector<16xi32>
        %parallel_loop3A_150 = tpu.vector_load_idx %arg8[%parallel_loop3A_149] : memref<16384xi32, #tpu.memory_space<vmem>>[vector<16xi32>], vector<16xi32>,
        %parallel_loop3A_151 = arith.shrui %parallel_loop3A_150, %broadcast_in_dim3A_87 : vector<16xi32>
        %parallel_loop3A_152 = arith.andi %parallel_loop3A_151, %broadcast_in_dim3A_11 : vector<16xi32>
        %parallel_loop3A_153 = arith.constant 64 : i32
        %parallel_loop3A_154 = vector.broadcast %parallel_loop3A_153 : i32 to vector<16xi32>
        %parallel_loop3A_155 = arith.muli %parallel_loop3A_152, %parallel_loop3A_154 : vector<16xi32>
        %parallel_loop3A_156 = arith.addi %parallel_loop3A_155, %mul3A_8 : vector<16xi32>
        %parallel_loop3A_157 = arith.constant 0 : i32
        %parallel_loop3A_158 = vector.broadcast %parallel_loop3A_157 : i32 to vector<16xi32>
        %parallel_loop3A_159 = arith.addi %parallel_loop3A_156, %parallel_loop3A_158 : vector<16xi32>
        tpu.vector_store_idx %arg11[%parallel_loop3A_159], %broadcast_in_dim3A_9 {add = true} : memref<16384xi32, #tpu.memory_space<vmem>>[vector<16xi32>], vector<16xi32>,
        %parallel_loop3A_160 = arith.constant 256 : i32
        %parallel_loop3A_161 = arith.addi %parallel_loop3A_160, %parallel_loop3A_145 : i32
        %parallel_loop3A_162 = vector.broadcast %parallel_loop3A_161 : i32 to vector<16xi32>
        %parallel_loop3A_163 = arith.addi %mul3A_5, %parallel_loop3A_162 : vector<16xi32>
        %parallel_loop3A_164 = tpu.vector_load_idx %arg8[%parallel_loop3A_163] : memref<16384xi32, #tpu.memory_space<vmem>>[vector<16xi32>], vector<16xi32>,
        %parallel_loop3A_165 = arith.shrui %parallel_loop3A_164, %broadcast_in_dim3A_87 : vector<16xi32>
        %parallel_loop3A_166 = arith.andi %parallel_loop3A_165, %broadcast_in_dim3A_11 : vector<16xi32>
        %parallel_loop3A_167 = arith.constant 64 : i32
        %parallel_loop3A_168 = vector.broadcast %parallel_loop3A_167 : i32 to vector<16xi32>
        %parallel_loop3A_169 = arith.muli %parallel_loop3A_166, %parallel_loop3A_168 : vector<16xi32>
        %parallel_loop3A_170 = arith.addi %parallel_loop3A_169, %mul3A_8 : vector<16xi32>
        %parallel_loop3A_171 = arith.constant 1 : i32
        %parallel_loop3A_172 = vector.broadcast %parallel_loop3A_171 : i32 to vector<16xi32>
        %parallel_loop3A_173 = arith.addi %parallel_loop3A_170, %parallel_loop3A_172 : vector<16xi32>
        tpu.vector_store_idx %arg11[%parallel_loop3A_173], %broadcast_in_dim3A_9 {add = true} : memref<16384xi32, #tpu.memory_space<vmem>>[vector<16xi32>], vector<16xi32>,
        %parallel_loop3A_174 = arith.constant 512 : i32
        %parallel_loop3A_175 = arith.addi %parallel_loop3A_174, %parallel_loop3A_145 : i32
        %parallel_loop3A_176 = vector.broadcast %parallel_loop3A_175 : i32 to vector<16xi32>
        %parallel_loop3A_177 = arith.addi %mul3A_5, %parallel_loop3A_176 : vector<16xi32>
        %parallel_loop3A_178 = tpu.vector_load_idx %arg8[%parallel_loop3A_177] : memref<16384xi32, #tpu.memory_space<vmem>>[vector<16xi32>], vector<16xi32>,
        %parallel_loop3A_179 = arith.shrui %parallel_loop3A_178, %broadcast_in_dim3A_87 : vector<16xi32>
        %parallel_loop3A_180 = arith.andi %parallel_loop3A_179, %broadcast_in_dim3A_11 : vector<16xi32>
        %parallel_loop3A_181 = arith.constant 64 : i32
        %parallel_loop3A_182 = vector.broadcast %parallel_loop3A_181 : i32 to vector<16xi32>
        %parallel_loop3A_183 = arith.muli %parallel_loop3A_180, %parallel_loop3A_182 : vector<16xi32>
        %parallel_loop3A_184 = arith.addi %parallel_loop3A_183, %mul3A_8 : vector<16xi32>
        %parallel_loop3A_185 = arith.constant 2 : i32
        %parallel_loop3A_186 = vector.broadcast %parallel_loop3A_185 : i32 to vector<16xi32>
        %parallel_loop3A_187 = arith.addi %parallel_loop3A_184, %parallel_loop3A_186 : vector<16xi32>
        tpu.vector_store_idx %arg11[%parallel_loop3A_187], %broadcast_in_dim3A_9 {add = true} : memref<16384xi32, #tpu.memory_space<vmem>>[vector<16xi32>], vector<16xi32>,
        %parallel_loop3A_188 = arith.constant 768 : i32
        %parallel_loop3A_189 = arith.addi %parallel_loop3A_188, %parallel_loop3A_145 : i32
        %parallel_loop3A_190 = vector.broadcast %parallel_loop3A_189 : i32 to vector<16xi32>
        %parallel_loop3A_191 = arith.addi %mul3A_5, %parallel_loop3A_190 : vector<16xi32>
        %parallel_loop3A_192 = tpu.vector_load_idx %arg8[%parallel_loop3A_191] : memref<16384xi32, #tpu.memory_space<vmem>>[vector<16xi32>], vector<16xi32>,
        %parallel_loop3A_193 = arith.shrui %parallel_loop3A_192, %broadcast_in_dim3A_87 : vector<16xi32>
        %parallel_loop3A_194 = arith.andi %parallel_loop3A_193, %broadcast_in_dim3A_11 : vector<16xi32>
        %parallel_loop3A_195 = arith.constant 64 : i32
        %parallel_loop3A_196 = vector.broadcast %parallel_loop3A_195 : i32 to vector<16xi32>
        %parallel_loop3A_197 = arith.muli %parallel_loop3A_194, %parallel_loop3A_196 : vector<16xi32>
        %parallel_loop3A_198 = arith.addi %parallel_loop3A_197, %mul3A_8 : vector<16xi32>
        %parallel_loop3A_199 = arith.constant 3 : i32
        %parallel_loop3A_200 = vector.broadcast %parallel_loop3A_199 : i32 to vector<16xi32>
        %parallel_loop3A_201 = arith.addi %parallel_loop3A_198, %parallel_loop3A_200 : vector<16xi32>
        tpu.vector_store_idx %arg11[%parallel_loop3A_201], %broadcast_in_dim3A_9 {add = true} : memref<16384xi32, #tpu.memory_space<vmem>>[vector<16xi32>], vector<16xi32>,
      } {sc.loop_unroll_factor = 2 : i64, sc.parallel_access}
      %parallel_loop3A_91 = arith.constant 0 : i32
      %parallel_loop3A_92 = arith.constant 256 : i32
      %parallel_loop3A_93 = arith.constant 1 : i32
      %parallel_loop3A_94 = arith.constant 0 : i32
      %parallel_loop3A_95 = scf.for %parallel_loop3A_145 = %parallel_loop3A_91 to %parallel_loop3A_92 step %parallel_loop3A_93 iter_args(%parallel_loop3A_146 = %parallel_loop3A_94) -> (i32)  : i32 {
        %parallel_loop3A_147 = arith.constant 64 : i32
        %parallel_loop3A_148 = arith.muli %parallel_loop3A_145, %parallel_loop3A_147 : i32
        %parallel_loop3A_149 = vector.broadcast %parallel_loop3A_148 : i32 to vector<16xi32>
        %parallel_loop3A_150 = arith.addi %parallel_loop3A_149, %mul3A_8 : vector<16xi32>
        %parallel_loop3A_151 = arith.constant 0 : i32
        %parallel_loop3A_152 = vector.broadcast %parallel_loop3A_151 : i32 to vector<16xi32>
        %parallel_loop3A_153 = arith.addi %parallel_loop3A_150, %parallel_loop3A_152 : vector<16xi32>
        %parallel_loop3A_154 = arith.constant 64 : i32
        %parallel_loop3A_155 = arith.muli %parallel_loop3A_145, %parallel_loop3A_154 : i32
        %parallel_loop3A_156 = vector.broadcast %parallel_loop3A_155 : i32 to vector<16xi32>
        %parallel_loop3A_157 = arith.addi %parallel_loop3A_156, %mul3A_8 : vector<16xi32>
        %parallel_loop3A_158 = arith.constant 1 : i32
        %parallel_loop3A_159 = vector.broadcast %parallel_loop3A_158 : i32 to vector<16xi32>
        %parallel_loop3A_160 = arith.addi %parallel_loop3A_157, %parallel_loop3A_159 : vector<16xi32>
        %parallel_loop3A_161 = arith.constant 64 : i32
        %parallel_loop3A_162 = arith.muli %parallel_loop3A_145, %parallel_loop3A_161 : i32
        %parallel_loop3A_163 = vector.broadcast %parallel_loop3A_162 : i32 to vector<16xi32>
        %parallel_loop3A_164 = arith.addi %parallel_loop3A_163, %mul3A_8 : vector<16xi32>
        %parallel_loop3A_165 = arith.constant 2 : i32
        %parallel_loop3A_166 = vector.broadcast %parallel_loop3A_165 : i32 to vector<16xi32>
        %parallel_loop3A_167 = arith.addi %parallel_loop3A_164, %parallel_loop3A_166 : vector<16xi32>
        %parallel_loop3A_168 = arith.constant 64 : i32
        %parallel_loop3A_169 = arith.muli %parallel_loop3A_145, %parallel_loop3A_168 : i32
        %parallel_loop3A_170 = vector.broadcast %parallel_loop3A_169 : i32 to vector<16xi32>
        %parallel_loop3A_171 = arith.addi %parallel_loop3A_170, %mul3A_8 : vector<16xi32>
        %parallel_loop3A_172 = arith.constant 3 : i32
        %parallel_loop3A_173 = vector.broadcast %parallel_loop3A_172 : i32 to vector<16xi32>
        %parallel_loop3A_174 = arith.addi %parallel_loop3A_171, %parallel_loop3A_173 : vector<16xi32>
        %parallel_loop3A_175 = tpu.vector_load_idx %arg11[%parallel_loop3A_153] : memref<16384xi32, #tpu.memory_space<vmem>>[vector<16xi32>], vector<16xi32>,
        %parallel_loop3A_176 = tpu.vector_load_idx %arg11[%parallel_loop3A_160] : memref<16384xi32, #tpu.memory_space<vmem>>[vector<16xi32>], vector<16xi32>,
        %parallel_loop3A_177 = tpu.vector_load_idx %arg11[%parallel_loop3A_167] : memref<16384xi32, #tpu.memory_space<vmem>>[vector<16xi32>], vector<16xi32>,
        %parallel_loop3A_178 = tpu.vector_load_idx %arg11[%parallel_loop3A_174] : memref<16384xi32, #tpu.memory_space<vmem>>[vector<16xi32>], vector<16xi32>,
        %parallel_loop3A_179 = arith.addi %parallel_loop3A_175, %parallel_loop3A_176 : vector<16xi32>
        %parallel_loop3A_180 = arith.addi %parallel_loop3A_179, %parallel_loop3A_177 : vector<16xi32>
        %parallel_loop3A_181 = arith.addi %parallel_loop3A_180, %parallel_loop3A_178 : vector<16xi32>
        %parallel_loop3A_182 = arith.constant true
        %parallel_loop3A_183 = vector.broadcast %parallel_loop3A_182 : i1 to vector<16xi1>
        %parallel_loop3A_184 = tpu.scan <sum>, %parallel_loop3A_181 masked %parallel_loop3A_183 : vector<16xi32>, vector<16xi1> -> vector<16xi32>
        %parallel_loop3A_185 = arith.subi %parallel_loop3A_184, %parallel_loop3A_181 : vector<16xi32>
        %parallel_loop3A_186 = vector.broadcast %parallel_loop3A_146 : i32 to vector<16xi32>
        %parallel_loop3A_187 = arith.addi %parallel_loop3A_185, %parallel_loop3A_186 : vector<16xi32>
        tpu.vector_store_idx %arg11[%parallel_loop3A_153], %parallel_loop3A_187 : memref<16384xi32, #tpu.memory_space<vmem>>[vector<16xi32>], vector<16xi32>,
        %parallel_loop3A_188 = arith.addi %parallel_loop3A_187, %parallel_loop3A_175 : vector<16xi32>
        tpu.vector_store_idx %arg11[%parallel_loop3A_160], %parallel_loop3A_188 : memref<16384xi32, #tpu.memory_space<vmem>>[vector<16xi32>], vector<16xi32>,
        %parallel_loop3A_189 = arith.addi %parallel_loop3A_188, %parallel_loop3A_176 : vector<16xi32>
        tpu.vector_store_idx %arg11[%parallel_loop3A_167], %parallel_loop3A_189 : memref<16384xi32, #tpu.memory_space<vmem>>[vector<16xi32>], vector<16xi32>,
        %parallel_loop3A_190 = arith.addi %parallel_loop3A_189, %parallel_loop3A_177 : vector<16xi32>
        tpu.vector_store_idx %arg11[%parallel_loop3A_174], %parallel_loop3A_190 : memref<16384xi32, #tpu.memory_space<vmem>>[vector<16xi32>], vector<16xi32>,
        %parallel_loop3A_191 = arith.addi %parallel_loop3A_190, %parallel_loop3A_178 : vector<16xi32>
        %parallel_loop3A_192 = vector.extract_strided_slice %parallel_loop3A_184 {offsets = [15], sizes = [1], strides = [1]} : vector<16xi32> to vector<1xi32>
        %parallel_loop3A_193 = vector.extract %parallel_loop3A_192[0] : i32 from vector<1xi32>
        %parallel_loop3A_194 = arith.addi %parallel_loop3A_146, %parallel_loop3A_193 : i32
        scf.yield %parallel_loop3A_194 : i32
      } {sc.loop_unroll_factor = 2 : i64, sc.parallel_access}
      %broadcast_in_dim3A_96 = arith.constant 24 : i32
      %broadcast_in_dim3A_97 = vector.broadcast %broadcast_in_dim3A_96 : i32 to vector<16xi32>
      %scan3A_98 = arith.constant 0 : i32
      %scan3A_99 = arith.constant 0 : i32
      %scan3A_100 = arith.constant 256 : i32
      %scan3A_101 = arith.addi %scan3A_99, %scan3A_100 : i32
      %scan3A_102 = arith.constant 1 : i32
      %scan3A_103 = scf.for %scan3A_145 = %scan3A_99 to %scan3A_101 step %scan3A_102 iter_args(%scan3A_146 = %scan3A_98) -> (i32)  : i32 {
        %parallel_loop3A_147 = arith.constant 0 : i32
        %parallel_loop3A_148 = arith.constant 4 : i32
        %parallel_loop3A_149 = arith.constant 1 : i32
        scf.for %parallel_loop3A_151 = %parallel_loop3A_147 to %parallel_loop3A_148 step %parallel_loop3A_149  : i32 {
          %parallel_loop3A_152 = arith.constant 256 : i32
          %parallel_loop3A_153 = arith.muli %parallel_loop3A_151, %parallel_loop3A_152 : i32
          %parallel_loop3A_154 = arith.addi %parallel_loop3A_153, %scan3A_145 : i32
          %parallel_loop3A_155 = vector.broadcast %parallel_loop3A_154 : i32 to vector<16xi32>
          %parallel_loop3A_156 = arith.addi %mul3A_5, %parallel_loop3A_155 : vector<16xi32>
          %parallel_loop3A_157 = tpu.vector_load_idx %arg8[%parallel_loop3A_156] : memref<16384xi32, #tpu.memory_space<vmem>>[vector<16xi32>], vector<16xi32>,
          %parallel_loop3A_158 = tpu.vector_load_idx %arg10[%parallel_loop3A_156] : memref<16384xi32, #tpu.memory_space<vmem>>[vector<16xi32>], vector<16xi32>,
          %parallel_loop3A_159 = arith.shrui %parallel_loop3A_157, %broadcast_in_dim3A_97 : vector<16xi32>
          %parallel_loop3A_160 = arith.andi %parallel_loop3A_159, %broadcast_in_dim3A_11 : vector<16xi32>
          %parallel_loop3A_161 = arith.constant 64 : i32
          %parallel_loop3A_162 = vector.broadcast %parallel_loop3A_161 : i32 to vector<16xi32>
          %parallel_loop3A_163 = arith.muli %parallel_loop3A_160, %parallel_loop3A_162 : vector<16xi32>
          %parallel_loop3A_164 = arith.addi %parallel_loop3A_163, %mul3A_8 : vector<16xi32>
          %parallel_loop3A_165 = vector.broadcast %parallel_loop3A_151 : i32 to vector<16xi32>
          %parallel_loop3A_166 = arith.addi %parallel_loop3A_164, %parallel_loop3A_165 : vector<16xi32>
          %parallel_loop3A_167 = tpu.vector_load_idx %arg11[%parallel_loop3A_166] : memref<16384xi32, #tpu.memory_space<vmem>>[vector<16xi32>], vector<16xi32>,
          tpu.vector_store_idx %arg7[%parallel_loop3A_167], %parallel_loop3A_157 : memref<16384xi32, #tpu.memory_space<vmem>>[vector<16xi32>], vector<16xi32>,
          tpu.vector_store_idx %arg9[%parallel_loop3A_167], %parallel_loop3A_158 : memref<16384xi32, #tpu.memory_space<vmem>>[vector<16xi32>], vector<16xi32>,
          tpu.vector_store_idx %arg11[%parallel_loop3A_166], %broadcast_in_dim3A_9 {add = true} : memref<16384xi32, #tpu.memory_space<vmem>>[vector<16xi32>], vector<16xi32>,
        } {sc.loop_unroll_factor = 4 : i64, sc.parallel_access}
        %scan3A_150 = arith.constant 0 : i32
        scf.yield %scan3A_150 : i32
      }
      %scan3A_104 = arith.constant 256 : i32
      %broadcast_in_dim3A_105 = arith.constant 0.000000e+00 : f32
      %broadcast_in_dim3A_106 = vector.broadcast %broadcast_in_dim3A_105 : f32 to vector<16xf32>
      %broadcast_in_dim3A_107 = arith.constant 0.000000e+00 : f32
      %broadcast_in_dim3A_108 = vector.broadcast %broadcast_in_dim3A_107 : f32 to vector<16xf32>
      %broadcast_in_dim3A_109 = arith.constant 0.000000e+00 : f32
      %broadcast_in_dim3A_110 = vector.broadcast %broadcast_in_dim3A_109 : f32 to vector<16xf32>
      %broadcast_in_dim3A_111 = arith.constant 0.000000e+00 : f32
      %broadcast_in_dim3A_112 = vector.broadcast %broadcast_in_dim3A_111 : f32 to vector<16xf32>
      %parallel_loop3A_113 = arith.constant 0 : i32
      %parallel_loop3A_114 = arith.constant 256 : i32
      %parallel_loop3A_115 = arith.constant 1 : i32
      %parallel_loop3A_116:4 = scf.for %parallel_loop3A_145 = %parallel_loop3A_113 to %parallel_loop3A_114 step %parallel_loop3A_115 iter_args(%parallel_loop3A_146 = %broadcast_in_dim3A_106, %parallel_loop3A_147 = %broadcast_in_dim3A_108, %parallel_loop3A_148 = %broadcast_in_dim3A_110, %parallel_loop3A_149 = %broadcast_in_dim3A_112) -> (vector<16xf32>, vector<16xf32>, vector<16xf32>, vector<16xf32>)  : i32 {
        %parallel_loop3A_150 = arith.constant 16 : i32
        %parallel_loop3A_151 = arith.muli %parallel_loop3A_145, %parallel_loop3A_150 : i32
        %parallel_loop3A_152 = arith.constant 0 : i32
        %parallel_loop3A_153 = arith.addi %parallel_loop3A_152, %parallel_loop3A_151 : i32
        %parallel_loop3A_154 = arith.index_cast %parallel_loop3A_153 : i32 to index
        %parallel_loop3A_155 = tpu.vector_load %arg9[%parallel_loop3A_154] {strides = array<i32>} : memref<16384xi32, #tpu.memory_space<vmem>>, vector<16xi32>,
        %parallel_loop3A_156 = tpu.vector_load_idx %arg5[%parallel_loop3A_155] : memref<16384xf32, #tpu.memory_space<vmem>>[vector<16xi32>], vector<16xf32>,
        %parallel_loop3A_157 = vector.broadcast %squeeze3A : f32 to vector<16xf32>
        %parallel_loop3A_158 = arith.subf %parallel_loop3A_156, %parallel_loop3A_157 : vector<16xf32>
        %parallel_loop3A_159 = math.exp %parallel_loop3A_158 : vector<16xf32>
        %parallel_loop3A_160 = arith.addf %parallel_loop3A_146, %parallel_loop3A_159 : vector<16xf32>
        %parallel_loop3A_161 = arith.constant 16 : i32
        %parallel_loop3A_162 = arith.muli %parallel_loop3A_145, %parallel_loop3A_161 : i32
        %parallel_loop3A_163 = arith.constant 4096 : i32
        %parallel_loop3A_164 = arith.addi %parallel_loop3A_163, %parallel_loop3A_162 : i32
        %parallel_loop3A_165 = arith.index_cast %parallel_loop3A_164 : i32 to index
        %parallel_loop3A_166 = tpu.vector_load %arg9[%parallel_loop3A_165] {strides = array<i32>} : memref<16384xi32, #tpu.memory_space<vmem>>, vector<16xi32>,
        %parallel_loop3A_167 = tpu.vector_load_idx %arg5[%parallel_loop3A_166] : memref<16384xf32, #tpu.memory_space<vmem>>[vector<16xi32>], vector<16xf32>,
        %parallel_loop3A_168 = vector.broadcast %squeeze3A : f32 to vector<16xf32>
        %parallel_loop3A_169 = arith.subf %parallel_loop3A_167, %parallel_loop3A_168 : vector<16xf32>
        %parallel_loop3A_170 = math.exp %parallel_loop3A_169 : vector<16xf32>
        %parallel_loop3A_171 = arith.addf %parallel_loop3A_147, %parallel_loop3A_170 : vector<16xf32>
        %parallel_loop3A_172 = arith.constant 16 : i32
        %parallel_loop3A_173 = arith.muli %parallel_loop3A_145, %parallel_loop3A_172 : i32
        %parallel_loop3A_174 = arith.constant 8192 : i32
        %parallel_loop3A_175 = arith.addi %parallel_loop3A_174, %parallel_loop3A_173 : i32
        %parallel_loop3A_176 = arith.index_cast %parallel_loop3A_175 : i32 to index
        %parallel_loop3A_177 = tpu.vector_load %arg9[%parallel_loop3A_176] {strides = array<i32>} : memref<16384xi32, #tpu.memory_space<vmem>>, vector<16xi32>,
        %parallel_loop3A_178 = tpu.vector_load_idx %arg5[%parallel_loop3A_177] : memref<16384xf32, #tpu.memory_space<vmem>>[vector<16xi32>], vector<16xf32>,
        %parallel_loop3A_179 = vector.broadcast %squeeze3A : f32 to vector<16xf32>
        %parallel_loop3A_180 = arith.subf %parallel_loop3A_178, %parallel_loop3A_179 : vector<16xf32>
        %parallel_loop3A_181 = math.exp %parallel_loop3A_180 : vector<16xf32>
        %parallel_loop3A_182 = arith.addf %parallel_loop3A_148, %parallel_loop3A_181 : vector<16xf32>
        %parallel_loop3A_183 = arith.constant 16 : i32
        %parallel_loop3A_184 = arith.muli %parallel_loop3A_145, %parallel_loop3A_183 : i32
        %parallel_loop3A_185 = arith.constant 12288 : i32
        %parallel_loop3A_186 = arith.addi %parallel_loop3A_185, %parallel_loop3A_184 : i32
        %parallel_loop3A_187 = arith.index_cast %parallel_loop3A_186 : i32 to index
        %parallel_loop3A_188 = tpu.vector_load %arg9[%parallel_loop3A_187] {strides = array<i32>} : memref<16384xi32, #tpu.memory_space<vmem>>, vector<16xi32>,
        %parallel_loop3A_189 = tpu.vector_load_idx %arg5[%parallel_loop3A_188] : memref<16384xf32, #tpu.memory_space<vmem>>[vector<16xi32>], vector<16xf32>,
        %parallel_loop3A_190 = vector.broadcast %squeeze3A : f32 to vector<16xf32>
        %parallel_loop3A_191 = arith.subf %parallel_loop3A_189, %parallel_loop3A_190 : vector<16xf32>
        %parallel_loop3A_192 = math.exp %parallel_loop3A_191 : vector<16xf32>
        %parallel_loop3A_193 = arith.addf %parallel_loop3A_149, %parallel_loop3A_192 : vector<16xf32>
        scf.yield %parallel_loop3A_160, %parallel_loop3A_171, %parallel_loop3A_182, %parallel_loop3A_193 : vector<16xf32>, vector<16xf32>, vector<16xf32>, vector<16xf32>
      } {sc.loop_unroll_factor = 2 : i64, sc.parallel_access}
      %broadcast_in_dim3A_117 = arith.constant true
      %broadcast_in_dim3A_118 = vector.broadcast %broadcast_in_dim3A_117 : i1 to vector<16xi1>
      %masked_cumsum3A = tpu.scan <sum>, %parallel_loop3A_116#0 masked %broadcast_in_dim3A_118 : vector<16xf32>, vector<16xi1> -> vector<16xf32>
      %slice3A_119 = vector.extract_strided_slice %masked_cumsum3A {offsets = [15], sizes = [1], strides = [1]} : vector<16xf32> to vector<1xf32>
      %squeeze3A_120 = vector.extract %slice3A_119[0] : f32 from vector<1xf32>
      %add3A = arith.constant 0.000000e+00 : f32
      %add3A_121 = arith.addf %add3A, %squeeze3A_120 : f32
      %broadcast_in_dim3A_122 = arith.constant true
      %broadcast_in_dim3A_123 = vector.broadcast %broadcast_in_dim3A_122 : i1 to vector<16xi1>
      %masked_cumsum3A_124 = tpu.scan <sum>, %parallel_loop3A_116#1 masked %broadcast_in_dim3A_123 : vector<16xf32>, vector<16xi1> -> vector<16xf32>
      %slice3A_125 = vector.extract_strided_slice %masked_cumsum3A_124 {offsets = [15], sizes = [1], strides = [1]} : vector<16xf32> to vector<1xf32>
      %squeeze3A_126 = vector.extract %slice3A_125[0] : f32 from vector<1xf32>
      %add3A_127 = arith.addf %add3A_121, %squeeze3A_126 : f32
      %broadcast_in_dim3A_128 = arith.constant true
      %broadcast_in_dim3A_129 = vector.broadcast %broadcast_in_dim3A_128 : i1 to vector<16xi1>
      %masked_cumsum3A_130 = tpu.scan <sum>, %parallel_loop3A_116#2 masked %broadcast_in_dim3A_129 : vector<16xf32>, vector<16xi1> -> vector<16xf32>
      %slice3A_131 = vector.extract_strided_slice %masked_cumsum3A_130 {offsets = [15], sizes = [1], strides = [1]} : vector<16xf32> to vector<1xf32>
      %squeeze3A_132 = vector.extract %slice3A_131[0] : f32 from vector<1xf32>
      %add3A_133 = arith.addf %add3A_127, %squeeze3A_132 : f32
      %broadcast_in_dim3A_134 = arith.constant true
      %broadcast_in_dim3A_135 = vector.broadcast %broadcast_in_dim3A_134 : i1 to vector<16xi1>
      %masked_cumsum3A_136 = tpu.scan <sum>, %parallel_loop3A_116#3 masked %broadcast_in_dim3A_135 : vector<16xf32>, vector<16xi1> -> vector<16xf32>
      %slice3A_137 = vector.extract_strided_slice %masked_cumsum3A_136 {offsets = [15], sizes = [1], strides = [1]} : vector<16xf32> to vector<1xf32>
      %squeeze3A_138 = vector.extract %slice3A_137[0] : f32 from vector<1xf32>
      %add3A_139 = arith.addf %add3A_133, %squeeze3A_138 : f32
      %parallel_loop3A_140 = arith.constant 0 : i32
      %parallel_loop3A_141 = arith.constant 256 : i32
      %parallel_loop3A_142 = arith.constant 1 : i32
      %parallel_loop3A_143 = arith.constant 0.000000e+00 : f32
      %parallel_loop3A_144:4 = scf.for %parallel_loop3A_145 = %parallel_loop3A_140 to %parallel_loop3A_141 step %parallel_loop3A_142 iter_args(%parallel_loop3A_146 = %parallel_loop3A_143, %parallel_loop3A_147 = %add3A_121, %parallel_loop3A_148 = %add3A_127, %parallel_loop3A_149 = %add3A_133) -> (f32, f32, f32, f32)  : i32 {
        %parallel_loop3A_150 = arith.constant 16 : i32
        %parallel_loop3A_151 = arith.muli %parallel_loop3A_145, %parallel_loop3A_150 : i32
        %parallel_loop3A_152 = arith.constant 0 : i32
        %parallel_loop3A_153 = arith.addi %parallel_loop3A_152, %parallel_loop3A_151 : i32
        %parallel_loop3A_154 = arith.index_cast %parallel_loop3A_153 : i32 to index
        %parallel_loop3A_155 = tpu.vector_load %arg9[%parallel_loop3A_154] {strides = array<i32>} : memref<16384xi32, #tpu.memory_space<vmem>>, vector<16xi32>,
        %parallel_loop3A_156 = tpu.vector_load_idx %arg5[%parallel_loop3A_155] : memref<16384xf32, #tpu.memory_space<vmem>>[vector<16xi32>], vector<16xf32>,
        %parallel_loop3A_157 = vector.broadcast %squeeze3A : f32 to vector<16xf32>
        %parallel_loop3A_158 = arith.subf %parallel_loop3A_156, %parallel_loop3A_157 : vector<16xf32>
        %parallel_loop3A_159 = math.exp %parallel_loop3A_158 : vector<16xf32>
        %parallel_loop3A_160 = arith.constant true
        %parallel_loop3A_161 = vector.broadcast %parallel_loop3A_160 : i1 to vector<16xi1>
        %parallel_loop3A_162 = tpu.scan <sum>, %parallel_loop3A_159 masked %parallel_loop3A_161 : vector<16xf32>, vector<16xi1> -> vector<16xf32>
        %parallel_loop3A_163 = vector.broadcast %parallel_loop3A_146 : f32 to vector<16xf32>
        %parallel_loop3A_164 = arith.addf %parallel_loop3A_162, %parallel_loop3A_163 : vector<16xf32>
        tpu.vector_store_idx %arg6[%parallel_loop3A_155], %parallel_loop3A_164 : memref<16384xf32, #tpu.memory_space<vmem>>[vector<16xi32>], vector<16xf32>,
        %parallel_loop3A_165 = vector.extract_strided_slice %parallel_loop3A_164 {offsets = [15], sizes = [1], strides = [1]} : vector<16xf32> to vector<1xf32>
        %parallel_loop3A_166 = vector.extract %parallel_loop3A_165[0] : f32 from vector<1xf32>
        %parallel_loop3A_167 = arith.constant 16 : i32
        %parallel_loop3A_168 = arith.muli %parallel_loop3A_145, %parallel_loop3A_167 : i32
        %parallel_loop3A_169 = arith.constant 4096 : i32
        %parallel_loop3A_170 = arith.addi %parallel_loop3A_169, %parallel_loop3A_168 : i32
        %parallel_loop3A_171 = arith.index_cast %parallel_loop3A_170 : i32 to index
        %parallel_loop3A_172 = tpu.vector_load %arg9[%parallel_loop3A_171] {strides = array<i32>} : memref<16384xi32, #tpu.memory_space<vmem>>, vector<16xi32>,
        %parallel_loop3A_173 = tpu.vector_load_idx %arg5[%parallel_loop3A_172] : memref<16384xf32, #tpu.memory_space<vmem>>[vector<16xi32>], vector<16xf32>,
        %parallel_loop3A_174 = vector.broadcast %squeeze3A : f32 to vector<16xf32>
        %parallel_loop3A_175 = arith.subf %parallel_loop3A_173, %parallel_loop3A_174 : vector<16xf32>
        %parallel_loop3A_176 = math.exp %parallel_loop3A_175 : vector<16xf32>
        %parallel_loop3A_177 = arith.constant true
        %parallel_loop3A_178 = vector.broadcast %parallel_loop3A_177 : i1 to vector<16xi1>
        %parallel_loop3A_179 = tpu.scan <sum>, %parallel_loop3A_176 masked %parallel_loop3A_178 : vector<16xf32>, vector<16xi1> -> vector<16xf32>
        %parallel_loop3A_180 = vector.broadcast %parallel_loop3A_147 : f32 to vector<16xf32>
        %parallel_loop3A_181 = arith.addf %parallel_loop3A_179, %parallel_loop3A_180 : vector<16xf32>
        tpu.vector_store_idx %arg6[%parallel_loop3A_172], %parallel_loop3A_181 : memref<16384xf32, #tpu.memory_space<vmem>>[vector<16xi32>], vector<16xf32>,
        %parallel_loop3A_182 = vector.extract_strided_slice %parallel_loop3A_181 {offsets = [15], sizes = [1], strides = [1]} : vector<16xf32> to vector<1xf32>
        %parallel_loop3A_183 = vector.extract %parallel_loop3A_182[0] : f32 from vector<1xf32>
        %parallel_loop3A_184 = arith.constant 16 : i32
        %parallel_loop3A_185 = arith.muli %parallel_loop3A_145, %parallel_loop3A_184 : i32
        %parallel_loop3A_186 = arith.constant 8192 : i32
        %parallel_loop3A_187 = arith.addi %parallel_loop3A_186, %parallel_loop3A_185 : i32
        %parallel_loop3A_188 = arith.index_cast %parallel_loop3A_187 : i32 to index
        %parallel_loop3A_189 = tpu.vector_load %arg9[%parallel_loop3A_188] {strides = array<i32>} : memref<16384xi32, #tpu.memory_space<vmem>>, vector<16xi32>,
        %parallel_loop3A_190 = tpu.vector_load_idx %arg5[%parallel_loop3A_189] : memref<16384xf32, #tpu.memory_space<vmem>>[vector<16xi32>], vector<16xf32>,
        %parallel_loop3A_191 = vector.broadcast %squeeze3A : f32 to vector<16xf32>
        %parallel_loop3A_192 = arith.subf %parallel_loop3A_190, %parallel_loop3A_191 : vector<16xf32>
        %parallel_loop3A_193 = math.exp %parallel_loop3A_192 : vector<16xf32>
        %parallel_loop3A_194 = arith.constant true
        %parallel_loop3A_195 = vector.broadcast %parallel_loop3A_194 : i1 to vector<16xi1>
        %parallel_loop3A_196 = tpu.scan <sum>, %parallel_loop3A_193 masked %parallel_loop3A_195 : vector<16xf32>, vector<16xi1> -> vector<16xf32>
        %parallel_loop3A_197 = vector.broadcast %parallel_loop3A_148 : f32 to vector<16xf32>
        %parallel_loop3A_198 = arith.addf %parallel_loop3A_196, %parallel_loop3A_197 : vector<16xf32>
        tpu.vector_store_idx %arg6[%parallel_loop3A_189], %parallel_loop3A_198 : memref<16384xf32, #tpu.memory_space<vmem>>[vector<16xi32>], vector<16xf32>,
        %parallel_loop3A_199 = vector.extract_strided_slice %parallel_loop3A_198 {offsets = [15], sizes = [1], strides = [1]} : vector<16xf32> to vector<1xf32>
        %parallel_loop3A_200 = vector.extract %parallel_loop3A_199[0] : f32 from vector<1xf32>
        %parallel_loop3A_201 = arith.constant 16 : i32
        %parallel_loop3A_202 = arith.muli %parallel_loop3A_145, %parallel_loop3A_201 : i32
        %parallel_loop3A_203 = arith.constant 12288 : i32
        %parallel_loop3A_204 = arith.addi %parallel_loop3A_203, %parallel_loop3A_202 : i32
        %parallel_loop3A_205 = arith.index_cast %parallel_loop3A_204 : i32 to index
        %parallel_loop3A_206 = tpu.vector_load %arg9[%parallel_loop3A_205] {strides = array<i32>} : memref<16384xi32, #tpu.memory_space<vmem>>, vector<16xi32>,
        %parallel_loop3A_207 = tpu.vector_load_idx %arg5[%parallel_loop3A_206] : memref<16384xf32, #tpu.memory_space<vmem>>[vector<16xi32>], vector<16xf32>,
        %parallel_loop3A_208 = vector.broadcast %squeeze3A : f32 to vector<16xf32>
        %parallel_loop3A_209 = arith.subf %parallel_loop3A_207, %parallel_loop3A_208 : vector<16xf32>
        %parallel_loop3A_210 = math.exp %parallel_loop3A_209 : vector<16xf32>
        %parallel_loop3A_211 = arith.constant true
        %parallel_loop3A_212 = vector.broadcast %parallel_loop3A_211 : i1 to vector<16xi1>
        %parallel_loop3A_213 = tpu.scan <sum>, %parallel_loop3A_210 masked %parallel_loop3A_212 : vector<16xf32>, vector<16xi1> -> vector<16xf32>
        %parallel_loop3A_214 = vector.broadcast %parallel_loop3A_149 : f32 to vector<16xf32>
        %parallel_loop3A_215 = arith.addf %parallel_loop3A_213, %parallel_loop3A_214 : vector<16xf32>
        tpu.vector_store_idx %arg6[%parallel_loop3A_206], %parallel_loop3A_215 : memref<16384xf32, #tpu.memory_space<vmem>>[vector<16xi32>], vector<16xf32>,
        %parallel_loop3A_216 = vector.extract_strided_slice %parallel_loop3A_215 {offsets = [15], sizes = [1], strides = [1]} : vector<16xf32> to vector<1xf32>
        %parallel_loop3A_217 = vector.extract %parallel_loop3A_216[0] : f32 from vector<1xf32>
        scf.yield %parallel_loop3A_166, %parallel_loop3A_183, %parallel_loop3A_200, %parallel_loop3A_217 : f32, f32, f32, f32
      } {sc.loop_unroll_factor = 2 : i64, sc.parallel_access}
      "tpu.region"() ({
        %run_scoped3A = tpu.sem_alloc : memref<!tpu.dma_semaphore, #tpu.memory_space<semaphore_mem>>
        tpu.enqueue_dma source(%arg6 : memref<16384xf32, #tpu.memory_space<vmem>>) target(%arg4 : memref<16384xf32, #tpu.memory_space<hbm>>) target_semaphore(%run_scoped3A : memref<!tpu.dma_semaphore, #tpu.memory_space<semaphore_mem>>)
        tpu.wait_dma2 semaphore(%run_scoped3A : memref<!tpu.dma_semaphore, #tpu.memory_space<semaphore_mem>>) src(%arg6 : memref<16384xf32, #tpu.memory_space<vmem>>) dst(%arg4 : memref<16384xf32, #tpu.memory_space<hbm>>)
        tpu.yield
      }) : () -> ()
    } else {
    }
    return
  }
}

module attributes {stable_mosaic.version = 14 : i64} {
  func.func @_loss_kernel(%arg0: memref<1x16384xf32, #tpu.memory_space<vmem>>, %arg1: memref<1x16384xf32, #tpu.memory_space<vmem>>, %arg2: memref<1x16384xf32, #tpu.memory_space<vmem>>, %arg3: memref<1x1xf32, #tpu.memory_space<smem>>) attributes {dimension_semantics = [], scalar_prefetch = 0 : i64, scratch_operands = 0 : i64, tpu.core_type = #tpu.core_type<tc>} {
    %get3A = arith.constant 0 : index
    %get3A_0 = arith.constant 0 : index
    %get3A_1 = vector.load %arg0[%get3A, %get3A_0] : memref<1x16384xf32, #tpu.memory_space<vmem>>, vector<1x16384xf32>
    %get3A_2 = arith.constant 0 : index
    %get3A_3 = arith.constant 0 : index
    %get3A_4 = vector.load %arg1[%get3A_2, %get3A_3] : memref<1x16384xf32, #tpu.memory_space<vmem>>, vector<1x16384xf32>
    %get3A_5 = arith.constant 0 : index
    %get3A_6 = arith.constant 0 : index
    %get3A_7 = vector.load %arg2[%get3A_5, %get3A_6] : memref<1x16384xf32, #tpu.memory_space<vmem>>, vector<1x16384xf32>
    %reduce_max3A = vector.shape_cast %get3A_1 : vector<1x16384xf32> to vector<1x1x16384xf32>
    %reduce_max3A_8 = arith.constant dense<0xFF800000> : vector<1xf32>
    %reduce_max3A_9 = vector.multi_reduction <maximumf>, %reduce_max3A, %reduce_max3A_8 [1, 2] : vector<1x1x16384xf32> to vector<1xf32>
    %reduce_max3A_10 = vector.shape_cast %reduce_max3A_9 : vector<1xf32> to vector<1x1x1xf32>
    %reduce_max3A_11 = vector.extract %reduce_max3A_10[0, 0, 0] : f32 from vector<1x1x1xf32>
    %add3A = arith.constant 1.000000e-07 : f32
    %add3A_12 = vector.broadcast %add3A : f32 to vector<1x16384xf32>
    %add3A_13 = arith.addf %get3A_7, %add3A_12 : vector<1x16384xf32>
    %log3A = math.log %add3A_13 : vector<1x16384xf32>
    %add3A_14 = vector.broadcast %reduce_max3A_11 : f32 to vector<1x16384xf32>
    %add3A_15 = arith.addf %log3A, %add3A_14 : vector<1x16384xf32>
    %sub3A = arith.subf %get3A_1, %add3A_15 : vector<1x16384xf32>
    %mul3A = arith.mulf %get3A_4, %sub3A : vector<1x16384xf32>
    %reduce_sum3A = vector.shape_cast %mul3A : vector<1x16384xf32> to vector<1x1x16384xf32>
    %reduce_sum3A_16 = arith.constant dense<0.000000e+00> : vector<1xf32>
    %reduce_sum3A_17 = vector.multi_reduction <add>, %reduce_sum3A, %reduce_sum3A_16 [1, 2] : vector<1x1x16384xf32> to vector<1xf32>
    %reduce_sum3A_18 = vector.shape_cast %reduce_sum3A_17 : vector<1xf32> to vector<1x1x1xf32>
    %reduce_sum3A_19 = vector.extract %reduce_sum3A_18[0, 0, 0] : f32 from vector<1x1x1xf32>
    %reduce_sum3A_20 = vector.shape_cast %get3A_4 : vector<1x16384xf32> to vector<1x1x16384xf32>
    %reduce_sum3A_21 = arith.constant dense<0.000000e+00> : vector<1xf32>
    %reduce_sum3A_22 = vector.multi_reduction <add>, %reduce_sum3A_20, %reduce_sum3A_21 [1, 2] : vector<1x1x16384xf32> to vector<1xf32>
    %reduce_sum3A_23 = vector.shape_cast %reduce_sum3A_22 : vector<1xf32> to vector<1x1x1xf32>
    %reduce_sum3A_24 = vector.extract %reduce_sum3A_23[0, 0, 0] : f32 from vector<1x1x1xf32>
    %neg3A = arith.constant 0.000000e+00 : f32
    %neg3A_25 = arith.subf %neg3A, %reduce_sum3A_19 : f32
    %div3A = arith.divf %neg3A_25, %reduce_sum3A_24 : f32
    %ne3A = arith.cmpf one, %div3A, %div3A : f32
    %jit3A = arith.constant 0x7F800000 : f32
    %select_n3A = arith.select %ne3A, %jit3A, %div3A : f32
    %eq3A = arith.constant 0xFF800000 : f32
    %eq3A_26 = arith.cmpf oeq, %select_n3A, %eq3A : f32
    %jit3A_27 = arith.constant 0x7F800000 : f32
    %select_n3A_28 = arith.select %eq3A_26, %jit3A_27, %select_n3A : f32
    %swap3A = arith.constant 0 : index
    %swap3A_29 = arith.constant 0 : index
    %swap3A_30 = memref.load %arg3[%swap3A, %swap3A_29] : memref<1x1xf32, #tpu.memory_space<smem>>
    memref.store %select_n3A_28, %arg3[%swap3A, %swap3A_29] : memref<1x1xf32, #tpu.memory_space<smem>>
    return
  }
}

</mosaic_0001>

<sc_bundles>
// kernel: kernel.4.cloned.1.call-start
scs
__scs_entry_jumppad:
0x0: {  	(pc) =	sbr.rel $0x88, $3  }
0x1: {  	(tag) =	ssettag $0x0;
	lr =	simm.s32 $0x1  }
0x2: {  	[smem:$0x3F9E] =	sst lr;
	_ =	strace $0xD0000000  }
0x3: {  	_ = 	snop  }
0x4: {  	_ = 	snop  }
0x5: {  	_ = 	snop  }
0x6: {  	_ = 	snop  }
0x7: {  	_ = 	snop  }
__scs_overlays_trampoline_lowered:
0x8: {  	[smem:$0x3FAD] =	sst s0  }
0x9: {  	[smem:$0x3FAE] =	sst s1  }
0xa: {  	[smem:$0x3FAF] =	sst s2  }
0xb: {  	[smem:$0x3FB0] =	sst s3  }
0xc: {  	[smem:$0x3FB1] =	sst s4  }
0xd: {  	[smem:$0x3FB2] =	sst s5  }
0xe: {  	[smem:$0x3FB3] =	sst s6  }
0xf: {  	[smem:$0x3FB4] =	sst s7  }
0x10: {  	[smem:$0x3FB5] =	sst s8  }
0x11: {  	[smem:$0x3FB6] =	sst s9;
	s0 =	simm.s32 @!p0 $0x0  }
0x12: {  	s1 =	sld [smem:$0x3F9C];
	s0 =	simm.s32 @p0 $0x1  }
0x13: {  	[smem:$0x3FB7] =	sst s0;
	s0 =	simm.s32 @!p1 $0x0  }
0x14: {  	s2 =	sld [smem:$0x3F9B];
	s0 =	simm.s32 @p1 $0x1  }
0x15: {  	[smem:$0x3FB8] =	sst s0;
	s0 =	simm.s32 @!p2 $0x0  }
0x16: {  	s3 =	sld [smem:$0x3FDB];
	s0 =	simm.s32 @p2 $0x1  }
0x17: {  	s4 =	simm.s32 $0x1BF5;
	[smem:$0x3FBA] =	sst s0  }
0x18: {  	s0 =	sld [smem:$0x3F9D];
	_ =	swait.ge [sflag:s4], $0x0  }
0x19: {  	s7 =	sld [smem:$0x3F9E]  }
0x1a: {  	s8 =	sadd.s32 $0xFFFFE003, lr  }
0x1b: {  	s9 =	sadd.s32 $0xFFFFFEF7, lr;
	s5 =	simm.s32 $0xFFFFFFFF;
	p2 =	slt.u32 s8, $0xFFFFF086  }
0x1c: {  	p1 =	slt.u32 s9, $0xF7A;
	s5 =	simm.s32 @!p2 $0x0  }
0x1d: {  	s5 =	simm.s32 @p1 $0x1;
	p0 =	seq.s32 s7, s2  }
0x1e: {  	s7 =	smul.u32 @!p0 $0xF7A, s2;
	p2 =	seq.s32 @!p0 s5, $0x0  }
0x1f: {  	s9 =	smul.u32 $0xF7A, s1;
	s8 =	simm.s32 @!p0 $0x1BF5;
	p2 =	por !p2, p0  }
0x20: {  	[sflag:s8] =	ssyncset.s32 @!p0 $0xFFFFF086;
	s6 =	sadd.s32 @!p0 s3, s7;
	s7 =	simm.s32 @!p0 $0x108  }
0x21: {  	s3 =	sadd.s32 s3, s9;
	s6 =	sadd.s32 @!p0 $0x88, s6;
	s7 =	simm.s32 @p2 $0x1082  }
0x22: {  	[simem:s7], [sflag:s8] =	dma.local @!p0 [hbm:s6], $0xF7A  }
0x23: {  	s9 =	sor.u32 $0xD0000000, s2;
	s6 =	simm.s32 $0x108;
	_ =	swait.ge @!p0 [sflag:s8], $0x0  }
0x24: {  	s3 =	sadd.s32 $0x88, s3;
	s6 =	simm.s32 @!p1 $0x1082;
	[sflag:s4] =	ssyncset.s32 $0xFFFFF086  }
0x25: {  	[simem:s6], [sflag:s4] =	dma.local [hbm:s3], $0xF7A  }
0x26: {  	[smem:$0x3F9E] =	sst s1;
	(tag) =	ssettag s2;
	_ =	strace s9  }
0x27: {  	s1 =	sld [smem:$0x3FAE]  }
0x28: {  	s2 =	sld [smem:$0x3FAF]  }
0x29: {  	s4 =	sld [smem:$0x3FB1]  }
0x2a: {  	p0 =	seq.s32 s5, $0x0;
	s5 =	sld [smem:$0x3FB2]  }
0x2b: {  	s6 =	sld [smem:$0x3FB3]  }
0x2c: {  	s7 =	sld [smem:$0x3FB4]  }
0x2d: {  	s3 =	simm.s32 $0x108;
	s8 =	sld [smem:$0x3FB5]  }
0x2e: {  	s3 =	simm.s32 @!p0 $0x1082;
	s9 =	sld [smem:$0x3FB6]  }
0x2f: {  	lr =	sadd.s32 s0, s3;
	s0 =	sld [smem:$0x3FAD]  }
0x30: {  	s3 =	sld [smem:$0x3FB0]  }
0x31: {  	[smem:$0x3FB9] =	sst s10  }
0x32: {  	s10 =	sld [smem:$0x3FB7];
	_ =	sdelay $0x3  }
0x33: {  	p0 =	seq.s32 s10, $0x1;
	s10 =	sld [smem:$0x3FB9];
	_ =	sdelay $0x3  }
0x34: {  	[smem:$0x3FB9] =	sst s10  }
0x35: {  	s10 =	sld [smem:$0x3FB8];
	_ =	sdelay $0x3  }
0x36: {  	p1 =	seq.s32 s10, $0x1;
	s10 =	sld [smem:$0x3FB9];
	_ =	sdelay $0x3  }
0x37: {  	[smem:$0x3FB9] =	sst s10  }
0x38: {  	s10 =	sld [smem:$0x3FBA]  }
0x39: {  	_ = 	snop;
	(pc) =	sbr.ind lr, $3  }
0x3a: {  	_ = 	snop  }
0x3b: {  	_ = 	snop  }
0x3c: {  	p2 =	seq.s32 s10, $0x1;
	s10 =	sld [smem:$0x3FB9]  }
0x3d: {  	_ =	shalt  }
0x3e: {  	_ =	shalt  }
0x3f: {  	_ =	shalt  }
0x40: {  	_ =	shalt  }
0x41: {  	_ =	shalt  }
0x42: {  	_ =	shalt  }
0x43: {  	_ =	shalt  }
0x44: {  	_ =	shalt  }
0x45: {  	_ =	shalt  }
0x46: {  	_ =	shalt  }
0x47: {  	_ =	shalt  }
0x48: {  	_ =	shalt  }
0x49: {  	_ =	shalt  }
0x4a: {  	_ =	shalt  }
0x4b: {  	_ =	shalt  }
0x4c: {  	_ =	shalt  }
0x4d: {  	_ =	shalt  }
0x4e: {  	_ =	shalt  }
0x4f: {  	_ =	shalt  }
0x50: {  	_ =	shalt  }
0x51: {  	_ =	shalt  }
0x52: {  	_ =	shalt  }
0x53: {  	_ =	shalt  }
0x54: {  	_ =	shalt  }
0x55: {  	_ =	shalt  }
0x56: {  	_ =	shalt  }
0x57: {  	_ =	shalt  }
0x58: {  	_ =	shalt  }
0x59: {  	_ =	shalt  }
0x5a: {  	_ =	shalt  }
0x5b: {  	_ =	shalt  }
0x5c: {  	_ =	shalt  }
0x5d: {  	_ =	shalt  }
0x5e: {  	_ =	shalt  }
0x5f: {  	_ =	shalt  }
0x60: {  	_ =	shalt  }
0x61: {  	_ =	shalt  }
0x62: {  	_ =	shalt  }
0x63: {  	_ =	shalt  }
0x64: {  	_ =	shalt  }
0x65: {  	_ =	shalt  }
0x66: {  	_ =	shalt  }
0x67: {  	_ =	shalt  }
0x68: {  	_ =	shalt  }
0x69: {  	_ =	shalt  }
0x6a: {  	_ =	shalt  }
0x6b: {  	_ =	shalt  }
0x6c: {  	_ =	shalt  }
0x6d: {  	_ =	shalt  }
0x6e: {  	_ =	shalt  }
0x6f: {  	_ =	shalt  }
0x70: {  	_ =	shalt  }
0x71: {  	_ =	shalt  }
0x72: {  	_ =	shalt  }
0x73: {  	_ =	shalt  }
0x74: {  	_ =	shalt  }
0x75: {  	_ =	shalt  }
0x76: {  	_ =	shalt  }
0x77: {  	_ =	shalt  }
0x78: {  	_ =	shalt  }
0x79: {  	_ =	shalt  }
0x7a: {  	_ =	shalt  }
0x7b: {  	_ =	shalt  }
0x7c: {  	_ =	shalt  }
0x7d: {  	_ =	shalt  }
0x7e: {  	_ =	shalt  }
0x7f: {  	_ =	shalt  }
0x80: {  	_ =	shalt  }
0x81: {  	_ =	shalt  }
0x82: {  	_ =	shalt  }
0x83: {  	_ =	shalt  }
0x84: {  	_ =	shalt  }
0x85: {  	_ =	shalt  }
0x86: {  	_ =	shalt  }
0x87: {  	_ =	shalt  }
.Lfunc_end0:
.L_simem_size_0:
called_computation_lowered:
.L_overlay_start_0:
0x88: {  	s2 =	sld [smem:$0x3FD9]  }
0x89: {  	s3 =	sld [smem:$0x3FFE];
	_ =	sdelay $0x1  }
0x8a: {  	s1 =	srdreg.scid  }
0x8b: {  	s0 =	sand.u32 $0x1, s1  }
0x8c: {  	s17 =	sshll.u32 s0, $0xA;
	s2 =	sadd.s32 s3, s2  }
0x8d: {  	s2 =	sadd.s32 s2, s17  }
0x8e: {  	[smem:$0x3FC5] =	sst s2  }
0x8f: {  	_ = 	snop  }
0x90: {  	s2 =	sld [smem:$0x3FC9]  }
0x91: {  	s18 =	sld [smem:$0x3FC8];
	(tm) =	ssettm $0x1  }
0x92: {  	s4 =	sld [smem:$0x3FFB];
	_ =	sdelay $0x3  }
0x93: {  	_ =	strace s4  }
0x94: {  	s4 =	sld [smem:$0x3FFC];
	_ =	sdelay $0x3  }
0x95: {  	_ =	strace s4  }
0x96: {  	s4 =	sld [smem:$0x3FFD];
	_ =	sdelay $0x3  }
0x97: {  	_ =	strace s4  }
0x98: {  	_ =	strace $0x8FFFFFFF  }
0x99: {  	s19 =	sld [smem:$0x3FDB];
	_ =	sdelay $0x1  }
0x9a: {  	s5 =	simm.s32 $_scs_section_size  }
0x9b: {  	s6 =	simm.s32 $_size__tile_overlayer_lowered;
	s7 =	simm.s32 $_tile_overlayer_lowered  }
0x9c: {  	s22 =	simm.s32 $0x1BFF;
	s21 =	sshll.u32 s7, $0x1;
	s4 =	sadd.s32 s5, s19  }
0x9d: {  	s8 =	simm.s32 $0x0;
	s20 =	sshll.u32 s6, $0x1;
	s6 =	sadd.s32 s21, s4  }
0x9e: {  	[timem:s8], [sflag:s22] =	dma.local [hbm:s6], s20  }
0x9f: {  	_ =	swait.ge [sflag:s22], s20  }
0xa0: {  	s5 =	ssub.s32 $0x0, s20;
	[sflag:s22] =	ssyncset.done $0x0  }
0xa1: {  	[sflag:s22] =	ssyncadd.s32 s5;
	_ =	sdelay $0x1  }
0xa2: {  	s23 =	simm.s32 $0x1B8B  }
0xa3: {  	_ =	swait.ge [sflag:s23], $0x1  }
0xa4: {  	[sflag:s23] =	ssyncset.done $0x0  }
0xa5: {  	s25 =	simm.s32 $0x1B8E;
	s24 =	sld [smem:$0x3FFE];
	[sflag:s23] =	ssyncadd.s32 $0xFFFFFFFF  }
0xa6: {  	s26 =	simm.s32 $execute0_lowered;
	[smem:$0x3FD2] =	sst s25  }
0xa7: {  	s6 =	sshll.u32 s26, $0x1;
	_ =	strace $0x80000046;
	[dreg:$0x1] =	wrdreg $0xFFFFFFFF  }
0xa8: {  	s28 =	simm.s32 $_size_execute0_lowered;
	s4 =	sadd.s32 s4, s6;
	[dreg:$0x0] =	wrdreg $0x0  }
0xa9: {  	s6 =	sshll.u32 s28, $0x1;
	[dreg:$0x2] =	wrdreg s4  }
0xaa: {  	[dreg:$0x3] =	wrdreg s6  }
0xab: {  	[dreg:$0x4] =	wrdreg $0xC0  }
0xac: {  	_ =	task [dreg:s8], $0x5FFFF  }
0xad: {  	[dreg:$0x1] =	wrdreg $0xFFFFFFFF  }
0xae: {  	[dreg:$0x0] =	wrdreg $0x60  }
0xaf: {  	[dreg:$0x2] =	wrdreg s2  }
0xb0: {  	[dreg:$0x3] =	wrdreg s18  }
0xb1: {  	[dreg:$0x4] =	wrdreg s24  }
0xb2: {  	[dreg:$0x5] =	wrdreg $0x9  }
0xb3: {  	_ =	task.clear_ibuf [dreg:s8], $0x6FFFF;
	_ =	strace $0x90000046  }
0xb4: {  	s29 =	simm.s32 $0x9;
	_ =	strace $0x80000048  }
0xb5: {  	_ =	swait.ge [sflag:s29], $0x1  }
0xb6: {  	[sflag:s29] =	ssyncadd.s32 $0xFFFFFFFF  }
0xb7: {  	_ =	strace $0x90000048  }
0xb8: {  	_ =	sfence  }
0xb9: {  	s30 =	sld [smem:$0x0];
	_ =	sdelay $0x2  }
0xba: {  	s31 =	sshll.u32 s1, $0xD;
	s1 =	sshrl.u32 s1, $0x2  }
0xbb: {  	s3 =	sand.u32 $0x4000, s31;
	s1 =	sadd.s32 s1, s30  }
0xbc: {  	s0 =	sor.u32 s3, s0;
	s1 =	sshll.u32 s1, $0x11  }
0xbd: {  	s0 =	sor.u32 s1, s0  }
0xbe: {  	s0 =	sadd.s32 $0x8F2B, s0  }
0xbf: {  	[sflag:s0] =	ssyncadd.remote.s32 $0x1  }
0xc0: {  	_ =	sfence.sel $0xFFFF  }
0xc1: {  	[dreg:$0x0] =	wrdreg $0xFFFFFFFF;
	(pc) =	sbr.abs _section_cstart, $3  }
0xc2: {  	[dreg:$0x1] =	wrdreg $0xFFFFFFFF  }
0xc3: {  	_ =	task.clear_ibuf [dreg:s8], $0x2FFFF;
	_ =	strace $0x9FFFFFFF  }
0xc4: {  	(tm) =	ssettm $0x7FFFFFFF  }
0xc5: {  	_ =	shalt  }
tec
execute0_lowered:
.L_overlay_start_1:
0x0: {  	(tag) =	ssettag $0x1  }
0x1: {  	s0 =	srdreg.scid  }
0x2: {  	s5 =	sand.u32 $0x1, s0;
	s0 =	stileid.u32  }
0x3: {  	s6 =	sor.u32 s0, s5  }
0x4: {  	p0 =	sne.s32 s6, $0x0  }
.Ltmp0:
0x5: {  	_ = 	snop;
	(pc) =	sbr.rel @!p0 .LBB2_1-.Ltmp0, $4  }
0x6: {  	s1 =	rddreg [dreg:$0x0]  }
0x7: {  	s3 =	rddreg [dreg:$0x1]  }
0x8: {  	s4 =	rddreg [dreg:$0x2]  }
0x9: {  	s2 =	rddreg [dreg:$0x3];
	_ =	strace $0x80000047  }
.LBB2_73:
0xa: {  	_ =	sfence.sel $0x180000  }
0xb: {  	[bflag:$0x0] =	sbarrier.arrive $0xFFFF  }
0xc: {  	p0 =	sne.s32 s0, $0x0;
	_ =	strace $0x90000047  }
0xd: {  	s0 =	sadd.s32 @!p0 $0x100000, s2;
	[bflag:$0x2] =	sbarrier.arrive $0xFFFF  }
0xe: {  	[sflag:s0] =	ssyncadd.tile.s32 @!p0 $0x1;
	_ =	shalt  }
.LBB2_1:
0xf: {  	v0 =	vlaneseq.u32  }
0x10: {  	s5 =	ssub.s32 $0x2, s5;
	v1 =	vmul.u32 $0x4, v0  }
0x11: {  	s4 =	sadd.s32 $0xA00, s4;
	v2 =	vimm.s32 $0x0;
	s7 =	simm.s32 $0x1;
	s8 =	simm.s32 $0x4000  }
0x12: {  	v4 =	vimm.s32 $0x1;
	s9 =	simm.s32 $0x8000;
	s10 =	simm.s32 $0x18000;
	s11 =	simm.s32 $0x10000;
	v3 =	vmul.u32 $0x400, v0;
	v5 =	vor.u32 $0x1, v1  }
0x13: {  	s12 =	simm.s32 $0xC000;
	s13 =	simm.s32 $0x14000;
	s6 =	sshrl.u32 s5, $0x1;
	v6 =	vor.u32 $0x2, v1;
	v7 =	vor.u32 $0x3, v1;
	v8 =	vor.u32 $0x40, v1  }
0x14: {  	s14 =	simm.s32 $0x0;
	s5 =	ssub.s32 s5, s6;
	s6 =	simm.s32 $0x0;
	v9 =	vor.u32 $0x41, v1;
	v10 =	vor.u32 $0x42, v1;
	v11 =	vor.u32 $0x43, v1  }
.LBB2_2:
0x15: {  	[tilespmem:s6], [sflag:$0x1] =	stream.linear.gather [hbm4b:s1+s6], $0x4000, $0x38;
	[tilespmem:$0x1C000] =	vst v63  }
0x16: {  	_ =	swait.ge [sflag:s7], $0x4000  }
0x17: {  	[sflag:s7] =	ssyncset.done $0x0  }
0x18: {  	[sflag:s7] =	ssyncadd.s32 $0xFFFFC000  }
0x19: {  	[tilespmem:s8], [sflag:$0x1] =	stream.linear.gather [hbm4b:s3+s6], $0x4000, $0x38;
	[tilespmem:$0x1C000] =	vst v63  }
0x1a: {  	_ =	swait.ge [sflag:s7], $0x4000  }
0x1b: {  	[sflag:s7] =	ssyncset.done $0x0  }
0x1c: {  	s15 =	simm.s32 $0x10020;
	v12 =	vor.u32 s6, v0;
	s16 =	simm.s32 $0x10;
	[sflag:s7] =	ssyncadd.s32 $0xFFFFC000  }
0x1d: {  	s19 =	simm.s32 $0x20;
	s26 =	simm.s32 $0x20;
	[tilespmem:s15+$0xFFFFFFE0] =	vst v12;
	v12 =	vor.u32 s16, v0  }
0x1e: {  	v13 =	vld [tilespmem:s19+$0xFFFFFFE0];
	[tilespmem:s15+$0xFFFFFFF0] =	vst v12;
	v12 =	vor.u32 s26, v0  }
0x1f: {  	s28 =	simm.s32 $0x30;
	v14 =	vld [tilespmem:s19+$0xFFFFFFF0];
	[tilespmem:s15+$0x0] =	vst v12  }
0x20: {  	v12 =	vor.u32 s28, v0;
	v15 =	vld [tilespmem:s19+$0x0]  }
0x21: {  	s17 =	simm.s32 $0x40;
	[tilespmem:s15+$0x10] =	vst v12  }
0x22: {  	v16 =	vimm.f32 $-Inf;
	s29 =	simm.s32 $0x50;
	s18 =	simm.s32 $0x10060;
	v17 =	vor.u32 s17, v0;
	v12 =	vld [tilespmem:s19+$0x10]  }
0x23: {  	s30 =	simm.s32 $0x60;
	[tilespmem:s18+$0xFFFFFFE0] =	vst v17;
	v17 =	vor.u32 s29, v0;
	s19 =	simm.s32 $0x60;
	v16 =	vmax.f32 v16, v13  }
0x24: {  	s31 =	simm.s32 $0x70;
	[tilespmem:s18+$0xFFFFFFF0] =	vst v17;
	v17 =	vor.u32 s30, v0;
	v13 =	vld [tilespmem:s19+$0xFFFFFFE0];
	v18 =	vmax.f32 v16, v14  }
0x25: {  	s20 =	simm.s32 $0x4;
	[tilespmem:s18+$0x0] =	vst v17;
	s15 =	simm.s32 $0x0;
	v14 =	vld [tilespmem:s19+$0xFFFFFFF0];
	v16 =	vor.u32 s31, v0;
	v15 =	vmax.f32 v18, v15  }
.LBB2_3:
0x26: {  	s20 =	sadd.s32 $0x4, s20  }
0x27: {  	v17 =	vld [tilespmem:s19+$0x0];
	[tilespmem:s18+$0x10] =	vst v16;
	v15 =	vmax.f32 v15, v12;
	s16 =	simm.s32 $0x18020;
	p0 =	slt.u32 s20, $0x3FC  }
.Ltmp1:
0x28: {  	s17 =	sadd.s32 $0x40, s17;
	v12 =	vld [tilespmem:s19+$0x10];
	(pc) =	sbr.rel @p0 .LBB2_3-.Ltmp1, $4  }
0x29: {  	s18 =	sadd.s32 $0x40, s18;
	v16 =	vor.u32 s17, v0;
	s21 =	sadd.s32 $0x10, s17  }
0x2a: {  	s19 =	sadd.s32 $0x40, s19;
	[tilespmem:s18+$0xFFFFFFE0] =	vst v16;
	v16 =	vor.u32 s21, v0;
	s21 =	sadd.s32 $0x20, s17;
	v15 =	vmax.f32 v15, v13  }
0x2b: {  	v13 =	vld [tilespmem:s19+$0xFFFFFFE0];
	[tilespmem:s18+$0xFFFFFFF0] =	vst v16;
	v16 =	vor.u32 s21, v0;
	s21 =	sadd.s32 $0x30, s17;
	v15 =	vmax.f32 v15, v14  }
0x2c: {  	v14 =	vld [tilespmem:s19+$0xFFFFFFF0];
	[tilespmem:s18+$0x0] =	vst v16;
	v16 =	vor.u32 s21, v0;
	v15 =	vmax.f32 v15, v17  }
0x2d: {  	v17 =	vld [tilespmem:s19+$0x0];
	[tilespmem:s18+$0x10] =	vst v16  }
0x2e: {  	v16 =	vld [tilespmem:s19+$0x10]  }
0x2f: {  	v12 =	vmax.f32 v15, v12  }
0x30: {  	v12 =	vmax.f32 v12, v13  }
0x31: {  	[tilespmem:s16+$0xFFFFFFE0] =	vst v2;
	v12 =	vmax.f32 v12, v14  }
0x32: {  	[tilespmem:s16+$0x10] =	vst v2;
	v12 =	vmax.f32 v12, v17  }
0x33: {  	[tilespmem:s16+$0x0] =	vst v2;
	v12 =	vmax.f32 v12, v16  }
.LBB2_5:
0x34: {  	s15 =	sadd.s32 $0x4, s15  }
0x35: {  	[tilespmem:s16+$0xFFFFFFF0] =	vst v2;
	s16 =	sadd.s32 $0x40, s16;
	p0 =	slt.u32 s15, $0x3FC  }
.Ltmp2:
0x36: {  	[tilespmem:s16+$0xFFFFFFE0] =	vst v2;
	(pc) =	sbr.rel @p0 .LBB2_5-.Ltmp2, $3  }
0x37: {  	_ =	sdelay $0x1  }
0x38: {  	[tilespmem:s16+$0x10] =	vst v2  }
0x39: {  	[tilespmem:s16+$0x0] =	vst v2  }
0x3a: {  	s15 =	simm.s32 $0x1  }
0x3b: {  	v13 =	vor.u32 s15, v3;
	_ =	sdelay $0x2  }
0x3c: {  	s15 =	simm.s32 $0x0  }
0x3d: {  	[tilespmem:s16+$0xFFFFFFF0] =	vst v2;
	v14 =	vor.u32 s15, v3  }
0x3e: {  	v15 =	vld.idx.msk [tilespmem:v13+s8+$0x0], $0xffff;
	_ =	sdelay $0x3  }
0x3f: {  	s19 =	simm.s32 $0x3;
	v16 =	vld.idx.msk [tilespmem:v14+s8+$0x0], $0xffff  }
0x40: {  	v18 =	vor.u32 s19, v3;
	v15 =	vxor.u32 $0xFFFFFFFF, v15  }
0x41: {  	v17 =	vshll.u32 v15, $0x6  }
0x42: {  	v17 =	vor.u32 v1, v17  }
0x43: {  	s20 =	simm.s32 $0x101;
	v17 =	vand.u32 $0x3FFC, v17  }
0x44: {  	s21 =	simm.s32 $0x2;
	v19 =	vor.u32 s20, v3;
	v16 =	vxor.u32 $0xFFFFFFFF, v16  }
0x45: {  	v20 =	vor.u32 s21, v3;
	[tilespmem:v13+s9+$0x0] =	vst.idx.msk $0xffff, v15;
	v13 =	vld.idx.msk [tilespmem:v18+s8+$0x0], $0xffff;
	v21 =	vshll.u32 v16, $0x6  }
0x46: {  	v15 =	vor.u32 v1, v21  }
0x47: {  	s22 =	simm.s32 $0x100;
	v15 =	vand.u32 $0x3FFC, v15  }
0x48: {  	[tilespmem:v17+s10+$0x0] =	vst.idx.add.s32.msk $0xffff, v4;
	v17 =	vor.u32 s22, v3  }
0x49: {  	v21 =	vld.idx.msk [tilespmem:v19+s8+$0x0], $0xffff  }
0x4a: {  	s23 =	simm.s32 $0x5;
	v22 =	vld.idx.msk [tilespmem:v20+s8+$0x0], $0xffff;
	v13 =	vxor.u32 $0xFFFFFFFF, v13  }
0x4b: {  	v23 =	vor.u32 s23, v3;
	[tilespmem:v14+s9+$0x0] =	vst.idx.msk $0xffff, v16;
	v14 =	vshll.u32 v13, $0x6  }
0x4c: {  	v14 =	vor.u32 v1, v14;
	[tilespmem:v15+s10+$0x0] =	vst.idx.add.s32.msk $0xffff, v4  }
0x4d: {  	s24 =	simm.s32 $0x103;
	v14 =	vand.u32 $0x3FFC, v14;
	v16 =	vld.idx.msk [tilespmem:v17+s8+$0x0], $0xffff  }
0x4e: {  	v24 =	vor.u32 s24, v3;
	v15 =	vxor.u32 $0xFFFFFFFF, v21  }
0x4f: {  	s16 =	simm.s32 $0x4;
	v22 =	vxor.u32 $0xFFFFFFFF, v22;
	v21 =	vshll.u32 v15, $0x6  }
0x50: {  	v27 =	vor.u32 s16, v3;
	v25 =	vld.idx.msk [tilespmem:v23+s8+$0x0], $0xffff;
	v26 =	vshll.u32 v22, $0x6;
	v21 =	vor.u32 v5, v21  }
0x51: {  	v26 =	vor.u32 v1, v26;
	[tilespmem:v18+s9+$0x0] =	vst.idx.msk $0xffff, v13;
	v21 =	vand.u32 $0x3FFD, v21  }
0x52: {  	s17 =	simm.s32 $0x102;
	[tilespmem:v14+s10+$0x0] =	vst.idx.add.s32.msk $0xffff, v4;
	v13 =	vxor.u32 $0xFFFFFFFF, v16;
	v16 =	vand.u32 $0x3FFC, v26  }
0x53: {  	v18 =	vor.u32 s17, v3;
	v26 =	vld.idx.msk [tilespmem:v24+s8+$0x0], $0xffff;
	v14 =	vshll.u32 v13, $0x6  }
0x54: {  	[tilespmem:v20+s9+$0x0] =	vst.idx.msk $0xffff, v22;
	v14 =	vor.u32 v5, v14  }
0x55: {  	s26 =	simm.s32 $0x7;
	v20 =	vld.idx.msk [tilespmem:v27+s8+$0x0], $0xffff;
	[tilespmem:v19+s9+$0x0] =	vst.idx.msk $0xffff, v15;
	v15 =	vxor.u32 $0xFFFFFFFF, v25;
	v14 =	vand.u32 $0x3FFD, v14  }
0x56: {  	s25 =	simm.s32 $0x200;
	v22 =	vor.u32 s26, v3;
	v19 =	vshll.u32 v15, $0x6;
	[tilespmem:v21+s10+$0x0] =	vst.idx.add.s32.msk $0xffff, v4  }
0x57: {  	v19 =	vor.u32 v1, v19;
	v21 =	vor.u32 s25, v3;
	[tilespmem:v16+s10+$0x0] =	vst.idx.add.s32.msk $0xffff, v4  }
0x58: {  	s28 =	simm.s32 $0x105;
	v16 =	vand.u32 $0x3FFC, v19;
	v25 =	vxor.u32 $0xFFFFFFFF, v26;
	v19 =	vld.idx.msk [tilespmem:v18+s8+$0x0], $0xffff  }
0x59: {  	s18 =	simm.s32 $0x201;
	[tilespmem:v17+s9+$0x0] =	vst.idx.msk $0xffff, v13;
	v26 =	vor.u32 s28, v3;
	v17 =	vshll.u32 v25, $0x6  }
0x5a: {  	v13 =	vor.u32 s18, v3;
	[tilespmem:v14+s10+$0x0] =	vst.idx.add.s32.msk $0xffff, v4;
	v14 =	vor.u32 v5, v17  }
0x5b: {  	v20 =	vxor.u32 $0xFFFFFFFF, v20;
	s17 =	simm.s32 $0x6;
	[tilespmem:v23+s9+$0x0] =	vst.idx.msk $0xffff, v15;
	v15 =	vld.idx.msk [tilespmem:v22+s8+$0x0], $0xffff;
	v14 =	vand.u32 $0x3FFD, v14  }
0x5c: {  	s29 =	simm.s32 $0x203;
	v31 =	vor.u32 s17, v3;
	v23 =	vshll.u32 v20, $0x6;
	v17 =	vld.idx.msk [tilespmem:v21+s8+$0x0], $0xffff  }
0x5d: {  	v28 =	vor.u32 s29, v3;
	[tilespmem:v16+s10+$0x0] =	vst.idx.add.s32.msk $0xffff, v4;
	v16 =	vor.u32 v1, v23;
	v19 =	vxor.u32 $0xFFFFFFFF, v19  }
0x5e: {  	s30 =	simm.s32 $0x104;
	v23 =	vld.idx.msk [tilespmem:v26+s8+$0x0], $0xffff;
	v16 =	vand.u32 $0x3FFC, v16;
	v29 =	vshll.u32 v19, $0x6  }
0x5f: {  	v30 =	vld.idx.msk [tilespmem:v13+s8+$0x0], $0xffff;
	[tilespmem:v24+s9+$0x0] =	vst.idx.msk $0xffff, v25;
	v25 =	vor.u32 s30, v3;
	v29 =	vor.u32 v5, v29  }
0x60: {  	s19 =	simm.s32 $0x9;
	v24 =	vand.u32 $0x3FFD, v29;
	[tilespmem:v14+s10+$0x0] =	vst.idx.add.s32.msk $0xffff, v4;
	v14 =	vxor.u32 $0xFFFFFFFF, v15  }
0x61: {  	s31 =	simm.s32 $0x202;
	[tilespmem:v27+s9+$0x0] =	vst.idx.msk $0xffff, v20;
	v27 =	vor.u32 s19, v3;
	v32 =	vld.idx.msk [tilespmem:v31+s8+$0x0], $0xffff;
	v15 =	vxor.u32 $0xFFFFFFFF, v17;
	v17 =	vshll.u32 v14, $0x6  }
0x62: {  	v29 =	vor.u32 s31, v3;
	v20 =	vld.idx.msk [tilespmem:v28+s8+$0x0], $0xffff;
	[tilespmem:v21+s9+$0x0] =	vst.idx.msk $0xffff, v15;
	v15 =	vshll.u32 v15, $0x6;
	v17 =	vor.u32 v1, v17  }
0x63: {  	v23 =	vxor.u32 $0xFFFFFFFF, v23;
	[tilespmem:v16+s10+$0x0] =	vst.idx.add.s32.msk $0xffff, v4;
	v15 =	vor.u32 v6, v15;
	v16 =	vand.u32 $0x3FFC, v17  }
0x64: {  	s20 =	simm.s32 $0x107;
	[tilespmem:v18+s9+$0x0] =	vst.idx.msk $0xffff, v19;
	v17 =	vshll.u32 v23, $0x6;
	v21 =	vld.idx.msk [tilespmem:v25+s8+$0x0], $0xffff;
	v15 =	vand.u32 $0x3FFE, v15  }
0x65: {  	v18 =	vxor.u32 $0xFFFFFFFF, v30;
	v30 =	vor.u32 s20, v3;
	v17 =	vor.u32 v5, v17;
	[tilespmem:v24+s10+$0x0] =	vst.idx.add.s32.msk $0xffff, v4  }
0x66: {  	s21 =	simm.s32 $0x300;
	v19 =	vshll.u32 v18, $0x6;
	[tilespmem:v13+s9+$0x0] =	vst.idx.msk $0xffff, v18;
	v17 =	vand.u32 $0x3FFD, v17;
	v24 =	vld.idx.msk [tilespmem:v27+s8+$0x0], $0xffff  }
0x67: {  	v13 =	vor.u32 s21, v3;
	v19 =	vor.u32 v6, v19;
	[tilespmem:v22+s9+$0x0] =	vst.idx.msk $0xffff, v14;
	v22 =	vld.idx.msk [tilespmem:v29+s8+$0x0], $0xffff  }
0x68: {  	s19 =	simm.s32 $0x301;
	v19 =	vand.u32 $0x3FFE, v19;
	[tilespmem:v16+s10+$0x0] =	vst.idx.add.s32.msk $0xffff, v4  }
0x69: {  	s24 =	simm.s32 $0x204;
	v33 =	vor.u32 s19, v3;
	v32 =	vxor.u32 $0xFFFFFFFF, v32;
	s25 =	simm.s32 $0xB;
	[tilespmem:v15+s10+$0x0] =	vst.idx.add.s32.msk $0xffff, v4  }
0x6a: {  	v35 =	vor.u32 s24, v3;
	s18 =	simm.s32 $0x8;
	v60 =	vor.u32 s25, v3;
	[tilespmem:v26+s9+$0x0] =	vst.idx.msk $0xffff, v23;
	v16 =	vshll.u32 v32, $0x6;
	v34 =	vld.idx.msk [tilespmem:v30+s8+$0x0], $0xffff  }
0x6b: {  	v18 =	vor.u32 s18, v3;
	v21 =	vxor.u32 $0xFFFFFFFF, v21;
	v16 =	vor.u32 v1, v16;
	[tilespmem:v17+s10+$0x0] =	vst.idx.add.s32.msk $0xffff, v4  }
0x6c: {  	s23 =	simm.s32 $0x106;
	s22 =	simm.s32 $0x205;
	[tilespmem:v31+s9+$0x0] =	vst.idx.msk $0xffff, v32;
	v17 =	vand.u32 $0x3FFC, v16;
	v16 =	vshll.u32 v21, $0x6;
	v23 =	vxor.u32 $0xFFFFFFFF, v24;
	v24 =	vld.idx.msk [tilespmem:v13+s8+$0x0], $0xffff  }
0x6d: {  	v14 =	vor.u32 s22, v3;
	[tilespmem:v19+s10+$0x0] =	vst.idx.add.s32.msk $0xffff, v4;
	v19 =	vor.u32 s23, v3;
	v15 =	vor.u32 v5, v16  }
0x6e: {  	s20 =	simm.s32 $0x303;
	v20 =	vxor.u32 $0xFFFFFFFF, v20;
	v26 =	vshll.u32 v23, $0x6;
	[tilespmem:v27+s9+$0x0] =	vst.idx.msk $0xffff, v23;
	v27 =	vld.idx.msk [tilespmem:v33+s8+$0x0], $0xffff;
	v15 =	vand.u32 $0x3FFD, v15  }
0x6f: {  	v62 =	vld.idx.msk [tilespmem:v60+s8+$0x0], $0xffff;
	[tilespmem:v25+s9+$0x0] =	vst.idx.msk $0xffff, v21;
	v22 =	vxor.u32 $0xFFFFFFFF, v22;
	v16 =	vor.u32 s20, v3;
	v26 =	vor.u32 v1, v26  }
0x70: {  	v61 =	vld.idx.msk [tilespmem:v18+s8+$0x0], $0xffff;
	[tilespmem:v29+s9+$0x0] =	vst.idx.msk $0xffff, v22;
	v22 =	vshll.u32 v22, $0x6;
	v26 =	vand.u32 $0x3FFC, v26;
	v29 =	vxor.u32 $0xFFFFFFFF, v34  }
0x71: {  	s26 =	simm.s32 $0x109;
	v22 =	vor.u32 v6, v22;
	[tilespmem:v17+s10+$0x0] =	vst.idx.add.s32.msk $0xffff, v4;
	v31 =	vshll.u32 v29, $0x6;
	v24 =	vxor.u32 $0xFFFFFFFF, v24  }
0x72: {  	s28 =	simm.s32 $0x207;
	v23 =	vld.idx.msk [tilespmem:v14+s8+$0x0], $0xffff;
	v38 =	vand.u32 $0x3FFE, v22;
	v17 =	vor.u32 s26, v3;
	v21 =	vor.u32 v5, v31;
	[tilespmem:v13+s9+$0x0] =	vst.idx.msk $0xffff, v24  }
0x73: {  	v27 =	vxor.u32 $0xFFFFFFFF, v27;
	v13 =	vor.u32 s28, v3;
	[tilespmem:v15+s10+$0x0] =	vst.idx.add.s32.msk $0xffff, v4;
	v15 =	vshll.u32 v20, $0x6  }
0x74: {  	s29 =	simm.s32 $0x302;
	[tilespmem:v28+s9+$0x0] =	vst.idx.msk $0xffff, v20;
	v25 =	vld.idx.msk [tilespmem:v19+s8+$0x0], $0xffff;
	v21 =	vand.u32 $0x3FFD, v21;
	v22 =	vshll.u32 v27, $0x6;
	v15 =	vor.u32 v6, v15  }
0x75: {  	s30 =	simm.s32 $0x108;
	[tilespmem:v33+s9+$0x0] =	vst.idx.msk $0xffff, v27;
	v20 =	vor.u32 s29, v3;
	v27 =	vxor.u32 $0xFFFFFFFF, v61;
	v36 =	vld.idx.msk [tilespmem:v35+s8+$0x0], $0xffff;
	v37 =	vand.u32 $0x3FFE, v15  }
0x76: {  	v33 =	vxor.u32 $0xFFFFFFFF, v62;
	[tilespmem:v26+s10+$0x0] =	vst.idx.add.s32.msk $0xffff, v4;
	v26 =	vor.u32 v7, v22;
	v22 =	vor.u32 s30, v3  }
0x77: {  	s19 =	simm.s32 $0xA;
	v28 =	vshll.u32 v27, $0x6;
	v15 =	vshll.u32 v24, $0x6;
	v40 =	vand.u32 $0x3FFF, v26;
	[tilespmem:v38+s10+$0x0] =	vst.idx.add.s32.msk $0xffff, v4  }
0x78: {  	[tilespmem:v30+s9+$0x0] =	vst.idx.msk $0xffff, v29;
	v63 =	vshll.u32 v33, $0x6;
	v24 =	vor.u32 s19, v3;
	v39 =	vld.idx.msk [tilespmem:v17+s8+$0x0], $0xffff;
	v26 =	vor.u32 v7, v15  }
0x79: {  	v31 =	vand.u32 $0x3FFF, v26;
	v29 =	vxor.u32 $0xFFFFFFFF, v25;
	[tilespmem:v21+s10+$0x0] =	vst.idx.add.s32.msk $0xffff, v4;
	v21 =	vor.u32 v1, v28  }
0x7a: {  	v30 =	vand.u32 $0x3FFC, v21;
	v21 =	vshll.u32 v29, $0x6;
	v25 =	vxor.u32 $0xFFFFFFFF, v36;
	[tilespmem:v37+s10+$0x0] =	vst.idx.add.s32.msk $0xffff, v4  }
0x7b: {  	s31 =	simm.s32 $0x305;
	v34 =	vor.u32 v1, v63;
	v28 =	vld.idx.msk [tilespmem:v20+s8+$0x0], $0xffff;
	v21 =	vor.u32 v5, v21;
	[tilespmem:v35+s9+$0x0] =	vst.idx.msk $0xffff, v25  }
0x7c: {  	s22 =	simm.s32 $0x206;
	v15 =	vor.u32 s31, v3;
	v25 =	vshll.u32 v25, $0x6;
	[tilespmem:v40+s10+$0x0] =	vst.idx.add.s32.msk $0xffff, v4;
	v32 =	vand.u32 $0x3FFD, v21  }
0x7d: {  	s21 =	simm.s32 $0x10B;
	s20 =	simm.s32 $0xC;
	[tilespmem:v60+s9+$0x0] =	vst.idx.msk $0xffff, v33;
	v26 =	vor.u32 v6, v25;
	v25 =	vxor.u32 $0xFFFFFFFF, v39;
	v21 =	vor.u32 s22, v3;
	v33 =	vld.idx.msk [tilespmem:v16+s8+$0x0], $0xffff  }
.LBB2_7:
0x7e: {  	s22 =	sadd.s32 $0x1, s20  }
0x7f: {  	p0 =	slt.u32 s20, $0xFE;
	v34 =	vand.u32 $0x3FFC, v34;
	v35 =	vor.u32 s21, v3;
	v36 =	vshll.u32 v25, $0x6;
	[tilespmem:v31+s10+$0x0] =	vst.idx.add.s32.msk $0xffff, v4;
	s21 =	smov.u32 s20;
	s20 =	sadd.s32 $0x2, s20  }
0x80: {  	v37 =	vor.u32 s22, v3;
	[tilespmem:v18+s9+$0x0] =	vst.idx.msk $0xffff, v27;
	v27 =	vor.u32 v5, v36;
	s22 =	sadd.s32 $0x201, s18;
	v31 =	vld.idx.msk [tilespmem:v13+s8+$0x0], $0xffff;
	v18 =	vmov v24  }
0x81: {  	[tilespmem:v30+s10+$0x0] =	vst.idx.add.s32.msk $0xffff, v4;
	v30 =	vor.u32 s22, v3  }
0x82: {  	v23 =	vxor.u32 $0xFFFFFFFF, v23;
	v38 =	vand.u32 $0x3FFD, v27;
	v36 =	vld.idx.msk [tilespmem:v24+s8+$0x0], $0xffff;
	[tilespmem:v19+s9+$0x0] =	vst.idx.msk $0xffff, v29;
	v19 =	vmov v22  }
0x83: {  	s22 =	sadd.s32 $0x300, s16;
	v27 =	vxor.u32 $0xFFFFFFFF, v28;
	s16 =	smov.u32 s17;
	s17 =	smov.u32 s18;
	v24 =	vshll.u32 v23, $0x6;
	[tilespmem:v32+s10+$0x0] =	vst.idx.add.s32.msk $0xffff, v4  }
0x84: {  	s18 =	smov.u32 s19;
	s19 =	smov.u32 s21;
	v29 =	vxor.u32 $0xFFFFFFFF, v33;
	v28 =	vld.idx.msk [tilespmem:v22+s8+$0x0], $0xffff;
	v22 =	vor.u32 v6, v24;
	[tilespmem:v20+s9+$0x0] =	vst.idx.msk $0xffff, v27;
	v27 =	vshll.u32 v27, $0x6  }
0x85: {  	v24 =	vor.u32 s19, v3;
	v20 =	vor.u32 s22, v3;
	v32 =	vld.idx.msk [tilespmem:v21+s8+$0x0], $0xffff;
	v33 =	vand.u32 $0x3FFE, v22;
	[tilespmem:v16+s9+$0x0] =	vst.idx.msk $0xffff, v29;
	v16 =	vmovc v15  }
0x86: {  	v26 =	vand.u32 $0x3FFE, v26;
	s21 =	sadd.s32 $0x100, s18;
	v15 =	vshll.u32 v29, $0x6;
	v39 =	vld.idx.msk [tilespmem:v37+s8+$0x0], $0xffff;
	[tilespmem:v14+s9+$0x0] =	vst.idx.msk $0xffff, v23;
	v23 =	vmovc v31;
	v14 =	vmov v13  }
0x87: {  	v22 =	vor.u32 s21, v3;
	s21 =	sadd.s32 $0x301, s16;
	v29 =	vor.u32 v7, v15;
	[tilespmem:v34+s10+$0x0] =	vst.idx.add.s32.msk $0xffff, v4;
	v34 =	vor.u32 v7, v27  }
0x88: {  	v15 =	vor.u32 s21, v3;
	v27 =	vxor.u32 $0xFFFFFFFF, v36;
	v36 =	vld.idx.msk [tilespmem:v35+s8+$0x0], $0xffff;
	[tilespmem:v17+s9+$0x0] =	vst.idx.msk $0xffff, v25;
	v25 =	vand.u32 $0x3FFF, v29;
	v17 =	vmovc v35  }
0x89: {  	v13 =	vmov v30;
	v29 =	vshll.u32 v27, $0x6;
	v31 =	vand.u32 $0x3FFF, v34;
	[tilespmem:v38+s10+$0x0] =	vst.idx.add.s32.msk $0xffff, v4  }
.Ltmp3:
0x8a: {  	v30 =	vor.u32 v1, v29;
	v29 =	vxor.u32 $0xFFFFFFFF, v28;
	[tilespmem:v33+s10+$0x0] =	vst.idx.add.s32.msk $0xffff, v4;
	(pc) =	sbr.rel @p0 .LBB2_7-.Ltmp3, $4  }
0x8b: {  	s22 =	sadd.s32 $0x200, s17;
	v30 =	vand.u32 $0x3FFC, v30;
	v28 =	vshll.u32 v29, $0x6;
	v32 =	vxor.u32 $0xFFFFFFFF, v32;
	[tilespmem:v26+s10+$0x0] =	vst.idx.add.s32.msk $0xffff, v4  }
0x8c: {  	v33 =	vxor.u32 $0xFFFFFFFF, v39;
	v26 =	vor.u32 v5, v28;
	[tilespmem:v21+s9+$0x0] =	vst.idx.msk $0xffff, v32;
	v21 =	vshll.u32 v32, $0x6;
	v28 =	vld.idx.msk [tilespmem:v20+s8+$0x0], $0xffff  }
0x8d: {  	v34 =	vshll.u32 v33, $0x6;
	v32 =	vand.u32 $0x3FFD, v26;
	v26 =	vor.u32 v6, v21;
	[tilespmem:v25+s10+$0x0] =	vst.idx.add.s32.msk $0xffff, v4  }
0x8e: {  	s21 =	sadd.s32 $0x101, s19;
	v34 =	vor.u32 v1, v34;
	v25 =	vxor.u32 $0xFFFFFFFF, v36;
	v21 =	vor.u32 s22, v3;
	[tilespmem:v37+s9+$0x0] =	vst.idx.msk $0xffff, v33;
	v33 =	vld.idx.msk [tilespmem:v16+s8+$0x0], $0xffff  }
0x8f: {  	_ =	sdelay $0x3  }
0x90: {  	v35 =	vld.idx.msk [tilespmem:v24+s8+$0x0], $0xffff;
	_ =	sdelay $0x2  }
0x91: {  	[tilespmem:v31+s10+$0x0] =	vst.idx.add.s32.msk $0xffff, v4;
	v34 =	vand.u32 $0x3FFC, v34  }
0x92: {  	[tilespmem:v18+s9+$0x0] =	vst.idx.msk $0xffff, v27;
	v27 =	vor.u32 s21, v3  }
0x93: {  	[tilespmem:v19+s9+$0x0] =	vst.idx.msk $0xffff, v29;
	v60 =	vxor.u32 $0xFFFFFFFF, v35  }
0x94: {  	v26 =	vand.u32 $0x3FFE, v26;
	[tilespmem:v30+s10+$0x0] =	vst.idx.add.s32.msk $0xffff, v4;
	v18 =	vshll.u32 v60, $0x6  }
0x95: {  	[tilespmem:v32+s10+$0x0] =	vst.idx.add.s32.msk $0xffff, v4;
	v18 =	vor.u32 v1, v18  }
0x96: {  	v61 =	vshll.u32 v25, $0x6;
	s20 =	sadd.s32 $0x100, s19;
	[tilespmem:v34+s10+$0x0] =	vst.idx.add.s32.msk $0xffff, v4;
	v18 =	vand.u32 $0x3FFC, v18  }
0x97: {  	v19 =	vxor.u32 $0xFFFFFFFF, v23;
	[tilespmem:v17+s9+$0x0] =	vst.idx.msk $0xffff, v25;
	v36 =	vor.u32 s20, v3;
	v63 =	vxor.u32 $0xFFFFFFFF, v33;
	v40 =	vld.idx.msk [tilespmem:v27+s8+$0x0], $0xffff  }
0x98: {  	v30 =	vor.u32 v5, v61;
	v37 =	vshll.u32 v19, $0x6;
	v38 =	vld.idx.msk [tilespmem:v22+s8+$0x0], $0xffff;
	[tilespmem:v16+s9+$0x0] =	vst.idx.msk $0xffff, v63  }
0x99: {  	v39 =	vor.u32 v6, v37;
	v16 =	vand.u32 $0x3FFD, v30;
	[tilespmem:v26+s10+$0x0] =	vst.idx.add.s32.msk $0xffff, v4  }
0x9a: {  	v62 =	vld.idx.msk [tilespmem:v13+s8+$0x0], $0xffff;
	s21 =	sadd.s32 $0x201, s18;
	v30 =	vand.u32 $0x3FFE, v39;
	v23 =	vshll.u32 v63, $0x6;
	[tilespmem:v24+s9+$0x0] =	vst.idx.msk $0xffff, v60  }
0x9b: {  	v25 =	vor.u32 s21, v3;
	v24 =	vxor.u32 $0xFFFFFFFF, v28;
	v23 =	vor.u32 v7, v23;
	[tilespmem:v18+s10+$0x0] =	vst.idx.add.s32.msk $0xffff, v4  }
0x9c: {  	[tilespmem:v14+s9+$0x0] =	vst.idx.msk $0xffff, v19;
	v14 =	vand.u32 $0x3FFF, v23;
	v42 =	vxor.u32 $0xFFFFFFFF, v40;
	v18 =	vshll.u32 v24, $0x6;
	v19 =	vld.idx.msk [tilespmem:v36+s8+$0x0], $0xffff  }
0x9d: {  	v41 =	vld.idx.msk [tilespmem:v21+s8+$0x0], $0xffff;
	v17 =	vxor.u32 $0xFFFFFFFF, v38;
	[tilespmem:v20+s9+$0x0] =	vst.idx.msk $0xffff, v24;
	v26 =	vshll.u32 v42, $0x6;
	v18 =	vor.u32 v7, v18  }
0x9e: {  	[tilespmem:v16+s10+$0x0] =	vst.idx.add.s32.msk $0xffff, v4;
	v26 =	vor.u32 v5, v26;
	v16 =	vand.u32 $0x3FFF, v18;
	v18 =	vshll.u32 v17, $0x6  }
0x9f: {  	[tilespmem:v30+s10+$0x0] =	vst.idx.add.s32.msk $0xffff, v4;
	v24 =	vand.u32 $0x3FFD, v26;
	v18 =	vor.u32 v5, v18  }
0xa0: {  	s22 =	sadd.s32 $0x200, s18;
	[tilespmem:v22+s9+$0x0] =	vst.idx.msk $0xffff, v17;
	v20 =	vld.idx.msk [tilespmem:v15+s8+$0x0], $0xffff;
	v18 =	vand.u32 $0x3FFD, v18  }
0xa1: {  	[tilespmem:v14+s10+$0x0] =	vst.idx.add.s32.msk $0xffff, v4;
	v14 =	vor.u32 s22, v3;
	v19 =	vxor.u32 $0xFFFFFFFF, v19  }
0xa2: {  	s23 =	sadd.s32 $0x201, s19;
	v43 =	vld.idx.msk [tilespmem:v25+s8+$0x0], $0xffff;
	[tilespmem:v27+s9+$0x0] =	vst.idx.msk $0xffff, v42;
	v26 =	vshll.u32 v19, $0x6  }
0xa3: {  	v44 =	vxor.u32 $0xFFFFFFFF, v62;
	[tilespmem:v16+s10+$0x0] =	vst.idx.add.s32.msk $0xffff, v4;
	v16 =	vor.u32 s23, v3;
	v26 =	vor.u32 v5, v26  }
0xa4: {  	s24 =	sadd.s32 $0x200, s19;
	v45 =	vshll.u32 v44, $0x6;
	v23 =	vxor.u32 $0xFFFFFFFF, v41;
	[tilespmem:v24+s10+$0x0] =	vst.idx.add.s32.msk $0xffff, v4;
	v17 =	vand.u32 $0x3FFD, v26  }
0xa5: {  	v47 =	vor.u32 v6, v45;
	v27 =	vshll.u32 v23, $0x6;
	[tilespmem:v18+s10+$0x0] =	vst.idx.add.s32.msk $0xffff, v4;
	v18 =	vor.u32 s24, v3  }
0xa6: {  	s16 =	sadd.s32 $0x300, s16;
	v20 =	vxor.u32 $0xFFFFFFFF, v20;
	v24 =	vor.u32 v6, v27;
	v27 =	vand.u32 $0x3FFE, v47;
	v46 =	vld.idx.msk [tilespmem:v14+s8+$0x0], $0xffff  }
0xa7: {  	[tilespmem:v13+s9+$0x0] =	vst.idx.msk $0xffff, v44;
	v48 =	vshll.u32 v20, $0x6;
	v26 =	vor.u32 s16, v3  }
0xa8: {  	[tilespmem:v36+s9+$0x0] =	vst.idx.msk $0xffff, v19;
	v19 =	vand.u32 $0x3FFE, v24;
	v24 =	vor.u32 v7, v48;
	v49 =	vld.idx.msk [tilespmem:v16+s8+$0x0], $0xffff  }
0xa9: {  	s25 =	sadd.s32 $0x301, s17;
	v50 =	vxor.u32 $0xFFFFFFFF, v43;
	[tilespmem:v17+s10+$0x0] =	vst.idx.add.s32.msk $0xffff, v4;
	v17 =	vand.u32 $0x3FFF, v24  }
0xaa: {  	s26 =	sadd.s32 $0x300, s17;
	[tilespmem:v15+s9+$0x0] =	vst.idx.msk $0xffff, v20;
	v20 =	vshll.u32 v50, $0x6;
	v24 =	vor.u32 s25, v3;
	v51 =	vld.idx.msk [tilespmem:v18+s8+$0x0], $0xffff  }
0xab: {  	v53 =	vor.u32 s26, v3;
	v20 =	vor.u32 v6, v20;
	[tilespmem:v27+s10+$0x0] =	vst.idx.add.s32.msk $0xffff, v4;
	v15 =	vxor.u32 $0xFFFFFFFF, v46  }
0xac: {  	s28 =	sadd.s32 $0x301, s18;
	[tilespmem:v21+s9+$0x0] =	vst.idx.msk $0xffff, v23;
	v20 =	vand.u32 $0x3FFE, v20;
	v52 =	vld.idx.msk [tilespmem:v26+s8+$0x0], $0xffff;
	v13 =	vshll.u32 v15, $0x6  }
0xad: {  	v54 =	vor.u32 s28, v3;
	[tilespmem:v19+s10+$0x0] =	vst.idx.add.s32.msk $0xffff, v4;
	v13 =	vor.u32 v6, v13;
	v19 =	vxor.u32 $0xFFFFFFFF, v49  }
0xae: {  	s29 =	sadd.s32 $0x300, s18;
	v13 =	vand.u32 $0x3FFE, v13;
	v55 =	vshll.u32 v19, $0x6;
	[tilespmem:v17+s10+$0x0] =	vst.idx.add.s32.msk $0xffff, v4  }
0xaf: {  	[tilespmem:v14+s9+$0x0] =	vst.idx.msk $0xffff, v15;
	v15 =	vor.u32 s29, v3;
	v14 =	vld.idx.msk [tilespmem:v24+s8+$0x0], $0xffff;
	v23 =	vor.u32 v6, v55;
	v17 =	vxor.u32 $0xFFFFFFFF, v51  }
0xb0: {  	s30 =	sadd.s32 $0x301, s19;
	[tilespmem:v25+s9+$0x0] =	vst.idx.msk $0xffff, v50;
	v56 =	vld.idx.msk [tilespmem:v53+s8+$0x0], $0xffff;
	v23 =	vand.u32 $0x3FFE, v23;
	v27 =	vshll.u32 v17, $0x6  }
0xb1: {  	[tilespmem:v20+s10+$0x0] =	vst.idx.add.s32.msk $0xffff, v4;
	v25 =	vxor.u32 $0xFFFFFFFF, v52;
	v57 =	vor.u32 v6, v27;
	v27 =	vor.u32 s30, v3  }
0xb2: {  	s31 =	sadd.s32 $0x300, s19;
	v58 =	vshll.u32 v25, $0x6;
	[tilespmem:v18+s9+$0x0] =	vst.idx.msk $0xffff, v17;
	v17 =	vld.idx.msk [tilespmem:v54+s8+$0x0], $0xffff;
	v20 =	vand.u32 $0x3FFE, v57  }
0xb3: {  	v18 =	vor.u32 s31, v3;
	[tilespmem:v13+s10+$0x0] =	vst.idx.add.s32.msk $0xffff, v4;
	v13 =	vor.u32 v7, v58  }
0xb4: {  	[tilespmem:v16+s9+$0x0] =	vst.idx.msk $0xffff, v19;
	v13 =	vand.u32 $0x3FFF, v13;
	v14 =	vxor.u32 $0xFFFFFFFF, v14;
	v59 =	vld.idx.msk [tilespmem:v15+s8+$0x0], $0xffff  }
0xb5: {  	v16 =	vxor.u32 $0xFFFFFFFF, v56;
	v19 =	vshll.u32 v14, $0x6;
	[tilespmem:v23+s10+$0x0] =	vst.idx.add.s32.msk $0xffff, v4  }
0xb6: {  	v60 =	vshll.u32 v16, $0x6;
	v19 =	vor.u32 v7, v19;
	v61 =	vld.idx.msk [tilespmem:v27+s8+$0x0], $0xffff  }
0xb7: {  	v19 =	vand.u32 $0x3FFF, v19;
	[tilespmem:v20+s10+$0x0] =	vst.idx.add.s32.msk $0xffff, v4;
	v20 =	vor.u32 v7, v60  }
0xb8: {  	[tilespmem:v26+s9+$0x0] =	vst.idx.msk $0xffff, v25;
	v17 =	vxor.u32 $0xFFFFFFFF, v17;
	v20 =	vand.u32 $0x3FFF, v20;
	v25 =	vld.idx.msk [tilespmem:v18+s8+$0x0], $0xffff  }
0xb9: {  	v62 =	vshll.u32 v17, $0x6;
	[tilespmem:v13+s10+$0x0] =	vst.idx.add.s32.msk $0xffff, v4;
	v13 =	vxor.u32 $0xFFFFFFFF, v59  }
0xba: {  	[tilespmem:v53+s9+$0x0] =	vst.idx.msk $0xffff, v16;
	v21 =	vor.u32 v7, v62;
	v16 =	vshll.u32 v13, $0x6  }
0xbb: {  	[tilespmem:v24+s9+$0x0] =	vst.idx.msk $0xffff, v14;
	v14 =	vor.u32 v7, v16;
	v16 =	vand.u32 $0x3FFF, v21  }
0xbc: {  	[tilespmem:v19+s10+$0x0] =	vst.idx.add.s32.msk $0xffff, v4;
	v19 =	vxor.u32 $0xFFFFFFFF, v61  }
0xbd: {  	v63 =	vshll.u32 v19, $0x6;
	[tilespmem:v20+s10+$0x0] =	vst.idx.add.s32.msk $0xffff, v4;
	v20 =	vxor.u32 $0xFFFFFFFF, v25  }
0xbe: {  	[tilespmem:v15+s9+$0x0] =	vst.idx.msk $0xffff, v13;
	v14 =	vand.u32 $0x3FFF, v14;
	v15 =	vor.u32 v7, v63;
	v13 =	vshll.u32 v20, $0x6  }
0xbf: {  	[tilespmem:v54+s9+$0x0] =	vst.idx.msk $0xffff, v17;
	v15 =	vand.u32 $0x3FFF, v15;
	v13 =	vor.u32 v7, v13  }
0xc0: {  	[tilespmem:v16+s10+$0x0] =	vst.idx.add.s32.msk $0xffff, v4;
	v16 =	vand.u32 $0x3FFF, v13  }
0xc1: {  	[tilespmem:v27+s9+$0x0] =	vst.idx.msk $0xffff, v19;
	v13 =	vor.u32 s15, v10  }
0xc2: {  	v32 =	vor.u32 s15, v8;
	[tilespmem:v18+s9+$0x0] =	vst.idx.msk $0xffff, v20  }
0xc3: {  	v45 =	vor.u32 s15, v9;
	[tilespmem:v14+s10+$0x0] =	vst.idx.add.s32.msk $0xffff, v4  }
0xc4: {  	v14 =	vor.u32 s15, v1;
	[tilespmem:v15+s10+$0x0] =	vst.idx.add.s32.msk $0xffff, v4  }
0xc5: {  	v39 =	vor.u32 s15, v6;
	[tilespmem:v16+s10+$0x0] =	vst.idx.add.s32.msk $0xffff, v4  }
0xc6: {  	v35 =	vor.u32 s15, v7;
	v18 =	vld.idx.msk [tilespmem:v13+s10+$0x0], $0xffff  }
0xc7: {  	v17 =	vor.u32 s15, v11;
	v26 =	vld.idx.msk [tilespmem:v32+s10+$0x0], $0xffff  }
0xc8: {  	p2 =	por $0x1, $0x1;
	v15 =	vor.u32 s15, v5;
	v42 =	vld.idx.msk [tilespmem:v45+s10+$0x0], $0xffff  }
.Ltmp4:
0xc9: {  	v16 =	vld.idx.msk [tilespmem:v14+s10+$0x0], $0xffff;
	(pc) =	sbr.rel @!p2 .LBB2_9-.Ltmp4, $4  }
0xca: {  	v48 =	vld.idx.msk [tilespmem:v39+s10+$0x0], $0xffff  }
0xcb: {  	v38 =	vld.idx.msk [tilespmem:v35+s10+$0x0], $0xffff  }
0xcc: {  	v34 =	vld.idx.msk [tilespmem:v17+s10+$0x0], $0xffff  }
0xcd: {  	p1 =	por $0x0, $0x0;
	p0 =	por $0x0, $0x0;
	s16 =	simm.s32 $0x80;
	v43 =	vld.idx.msk [tilespmem:v15+s10+$0x0], $0xffff  }
0xce: {  	_ =	sdelay $0x3  }
0xcf: {  	v33 =	vor.u32 s16, v10;
	v19 =	vadd.s32 v16, v43  }
0xd0: {  	v24 =	vor.u32 s16, v8;
	v19 =	vadd.s32 v48, v19  }
0xd1: {  	v20 =	vadd.s32 v26, v42;
	v25 =	vor.u32 s16, v9;
	v19 =	vadd.s32 v38, v19  }
0xd2: {  	v37 =	vor.u32 s16, v5;
	v20 =	vadd.s32 v18, v20;
	(xrf0) =	vadd.scan.msk.s32 $0xffff, v19  }
0xd3: {  	v36 =	vor.u32 s16, v1;
	v20 =	vadd.s32 v34, v20  }
0xd4: {  	v29 =	vor.u32 s16, v6;
	v31 =	vld.idx.msk [tilespmem:v33+s10+$0x0], $0xffff;
	(xrf0) =	vadd.scan.msk.s32 $0xffff, v20  }
0xd5: {  	v27 =	vor.u32 s16, v11;
	v40 =	vld.idx.msk [tilespmem:v24+s10+$0x0], $0xffff  }
0xd6: {  	v28 =	vor.u32 s16, v7;
	p2 =	por $0x1, $0x1;
	v30 =	vld.idx.msk [tilespmem:v25+s10+$0x0], $0xffff  }
.Ltmp5:
0xd7: {  	v55 =	vld.idx.msk [tilespmem:v37+s10+$0x0], $0xffff;
	(pc) =	sbr.rel @!p2 .LBB2_11-.Ltmp5, $4  }
0xd8: {  	v54 =	vld.idx.msk [tilespmem:v36+s10+$0x0], $0xffff;
	v21, _, _ =	vpop (xrf0)  }
0xd9: {  	v46 =	vld.idx.msk [tilespmem:v29+s10+$0x0], $0xffff;
	v19 =	vsub.s32 v21, v19  }
0xda: {  	v34 =	vld.idx.msk [tilespmem:v27+s10+$0x0], $0xffff;
	(v2sf) =	vpush v21, $0xF;
	v63, _, _ =	vpop (xrf0);
	v47 =	vadd.s32 s15, v19  }
0xdb: {  	s16 =	simm.s32 $0x100;
	p1 =	por $0x1, $0x1;
	v38 =	vld.idx.msk [tilespmem:v28+s10+$0x0], $0xffff;
	v57 =	vsub.s32 v63, v20;
	(v2sf) =	vpush v63, $0xF;
	v44 =	vadd.s32 v16, v47  }
0xdc: {  	_ =	sdelay $0x3  }
0xdd: {  	v51 =	vor.u32 s16, v10;
	v16 =	vadd.s32 v54, v55  }
0xde: {  	v19 =	vadd.s32 v40, v30;
	v41 =	vor.u32 s16, v8;
	v16 =	vadd.s32 v46, v16  }
0xdf: {  	[tilespmem:v14+s10+$0x0] =	vst.idx.msk $0xffff, v47;
	v14 =	vor.u32 s16, v1;
	v23 =	vadd.s32 v38, v16;
	v16 =	vadd.s32 v31, v19  }
0xe0: {  	v50 =	vor.u32 s16, v7;
	v34 =	vadd.s32 v34, v16;
	(xrf0) =	vadd.scan.msk.s32 $0xffff, v23  }
0xe1: {  	[tilespmem:v15+s10+$0x0] =	vst.idx.msk $0xffff, v44;
	v15 =	vor.u32 s16, v5;
	(xrf0) =	vadd.scan.msk.s32 $0xffff, v34  }
0xe2: {  	v19 =	vor.u32 s16, v9;
	v20 =	vld.idx.msk [tilespmem:v51+s10+$0x0], $0xffff  }
0xe3: {  	v52 =	vor.u32 s16, v6;
	v56 =	vld.idx.msk [tilespmem:v41+s10+$0x0], $0xffff  }
0xe4: {  	v16 =	vld.idx.msk [tilespmem:v14+s10+$0x0], $0xffff  }
0xe5: {  	v49 =	vor.u32 s16, v11;
	v22 =	vadd.s32 v43, v44;
	p3 =	por $0x1, $0x1;
	v38 =	vld.idx.msk [tilespmem:v50+s10+$0x0], $0xffff  }
.Ltmp6:
0xe6: {  	v43 =	vadd.s32 v48, v22;
	[tilespmem:v39+s10+$0x0] =	vst.idx.msk $0xffff, v22;
	v22 =	vld.idx.msk [tilespmem:v15+s10+$0x0], $0xffff;
	v60, _, _ =	vpop (xrf0);
	s31 =	spop (v2sf);
	(pc) =	sbr.rel @!p3 .LBB2_13-.Ltmp6, $4  }
0xe7: {  	v21 =	vld.idx.msk [tilespmem:v19+s10+$0x0], $0xffff;
	v62, _, _ =	vpop (xrf0);
	(v2sf) =	vpush v60, $0xF;
	s16 =	sadd.s32 $0x0, s31;
	s17 =	spop (v2sf)  }
0xe8: {  	[tilespmem:v35+s10+$0x0] =	vst.idx.msk $0xffff, v43;
	v61 =	vsub.s32 v60, v23;
	v23 =	vld.idx.msk [tilespmem:v52+s10+$0x0], $0xffff;
	(v2sf) =	vpush v62, $0xF;
	v63 =	vadd.s32 s16, v57;
	s16 =	sadd.s32 s16, s17  }
0xe9: {  	v53 =	vsub.s32 v62, v34;
	v47 =	vadd.s32 s16, v61;
	[tilespmem:v32+s10+$0x0] =	vst.idx.msk $0xffff, v63;
	v26 =	vadd.s32 v26, v63  }
0xea: {  	s18 =	simm.s32 $0x180;
	p2 =	por $0x1, $0x1;
	v34 =	vld.idx.msk [tilespmem:v49+s10+$0x0], $0xffff;
	s17 =	simm.s32 $0x4;
	v44 =	vadd.s32 v54, v47;
	[tilespmem:v45+s10+$0x0] =	vst.idx.msk $0xffff, v26;
	v54 =	vadd.s32 v42, v26  }
.LBB2_14:
0xeb: {  	v26 =	vadd.s32 v16, v22;
	v32 =	vadd.s32 v55, v44;
	[tilespmem:v13+s10+$0x0] =	vst.idx.msk $0xffff, v54;
	v13 =	vmov v33  }
0xec: {  	s17 =	sadd.s32 $0x2, s17;
	v33 =	vmovc v51;
	v51 =	vor.u32 s18, v10;
	v35 =	vmovc v19;
	v39 =	vmov v40;
	v40 =	vmov v56  }
0xed: {  	v42 =	vor.u32 s18, v8;
	p3 =	slt.u32 s17, $0xFE;
	v26 =	vadd.s32 v23, v26;
	v43 =	vadd.s32 v40, v21;
	[tilespmem:v36+s10+$0x0] =	vst.idx.msk $0xffff, v47  }
0xee: {  	v19 =	vor.u32 s18, v9;
	v26 =	vadd.s32 v38, v26;
	v38 =	vadd.s32 v20, v43;
	[tilespmem:v37+s10+$0x0] =	vst.idx.msk $0xffff, v44  }
0xef: {  	v36 =	vmovc v14;
	v14 =	vor.u32 s18, v1;
	v43 =	vadd.s32 v18, v54;
	v34 =	vadd.s32 v34, v38;
	(xrf0) =	vadd.scan.msk.s32 $0xffff, v26  }
0xf0: {  	v37 =	vmovc v15;
	v15 =	vor.u32 s18, v5;
	v38 =	vadd.s32 v46, v32;
	(xrf0) =	vadd.scan.msk.s32 $0xffff, v34;
	[tilespmem:v17+s10+$0x0] =	vst.idx.msk $0xffff, v43  }
0xf1: {  	v18 =	vmovc v31;
	v31 =	vmov v20;
	[tilespmem:v29+s10+$0x0] =	vst.idx.msk $0xffff, v32;
	v29 =	vmov v52;
	v52 =	vor.u32 s18, v6;
	v20 =	vld.idx.msk [tilespmem:v51+s10+$0x0], $0xffff  }
0xf2: {  	v32 =	vmovc v30;
	v30 =	vmov v21;
	v56 =	vld.idx.msk [tilespmem:v42+s10+$0x0], $0xffff;
	[tilespmem:v28+s10+$0x0] =	vst.idx.msk $0xffff, v38;
	v28 =	vmov v50;
	v50 =	vor.u32 s18, v7  }
0xf3: {  	v55 =	vmovc v22;
	v17 =	vmovc v27;
	v27 =	vmov v49;
	v49 =	vor.u32 s18, v11;
	v43 =	vmov v16;
	v21 =	vld.idx.msk [tilespmem:v19+s10+$0x0], $0xffff  }
0xf4: {  	v46 =	vmov v23;
	v16 =	vld.idx.msk [tilespmem:v14+s10+$0x0], $0xffff  }
0xf5: {  	v22 =	vld.idx.msk [tilespmem:v15+s10+$0x0], $0xffff;
	v38, _, _ =	vpop (xrf0)  }
.Ltmp7:
0xf6: {  	v23 =	vld.idx.msk [tilespmem:v52+s10+$0x0], $0xffff;
	v26 =	vsub.s32 v38, v26;
	(v2sf) =	vpush v38, $0xF;
	v44, _, _ =	vpop (xrf0);
	s19 =	spop (v2sf);
	(pc) =	sbr.rel @p3 .LBB2_14-.Ltmp7, $4  }
0xf7: {  	v38 =	vld.idx.msk [tilespmem:v50+s10+$0x0], $0xffff;
	v45 =	vsub.s32 v44, v34;
	(v2sf) =	vpush v44, $0xF;
	s16 =	sadd.s32 s16, s19;
	s19 =	spop (v2sf)  }
0xf8: {  	v34 =	vld.idx.msk [tilespmem:v49+s10+$0x0], $0xffff;
	v44 =	vadd.s32 s16, v53;
	s16 =	sadd.s32 s16, s19;
	v53 =	vmov v45  }
0xf9: {  	v47 =	vadd.s32 s16, v26;
	[tilespmem:v24+s10+$0x0] =	vst.idx.msk $0xffff, v44;
	v26 =	vadd.s32 v39, v44;
	v24 =	vmovc v41;
	v41 =	vmov v42  }
0xfa: {  	s18 =	sadd.s32 $0x80, s18;
	v44 =	vadd.s32 v43, v47;
	[tilespmem:v25+s10+$0x0] =	vst.idx.msk $0xffff, v26;
	v54 =	vadd.s32 v32, v26;
	v25 =	vmov v35  }
0xfb: {  	v59 =	vmov v13;
	v60 =	vmov v18;
	v63 =	vmov v17  }
0xfc: {  	v43 =	vmovc v55;
	v58 =	vmovc v33;
	v13 =	vmov v51;
	v51 =	vmov v40;
	v26 =	vmov v56  }
0xfd: {  	v56 =	vmovc v36;
	v61 =	vmovc v37;
	v48 =	vmov v46;
	v62 =	vmov v29;
	v39 =	vmov v52  }
0xfe: {  	v18 =	vmovc v31;
	v52 =	vmovc v28;
	v35 =	vmov v50;
	v42 =	vmov v30;
	v50 =	vmov v27  }
0xff: {  	v17 =	vmovc v49;
	v57 =	vmovc v53;
	v49 =	vmov v24;
	v32 =	vmov v41;
	v45 =	vmov v25  }
.LBB2_16:
0x100: {  	v24 =	vadd.s32 v16, v22  }
0x101: {  	v24 =	vadd.s32 v23, v24  }
0x102: {  	v24 =	vadd.s32 v38, v24  }
0x103: {  	(xrf0) =	vadd.scan.msk.s32 $0xffff, v24;
	_ =	sdelay $0x5  }
0x104: {  	v25, _, _ =	vpop (xrf0)  }
0x105: {  	v27 =	vadd.s32 v26, v21;
	(v2sf) =	vpush v25, $0xF  }
0x106: {  	v27 =	vadd.s32 v20, v27  }
0x107: {  	v27 =	vadd.s32 v34, v27  }
0x108: {  	(xrf0) =	vadd.scan.msk.s32 $0xffff, v27  }
0x109: {  	[tilespmem:v59+s10+$0x0] =	vst.idx.msk @p2 $0xffff, v54  }
0x10a: {  	[tilespmem:v56+s10+$0x0] =	vst.idx.msk @p1 $0xffff, v47;
	v29 =	vadd.s32 @p2 v60, v54;
	v30 =	vadd.s32 @p1 v43, v44  }
0x10b: {  	v28 =	vmov @p1 v58;
	[tilespmem:v61+s10+$0x0] =	vst.idx.msk @p1 $0xffff, v44;
	v31 =	vadd.s32 @p1 v48, v30;
	s17 =	spop @p1 (v2sf)  }
0x10c: {  	[tilespmem:v63+s10+$0x0] =	vst.idx.msk @p2 $0xffff, v29;
	v28 =	vpsel p1, v28, v0;
	s16 =	sadd.s32 @p1 s16, s17  }
0x10d: {  	[tilespmem:v62+s10+$0x0] =	vst.idx.msk @p1 $0xffff, v30;
	v29 =	vmov @p1 v51;
	v30 =	vadd.s32 @p1 s16, v57  }
0x10e: {  	v33 =	vmov @p1 v50;
	[tilespmem:v52+s10+$0x0] =	vst.idx.msk @p1 $0xffff, v31;
	v31 =	vmov @p1 v42;
	s17 =	spop @p1 (v2sf);
	v29 =	vadd.s32 @p1 v29, v30;
	v63, _, _ =	vpop (xrf0)  }
0x10f: {  	s16 =	sadd.s32 @p1 s16, s17;
	[tilespmem:v49+s10+$0x0] =	vst.idx.msk @p1 $0xffff, v30;
	v30 =	vadd.s32 @p1 v31, v29;
	v31 =	vpsel p1, v33, v0;
	(v2sf) =	vpush v63, $0xF  }
0x110: {  	s15 =	smov.u32 @p1 s16;
	[tilespmem:v45+s10+$0x0] =	vst.idx.msk @p1 $0xffff, v29;
	v24 =	vsub.s32 v25, v24;
	v25 =	vpsel p1, v30, v0  }
0x111: {  	v24 =	vadd.s32 s15, v24;
	[tilespmem:v28+s10+$0x0] =	vst.idx.msk @p1 $0xffff, v25  }
0x112: {  	v18 =	vpsel p1, v18, v0;
	v16 =	vadd.s32 v16, v24;
	[tilespmem:v14+s10+$0x0] =	vst.idx.msk $0xffff, v24  }
0x113: {  	v14 =	vadd.s32 @p1 v18, v25;
	[tilespmem:v15+s10+$0x0] =	vst.idx.msk $0xffff, v16  }
0x114: {  	v15 =	vadd.s32 v22, v16;
	[tilespmem:v31+s10+$0x0] =	vst.idx.msk @p1 $0xffff, v14;
	s25 =	spop (v2sf)  }
0x115: {  	s26 =	simm.s32 $0x0;
	v16 =	vadd.s32 v23, v15;
	[tilespmem:v39+s10+$0x0] =	vst.idx.msk $0xffff, v15;
	v14 =	vsub.s32 v63, v27;
	s15 =	sadd.s32 s15, s25  }
0x116: {  	v15 =	vor.u32 s26, v3;
	[tilespmem:v35+s10+$0x0] =	vst.idx.msk $0xffff, v16;
	v14 =	vadd.s32 s15, v14  }
0x117: {  	s28 =	simm.s32 $0x100;
	[tilespmem:v32+s10+$0x0] =	vst.idx.msk $0xffff, v14;
	v14 =	vadd.s32 v26, v14  }
0x118: {  	v16 =	vor.u32 s28, v3;
	[tilespmem:v19+s10+$0x0] =	vst.idx.msk $0xffff, v14;
	v14 =	vadd.s32 v21, v14  }
0x119: {  	p1 =	por $0x1, $0x1;
	[tilespmem:v13+s10+$0x0] =	vst.idx.msk $0xffff, v14;
	v13 =	vadd.s32 v20, v14  }
.Ltmp8:
0x11a: {  	[tilespmem:v17+s10+$0x0] =	vst.idx.msk $0xffff, v13;
	(pc) =	sbr.rel @!p1 .LBB2_17-.Ltmp8, $4  }
0x11b: {  	v14 =	vld.idx.msk [tilespmem:v15+s9+$0x0], $0xffff  }
0x11c: {  	v15 =	vld.idx.msk [tilespmem:v15+s11+$0x0], $0xffff  }
0x11d: {  	s29 =	simm.s32 $0x200;
	s30 =	simm.s32 $0x300;
	v13 =	vld.idx.msk [tilespmem:v16+s9+$0x0], $0xffff  }
0x11e: {  	s15 =	simm.s32 $0x1;
	v21 =	vor.u32 s29, v3;
	v20 =	vor.u32 s30, v3;
	s31 =	spop (v2sf);
	v16 =	vld.idx.msk [tilespmem:v16+s11+$0x0], $0xffff  }
0x11f: {  	_ =	sdelay $0x3  }
0x120: {  	v23 =	vld.idx.msk [tilespmem:v21+s9+$0x0], $0xffff;
	v17 =	vshll.u32 v14, $0x6  }
0x121: {  	v17 =	vor.u32 v1, v17  }
0x122: {  	v24 =	vand.u32 $0x3FFC, v17  }
0x123: {  	v18 =	vshll.u32 v13, $0x6  }
0x124: {  	v18 =	vor.u32 v5, v18  }
0x125: {  	v25 =	vand.u32 $0x3FFD, v18;
	v18 =	vshll.u32 v23, $0x6  }
0x126: {  	v17 =	vld.idx.msk [tilespmem:v20+s9+$0x0], $0xffff;
	v18 =	vor.u32 v6, v18  }
0x127: {  	v26 =	vand.u32 $0x3FFE, v18;
	v22 =	vld.idx.msk [tilespmem:v24+s10+$0x0], $0xffff;
	_ =	sdelay $0x2  }
0x128: {  	v27 =	vld.idx.msk [tilespmem:v25+s10+$0x0], $0xffff  }
0x129: {  	v18 =	vshll.u32 v17, $0x6  }
0x12a: {  	v18 =	vor.u32 v7, v18;
	v29 =	vld.idx.msk [tilespmem:v26+s10+$0x0], $0xffff  }
0x12b: {  	v19 =	vand.u32 $0x3FFF, v18;
	_ =	sdelay $0x1  }
0x12c: {  	v28 =	vor.u32 s15, v3;
	v21 =	vld.idx.msk [tilespmem:v21+s11+$0x0], $0xffff;
	[tilespmem:v22+s12+$0x0] =	vst.idx.msk $0xffff, v14  }
0x12d: {  	v18 =	vld.idx.msk [tilespmem:v20+s11+$0x0], $0xffff;
	[tilespmem:v22+s13+$0x0] =	vst.idx.msk $0xffff, v15  }
0x12e: {  	s30 =	simm.s32 $0x101;
	[tilespmem:v24+s10+$0x0] =	vst.idx.add.s32.msk $0xffff, v4  }
0x12f: {  	v20 =	vor.u32 s30, v3;
	v22 =	vld.idx.msk [tilespmem:v19+s10+$0x0], $0xffff;
	[tilespmem:v27+s12+$0x0] =	vst.idx.msk $0xffff, v13  }
0x130: {  	[tilespmem:v27+s13+$0x0] =	vst.idx.msk $0xffff, v16  }
0x131: {  	p1 =	por $0x1, $0x1;
	s31 =	simm.s32 $0x201;
	v14 =	vld.idx.msk [tilespmem:v28+s9+$0x0], $0xffff;
	[tilespmem:v29+s12+$0x0] =	vst.idx.msk $0xffff, v23  }
.Ltmp9:
0x132: {  	v15 =	vld.idx.msk [tilespmem:v28+s11+$0x0], $0xffff;
	[tilespmem:v29+s13+$0x0] =	vst.idx.msk $0xffff, v21;
	v21 =	vor.u32 s31, v3;
	(pc) =	sbr.rel @!p1 .LBB2_20-.Ltmp9, $4  }
0x133: {  	[tilespmem:v25+s10+$0x0] =	vst.idx.add.s32.msk $0xffff, v4  }
0x134: {  	s16 =	simm.s32 $0x301;
	v13 =	vld.idx.msk [tilespmem:v20+s9+$0x0], $0xffff  }
0x135: {  	v16 =	vld.idx.msk [tilespmem:v20+s11+$0x0], $0xffff;
	v20 =	vor.u32 s16, v3  }
0x136: {  	s15 =	simm.s32 $0x2;
	p0 =	por $0x1, $0x1;
	[tilespmem:v26+s10+$0x0] =	vst.idx.add.s32.msk $0xffff, v4  }
.LBB2_19:
0x137: {  	p1 =	sne.s32 s15, $0xFF;
	v23 =	vshll.u32 v14, $0x6;
	v24 =	vld.idx.msk [tilespmem:v21+s9+$0x0], $0xffff;
	[tilespmem:v22+s12+$0x0] =	vst.idx.msk $0xffff, v17  }
0x138: {  	v17 =	vor.u32 v1, v23;
	v23 =	vld.idx.msk [tilespmem:v21+s11+$0x0], $0xffff;
	[tilespmem:v22+s13+$0x0] =	vst.idx.msk $0xffff, v18  }
0x139: {  	v21 =	vand.u32 $0x3FFC, v17;
	[tilespmem:v19+s10+$0x0] =	vst.idx.add.s32.msk $0xffff, v4  }
0x13a: {  	v18 =	vshll.u32 v13, $0x6;
	v17 =	vld.idx.msk [tilespmem:v20+s9+$0x0], $0xffff  }
0x13b: {  	v19 =	vor.u32 v5, v18;
	v18 =	vld.idx.msk [tilespmem:v20+s11+$0x0], $0xffff  }
0x13c: {  	v20 =	vand.u32 $0x3FFD, v19  }
0x13d: {  	v19 =	vshll.u32 v24, $0x6  }
0x13e: {  	v19 =	vor.u32 v6, v19;
	v22 =	vld.idx.msk [tilespmem:v21+s10+$0x0], $0xffff  }
0x13f: {  	v25 =	vand.u32 $0x3FFE, v19  }
0x140: {  	v19 =	vshll.u32 v17, $0x6  }
0x141: {  	v19 =	vor.u32 v7, v19;
	v26 =	vld.idx.msk [tilespmem:v20+s10+$0x0], $0xffff  }
0x142: {  	v19 =	vand.u32 $0x3FFF, v19;
	_ =	sdelay $0x1  }
0x143: {  	v27 =	vor.u32 s15, v3;
	v28 =	vld.idx.msk [tilespmem:v25+s10+$0x0], $0xffff;
	_ =	sdelay $0x1  }
0x144: {  	s16 =	sadd.s32 $0x100, s15;
	[tilespmem:v22+s12+$0x0] =	vst.idx.msk $0xffff, v14  }
0x145: {  	v29 =	vor.u32 s16, v3;
	[tilespmem:v22+s13+$0x0] =	vst.idx.msk $0xffff, v15;
	v22 =	vld.idx.msk [tilespmem:v19+s10+$0x0], $0xffff  }
0x146: {  	[tilespmem:v21+s10+$0x0] =	vst.idx.add.s32.msk $0xffff, v4  }
0x147: {  	s16 =	sadd.s32 $0x200, s15;
	v14 =	vld.idx.msk [tilespmem:v27+s9+$0x0], $0xffff;
	[tilespmem:v26+s12+$0x0] =	vst.idx.msk $0xffff, v13  }
.Ltmp10:
0x148: {  	v21 =	vor.u32 s16, v3;
	v15 =	vld.idx.msk [tilespmem:v27+s11+$0x0], $0xffff;
	[tilespmem:v26+s13+$0x0] =	vst.idx.msk $0xffff, v16;
	(pc) =	sbr.rel @p1 .LBB2_19-.Ltmp10, $4  }
0x149: {  	[tilespmem:v20+s10+$0x0] =	vst.idx.add.s32.msk $0xffff, v4  }
0x14a: {  	s16 =	sadd.s32 $0x300, s15;
	v13 =	vld.idx.msk [tilespmem:v29+s9+$0x0], $0xffff;
	[tilespmem:v28+s12+$0x0] =	vst.idx.msk $0xffff, v24  }
0x14b: {  	v20 =	vor.u32 s16, v3;
	v16 =	vld.idx.msk [tilespmem:v29+s11+$0x0], $0xffff;
	[tilespmem:v28+s13+$0x0] =	vst.idx.msk $0xffff, v23  }
0x14c: {  	s15 =	sadd.s32 $0x1, s15;
	[tilespmem:v25+s10+$0x0] =	vst.idx.add.s32.msk $0xffff, v4  }
.LBB2_20:
0x14d: {  	_ =	sdelay $0x2  }
0x14e: {  	v23 =	vshll.u32 v14, $0x6  }
0x14f: {  	v24 =	vld.idx.msk [tilespmem:v21+s9+$0x0], $0xffff;
	[tilespmem:v22+s12+$0x0] =	vst.idx.msk @p0 $0xffff, v17;
	v59 =	vor.u32 v1, v23  }
0x150: {  	[tilespmem:v22+s13+$0x0] =	vst.idx.msk @p0 $0xffff, v18;
	v17 =	vand.u32 $0x3FFC, v59  }
0x151: {  	[tilespmem:v19+s10+$0x0] =	vst.idx.add.s32.msk @p0 $0xffff, v4;
	v60 =	vshll.u32 v13, $0x6  }
0x152: {  	v19 =	vld.idx.msk [tilespmem:v20+s9+$0x0], $0xffff;
	v18 =	vor.u32 v5, v60  }
0x153: {  	v18 =	vand.u32 $0x3FFD, v18  }
0x154: {  	v61 =	vshll.u32 v24, $0x6  }
0x155: {  	v22 =	vor.u32 v6, v61;
	v62 =	vld.idx.msk [tilespmem:v17+s10+$0x0], $0xffff  }
0x156: {  	v22 =	vand.u32 $0x3FFE, v22  }
0x157: {  	v25 =	vshll.u32 v19, $0x6  }
0x158: {  	v26 =	vld.idx.msk [tilespmem:v18+s10+$0x0], $0xffff;
	v25 =	vor.u32 v7, v25  }
0x159: {  	v25 =	vand.u32 $0x3FFF, v25;
	_ =	sdelay $0x1  }
0x15a: {  	v27 =	vld.idx.msk [tilespmem:v22+s10+$0x0], $0xffff;
	_ =	sdelay $0x1  }
0x15b: {  	v63 =	vld.idx.msk [tilespmem:v21+s11+$0x0], $0xffff;
	[tilespmem:v62+s12+$0x0] =	vst.idx.msk $0xffff, v14  }
0x15c: {  	v14 =	vld.idx.msk [tilespmem:v25+s10+$0x0], $0xffff;
	[tilespmem:v62+s13+$0x0] =	vst.idx.msk $0xffff, v15  }
0x15d: {  	[tilespmem:v17+s10+$0x0] =	vst.idx.add.s32.msk $0xffff, v4  }
0x15e: {  	[tilespmem:v26+s12+$0x0] =	vst.idx.msk $0xffff, v13  }
0x15f: {  	v13 =	vld.idx.msk [tilespmem:v20+s11+$0x0], $0xffff;
	[tilespmem:v26+s13+$0x0] =	vst.idx.msk $0xffff, v16  }
0x160: {  	[tilespmem:v18+s10+$0x0] =	vst.idx.add.s32.msk $0xffff, v4  }
0x161: {  	[tilespmem:v27+s12+$0x0] =	vst.idx.msk $0xffff, v24  }
0x162: {  	[tilespmem:v27+s13+$0x0] =	vst.idx.msk $0xffff, v63  }
0x163: {  	[tilespmem:v22+s10+$0x0] =	vst.idx.add.s32.msk $0xffff, v4  }
0x164: {  	[tilespmem:v14+s12+$0x0] =	vst.idx.msk $0xffff, v19  }
0x165: {  	[tilespmem:v14+s13+$0x0] =	vst.idx.msk $0xffff, v13  }
0x166: {  	s16 =	simm.s32 $0x18020;
	[tilespmem:v25+s10+$0x0] =	vst.idx.add.s32.msk $0xffff, v4  }
0x167: {  	[tilespmem:s16+$0xFFFFFFE0] =	vst v2  }
0x168: {  	[tilespmem:s16+$0x10] =	vst v2  }
0x169: {  	s15 =	simm.s32 $0x0;
	[tilespmem:s16+$0x0] =	vst v2  }
.LBB2_21:
0x16a: {  	s15 =	sadd.s32 $0x4, s15  }
0x16b: {  	[tilespmem:s16+$0xFFFFFFF0] =	vst v2;
	s16 =	sadd.s32 $0x40, s16;
	p0 =	slt.u32 s15, $0x3FC  }
.Ltmp11:
0x16c: {  	[tilespmem:s16+$0xFFFFFFE0] =	vst v2;
	(pc) =	sbr.rel @p0 .LBB2_21-.Ltmp11, $3  }
0x16d: {  	_ =	sdelay $0x1  }
0x16e: {  	[tilespmem:s16+$0x10] =	vst v2  }
0x16f: {  	[tilespmem:s16+$0x0] =	vst v2  }
0x170: {  	s15 =	simm.s32 $0x0  }
0x171: {  	v13 =	vor.u32 s15, v3  }
0x172: {  	[tilespmem:s16+$0xFFFFFFF0] =	vst v2;
	s16 =	simm.s32 $0x2  }
0x173: {  	v15 =	vor.u32 s16, v3  }
0x174: {  	s17 =	simm.s32 $0x1  }
0x175: {  	v14 =	vor.u32 s17, v3  }
0x176: {  	v13 =	vld.idx.msk [tilespmem:v13+s12+$0x0], $0xffff;
	_ =	sdelay $0x1  }
0x177: {  	v15 =	vld.idx.msk [tilespmem:v15+s12+$0x0], $0xffff  }
0x178: {  	s29 =	simm.s32 $0x3  }
0x179: {  	v17 =	vor.u32 s29, v3;
	v14 =	vld.idx.msk [tilespmem:v14+s12+$0x0], $0xffff  }
0x17a: {  	v13 =	vshrl.u32 v13, $0x2  }
0x17b: {  	v13 =	vand.u32 $0x3FC0, v13  }
0x17c: {  	s28 =	simm.s32 $0x100;
	v15 =	vshrl.u32 v15, $0x2;
	v13 =	vor.u32 v1, v13  }
0x17d: {  	v16 =	vor.u32 s28, v3;
	v15 =	vand.u32 $0x3FC0, v15  }
0x17e: {  	s17 =	simm.s32 $0x4;
	v17 =	vld.idx.msk [tilespmem:v17+s12+$0x0], $0xffff;
	v14 =	vshrl.u32 v14, $0x2;
	v15 =	vor.u32 v1, v15  }
0x17f: {  	v18 =	vor.u32 s17, v3;
	v14 =	vand.u32 $0x3FC0, v14  }
0x180: {  	s30 =	simm.s32 $0x101;
	v14 =	vor.u32 v1, v14  }
0x181: {  	[tilespmem:v13+s10+$0x0] =	vst.idx.add.s32.msk $0xffff, v4;
	v13 =	vor.u32 s30, v3  }
0x182: {  	v16 =	vld.idx.msk [tilespmem:v16+s12+$0x0], $0xffff  }
0x183: {  	[tilespmem:v15+s10+$0x0] =	vst.idx.add.s32.msk $0xffff, v4;
	v15 =	vshrl.u32 v17, $0x2  }
0x184: {  	v18 =	vld.idx.msk [tilespmem:v18+s12+$0x0], $0xffff;
	v15 =	vand.u32 $0x3FC0, v15  }
0x185: {  	s18 =	simm.s32 $0x102;
	[tilespmem:v14+s10+$0x0] =	vst.idx.add.s32.msk $0xffff, v4;
	v15 =	vor.u32 v1, v15  }
0x186: {  	v14 =	vor.u32 s18, v3;
	v13 =	vld.idx.msk [tilespmem:v13+s12+$0x0], $0xffff  }
0x187: {  	v16 =	vshrl.u32 v16, $0x2  }
0x188: {  	v16 =	vand.u32 $0x3FC0, v16  }
0x189: {  	v18 =	vshrl.u32 v18, $0x2;
	s18 =	simm.s32 $0x6;
	v16 =	vor.u32 v5, v16  }
0x18a: {  	s31 =	simm.s32 $0x200;
	[tilespmem:v15+s10+$0x0] =	vst.idx.add.s32.msk $0xffff, v4;
	v15 =	vand.u32 $0x3FC0, v18;
	v18 =	vor.u32 s18, v3  }
0x18b: {  	s19 =	simm.s32 $0x5;
	v17 =	vor.u32 s31, v3;
	v14 =	vld.idx.msk [tilespmem:v14+s12+$0x0], $0xffff;
	v13 =	vshrl.u32 v13, $0x2  }
0x18c: {  	v19 =	vor.u32 s19, v3;
	v13 =	vand.u32 $0x3FC0, v13  }
0x18d: {  	s19 =	simm.s32 $0x201;
	v13 =	vor.u32 v5, v13  }
0x18e: {  	[tilespmem:v16+s10+$0x0] =	vst.idx.add.s32.msk $0xffff, v4;
	v16 =	vor.u32 s19, v3  }
0x18f: {  	s20 =	simm.s32 $0x103;
	v18 =	vld.idx.msk [tilespmem:v18+s12+$0x0], $0xffff  }
0x190: {  	v20 =	vor.u32 s20, v3;
	v14 =	vshrl.u32 v14, $0x2;
	v17 =	vld.idx.msk [tilespmem:v17+s12+$0x0], $0xffff  }
0x191: {  	v19 =	vld.idx.msk [tilespmem:v19+s12+$0x0], $0xffff;
	v15 =	vor.u32 v1, v15;
	v14 =	vand.u32 $0x3FC0, v14  }
0x192: {  	s22 =	simm.s32 $0x104;
	v14 =	vor.u32 v5, v14;
	[tilespmem:v13+s10+$0x0] =	vst.idx.add.s32.msk $0xffff, v4  }
0x193: {  	s21 =	simm.s32 $0x7;
	v13 =	vld.idx.msk [tilespmem:v16+s12+$0x0], $0xffff;
	v16 =	vor.u32 s22, v3  }
0x194: {  	s23 =	simm.s32 $0x202;
	v21 =	vor.u32 s21, v3;
	v18 =	vshrl.u32 v18, $0x2  }
0x195: {  	v22 =	vor.u32 s23, v3;
	v20 =	vld.idx.msk [tilespmem:v20+s12+$0x0], $0xffff;
	v18 =	vand.u32 $0x3FC0, v18;
	v17 =	vshrl.u32 v17, $0x2  }
0x196: {  	[tilespmem:v15+s10+$0x0] =	vst.idx.add.s32.msk $0xffff, v4;
	v18 =	vor.u32 v1, v18;
	v17 =	vand.u32 $0x3FC0, v17  }
0x197: {  	s24 =	simm.s32 $0x300;
	v19 =	vshrl.u32 v19, $0x2;
	[tilespmem:v14+s10+$0x0] =	vst.idx.add.s32.msk $0xffff, v4;
	v14 =	vor.u32 v6, v17  }
0x198: {  	v19 =	vand.u32 $0x3FC0, v19;
	v15 =	vld.idx.msk [tilespmem:v16+s12+$0x0], $0xffff;
	v16 =	vor.u32 s24, v3;
	v13 =	vshrl.u32 v13, $0x2  }
0x199: {  	v21 =	vld.idx.msk [tilespmem:v21+s12+$0x0], $0xffff;
	v17 =	vor.u32 v1, v19;
	v13 =	vand.u32 $0x3FC0, v13  }
0x19a: {  	s20 =	simm.s32 $0x105;
	v22 =	vld.idx.msk [tilespmem:v22+s12+$0x0], $0xffff;
	v19 =	vshrl.u32 v20, $0x2;
	v13 =	vor.u32 v6, v13  }
0x19b: {  	v20 =	vor.u32 s20, v3;
	v19 =	vand.u32 $0x3FC0, v19;
	[tilespmem:v18+s10+$0x0] =	vst.idx.add.s32.msk $0xffff, v4  }
0x19c: {  	s25 =	simm.s32 $0x203;
	v19 =	vor.u32 v5, v19;
	[tilespmem:v14+s10+$0x0] =	vst.idx.add.s32.msk $0xffff, v4  }
0x19d: {  	s28 =	simm.s32 $0x301;
	v14 =	vor.u32 s25, v3;
	v16 =	vld.idx.msk [tilespmem:v16+s12+$0x0], $0xffff;
	v15 =	vshrl.u32 v15, $0x2  }
0x19e: {  	v23 =	vor.u32 s28, v3;
	[tilespmem:v17+s10+$0x0] =	vst.idx.add.s32.msk $0xffff, v4;
	v15 =	vand.u32 $0x3FC0, v15  }
0x19f: {  	s19 =	simm.s32 $0x8;
	[tilespmem:v13+s10+$0x0] =	vst.idx.add.s32.msk $0xffff, v4;
	v13 =	vor.u32 v5, v15  }
0x1a0: {  	s26 =	simm.s32 $0x9;
	v20 =	vld.idx.msk [tilespmem:v20+s12+$0x0], $0xffff;
	v15 =	vor.u32 s19, v3  }
0x1a1: {  	s29 =	simm.s32 $0x106;
	v17 =	vor.u32 s26, v3;
	[tilespmem:v19+s10+$0x0] =	vst.idx.add.s32.msk $0xffff, v4  }
0x1a2: {  	s30 =	simm.s32 $0x204;
	v19 =	vor.u32 s29, v3;
	v14 =	vld.idx.msk [tilespmem:v14+s12+$0x0], $0xffff;
	v16 =	vshrl.u32 v16, $0x2  }
0x1a3: {  	v21 =	vshrl.u32 v21, $0x2;
	v24 =	vor.u32 s30, v3;
	v25 =	vld.idx.msk [tilespmem:v23+s12+$0x0], $0xffff;
	v16 =	vand.u32 $0x3FC0, v16  }
0x1a4: {  	[tilespmem:v13+s10+$0x0] =	vst.idx.add.s32.msk $0xffff, v4;
	v13 =	vor.u32 v7, v16;
	v16 =	vand.u32 $0x3FC0, v21;
	v21 =	vshrl.u32 v22, $0x2  }
0x1a5: {  	v22 =	vld.idx.msk [tilespmem:v15+s12+$0x0], $0xffff;
	v15 =	vor.u32 v1, v16;
	v16 =	vand.u32 $0x3FC0, v21  }
0x1a6: {  	s21 =	simm.s32 $0x107;
	v17 =	vld.idx.msk [tilespmem:v17+s12+$0x0], $0xffff;
	v21 =	vor.u32 v6, v16  }
0x1a7: {  	s31 =	simm.s32 $0x302;
	v23 =	vor.u32 s21, v3;
	v20 =	vshrl.u32 v20, $0x2;
	v18 =	vld.idx.msk [tilespmem:v19+s12+$0x0], $0xffff;
	v19 =	vshrl.u32 v14, $0x2  }
0x1a8: {  	v14 =	vld.idx.msk [tilespmem:v24+s12+$0x0], $0xffff;
	v16 =	vand.u32 $0x3FC0, v20;
	v20 =	vor.u32 s31, v3;
	v19 =	vand.u32 $0x3FC0, v19  }
0x1a9: {  	s20 =	simm.s32 $0xA;
	v16 =	vor.u32 v5, v16;
	v19 =	vor.u32 v6, v19;
	[tilespmem:v13+s10+$0x0] =	vst.idx.add.s32.msk $0xffff, v4;
	v13 =	vshrl.u32 v25, $0x2  }
.LBB2_23:
0x1aa: {  	s21 =	sadd.s32 $0x1, s20  }
0x1ab: {  	v24 =	vor.u32 s20, v3;
	p0 =	slt.u32 s20, $0xFE;
	[tilespmem:v21+s10+$0x0] =	vst.idx.add.s32.msk $0xffff, v4;
	v13 =	vand.u32 $0x3FC0, v13;
	s22 =	smov.u32 s20;
	s20 =	sadd.s32 $0x2, s20  }
0x1ac: {  	v17 =	vshrl.u32 v17, $0x2;
	v21 =	vor.u32 s21, v3;
	[tilespmem:v15+s10+$0x0] =	vst.idx.add.s32.msk $0xffff, v4;
	s21 =	sadd.s32 $0x201, s17;
	v13 =	vor.u32 v7, v13  }
0x1ad: {  	v15 =	vshrl.u32 v22, $0x2;
	v17 =	vand.u32 $0x3FC0, v17;
	v22 =	vor.u32 s21, v3;
	v20 =	vld.idx.msk [tilespmem:v20+s12+$0x0], $0xffff;
	s21 =	sadd.s32 $0x301, s16;
	s16 =	smov.u32 s17;
	s17 =	smov.u32 s18  }
0x1ae: {  	v25 =	vand.u32 $0x3FC0, v15;
	v15 =	vor.u32 v1, v17;
	v17 =	vshrl.u32 v18, $0x2;
	s18 =	smov.u32 s19;
	s19 =	smov.u32 s22;
	v18 =	vld.idx.msk [tilespmem:v23+s12+$0x0], $0xffff  }
0x1af: {  	v23 =	vor.u32 v1, v25;
	v17 =	vand.u32 $0x3FC0, v17;
	[tilespmem:v19+s10+$0x0] =	vst.idx.add.s32.msk $0xffff, v4;
	v19 =	vor.u32 s21, v3  }
0x1b0: {  	v14 =	vshrl.u32 v14, $0x2;
	v25 =	vor.u32 v5, v17;
	[tilespmem:v16+s10+$0x0] =	vst.idx.add.s32.msk $0xffff, v4  }
0x1b1: {  	v14 =	vand.u32 $0x3FC0, v14;
	[tilespmem:v13+s10+$0x0] =	vst.idx.add.s32.msk $0xffff, v4  }
0x1b2: {  	s21 =	sadd.s32 $0x100, s18;
	v13 =	vld.idx.msk [tilespmem:v22+s12+$0x0], $0xffff  }
0x1b3: {  	v16 =	vor.u32 s21, v3;
	s21 =	sadd.s32 $0x200, s17;
	v20 =	vshrl.u32 v20, $0x2;
	v17 =	vld.idx.msk [tilespmem:v21+s12+$0x0], $0xffff  }
0x1b4: {  	v26 =	vor.u32 s21, v3;
	v20 =	vand.u32 $0x3FC0, v20;
	v27 =	vld.idx.msk [tilespmem:v19+s12+$0x0], $0xffff  }
0x1b5: {  	[tilespmem:v25+s10+$0x0] =	vst.idx.add.s32.msk $0xffff, v4;
	v25 =	vor.u32 v7, v20  }
.Ltmp12:
0x1b6: {  	v18 =	vshrl.u32 v18, $0x2;
	v21 =	vor.u32 v6, v14;
	v22 =	vld.idx.msk [tilespmem:v24+s12+$0x0], $0xffff;
	(pc) =	sbr.rel @p0 .LBB2_23-.Ltmp12, $4  }
0x1b7: {  	s21 =	sadd.s32 $0x300, s16;
	v14 =	vand.u32 $0x3FC0, v18;
	[tilespmem:v23+s10+$0x0] =	vst.idx.add.s32.msk $0xffff, v4  }
0x1b8: {  	s22 =	sadd.s32 $0x101, s18;
	v20 =	vor.u32 s21, v3;
	v13 =	vshrl.u32 v13, $0x2;
	v18 =	vld.idx.msk [tilespmem:v16+s12+$0x0], $0xffff;
	v16 =	vor.u32 v5, v14  }
0x1b9: {  	v23 =	vor.u32 s22, v3;
	v13 =	vand.u32 $0x3FC0, v13;
	v14 =	vld.idx.msk [tilespmem:v26+s12+$0x0], $0xffff  }
0x1ba: {  	v19 =	vor.u32 v6, v13;
	v13 =	vshrl.u32 v27, $0x2;
	[tilespmem:v25+s10+$0x0] =	vst.idx.add.s32.msk $0xffff, v4  }
0x1bb: {  	v22 =	vshrl.u32 v22, $0x2  }
0x1bc: {  	v17 =	vshrl.u32 v17, $0x2;
	v22 =	vand.u32 $0x3FC0, v22  }
0x1bd: {  	v17 =	vand.u32 $0x3FC0, v17;
	v22 =	vor.u32 v1, v22  }
0x1be: {  	s20 =	sadd.s32 $0x100, s19;
	v17 =	vor.u32 v1, v17  }
0x1bf: {  	s30 =	sadd.s32 $0x101, s19;
	v24 =	vor.u32 s20, v3  }
0x1c0: {  	[tilespmem:v15+s10+$0x0] =	vst.idx.add.s32.msk $0xffff, v4;
	v15 =	vor.u32 s30, v3  }
0x1c1: {  	v23 =	vld.idx.msk [tilespmem:v23+s12+$0x0], $0xffff  }
0x1c2: {  	[tilespmem:v22+s10+$0x0] =	vst.idx.add.s32.msk $0xffff, v4  }
0x1c3: {  	[tilespmem:v17+s10+$0x0] =	vst.idx.add.s32.msk $0xffff, v4  }
0x1c4: {  	v18 =	vshrl.u32 v18, $0x2;
	v22 =	vld.idx.msk [tilespmem:v24+s12+$0x0], $0xffff  }
0x1c5: {  	v18 =	vand.u32 $0x3FC0, v18;
	v15 =	vld.idx.msk [tilespmem:v15+s12+$0x0], $0xffff  }
0x1c6: {  	s31 =	sadd.s32 $0x201, s17;
	v18 =	vor.u32 v5, v18  }
0x1c7: {  	s21 =	sadd.s32 $0x200, s18;
	v56 =	vshrl.u32 v23, $0x2;
	v17 =	vor.u32 s31, v3  }
0x1c8: {  	[tilespmem:v21+s10+$0x0] =	vst.idx.add.s32.msk $0xffff, v4;
	v57 =	vor.u32 s21, v3;
	v21 =	vand.u32 $0x3FC0, v56  }
0x1c9: {  	[tilespmem:v19+s10+$0x0] =	vst.idx.add.s32.msk $0xffff, v4;
	s22 =	sadd.s32 $0x201, s18;
	v19 =	vor.u32 v5, v21;
	v58 =	vshrl.u32 v22, $0x2  }
0x1ca: {  	[tilespmem:v16+s10+$0x0] =	vst.idx.add.s32.msk $0xffff, v4;
	v16 =	vor.u32 s22, v3;
	v15 =	vshrl.u32 v15, $0x2;
	v21 =	vand.u32 $0x3FC0, v58  }
0x1cb: {  	[tilespmem:v18+s10+$0x0] =	vst.idx.add.s32.msk $0xffff, v4;
	v15 =	vand.u32 $0x3FC0, v15;
	v21 =	vor.u32 v5, v21  }
0x1cc: {  	s23 =	sadd.s32 $0x200, s19;
	v17 =	vld.idx.msk [tilespmem:v17+s12+$0x0], $0xffff;
	v15 =	vor.u32 v5, v15  }
0x1cd: {  	s24 =	sadd.s32 $0x201, s19;
	v18 =	vor.u32 s23, v3;
	v59 =	vld.idx.msk [tilespmem:v57+s12+$0x0], $0xffff  }
0x1ce: {  	v14 =	vshrl.u32 v14, $0x2;
	[tilespmem:v19+s10+$0x0] =	vst.idx.add.s32.msk $0xffff, v4;
	v19 =	vor.u32 s24, v3  }
0x1cf: {  	v14 =	vand.u32 $0x3FC0, v14;
	v16 =	vld.idx.msk [tilespmem:v16+s12+$0x0], $0xffff  }
0x1d0: {  	s16 =	sadd.s32 $0x301, s16;
	v14 =	vor.u32 v6, v14;
	[tilespmem:v21+s10+$0x0] =	vst.idx.add.s32.msk $0xffff, v4  }
0x1d1: {  	s25 =	sadd.s32 $0x300, s17;
	v60 =	vor.u32 s16, v3;
	v17 =	vshrl.u32 v17, $0x2;
	[tilespmem:v15+s10+$0x0] =	vst.idx.add.s32.msk $0xffff, v4  }
0x1d2: {  	v61 =	vor.u32 s25, v3;
	v22 =	vshrl.u32 v59, $0x2;
	v17 =	vand.u32 $0x3FC0, v17;
	v18 =	vld.idx.msk [tilespmem:v18+s12+$0x0], $0xffff  }
0x1d3: {  	v22 =	vand.u32 $0x3FC0, v22;
	v17 =	vor.u32 v6, v17;
	v19 =	vld.idx.msk [tilespmem:v19+s12+$0x0], $0xffff  }
0x1d4: {  	s28 =	sadd.s32 $0x300, s18;
	v20 =	vld.idx.msk [tilespmem:v20+s12+$0x0], $0xffff;
	v22 =	vor.u32 v6, v22  }
0x1d5: {  	s26 =	sadd.s32 $0x301, s17;
	[tilespmem:v14+s10+$0x0] =	vst.idx.add.s32.msk $0xffff, v4;
	v14 =	vor.u32 s28, v3;
	v16 =	vshrl.u32 v16, $0x2  }
0x1d6: {  	v23 =	vld.idx.msk [tilespmem:v60+s12+$0x0], $0xffff;
	v15 =	vor.u32 s26, v3;
	v16 =	vand.u32 $0x3FC0, v16  }
0x1d7: {  	s29 =	sadd.s32 $0x301, s18;
	v21 =	vld.idx.msk [tilespmem:v61+s12+$0x0], $0xffff;
	v16 =	vor.u32 v6, v16;
	v18 =	vshrl.u32 v18, $0x2  }
0x1d8: {  	[tilespmem:v17+s10+$0x0] =	vst.idx.add.s32.msk $0xffff, v4;
	v17 =	vor.u32 s29, v3;
	v19 =	vshrl.u32 v19, $0x2;
	v18 =	vand.u32 $0x3FC0, v18  }
0x1d9: {  	[tilespmem:v22+s10+$0x0] =	vst.idx.add.s32.msk $0xffff, v4;
	v19 =	vand.u32 $0x3FC0, v19;
	v18 =	vor.u32 v6, v18  }
0x1da: {  	s30 =	sadd.s32 $0x300, s19;
	v14 =	vld.idx.msk [tilespmem:v14+s12+$0x0], $0xffff;
	v19 =	vor.u32 v6, v19  }
0x1db: {  	v62 =	vor.u32 s30, v3;
	s31 =	sadd.s32 $0x301, s19;
	v15 =	vld.idx.msk [tilespmem:v15+s12+$0x0], $0xffff  }
0x1dc: {  	[tilespmem:v16+s10+$0x0] =	vst.idx.add.s32.msk $0xffff, v4;
	v16 =	vor.u32 s31, v3  }
0x1dd: {  	v17 =	vld.idx.msk [tilespmem:v17+s12+$0x0], $0xffff  }
0x1de: {  	[tilespmem:v18+s10+$0x0] =	vst.idx.add.s32.msk $0xffff, v4  }
0x1df: {  	v13 =	vand.u32 $0x3FC0, v13;
	v18 =	vshrl.u32 v20, $0x2;
	[tilespmem:v19+s10+$0x0] =	vst.idx.add.s32.msk $0xffff, v4  }
0x1e0: {  	v13 =	vor.u32 v7, v13;
	v21 =	vshrl.u32 v21, $0x2;
	v20 =	vld.idx.msk [tilespmem:v62+s12+$0x0], $0xffff;
	v18 =	vand.u32 $0x3FC0, v18  }
0x1e1: {  	v21 =	vand.u32 $0x3FC0, v21;
	v14 =	vshrl.u32 v14, $0x2;
	v16 =	vld.idx.msk [tilespmem:v16+s12+$0x0], $0xffff;
	v18 =	vor.u32 v7, v18  }
0x1e2: {  	v21 =	vor.u32 v7, v21;
	v14 =	vand.u32 $0x3FC0, v14;
	v15 =	vshrl.u32 v15, $0x2  }
0x1e3: {  	v63 =	vshrl.u32 v23, $0x2;
	v14 =	vor.u32 v7, v14;
	v15 =	vand.u32 $0x3FC0, v15  }
0x1e4: {  	v15 =	vor.u32 v7, v15;
	v19 =	vand.u32 $0x3FC0, v63;
	v17 =	vshrl.u32 v17, $0x2  }
0x1e5: {  	[tilespmem:v13+s10+$0x0] =	vst.idx.add.s32.msk $0xffff, v4;
	v19 =	vor.u32 v7, v19;
	v13 =	vand.u32 $0x3FC0, v17;
	v17 =	vshrl.u32 v20, $0x2  }
0x1e6: {  	v16 =	vshrl.u32 v16, $0x2;
	[tilespmem:v18+s10+$0x0] =	vst.idx.add.s32.msk $0xffff, v4;
	v18 =	vor.u32 v7, v13;
	v13 =	vand.u32 $0x3FC0, v17  }
0x1e7: {  	[tilespmem:v21+s10+$0x0] =	vst.idx.add.s32.msk $0xffff, v4;
	v17 =	vor.u32 v7, v13;
	v13 =	vand.u32 $0x3FC0, v16  }
0x1e8: {  	[tilespmem:v14+s10+$0x0] =	vst.idx.add.s32.msk $0xffff, v4;
	v16 =	vor.u32 v7, v13  }
0x1e9: {  	[tilespmem:v15+s10+$0x0] =	vst.idx.add.s32.msk $0xffff, v4;
	v13 =	vor.u32 s15, v10  }
0x1ea: {  	v32 =	vor.u32 s15, v8;
	[tilespmem:v19+s10+$0x0] =	vst.idx.add.s32.msk $0xffff, v4  }
0x1eb: {  	v45 =	vor.u32 s15, v9;
	[tilespmem:v18+s10+$0x0] =	vst.idx.add.s32.msk $0xffff, v4  }
0x1ec: {  	v14 =	vor.u32 s15, v1;
	[tilespmem:v17+s10+$0x0] =	vst.idx.add.s32.msk $0xffff, v4  }
0x1ed: {  	v15 =	vor.u32 s15, v5;
	[tilespmem:v16+s10+$0x0] =	vst.idx.add.s32.msk $0xffff, v4  }
0x1ee: {  	v39 =	vor.u32 s15, v6;
	v18 =	vld.idx.msk [tilespmem:v13+s10+$0x0], $0xffff  }
0x1ef: {  	v35 =	vor.u32 s15, v7;
	v26 =	vld.idx.msk [tilespmem:v32+s10+$0x0], $0xffff  }
0x1f0: {  	p2 =	por $0x1, $0x1;
	v17 =	vor.u32 s15, v11;
	v42 =	vld.idx.msk [tilespmem:v45+s10+$0x0], $0xffff  }
.Ltmp13:
0x1f1: {  	v16 =	vld.idx.msk [tilespmem:v14+s10+$0x0], $0xffff;
	(pc) =	sbr.rel @!p2 .LBB2_25-.Ltmp13, $4  }
0x1f2: {  	v43 =	vld.idx.msk [tilespmem:v15+s10+$0x0], $0xffff  }
0x1f3: {  	v48 =	vld.idx.msk [tilespmem:v39+s10+$0x0], $0xffff  }
0x1f4: {  	v38 =	vld.idx.msk [tilespmem:v35+s10+$0x0], $0xffff  }
0x1f5: {  	p1 =	por $0x0, $0x0;
	p0 =	por $0x0, $0x0;
	s16 =	simm.s32 $0x80;
	v34 =	vld.idx.msk [tilespmem:v17+s10+$0x0], $0xffff  }
0x1f6: {  	_ = 	snop  }
0x1f7: {  	v33 =	vor.u32 s16, v10;
	v19 =	vadd.s32 v16, v43  }
0x1f8: {  	v24 =	vor.u32 s16, v8;
	v19 =	vadd.s32 v48, v19  }
0x1f9: {  	v20 =	vadd.s32 v26, v42;
	v25 =	vor.u32 s16, v9;
	v19 =	vadd.s32 v38, v19  }
0x1fa: {  	v37 =	vor.u32 s16, v5;
	v20 =	vadd.s32 v18, v20;
	(xrf0) =	vadd.scan.msk.s32 $0xffff, v19  }
0x1fb: {  	v36 =	vor.u32 s16, v1;
	v20 =	vadd.s32 v34, v20  }
0x1fc: {  	v29 =	vor.u32 s16, v6;
	(xrf0) =	vadd.scan.msk.s32 $0xffff, v20;
	v31 =	vld.idx.msk [tilespmem:v33+s10+$0x0], $0xffff  }
0x1fd: {  	v28 =	vor.u32 s16, v7;
	v40 =	vld.idx.msk [tilespmem:v24+s10+$0x0], $0xffff  }
0x1fe: {  	v27 =	vor.u32 s16, v11;
	p2 =	por $0x1, $0x1;
	v30 =	vld.idx.msk [tilespmem:v25+s10+$0x0], $0xffff  }
.Ltmp14:
0x1ff: {  	v55 =	vld.idx.msk [tilespmem:v37+s10+$0x0], $0xffff;
	(pc) =	sbr.rel @!p2 .LBB2_27-.Ltmp14, $4  }
0x200: {  	v54 =	vld.idx.msk [tilespmem:v36+s10+$0x0], $0xffff;
	v21, _, _ =	vpop (xrf0)  }
0x201: {  	v46 =	vld.idx.msk [tilespmem:v29+s10+$0x0], $0xffff;
	v19 =	vsub.s32 v21, v19  }
0x202: {  	v38 =	vld.idx.msk [tilespmem:v28+s10+$0x0], $0xffff;
	(v2sf) =	vpush v21, $0xF;
	v63, _, _ =	vpop (xrf0);
	v47 =	vadd.s32 s15, v19  }
0x203: {  	s16 =	simm.s32 $0x100;
	p1 =	por $0x1, $0x1;
	v34 =	vld.idx.msk [tilespmem:v27+s10+$0x0], $0xffff;
	v57 =	vsub.s32 v63, v20;
	(v2sf) =	vpush v63, $0xF;
	v44 =	vadd.s32 v16, v47  }
0x204: {  	_ =	sdelay $0x3  }
0x205: {  	v51 =	vor.u32 s16, v10;
	v16 =	vadd.s32 v54, v55  }
0x206: {  	v19 =	vadd.s32 v40, v30;
	v41 =	vor.u32 s16, v8;
	v16 =	vadd.s32 v46, v16  }
0x207: {  	[tilespmem:v14+s10+$0x0] =	vst.idx.msk $0xffff, v47;
	v14 =	vor.u32 s16, v1;
	v23 =	vadd.s32 v38, v16;
	v16 =	vadd.s32 v31, v19  }
0x208: {  	v50 =	vor.u32 s16, v7;
	v34 =	vadd.s32 v34, v16;
	(xrf0) =	vadd.scan.msk.s32 $0xffff, v23  }
0x209: {  	[tilespmem:v15+s10+$0x0] =	vst.idx.msk $0xffff, v44;
	v15 =	vor.u32 s16, v5;
	(xrf0) =	vadd.scan.msk.s32 $0xffff, v34  }
0x20a: {  	v19 =	vor.u32 s16, v9;
	v20 =	vld.idx.msk [tilespmem:v51+s10+$0x0], $0xffff  }
0x20b: {  	v52 =	vor.u32 s16, v6;
	v56 =	vld.idx.msk [tilespmem:v41+s10+$0x0], $0xffff  }
0x20c: {  	v16 =	vld.idx.msk [tilespmem:v14+s10+$0x0], $0xffff  }
0x20d: {  	v49 =	vor.u32 s16, v11;
	v22 =	vadd.s32 v43, v44;
	p3 =	por $0x1, $0x1;
	v38 =	vld.idx.msk [tilespmem:v50+s10+$0x0], $0xffff  }
.Ltmp15:
0x20e: {  	v43 =	vadd.s32 v48, v22;
	[tilespmem:v39+s10+$0x0] =	vst.idx.msk $0xffff, v22;
	v22 =	vld.idx.msk [tilespmem:v15+s10+$0x0], $0xffff;
	v60, _, _ =	vpop (xrf0);
	s31 =	spop (v2sf);
	(pc) =	sbr.rel @!p3 .LBB2_29-.Ltmp15, $4  }
0x20f: {  	v21 =	vld.idx.msk [tilespmem:v19+s10+$0x0], $0xffff;
	v62, _, _ =	vpop (xrf0);
	(v2sf) =	vpush v60, $0xF;
	s16 =	sadd.s32 $0x0, s31;
	s17 =	spop (v2sf)  }
0x210: {  	[tilespmem:v35+s10+$0x0] =	vst.idx.msk $0xffff, v43;
	v61 =	vsub.s32 v60, v23;
	v23 =	vld.idx.msk [tilespmem:v52+s10+$0x0], $0xffff;
	(v2sf) =	vpush v62, $0xF;
	v63 =	vadd.s32 s16, v57;
	s16 =	sadd.s32 s16, s17  }
0x211: {  	v53 =	vsub.s32 v62, v34;
	v47 =	vadd.s32 s16, v61;
	[tilespmem:v32+s10+$0x0] =	vst.idx.msk $0xffff, v63;
	v26 =	vadd.s32 v26, v63  }
0x212: {  	s18 =	simm.s32 $0x180;
	p2 =	por $0x1, $0x1;
	v34 =	vld.idx.msk [tilespmem:v49+s10+$0x0], $0xffff;
	s17 =	simm.s32 $0x4;
	v44 =	vadd.s32 v54, v47;
	[tilespmem:v45+s10+$0x0] =	vst.idx.msk $0xffff, v26;
	v54 =	vadd.s32 v42, v26  }
.LBB2_30:
0x213: {  	v26 =	vadd.s32 v16, v22;
	v32 =	vadd.s32 v55, v44;
	[tilespmem:v13+s10+$0x0] =	vst.idx.msk $0xffff, v54;
	v13 =	vmov v33  }
0x214: {  	s17 =	sadd.s32 $0x2, s17;
	v33 =	vmovc v51;
	v51 =	vor.u32 s18, v10;
	v35 =	vmovc v19;
	v39 =	vmov v40;
	v40 =	vmov v56  }
0x215: {  	v42 =	vor.u32 s18, v8;
	p3 =	slt.u32 s17, $0xFE;
	v26 =	vadd.s32 v23, v26;
	v43 =	vadd.s32 v40, v21;
	[tilespmem:v36+s10+$0x0] =	vst.idx.msk $0xffff, v47  }
0x216: {  	v19 =	vor.u32 s18, v9;
	v26 =	vadd.s32 v38, v26;
	v38 =	vadd.s32 v20, v43;
	[tilespmem:v37+s10+$0x0] =	vst.idx.msk $0xffff, v44  }
0x217: {  	v36 =	vmovc v14;
	v14 =	vor.u32 s18, v1;
	v43 =	vadd.s32 v18, v54;
	v34 =	vadd.s32 v34, v38;
	(xrf0) =	vadd.scan.msk.s32 $0xffff, v26  }
0x218: {  	v37 =	vmovc v15;
	v15 =	vor.u32 s18, v5;
	v38 =	vadd.s32 v46, v32;
	(xrf0) =	vadd.scan.msk.s32 $0xffff, v34;
	[tilespmem:v17+s10+$0x0] =	vst.idx.msk $0xffff, v43  }
0x219: {  	v18 =	vmovc v31;
	v31 =	vmov v20;
	[tilespmem:v29+s10+$0x0] =	vst.idx.msk $0xffff, v32;
	v29 =	vmov v52;
	v52 =	vor.u32 s18, v6;
	v20 =	vld.idx.msk [tilespmem:v51+s10+$0x0], $0xffff  }
0x21a: {  	v32 =	vmovc v30;
	v30 =	vmov v21;
	v56 =	vld.idx.msk [tilespmem:v42+s10+$0x0], $0xffff;
	[tilespmem:v28+s10+$0x0] =	vst.idx.msk $0xffff, v38;
	v28 =	vmov v50;
	v50 =	vor.u32 s18, v7  }
0x21b: {  	v55 =	vmovc v22;
	v17 =	vmovc v27;
	v27 =	vmov v49;
	v49 =	vor.u32 s18, v11;
	v43 =	vmov v16;
	v21 =	vld.idx.msk [tilespmem:v19+s10+$0x0], $0xffff  }
0x21c: {  	v46 =	vmov v23;
	v16 =	vld.idx.msk [tilespmem:v14+s10+$0x0], $0xffff  }
0x21d: {  	v22 =	vld.idx.msk [tilespmem:v15+s10+$0x0], $0xffff;
	v38, _, _ =	vpop (xrf0)  }
.Ltmp16:
0x21e: {  	v23 =	vld.idx.msk [tilespmem:v52+s10+$0x0], $0xffff;
	v26 =	vsub.s32 v38, v26;
	(v2sf) =	vpush v38, $0xF;
	v44, _, _ =	vpop (xrf0);
	s19 =	spop (v2sf);
	(pc) =	sbr.rel @p3 .LBB2_30-.Ltmp16, $4  }
0x21f: {  	v38 =	vld.idx.msk [tilespmem:v50+s10+$0x0], $0xffff;
	v45 =	vsub.s32 v44, v34;
	(v2sf) =	vpush v44, $0xF;
	s16 =	sadd.s32 s16, s19;
	s19 =	spop (v2sf)  }
0x220: {  	v34 =	vld.idx.msk [tilespmem:v49+s10+$0x0], $0xffff;
	v44 =	vadd.s32 s16, v53;
	s16 =	sadd.s32 s16, s19;
	v53 =	vmov v45  }
0x221: {  	v47 =	vadd.s32 s16, v26;
	[tilespmem:v24+s10+$0x0] =	vst.idx.msk $0xffff, v44;
	v26 =	vadd.s32 v39, v44;
	v24 =	vmovc v41;
	v41 =	vmov v42  }
0x222: {  	s18 =	sadd.s32 $0x80, s18;
	v44 =	vadd.s32 v43, v47;
	[tilespmem:v25+s10+$0x0] =	vst.idx.msk $0xffff, v26;
	v54 =	vadd.s32 v32, v26;
	v25 =	vmov v35  }
0x223: {  	v59 =	vmov v13;
	v60 =	vmov v18;
	v63 =	vmov v17  }
0x224: {  	v43 =	vmovc v55;
	v58 =	vmovc v33;
	v13 =	vmov v51;
	v51 =	vmov v40;
	v26 =	vmov v56  }
0x225: {  	v56 =	vmovc v36;
	v61 =	vmovc v37;
	v48 =	vmov v46;
	v62 =	vmov v29;
	v39 =	vmov v52  }
0x226: {  	v18 =	vmovc v31;
	v52 =	vmovc v28;
	v35 =	vmov v50;
	v42 =	vmov v30;
	v50 =	vmov v27  }
0x227: {  	v17 =	vmovc v49;
	v57 =	vmovc v53;
	v49 =	vmov v24;
	v32 =	vmov v41;
	v45 =	vmov v25  }
.LBB2_32:
0x228: {  	v24 =	vadd.s32 v16, v22  }
0x229: {  	v24 =	vadd.s32 v23, v24  }
0x22a: {  	v24 =	vadd.s32 v38, v24  }
0x22b: {  	(xrf0) =	vadd.scan.msk.s32 $0xffff, v24;
	_ =	sdelay $0x5  }
0x22c: {  	v25, _, _ =	vpop (xrf0)  }
0x22d: {  	v27 =	vadd.s32 v26, v21;
	(v2sf) =	vpush v25, $0xF  }
0x22e: {  	v27 =	vadd.s32 v20, v27  }
0x22f: {  	v27 =	vadd.s32 v34, v27  }
0x230: {  	(xrf0) =	vadd.scan.msk.s32 $0xffff, v27  }
0x231: {  	[tilespmem:v59+s10+$0x0] =	vst.idx.msk @p2 $0xffff, v54  }
0x232: {  	[tilespmem:v56+s10+$0x0] =	vst.idx.msk @p1 $0xffff, v47;
	v29 =	vadd.s32 @p2 v60, v54;
	v30 =	vadd.s32 @p1 v43, v44  }
0x233: {  	v28 =	vmov @p1 v58;
	[tilespmem:v61+s10+$0x0] =	vst.idx.msk @p1 $0xffff, v44;
	v31 =	vadd.s32 @p1 v48, v30;
	s17 =	spop @p1 (v2sf)  }
0x234: {  	[tilespmem:v63+s10+$0x0] =	vst.idx.msk @p2 $0xffff, v29;
	v28 =	vpsel p1, v28, v0;
	s16 =	sadd.s32 @p1 s16, s17  }
0x235: {  	[tilespmem:v62+s10+$0x0] =	vst.idx.msk @p1 $0xffff, v30;
	v29 =	vmov @p1 v51;
	v30 =	vadd.s32 @p1 s16, v57  }
0x236: {  	v33 =	vmov @p1 v50;
	[tilespmem:v52+s10+$0x0] =	vst.idx.msk @p1 $0xffff, v31;
	v31 =	vmov @p1 v42;
	s17 =	spop @p1 (v2sf);
	v29 =	vadd.s32 @p1 v29, v30;
	v63, _, _ =	vpop (xrf0)  }
0x237: {  	s16 =	sadd.s32 @p1 s16, s17;
	[tilespmem:v49+s10+$0x0] =	vst.idx.msk @p1 $0xffff, v30;
	v30 =	vadd.s32 @p1 v31, v29;
	v31 =	vpsel p1, v33, v0;
	(v2sf) =	vpush v63, $0xF  }
0x238: {  	s15 =	smov.u32 @p1 s16;
	[tilespmem:v45+s10+$0x0] =	vst.idx.msk @p1 $0xffff, v29;
	v24 =	vsub.s32 v25, v24;
	v25 =	vpsel p1, v30, v0  }
0x239: {  	v24 =	vadd.s32 s15, v24;
	[tilespmem:v28+s10+$0x0] =	vst.idx.msk @p1 $0xffff, v25  }
0x23a: {  	v18 =	vpsel p1, v18, v0;
	v16 =	vadd.s32 v16, v24;
	[tilespmem:v14+s10+$0x0] =	vst.idx.msk $0xffff, v24  }
0x23b: {  	v14 =	vadd.s32 @p1 v18, v25;
	[tilespmem:v15+s10+$0x0] =	vst.idx.msk $0xffff, v16  }
0x23c: {  	v15 =	vadd.s32 v22, v16;
	[tilespmem:v31+s10+$0x0] =	vst.idx.msk @p1 $0xffff, v14;
	s25 =	spop (v2sf)  }
0x23d: {  	s26 =	simm.s32 $0x0;
	v16 =	vadd.s32 v23, v15;
	[tilespmem:v39+s10+$0x0] =	vst.idx.msk $0xffff, v15;
	v14 =	vsub.s32 v63, v27;
	s15 =	sadd.s32 s15, s25  }
0x23e: {  	v15 =	vor.u32 s26, v3;
	[tilespmem:v35+s10+$0x0] =	vst.idx.msk $0xffff, v16;
	v14 =	vadd.s32 s15, v14  }
0x23f: {  	s28 =	simm.s32 $0x100;
	[tilespmem:v32+s10+$0x0] =	vst.idx.msk $0xffff, v14;
	v14 =	vadd.s32 v26, v14  }
0x240: {  	v16 =	vor.u32 s28, v3;
	[tilespmem:v19+s10+$0x0] =	vst.idx.msk $0xffff, v14;
	v14 =	vadd.s32 v21, v14  }
0x241: {  	p1 =	por $0x1, $0x1;
	[tilespmem:v13+s10+$0x0] =	vst.idx.msk $0xffff, v14;
	v13 =	vadd.s32 v20, v14  }
.Ltmp17:
0x242: {  	[tilespmem:v17+s10+$0x0] =	vst.idx.msk $0xffff, v13;
	(pc) =	sbr.rel @!p1 .LBB2_33-.Ltmp17, $4  }
0x243: {  	v14 =	vld.idx.msk [tilespmem:v15+s12+$0x0], $0xffff  }
0x244: {  	v15 =	vld.idx.msk [tilespmem:v15+s13+$0x0], $0xffff  }
0x245: {  	s29 =	simm.s32 $0x200;
	s30 =	simm.s32 $0x300;
	v13 =	vld.idx.msk [tilespmem:v16+s12+$0x0], $0xffff  }
0x246: {  	s15 =	simm.s32 $0x1;
	v21 =	vor.u32 s29, v3;
	v20 =	vor.u32 s30, v3;
	s31 =	spop (v2sf);
	v16 =	vld.idx.msk [tilespmem:v16+s13+$0x0], $0xffff  }
0x247: {  	_ =	sdelay $0x3  }
0x248: {  	v23 =	vld.idx.msk [tilespmem:v21+s12+$0x0], $0xffff;
	v17 =	vshrl.u32 v14, $0x2  }
0x249: {  	v17 =	vand.u32 $0x3FC0, v17  }
0x24a: {  	v24 =	vor.u32 v1, v17  }
0x24b: {  	v18 =	vshrl.u32 v13, $0x2  }
0x24c: {  	v18 =	vand.u32 $0x3FC0, v18  }
0x24d: {  	v25 =	vor.u32 v5, v18;
	v18 =	vshrl.u32 v23, $0x2  }
0x24e: {  	v17 =	vld.idx.msk [tilespmem:v20+s12+$0x0], $0xffff;
	v18 =	vand.u32 $0x3FC0, v18  }
0x24f: {  	v26 =	vor.u32 v6, v18;
	v22 =	vld.idx.msk [tilespmem:v24+s10+$0x0], $0xffff;
	_ =	sdelay $0x2  }
0x250: {  	v27 =	vld.idx.msk [tilespmem:v25+s10+$0x0], $0xffff  }
0x251: {  	v18 =	vshrl.u32 v17, $0x2  }
0x252: {  	v18 =	vand.u32 $0x3FC0, v18;
	v29 =	vld.idx.msk [tilespmem:v26+s10+$0x0], $0xffff  }
0x253: {  	v19 =	vor.u32 v7, v18;
	_ =	sdelay $0x1  }
0x254: {  	v28 =	vor.u32 s15, v3;
	v21 =	vld.idx.msk [tilespmem:v21+s13+$0x0], $0xffff;
	[tilespmem:v22+s9+$0x0] =	vst.idx.msk $0xffff, v14  }
0x255: {  	v18 =	vld.idx.msk [tilespmem:v20+s13+$0x0], $0xffff;
	[tilespmem:v22+s11+$0x0] =	vst.idx.msk $0xffff, v15  }
0x256: {  	s30 =	simm.s32 $0x101;
	[tilespmem:v24+s10+$0x0] =	vst.idx.add.s32.msk $0xffff, v4  }
0x257: {  	v20 =	vor.u32 s30, v3;
	v22 =	vld.idx.msk [tilespmem:v19+s10+$0x0], $0xffff;
	[tilespmem:v27+s9+$0x0] =	vst.idx.msk $0xffff, v13  }
0x258: {  	[tilespmem:v27+s11+$0x0] =	vst.idx.msk $0xffff, v16  }
0x259: {  	p1 =	por $0x1, $0x1;
	s31 =	simm.s32 $0x201;
	v14 =	vld.idx.msk [tilespmem:v28+s12+$0x0], $0xffff;
	[tilespmem:v29+s9+$0x0] =	vst.idx.msk $0xffff, v23  }
.Ltmp18:
0x25a: {  	v15 =	vld.idx.msk [tilespmem:v28+s13+$0x0], $0xffff;
	[tilespmem:v29+s11+$0x0] =	vst.idx.msk $0xffff, v21;
	v21 =	vor.u32 s31, v3;
	(pc) =	sbr.rel @!p1 .LBB2_36-.Ltmp18, $4  }
0x25b: {  	[tilespmem:v25+s10+$0x0] =	vst.idx.add.s32.msk $0xffff, v4  }
0x25c: {  	s16 =	simm.s32 $0x301;
	v13 =	vld.idx.msk [tilespmem:v20+s12+$0x0], $0xffff  }
0x25d: {  	v16 =	vld.idx.msk [tilespmem:v20+s13+$0x0], $0xffff;
	v20 =	vor.u32 s16, v3  }
0x25e: {  	s15 =	simm.s32 $0x2;
	p0 =	por $0x1, $0x1;
	[tilespmem:v26+s10+$0x0] =	vst.idx.add.s32.msk $0xffff, v4  }
.LBB2_35:
0x25f: {  	p1 =	sne.s32 s15, $0xFF;
	v23 =	vshrl.u32 v14, $0x2;
	v24 =	vld.idx.msk [tilespmem:v21+s12+$0x0], $0xffff;
	[tilespmem:v22+s9+$0x0] =	vst.idx.msk $0xffff, v17  }
0x260: {  	v17 =	vand.u32 $0x3FC0, v23;
	v23 =	vld.idx.msk [tilespmem:v21+s13+$0x0], $0xffff;
	[tilespmem:v22+s11+$0x0] =	vst.idx.msk $0xffff, v18  }
0x261: {  	v21 =	vor.u32 v1, v17;
	[tilespmem:v19+s10+$0x0] =	vst.idx.add.s32.msk $0xffff, v4  }
0x262: {  	v18 =	vshrl.u32 v13, $0x2;
	v17 =	vld.idx.msk [tilespmem:v20+s12+$0x0], $0xffff  }
0x263: {  	v19 =	vand.u32 $0x3FC0, v18;
	v18 =	vld.idx.msk [tilespmem:v20+s13+$0x0], $0xffff  }
0x264: {  	v20 =	vor.u32 v5, v19  }
0x265: {  	v19 =	vshrl.u32 v24, $0x2  }
0x266: {  	v19 =	vand.u32 $0x3FC0, v19;
	v22 =	vld.idx.msk [tilespmem:v21+s10+$0x0], $0xffff  }
0x267: {  	v25 =	vor.u32 v6, v19  }
0x268: {  	v19 =	vshrl.u32 v17, $0x2  }
0x269: {  	v19 =	vand.u32 $0x3FC0, v19;
	v26 =	vld.idx.msk [tilespmem:v20+s10+$0x0], $0xffff  }
0x26a: {  	v19 =	vor.u32 v7, v19;
	_ =	sdelay $0x1  }
0x26b: {  	v27 =	vor.u32 s15, v3;
	v28 =	vld.idx.msk [tilespmem:v25+s10+$0x0], $0xffff;
	_ =	sdelay $0x1  }
0x26c: {  	s16 =	sadd.s32 $0x100, s15;
	[tilespmem:v22+s9+$0x0] =	vst.idx.msk $0xffff, v14  }
0x26d: {  	v29 =	vor.u32 s16, v3;
	[tilespmem:v22+s11+$0x0] =	vst.idx.msk $0xffff, v15;
	v22 =	vld.idx.msk [tilespmem:v19+s10+$0x0], $0xffff  }
0x26e: {  	[tilespmem:v21+s10+$0x0] =	vst.idx.add.s32.msk $0xffff, v4  }
0x26f: {  	s16 =	sadd.s32 $0x200, s15;
	v14 =	vld.idx.msk [tilespmem:v27+s12+$0x0], $0xffff;
	[tilespmem:v26+s9+$0x0] =	vst.idx.msk $0xffff, v13  }
.Ltmp19:
0x270: {  	v21 =	vor.u32 s16, v3;
	v15 =	vld.idx.msk [tilespmem:v27+s13+$0x0], $0xffff;
	[tilespmem:v26+s11+$0x0] =	vst.idx.msk $0xffff, v16;
	(pc) =	sbr.rel @p1 .LBB2_35-.Ltmp19, $4  }
0x271: {  	[tilespmem:v20+s10+$0x0] =	vst.idx.add.s32.msk $0xffff, v4  }
0x272: {  	s16 =	sadd.s32 $0x300, s15;
	v13 =	vld.idx.msk [tilespmem:v29+s12+$0x0], $0xffff;
	[tilespmem:v28+s9+$0x0] =	vst.idx.msk $0xffff, v24  }
0x273: {  	v20 =	vor.u32 s16, v3;
	v16 =	vld.idx.msk [tilespmem:v29+s13+$0x0], $0xffff;
	[tilespmem:v28+s11+$0x0] =	vst.idx.msk $0xffff, v23  }
0x274: {  	s15 =	sadd.s32 $0x1, s15;
	[tilespmem:v25+s10+$0x0] =	vst.idx.add.s32.msk $0xffff, v4  }
.LBB2_36:
0x275: {  	_ =	sdelay $0x2  }
0x276: {  	v23 =	vshrl.u32 v14, $0x2  }
0x277: {  	v24 =	vld.idx.msk [tilespmem:v21+s12+$0x0], $0xffff;
	[tilespmem:v22+s9+$0x0] =	vst.idx.msk @p0 $0xffff, v17;
	v59 =	vand.u32 $0x3FC0, v23  }
0x278: {  	[tilespmem:v22+s11+$0x0] =	vst.idx.msk @p0 $0xffff, v18;
	v17 =	vor.u32 v1, v59  }
0x279: {  	[tilespmem:v19+s10+$0x0] =	vst.idx.add.s32.msk @p0 $0xffff, v4;
	v60 =	vshrl.u32 v13, $0x2  }
0x27a: {  	v19 =	vld.idx.msk [tilespmem:v20+s12+$0x0], $0xffff;
	v18 =	vand.u32 $0x3FC0, v60  }
0x27b: {  	v18 =	vor.u32 v5, v18  }
0x27c: {  	v61 =	vshrl.u32 v24, $0x2  }
0x27d: {  	v22 =	vand.u32 $0x3FC0, v61;
	v62 =	vld.idx.msk [tilespmem:v17+s10+$0x0], $0xffff  }
0x27e: {  	v22 =	vor.u32 v6, v22  }
0x27f: {  	v25 =	vshrl.u32 v19, $0x2  }
0x280: {  	v26 =	vld.idx.msk [tilespmem:v18+s10+$0x0], $0xffff;
	v25 =	vand.u32 $0x3FC0, v25  }
0x281: {  	v25 =	vor.u32 v7, v25;
	_ =	sdelay $0x1  }
0x282: {  	v27 =	vld.idx.msk [tilespmem:v22+s10+$0x0], $0xffff;
	_ =	sdelay $0x1  }
0x283: {  	v63 =	vld.idx.msk [tilespmem:v21+s13+$0x0], $0xffff;
	[tilespmem:v62+s9+$0x0] =	vst.idx.msk $0xffff, v14  }
0x284: {  	v14 =	vld.idx.msk [tilespmem:v25+s10+$0x0], $0xffff;
	[tilespmem:v62+s11+$0x0] =	vst.idx.msk $0xffff, v15  }
0x285: {  	[tilespmem:v17+s10+$0x0] =	vst.idx.add.s32.msk $0xffff, v4  }
0x286: {  	[tilespmem:v26+s9+$0x0] =	vst.idx.msk $0xffff, v13  }
0x287: {  	v13 =	vld.idx.msk [tilespmem:v20+s13+$0x0], $0xffff;
	[tilespmem:v26+s11+$0x0] =	vst.idx.msk $0xffff, v16  }
0x288: {  	[tilespmem:v18+s10+$0x0] =	vst.idx.add.s32.msk $0xffff, v4  }
0x289: {  	[tilespmem:v27+s9+$0x0] =	vst.idx.msk $0xffff, v24  }
0x28a: {  	[tilespmem:v27+s11+$0x0] =	vst.idx.msk $0xffff, v63  }
0x28b: {  	[tilespmem:v22+s10+$0x0] =	vst.idx.add.s32.msk $0xffff, v4  }
0x28c: {  	[tilespmem:v14+s9+$0x0] =	vst.idx.msk $0xffff, v19  }
0x28d: {  	[tilespmem:v14+s11+$0x0] =	vst.idx.msk $0xffff, v13  }
0x28e: {  	s16 =	simm.s32 $0x18020;
	[tilespmem:v25+s10+$0x0] =	vst.idx.add.s32.msk $0xffff, v4  }
0x28f: {  	[tilespmem:s16+$0xFFFFFFE0] =	vst v2  }
0x290: {  	[tilespmem:s16+$0x10] =	vst v2  }
0x291: {  	s15 =	simm.s32 $0x0;
	[tilespmem:s16+$0x0] =	vst v2  }
.LBB2_37:
0x292: {  	s15 =	sadd.s32 $0x4, s15  }
0x293: {  	[tilespmem:s16+$0xFFFFFFF0] =	vst v2;
	s16 =	sadd.s32 $0x40, s16;
	p0 =	slt.u32 s15, $0x3FC  }
.Ltmp20:
0x294: {  	[tilespmem:s16+$0xFFFFFFE0] =	vst v2;
	(pc) =	sbr.rel @p0 .LBB2_37-.Ltmp20, $3  }
0x295: {  	_ =	sdelay $0x1  }
0x296: {  	[tilespmem:s16+$0x10] =	vst v2  }
0x297: {  	[tilespmem:s16+$0x0] =	vst v2  }
0x298: {  	s15 =	simm.s32 $0x0  }
0x299: {  	v13 =	vor.u32 s15, v3  }
0x29a: {  	[tilespmem:s16+$0xFFFFFFF0] =	vst v2;
	s16 =	simm.s32 $0x2  }
0x29b: {  	v15 =	vor.u32 s16, v3  }
0x29c: {  	s17 =	simm.s32 $0x1  }
0x29d: {  	v14 =	vor.u32 s17, v3  }
0x29e: {  	v13 =	vld.idx.msk [tilespmem:v13+s9+$0x0], $0xffff;
	_ =	sdelay $0x1  }
0x29f: {  	v15 =	vld.idx.msk [tilespmem:v15+s9+$0x0], $0xffff  }
0x2a0: {  	s29 =	simm.s32 $0x3  }
0x2a1: {  	v17 =	vor.u32 s29, v3;
	v14 =	vld.idx.msk [tilespmem:v14+s9+$0x0], $0xffff  }
0x2a2: {  	v13 =	vshrl.u32 v13, $0xA  }
0x2a3: {  	v13 =	vand.u32 $0x3FC0, v13  }
0x2a4: {  	s28 =	simm.s32 $0x100;
	v15 =	vshrl.u32 v15, $0xA;
	v13 =	vor.u32 v1, v13  }
0x2a5: {  	v16 =	vor.u32 s28, v3;
	v15 =	vand.u32 $0x3FC0, v15  }
0x2a6: {  	s17 =	simm.s32 $0x4;
	v17 =	vld.idx.msk [tilespmem:v17+s9+$0x0], $0xffff;
	v14 =	vshrl.u32 v14, $0xA;
	v15 =	vor.u32 v1, v15  }
0x2a7: {  	v18 =	vor.u32 s17, v3;
	v14 =	vand.u32 $0x3FC0, v14  }
0x2a8: {  	s30 =	simm.s32 $0x101;
	v14 =	vor.u32 v1, v14  }
0x2a9: {  	[tilespmem:v13+s10+$0x0] =	vst.idx.add.s32.msk $0xffff, v4;
	v13 =	vor.u32 s30, v3  }
0x2aa: {  	v16 =	vld.idx.msk [tilespmem:v16+s9+$0x0], $0xffff  }
0x2ab: {  	[tilespmem:v15+s10+$0x0] =	vst.idx.add.s32.msk $0xffff, v4;
	v15 =	vshrl.u32 v17, $0xA  }
0x2ac: {  	v18 =	vld.idx.msk [tilespmem:v18+s9+$0x0], $0xffff;
	v15 =	vand.u32 $0x3FC0, v15  }
0x2ad: {  	s18 =	simm.s32 $0x102;
	[tilespmem:v14+s10+$0x0] =	vst.idx.add.s32.msk $0xffff, v4;
	v15 =	vor.u32 v1, v15  }
0x2ae: {  	v14 =	vor.u32 s18, v3;
	v13 =	vld.idx.msk [tilespmem:v13+s9+$0x0], $0xffff  }
0x2af: {  	v16 =	vshrl.u32 v16, $0xA  }
0x2b0: {  	v16 =	vand.u32 $0x3FC0, v16  }
0x2b1: {  	v18 =	vshrl.u32 v18, $0xA;
	s18 =	simm.s32 $0x6;
	v16 =	vor.u32 v5, v16  }
0x2b2: {  	s31 =	simm.s32 $0x200;
	[tilespmem:v15+s10+$0x0] =	vst.idx.add.s32.msk $0xffff, v4;
	v15 =	vand.u32 $0x3FC0, v18;
	v18 =	vor.u32 s18, v3  }
0x2b3: {  	s19 =	simm.s32 $0x5;
	v17 =	vor.u32 s31, v3;
	v14 =	vld.idx.msk [tilespmem:v14+s9+$0x0], $0xffff;
	v13 =	vshrl.u32 v13, $0xA  }
0x2b4: {  	v19 =	vor.u32 s19, v3;
	v13 =	vand.u32 $0x3FC0, v13  }
0x2b5: {  	s19 =	simm.s32 $0x201;
	v13 =	vor.u32 v5, v13  }
0x2b6: {  	[tilespmem:v16+s10+$0x0] =	vst.idx.add.s32.msk $0xffff, v4;
	v16 =	vor.u32 s19, v3  }
0x2b7: {  	s20 =	simm.s32 $0x103;
	v18 =	vld.idx.msk [tilespmem:v18+s9+$0x0], $0xffff  }
0x2b8: {  	v20 =	vor.u32 s20, v3;
	v14 =	vshrl.u32 v14, $0xA;
	v17 =	vld.idx.msk [tilespmem:v17+s9+$0x0], $0xffff  }
0x2b9: {  	v19 =	vld.idx.msk [tilespmem:v19+s9+$0x0], $0xffff;
	v15 =	vor.u32 v1, v15;
	v14 =	vand.u32 $0x3FC0, v14  }
0x2ba: {  	s22 =	simm.s32 $0x104;
	v14 =	vor.u32 v5, v14;
	[tilespmem:v13+s10+$0x0] =	vst.idx.add.s32.msk $0xffff, v4  }
0x2bb: {  	s21 =	simm.s32 $0x7;
	v13 =	vld.idx.msk [tilespmem:v16+s9+$0x0], $0xffff;
	v16 =	vor.u32 s22, v3  }
0x2bc: {  	s23 =	simm.s32 $0x202;
	v21 =	vor.u32 s21, v3;
	v18 =	vshrl.u32 v18, $0xA  }
0x2bd: {  	v22 =	vor.u32 s23, v3;
	v20 =	vld.idx.msk [tilespmem:v20+s9+$0x0], $0xffff;
	v18 =	vand.u32 $0x3FC0, v18;
	v17 =	vshrl.u32 v17, $0xA  }
0x2be: {  	[tilespmem:v15+s10+$0x0] =	vst.idx.add.s32.msk $0xffff, v4;
	v18 =	vor.u32 v1, v18;
	v17 =	vand.u32 $0x3FC0, v17  }
0x2bf: {  	s24 =	simm.s32 $0x300;
	v19 =	vshrl.u32 v19, $0xA;
	[tilespmem:v14+s10+$0x0] =	vst.idx.add.s32.msk $0xffff, v4;
	v14 =	vor.u32 v6, v17  }
0x2c0: {  	v19 =	vand.u32 $0x3FC0, v19;
	v15 =	vld.idx.msk [tilespmem:v16+s9+$0x0], $0xffff;
	v16 =	vor.u32 s24, v3;
	v13 =	vshrl.u32 v13, $0xA  }
0x2c1: {  	v21 =	vld.idx.msk [tilespmem:v21+s9+$0x0], $0xffff;
	v17 =	vor.u32 v1, v19;
	v13 =	vand.u32 $0x3FC0, v13  }
0x2c2: {  	s20 =	simm.s32 $0x105;
	v22 =	vld.idx.msk [tilespmem:v22+s9+$0x0], $0xffff;
	v19 =	vshrl.u32 v20, $0xA;
	v13 =	vor.u32 v6, v13  }
0x2c3: {  	v20 =	vor.u32 s20, v3;
	v19 =	vand.u32 $0x3FC0, v19;
	[tilespmem:v18+s10+$0x0] =	vst.idx.add.s32.msk $0xffff, v4  }
0x2c4: {  	s25 =	simm.s32 $0x203;
	v19 =	vor.u32 v5, v19;
	[tilespmem:v14+s10+$0x0] =	vst.idx.add.s32.msk $0xffff, v4  }
0x2c5: {  	s28 =	simm.s32 $0x301;
	v14 =	vor.u32 s25, v3;
	v16 =	vld.idx.msk [tilespmem:v16+s9+$0x0], $0xffff;
	v15 =	vshrl.u32 v15, $0xA  }
0x2c6: {  	v23 =	vor.u32 s28, v3;
	[tilespmem:v17+s10+$0x0] =	vst.idx.add.s32.msk $0xffff, v4;
	v15 =	vand.u32 $0x3FC0, v15  }
0x2c7: {  	s19 =	simm.s32 $0x8;
	[tilespmem:v13+s10+$0x0] =	vst.idx.add.s32.msk $0xffff, v4;
	v13 =	vor.u32 v5, v15  }
0x2c8: {  	s26 =	simm.s32 $0x9;
	v20 =	vld.idx.msk [tilespmem:v20+s9+$0x0], $0xffff;
	v15 =	vor.u32 s19, v3  }
0x2c9: {  	s29 =	simm.s32 $0x106;
	v17 =	vor.u32 s26, v3;
	[tilespmem:v19+s10+$0x0] =	vst.idx.add.s32.msk $0xffff, v4  }
0x2ca: {  	s30 =	simm.s32 $0x204;
	v19 =	vor.u32 s29, v3;
	v14 =	vld.idx.msk [tilespmem:v14+s9+$0x0], $0xffff;
	v16 =	vshrl.u32 v16, $0xA  }
0x2cb: {  	v21 =	vshrl.u32 v21, $0xA;
	v24 =	vor.u32 s30, v3;
	v25 =	vld.idx.msk [tilespmem:v23+s9+$0x0], $0xffff;
	v16 =	vand.u32 $0x3FC0, v16  }
0x2cc: {  	[tilespmem:v13+s10+$0x0] =	vst.idx.add.s32.msk $0xffff, v4;
	v13 =	vor.u32 v7, v16;
	v16 =	vand.u32 $0x3FC0, v21;
	v21 =	vshrl.u32 v22, $0xA  }
0x2cd: {  	v22 =	vld.idx.msk [tilespmem:v15+s9+$0x0], $0xffff;
	v15 =	vor.u32 v1, v16;
	v16 =	vand.u32 $0x3FC0, v21  }
0x2ce: {  	s21 =	simm.s32 $0x107;
	v17 =	vld.idx.msk [tilespmem:v17+s9+$0x0], $0xffff;
	v21 =	vor.u32 v6, v16  }
0x2cf: {  	s31 =	simm.s32 $0x302;
	v23 =	vor.u32 s21, v3;
	v20 =	vshrl.u32 v20, $0xA;
	v18 =	vld.idx.msk [tilespmem:v19+s9+$0x0], $0xffff;
	v19 =	vshrl.u32 v14, $0xA  }
0x2d0: {  	v14 =	vld.idx.msk [tilespmem:v24+s9+$0x0], $0xffff;
	v16 =	vand.u32 $0x3FC0, v20;
	v20 =	vor.u32 s31, v3;
	v19 =	vand.u32 $0x3FC0, v19  }
0x2d1: {  	s20 =	simm.s32 $0xA;
	v16 =	vor.u32 v5, v16;
	v19 =	vor.u32 v6, v19;
	[tilespmem:v13+s10+$0x0] =	vst.idx.add.s32.msk $0xffff, v4;
	v13 =	vshrl.u32 v25, $0xA  }
.LBB2_39:
0x2d2: {  	s21 =	sadd.s32 $0x1, s20  }
0x2d3: {  	v24 =	vor.u32 s20, v3;
	p0 =	slt.u32 s20, $0xFE;
	[tilespmem:v21+s10+$0x0] =	vst.idx.add.s32.msk $0xffff, v4;
	v13 =	vand.u32 $0x3FC0, v13;
	s22 =	smov.u32 s20;
	s20 =	sadd.s32 $0x2, s20  }
0x2d4: {  	v17 =	vshrl.u32 v17, $0xA;
	v21 =	vor.u32 s21, v3;
	[tilespmem:v15+s10+$0x0] =	vst.idx.add.s32.msk $0xffff, v4;
	s21 =	sadd.s32 $0x201, s17;
	v13 =	vor.u32 v7, v13  }
0x2d5: {  	v15 =	vshrl.u32 v22, $0xA;
	v17 =	vand.u32 $0x3FC0, v17;
	v22 =	vor.u32 s21, v3;
	v20 =	vld.idx.msk [tilespmem:v20+s9+$0x0], $0xffff;
	s21 =	sadd.s32 $0x301, s16;
	s16 =	smov.u32 s17;
	s17 =	smov.u32 s18  }
0x2d6: {  	v25 =	vand.u32 $0x3FC0, v15;
	v15 =	vor.u32 v1, v17;
	v17 =	vshrl.u32 v18, $0xA;
	s18 =	smov.u32 s19;
	s19 =	smov.u32 s22;
	v18 =	vld.idx.msk [tilespmem:v23+s9+$0x0], $0xffff  }
0x2d7: {  	v23 =	vor.u32 v1, v25;
	v17 =	vand.u32 $0x3FC0, v17;
	[tilespmem:v19+s10+$0x0] =	vst.idx.add.s32.msk $0xffff, v4;
	v19 =	vor.u32 s21, v3  }
0x2d8: {  	v14 =	vshrl.u32 v14, $0xA;
	v25 =	vor.u32 v5, v17;
	[tilespmem:v16+s10+$0x0] =	vst.idx.add.s32.msk $0xffff, v4  }
0x2d9: {  	v14 =	vand.u32 $0x3FC0, v14;
	[tilespmem:v13+s10+$0x0] =	vst.idx.add.s32.msk $0xffff, v4  }
0x2da: {  	s21 =	sadd.s32 $0x100, s18;
	v13 =	vld.idx.msk [tilespmem:v22+s9+$0x0], $0xffff  }
0x2db: {  	v16 =	vor.u32 s21, v3;
	s21 =	sadd.s32 $0x200, s17;
	v20 =	vshrl.u32 v20, $0xA;
	v17 =	vld.idx.msk [tilespmem:v21+s9+$0x0], $0xffff  }
0x2dc: {  	v26 =	vor.u32 s21, v3;
	v20 =	vand.u32 $0x3FC0, v20;
	v27 =	vld.idx.msk [tilespmem:v19+s9+$0x0], $0xffff  }
0x2dd: {  	[tilespmem:v25+s10+$0x0] =	vst.idx.add.s32.msk $0xffff, v4;
	v25 =	vor.u32 v7, v20  }
.Ltmp21:
0x2de: {  	v18 =	vshrl.u32 v18, $0xA;
	v21 =	vor.u32 v6, v14;
	v22 =	vld.idx.msk [tilespmem:v24+s9+$0x0], $0xffff;
	(pc) =	sbr.rel @p0 .LBB2_39-.Ltmp21, $4  }
0x2df: {  	s21 =	sadd.s32 $0x300, s16;
	v14 =	vand.u32 $0x3FC0, v18;
	[tilespmem:v23+s10+$0x0] =	vst.idx.add.s32.msk $0xffff, v4  }
0x2e0: {  	s22 =	sadd.s32 $0x101, s18;
	v20 =	vor.u32 s21, v3;
	v13 =	vshrl.u32 v13, $0xA;
	v18 =	vld.idx.msk [tilespmem:v16+s9+$0x0], $0xffff;
	v16 =	vor.u32 v5, v14  }
0x2e1: {  	v23 =	vor.u32 s22, v3;
	v13 =	vand.u32 $0x3FC0, v13;
	v14 =	vld.idx.msk [tilespmem:v26+s9+$0x0], $0xffff  }
0x2e2: {  	v19 =	vor.u32 v6, v13;
	v13 =	vshrl.u32 v27, $0xA;
	[tilespmem:v25+s10+$0x0] =	vst.idx.add.s32.msk $0xffff, v4  }
0x2e3: {  	v22 =	vshrl.u32 v22, $0xA  }
0x2e4: {  	v17 =	vshrl.u32 v17, $0xA;
	v22 =	vand.u32 $0x3FC0, v22  }
0x2e5: {  	v17 =	vand.u32 $0x3FC0, v17;
	v22 =	vor.u32 v1, v22  }
0x2e6: {  	s20 =	sadd.s32 $0x100, s19;
	v17 =	vor.u32 v1, v17  }
0x2e7: {  	s30 =	sadd.s32 $0x101, s19;
	v24 =	vor.u32 s20, v3  }
0x2e8: {  	[tilespmem:v15+s10+$0x0] =	vst.idx.add.s32.msk $0xffff, v4;
	v15 =	vor.u32 s30, v3  }
0x2e9: {  	v23 =	vld.idx.msk [tilespmem:v23+s9+$0x0], $0xffff  }
0x2ea: {  	[tilespmem:v22+s10+$0x0] =	vst.idx.add.s32.msk $0xffff, v4  }
0x2eb: {  	[tilespmem:v17+s10+$0x0] =	vst.idx.add.s32.msk $0xffff, v4  }
0x2ec: {  	v18 =	vshrl.u32 v18, $0xA;
	v22 =	vld.idx.msk [tilespmem:v24+s9+$0x0], $0xffff  }
0x2ed: {  	v18 =	vand.u32 $0x3FC0, v18;
	v15 =	vld.idx.msk [tilespmem:v15+s9+$0x0], $0xffff  }
0x2ee: {  	s31 =	sadd.s32 $0x201, s17;
	v18 =	vor.u32 v5, v18  }
0x2ef: {  	s21 =	sadd.s32 $0x200, s18;
	v56 =	vshrl.u32 v23, $0xA;
	v17 =	vor.u32 s31, v3  }
0x2f0: {  	[tilespmem:v21+s10+$0x0] =	vst.idx.add.s32.msk $0xffff, v4;
	v57 =	vor.u32 s21, v3;
	v21 =	vand.u32 $0x3FC0, v56  }
0x2f1: {  	[tilespmem:v19+s10+$0x0] =	vst.idx.add.s32.msk $0xffff, v4;
	s22 =	sadd.s32 $0x201, s18;
	v19 =	vor.u32 v5, v21;
	v58 =	vshrl.u32 v22, $0xA  }
0x2f2: {  	[tilespmem:v16+s10+$0x0] =	vst.idx.add.s32.msk $0xffff, v4;
	v16 =	vor.u32 s22, v3;
	v15 =	vshrl.u32 v15, $0xA;
	v21 =	vand.u32 $0x3FC0, v58  }
0x2f3: {  	[tilespmem:v18+s10+$0x0] =	vst.idx.add.s32.msk $0xffff, v4;
	v15 =	vand.u32 $0x3FC0, v15;
	v21 =	vor.u32 v5, v21  }
0x2f4: {  	s23 =	sadd.s32 $0x200, s19;
	v17 =	vld.idx.msk [tilespmem:v17+s9+$0x0], $0xffff;
	v15 =	vor.u32 v5, v15  }
0x2f5: {  	s24 =	sadd.s32 $0x201, s19;
	v18 =	vor.u32 s23, v3;
	v59 =	vld.idx.msk [tilespmem:v57+s9+$0x0], $0xffff  }
0x2f6: {  	v14 =	vshrl.u32 v14, $0xA;
	[tilespmem:v19+s10+$0x0] =	vst.idx.add.s32.msk $0xffff, v4;
	v19 =	vor.u32 s24, v3  }
0x2f7: {  	v14 =	vand.u32 $0x3FC0, v14;
	v16 =	vld.idx.msk [tilespmem:v16+s9+$0x0], $0xffff  }
0x2f8: {  	s16 =	sadd.s32 $0x301, s16;
	v14 =	vor.u32 v6, v14;
	[tilespmem:v21+s10+$0x0] =	vst.idx.add.s32.msk $0xffff, v4  }
0x2f9: {  	s25 =	sadd.s32 $0x300, s17;
	v60 =	vor.u32 s16, v3;
	v17 =	vshrl.u32 v17, $0xA;
	[tilespmem:v15+s10+$0x0] =	vst.idx.add.s32.msk $0xffff, v4  }
0x2fa: {  	v61 =	vor.u32 s25, v3;
	v22 =	vshrl.u32 v59, $0xA;
	v17 =	vand.u32 $0x3FC0, v17;
	v18 =	vld.idx.msk [tilespmem:v18+s9+$0x0], $0xffff  }
0x2fb: {  	v22 =	vand.u32 $0x3FC0, v22;
	v17 =	vor.u32 v6, v17;
	v19 =	vld.idx.msk [tilespmem:v19+s9+$0x0], $0xffff  }
0x2fc: {  	s28 =	sadd.s32 $0x300, s18;
	v20 =	vld.idx.msk [tilespmem:v20+s9+$0x0], $0xffff;
	v22 =	vor.u32 v6, v22  }
0x2fd: {  	s26 =	sadd.s32 $0x301, s17;
	[tilespmem:v14+s10+$0x0] =	vst.idx.add.s32.msk $0xffff, v4;
	v14 =	vor.u32 s28, v3;
	v16 =	vshrl.u32 v16, $0xA  }
0x2fe: {  	v23 =	vld.idx.msk [tilespmem:v60+s9+$0x0], $0xffff;
	v15 =	vor.u32 s26, v3;
	v16 =	vand.u32 $0x3FC0, v16  }
0x2ff: {  	s29 =	sadd.s32 $0x301, s18;
	v21 =	vld.idx.msk [tilespmem:v61+s9+$0x0], $0xffff;
	v16 =	vor.u32 v6, v16;
	v18 =	vshrl.u32 v18, $0xA  }
0x300: {  	[tilespmem:v17+s10+$0x0] =	vst.idx.add.s32.msk $0xffff, v4;
	v17 =	vor.u32 s29, v3;
	v19 =	vshrl.u32 v19, $0xA;
	v18 =	vand.u32 $0x3FC0, v18  }
0x301: {  	[tilespmem:v22+s10+$0x0] =	vst.idx.add.s32.msk $0xffff, v4;
	v19 =	vand.u32 $0x3FC0, v19;
	v18 =	vor.u32 v6, v18  }
0x302: {  	s30 =	sadd.s32 $0x300, s19;
	v14 =	vld.idx.msk [tilespmem:v14+s9+$0x0], $0xffff;
	v19 =	vor.u32 v6, v19  }
0x303: {  	v62 =	vor.u32 s30, v3;
	s31 =	sadd.s32 $0x301, s19;
	v15 =	vld.idx.msk [tilespmem:v15+s9+$0x0], $0xffff  }
0x304: {  	[tilespmem:v16+s10+$0x0] =	vst.idx.add.s32.msk $0xffff, v4;
	v16 =	vor.u32 s31, v3  }
0x305: {  	v17 =	vld.idx.msk [tilespmem:v17+s9+$0x0], $0xffff  }
0x306: {  	[tilespmem:v18+s10+$0x0] =	vst.idx.add.s32.msk $0xffff, v4  }
0x307: {  	v13 =	vand.u32 $0x3FC0, v13;
	v18 =	vshrl.u32 v20, $0xA;
	[tilespmem:v19+s10+$0x0] =	vst.idx.add.s32.msk $0xffff, v4  }
0x308: {  	v13 =	vor.u32 v7, v13;
	v21 =	vshrl.u32 v21, $0xA;
	v20 =	vld.idx.msk [tilespmem:v62+s9+$0x0], $0xffff;
	v18 =	vand.u32 $0x3FC0, v18  }
0x309: {  	v21 =	vand.u32 $0x3FC0, v21;
	v14 =	vshrl.u32 v14, $0xA;
	v16 =	vld.idx.msk [tilespmem:v16+s9+$0x0], $0xffff;
	v18 =	vor.u32 v7, v18  }
0x30a: {  	v21 =	vor.u32 v7, v21;
	v14 =	vand.u32 $0x3FC0, v14;
	v15 =	vshrl.u32 v15, $0xA  }
0x30b: {  	v63 =	vshrl.u32 v23, $0xA;
	v14 =	vor.u32 v7, v14;
	v15 =	vand.u32 $0x3FC0, v15  }
0x30c: {  	v15 =	vor.u32 v7, v15;
	v19 =	vand.u32 $0x3FC0, v63;
	v17 =	vshrl.u32 v17, $0xA  }
0x30d: {  	[tilespmem:v13+s10+$0x0] =	vst.idx.add.s32.msk $0xffff, v4;
	v19 =	vor.u32 v7, v19;
	v13 =	vand.u32 $0x3FC0, v17;
	v17 =	vshrl.u32 v20, $0xA  }
0x30e: {  	v16 =	vshrl.u32 v16, $0xA;
	[tilespmem:v18+s10+$0x0] =	vst.idx.add.s32.msk $0xffff, v4;
	v18 =	vor.u32 v7, v13;
	v13 =	vand.u32 $0x3FC0, v17  }
0x30f: {  	[tilespmem:v21+s10+$0x0] =	vst.idx.add.s32.msk $0xffff, v4;
	v17 =	vor.u32 v7, v13;
	v13 =	vand.u32 $0x3FC0, v16  }
0x310: {  	[tilespmem:v14+s10+$0x0] =	vst.idx.add.s32.msk $0xffff, v4;
	v16 =	vor.u32 v7, v13  }
0x311: {  	[tilespmem:v15+s10+$0x0] =	vst.idx.add.s32.msk $0xffff, v4;
	v13 =	vor.u32 s15, v10  }
0x312: {  	v32 =	vor.u32 s15, v8;
	[tilespmem:v19+s10+$0x0] =	vst.idx.add.s32.msk $0xffff, v4  }
0x313: {  	v45 =	vor.u32 s15, v9;
	[tilespmem:v18+s10+$0x0] =	vst.idx.add.s32.msk $0xffff, v4  }
0x314: {  	v14 =	vor.u32 s15, v1;
	[tilespmem:v17+s10+$0x0] =	vst.idx.add.s32.msk $0xffff, v4  }
0x315: {  	v15 =	vor.u32 s15, v5;
	[tilespmem:v16+s10+$0x0] =	vst.idx.add.s32.msk $0xffff, v4  }
0x316: {  	v39 =	vor.u32 s15, v6;
	v18 =	vld.idx.msk [tilespmem:v13+s10+$0x0], $0xffff  }
0x317: {  	v35 =	vor.u32 s15, v7;
	v26 =	vld.idx.msk [tilespmem:v32+s10+$0x0], $0xffff  }
0x318: {  	p2 =	por $0x1, $0x1;
	v17 =	vor.u32 s15, v11;
	v42 =	vld.idx.msk [tilespmem:v45+s10+$0x0], $0xffff  }
.Ltmp22:
0x319: {  	v16 =	vld.idx.msk [tilespmem:v14+s10+$0x0], $0xffff;
	(pc) =	sbr.rel @!p2 .LBB2_41-.Ltmp22, $4  }
0x31a: {  	v43 =	vld.idx.msk [tilespmem:v15+s10+$0x0], $0xffff  }
0x31b: {  	v48 =	vld.idx.msk [tilespmem:v39+s10+$0x0], $0xffff  }
0x31c: {  	v38 =	vld.idx.msk [tilespmem:v35+s10+$0x0], $0xffff  }
0x31d: {  	p1 =	por $0x0, $0x0;
	p0 =	por $0x0, $0x0;
	s16 =	simm.s32 $0x80;
	v34 =	vld.idx.msk [tilespmem:v17+s10+$0x0], $0xffff  }
0x31e: {  	_ = 	snop  }
0x31f: {  	v33 =	vor.u32 s16, v10;
	v19 =	vadd.s32 v16, v43  }
0x320: {  	v24 =	vor.u32 s16, v8;
	v19 =	vadd.s32 v48, v19  }
0x321: {  	v20 =	vadd.s32 v26, v42;
	v25 =	vor.u32 s16, v9;
	v19 =	vadd.s32 v38, v19  }
0x322: {  	v37 =	vor.u32 s16, v5;
	v20 =	vadd.s32 v18, v20;
	(xrf0) =	vadd.scan.msk.s32 $0xffff, v19  }
0x323: {  	v36 =	vor.u32 s16, v1;
	v20 =	vadd.s32 v34, v20  }
0x324: {  	v29 =	vor.u32 s16, v6;
	(xrf0) =	vadd.scan.msk.s32 $0xffff, v20;
	v31 =	vld.idx.msk [tilespmem:v33+s10+$0x0], $0xffff  }
0x325: {  	v28 =	vor.u32 s16, v7;
	v40 =	vld.idx.msk [tilespmem:v24+s10+$0x0], $0xffff  }
0x326: {  	v27 =	vor.u32 s16, v11;
	p2 =	por $0x1, $0x1;
	v30 =	vld.idx.msk [tilespmem:v25+s10+$0x0], $0xffff  }
.Ltmp23:
0x327: {  	v55 =	vld.idx.msk [tilespmem:v37+s10+$0x0], $0xffff;
	(pc) =	sbr.rel @!p2 .LBB2_43-.Ltmp23, $4  }
0x328: {  	v54 =	vld.idx.msk [tilespmem:v36+s10+$0x0], $0xffff;
	v21, _, _ =	vpop (xrf0)  }
0x329: {  	v46 =	vld.idx.msk [tilespmem:v29+s10+$0x0], $0xffff;
	v19 =	vsub.s32 v21, v19  }
0x32a: {  	v38 =	vld.idx.msk [tilespmem:v28+s10+$0x0], $0xffff;
	(v2sf) =	vpush v21, $0xF;
	v63, _, _ =	vpop (xrf0);
	v47 =	vadd.s32 s15, v19  }
0x32b: {  	s16 =	simm.s32 $0x100;
	p1 =	por $0x1, $0x1;
	v34 =	vld.idx.msk [tilespmem:v27+s10+$0x0], $0xffff;
	v57 =	vsub.s32 v63, v20;
	(v2sf) =	vpush v63, $0xF;
	v44 =	vadd.s32 v16, v47  }
0x32c: {  	_ =	sdelay $0x3  }
0x32d: {  	v51 =	vor.u32 s16, v10;
	v16 =	vadd.s32 v54, v55  }
0x32e: {  	v19 =	vadd.s32 v40, v30;
	v41 =	vor.u32 s16, v8;
	v16 =	vadd.s32 v46, v16  }
0x32f: {  	[tilespmem:v14+s10+$0x0] =	vst.idx.msk $0xffff, v47;
	v14 =	vor.u32 s16, v1;
	v23 =	vadd.s32 v38, v16;
	v16 =	vadd.s32 v31, v19  }
0x330: {  	v50 =	vor.u32 s16, v7;
	v34 =	vadd.s32 v34, v16;
	(xrf0) =	vadd.scan.msk.s32 $0xffff, v23  }
0x331: {  	[tilespmem:v15+s10+$0x0] =	vst.idx.msk $0xffff, v44;
	v15 =	vor.u32 s16, v5;
	(xrf0) =	vadd.scan.msk.s32 $0xffff, v34  }
0x332: {  	v19 =	vor.u32 s16, v9;
	v20 =	vld.idx.msk [tilespmem:v51+s10+$0x0], $0xffff  }
0x333: {  	v52 =	vor.u32 s16, v6;
	v56 =	vld.idx.msk [tilespmem:v41+s10+$0x0], $0xffff  }
0x334: {  	v16 =	vld.idx.msk [tilespmem:v14+s10+$0x0], $0xffff  }
0x335: {  	v49 =	vor.u32 s16, v11;
	v22 =	vadd.s32 v43, v44;
	p3 =	por $0x1, $0x1;
	v38 =	vld.idx.msk [tilespmem:v50+s10+$0x0], $0xffff  }
.Ltmp24:
0x336: {  	v43 =	vadd.s32 v48, v22;
	[tilespmem:v39+s10+$0x0] =	vst.idx.msk $0xffff, v22;
	v22 =	vld.idx.msk [tilespmem:v15+s10+$0x0], $0xffff;
	v60, _, _ =	vpop (xrf0);
	s31 =	spop (v2sf);
	(pc) =	sbr.rel @!p3 .LBB2_45-.Ltmp24, $4  }
0x337: {  	v21 =	vld.idx.msk [tilespmem:v19+s10+$0x0], $0xffff;
	v62, _, _ =	vpop (xrf0);
	(v2sf) =	vpush v60, $0xF;
	s16 =	sadd.s32 $0x0, s31;
	s17 =	spop (v2sf)  }
0x338: {  	[tilespmem:v35+s10+$0x0] =	vst.idx.msk $0xffff, v43;
	v61 =	vsub.s32 v60, v23;
	v23 =	vld.idx.msk [tilespmem:v52+s10+$0x0], $0xffff;
	(v2sf) =	vpush v62, $0xF;
	v63 =	vadd.s32 s16, v57;
	s16 =	sadd.s32 s16, s17  }
0x339: {  	v53 =	vsub.s32 v62, v34;
	v47 =	vadd.s32 s16, v61;
	[tilespmem:v32+s10+$0x0] =	vst.idx.msk $0xffff, v63;
	v26 =	vadd.s32 v26, v63  }
0x33a: {  	s18 =	simm.s32 $0x180;
	p2 =	por $0x1, $0x1;
	v34 =	vld.idx.msk [tilespmem:v49+s10+$0x0], $0xffff;
	s17 =	simm.s32 $0x4;
	v44 =	vadd.s32 v54, v47;
	[tilespmem:v45+s10+$0x0] =	vst.idx.msk $0xffff, v26;
	v54 =	vadd.s32 v42, v26  }
.LBB2_46:
0x33b: {  	v26 =	vadd.s32 v16, v22;
	v32 =	vadd.s32 v55, v44;
	[tilespmem:v13+s10+$0x0] =	vst.idx.msk $0xffff, v54;
	v13 =	vmov v33  }
0x33c: {  	s17 =	sadd.s32 $0x2, s17;
	v33 =	vmovc v51;
	v51 =	vor.u32 s18, v10;
	v35 =	vmovc v19;
	v39 =	vmov v40;
	v40 =	vmov v56  }
0x33d: {  	v42 =	vor.u32 s18, v8;
	p3 =	slt.u32 s17, $0xFE;
	v26 =	vadd.s32 v23, v26;
	v43 =	vadd.s32 v40, v21;
	[tilespmem:v36+s10+$0x0] =	vst.idx.msk $0xffff, v47  }
0x33e: {  	v19 =	vor.u32 s18, v9;
	v26 =	vadd.s32 v38, v26;
	v38 =	vadd.s32 v20, v43;
	[tilespmem:v37+s10+$0x0] =	vst.idx.msk $0xffff, v44  }
0x33f: {  	v36 =	vmovc v14;
	v14 =	vor.u32 s18, v1;
	v43 =	vadd.s32 v18, v54;
	v34 =	vadd.s32 v34, v38;
	(xrf0) =	vadd.scan.msk.s32 $0xffff, v26  }
0x340: {  	v37 =	vmovc v15;
	v15 =	vor.u32 s18, v5;
	v38 =	vadd.s32 v46, v32;
	(xrf0) =	vadd.scan.msk.s32 $0xffff, v34;
	[tilespmem:v17+s10+$0x0] =	vst.idx.msk $0xffff, v43  }
0x341: {  	v18 =	vmovc v31;
	v31 =	vmov v20;
	[tilespmem:v29+s10+$0x0] =	vst.idx.msk $0xffff, v32;
	v29 =	vmov v52;
	v52 =	vor.u32 s18, v6;
	v20 =	vld.idx.msk [tilespmem:v51+s10+$0x0], $0xffff  }
0x342: {  	v32 =	vmovc v30;
	v30 =	vmov v21;
	v56 =	vld.idx.msk [tilespmem:v42+s10+$0x0], $0xffff;
	[tilespmem:v28+s10+$0x0] =	vst.idx.msk $0xffff, v38;
	v28 =	vmov v50;
	v50 =	vor.u32 s18, v7  }
0x343: {  	v55 =	vmovc v22;
	v17 =	vmovc v27;
	v27 =	vmov v49;
	v49 =	vor.u32 s18, v11;
	v43 =	vmov v16;
	v21 =	vld.idx.msk [tilespmem:v19+s10+$0x0], $0xffff  }
0x344: {  	v46 =	vmov v23;
	v16 =	vld.idx.msk [tilespmem:v14+s10+$0x0], $0xffff  }
0x345: {  	v22 =	vld.idx.msk [tilespmem:v15+s10+$0x0], $0xffff;
	v38, _, _ =	vpop (xrf0)  }
.Ltmp25:
0x346: {  	v23 =	vld.idx.msk [tilespmem:v52+s10+$0x0], $0xffff;
	v26 =	vsub.s32 v38, v26;
	(v2sf) =	vpush v38, $0xF;
	v44, _, _ =	vpop (xrf0);
	s19 =	spop (v2sf);
	(pc) =	sbr.rel @p3 .LBB2_46-.Ltmp25, $4  }
0x347: {  	v38 =	vld.idx.msk [tilespmem:v50+s10+$0x0], $0xffff;
	v45 =	vsub.s32 v44, v34;
	(v2sf) =	vpush v44, $0xF;
	s16 =	sadd.s32 s16, s19;
	s19 =	spop (v2sf)  }
0x348: {  	v34 =	vld.idx.msk [tilespmem:v49+s10+$0x0], $0xffff;
	v44 =	vadd.s32 s16, v53;
	s16 =	sadd.s32 s16, s19;
	v53 =	vmov v45  }
0x349: {  	v47 =	vadd.s32 s16, v26;
	[tilespmem:v24+s10+$0x0] =	vst.idx.msk $0xffff, v44;
	v26 =	vadd.s32 v39, v44;
	v24 =	vmovc v41;
	v41 =	vmov v42  }
0x34a: {  	s18 =	sadd.s32 $0x80, s18;
	v44 =	vadd.s32 v43, v47;
	[tilespmem:v25+s10+$0x0] =	vst.idx.msk $0xffff, v26;
	v54 =	vadd.s32 v32, v26;
	v25 =	vmov v35  }
0x34b: {  	v59 =	vmov v13;
	v60 =	vmov v18;
	v63 =	vmov v17  }
0x34c: {  	v43 =	vmovc v55;
	v58 =	vmovc v33;
	v13 =	vmov v51;
	v51 =	vmov v40;
	v26 =	vmov v56  }
0x34d: {  	v56 =	vmovc v36;
	v61 =	vmovc v37;
	v48 =	vmov v46;
	v62 =	vmov v29;
	v39 =	vmov v52  }
0x34e: {  	v18 =	vmovc v31;
	v52 =	vmovc v28;
	v35 =	vmov v50;
	v42 =	vmov v30;
	v50 =	vmov v27  }
0x34f: {  	v17 =	vmovc v49;
	v57 =	vmovc v53;
	v49 =	vmov v24;
	v32 =	vmov v41;
	v45 =	vmov v25  }
.LBB2_48:
0x350: {  	v24 =	vadd.s32 v16, v22  }
0x351: {  	v24 =	vadd.s32 v23, v24  }
0x352: {  	v24 =	vadd.s32 v38, v24  }
0x353: {  	(xrf0) =	vadd.scan.msk.s32 $0xffff, v24;
	_ =	sdelay $0x5  }
0x354: {  	v25, _, _ =	vpop (xrf0)  }
0x355: {  	v27 =	vadd.s32 v26, v21;
	(v2sf) =	vpush v25, $0xF  }
0x356: {  	v27 =	vadd.s32 v20, v27  }
0x357: {  	v27 =	vadd.s32 v34, v27  }
0x358: {  	(xrf0) =	vadd.scan.msk.s32 $0xffff, v27  }
0x359: {  	[tilespmem:v59+s10+$0x0] =	vst.idx.msk @p2 $0xffff, v54  }
0x35a: {  	[tilespmem:v56+s10+$0x0] =	vst.idx.msk @p1 $0xffff, v47;
	v29 =	vadd.s32 @p2 v60, v54;
	v30 =	vadd.s32 @p1 v43, v44  }
0x35b: {  	v28 =	vmov @p1 v58;
	[tilespmem:v61+s10+$0x0] =	vst.idx.msk @p1 $0xffff, v44;
	v31 =	vadd.s32 @p1 v48, v30;
	s17 =	spop @p1 (v2sf)  }
0x35c: {  	[tilespmem:v63+s10+$0x0] =	vst.idx.msk @p2 $0xffff, v29;
	v28 =	vpsel p1, v28, v0;
	s16 =	sadd.s32 @p1 s16, s17  }
0x35d: {  	[tilespmem:v62+s10+$0x0] =	vst.idx.msk @p1 $0xffff, v30;
	v29 =	vmov @p1 v51;
	v30 =	vadd.s32 @p1 s16, v57  }
0x35e: {  	v33 =	vmov @p1 v50;
	[tilespmem:v52+s10+$0x0] =	vst.idx.msk @p1 $0xffff, v31;
	v31 =	vmov @p1 v42;
	s17 =	spop @p1 (v2sf);
	v29 =	vadd.s32 @p1 v29, v30;
	v63, _, _ =	vpop (xrf0)  }
0x35f: {  	s16 =	sadd.s32 @p1 s16, s17;
	[tilespmem:v49+s10+$0x0] =	vst.idx.msk @p1 $0xffff, v30;
	v30 =	vadd.s32 @p1 v31, v29;
	v31 =	vpsel p1, v33, v0;
	(v2sf) =	vpush v63, $0xF  }
0x360: {  	s15 =	smov.u32 @p1 s16;
	[tilespmem:v45+s10+$0x0] =	vst.idx.msk @p1 $0xffff, v29;
	v24 =	vsub.s32 v25, v24;
	v25 =	vpsel p1, v30, v0  }
0x361: {  	v24 =	vadd.s32 s15, v24;
	[tilespmem:v28+s10+$0x0] =	vst.idx.msk @p1 $0xffff, v25  }
0x362: {  	v18 =	vpsel p1, v18, v0;
	v16 =	vadd.s32 v16, v24;
	[tilespmem:v14+s10+$0x0] =	vst.idx.msk $0xffff, v24  }
0x363: {  	v14 =	vadd.s32 @p1 v18, v25;
	[tilespmem:v15+s10+$0x0] =	vst.idx.msk $0xffff, v16  }
0x364: {  	v15 =	vadd.s32 v22, v16;
	[tilespmem:v31+s10+$0x0] =	vst.idx.msk @p1 $0xffff, v14;
	s25 =	spop (v2sf)  }
0x365: {  	s26 =	simm.s32 $0x0;
	v16 =	vadd.s32 v23, v15;
	[tilespmem:v39+s10+$0x0] =	vst.idx.msk $0xffff, v15;
	v14 =	vsub.s32 v63, v27;
	s15 =	sadd.s32 s15, s25  }
0x366: {  	v15 =	vor.u32 s26, v3;
	[tilespmem:v35+s10+$0x0] =	vst.idx.msk $0xffff, v16;
	v14 =	vadd.s32 s15, v14  }
0x367: {  	s28 =	simm.s32 $0x100;
	[tilespmem:v32+s10+$0x0] =	vst.idx.msk $0xffff, v14;
	v14 =	vadd.s32 v26, v14  }
0x368: {  	v16 =	vor.u32 s28, v3;
	[tilespmem:v19+s10+$0x0] =	vst.idx.msk $0xffff, v14;
	v14 =	vadd.s32 v21, v14  }
0x369: {  	p1 =	por $0x1, $0x1;
	[tilespmem:v13+s10+$0x0] =	vst.idx.msk $0xffff, v14;
	v13 =	vadd.s32 v20, v14  }
.Ltmp26:
0x36a: {  	[tilespmem:v17+s10+$0x0] =	vst.idx.msk $0xffff, v13;
	(pc) =	sbr.rel @!p1 .LBB2_49-.Ltmp26, $4  }
0x36b: {  	v14 =	vld.idx.msk [tilespmem:v15+s9+$0x0], $0xffff  }
0x36c: {  	v15 =	vld.idx.msk [tilespmem:v15+s11+$0x0], $0xffff  }
0x36d: {  	s29 =	simm.s32 $0x200;
	s30 =	simm.s32 $0x300;
	v13 =	vld.idx.msk [tilespmem:v16+s9+$0x0], $0xffff  }
0x36e: {  	s15 =	simm.s32 $0x1;
	v21 =	vor.u32 s29, v3;
	v20 =	vor.u32 s30, v3;
	s31 =	spop (v2sf);
	v16 =	vld.idx.msk [tilespmem:v16+s11+$0x0], $0xffff  }
0x36f: {  	_ =	sdelay $0x3  }
0x370: {  	v23 =	vld.idx.msk [tilespmem:v21+s9+$0x0], $0xffff;
	v17 =	vshrl.u32 v14, $0xA  }
0x371: {  	v17 =	vand.u32 $0x3FC0, v17  }
0x372: {  	v24 =	vor.u32 v1, v17  }
0x373: {  	v18 =	vshrl.u32 v13, $0xA  }
0x374: {  	v18 =	vand.u32 $0x3FC0, v18  }
0x375: {  	v25 =	vor.u32 v5, v18;
	v18 =	vshrl.u32 v23, $0xA  }
0x376: {  	v17 =	vld.idx.msk [tilespmem:v20+s9+$0x0], $0xffff;
	v18 =	vand.u32 $0x3FC0, v18  }
0x377: {  	v26 =	vor.u32 v6, v18;
	v22 =	vld.idx.msk [tilespmem:v24+s10+$0x0], $0xffff;
	_ =	sdelay $0x2  }
0x378: {  	v27 =	vld.idx.msk [tilespmem:v25+s10+$0x0], $0xffff  }
0x379: {  	v18 =	vshrl.u32 v17, $0xA  }
0x37a: {  	v18 =	vand.u32 $0x3FC0, v18;
	v29 =	vld.idx.msk [tilespmem:v26+s10+$0x0], $0xffff  }
0x37b: {  	v19 =	vor.u32 v7, v18;
	_ =	sdelay $0x1  }
0x37c: {  	v28 =	vor.u32 s15, v3;
	v21 =	vld.idx.msk [tilespmem:v21+s11+$0x0], $0xffff;
	[tilespmem:v22+s12+$0x0] =	vst.idx.msk $0xffff, v14  }
0x37d: {  	v18 =	vld.idx.msk [tilespmem:v20+s11+$0x0], $0xffff;
	[tilespmem:v22+s13+$0x0] =	vst.idx.msk $0xffff, v15  }
0x37e: {  	s30 =	simm.s32 $0x101;
	[tilespmem:v24+s10+$0x0] =	vst.idx.add.s32.msk $0xffff, v4  }
0x37f: {  	v20 =	vor.u32 s30, v3;
	v22 =	vld.idx.msk [tilespmem:v19+s10+$0x0], $0xffff;
	[tilespmem:v27+s12+$0x0] =	vst.idx.msk $0xffff, v13  }
0x380: {  	[tilespmem:v27+s13+$0x0] =	vst.idx.msk $0xffff, v16  }
0x381: {  	p1 =	por $0x1, $0x1;
	s31 =	simm.s32 $0x201;
	v14 =	vld.idx.msk [tilespmem:v28+s9+$0x0], $0xffff;
	[tilespmem:v29+s12+$0x0] =	vst.idx.msk $0xffff, v23  }
.Ltmp27:
0x382: {  	v15 =	vld.idx.msk [tilespmem:v28+s11+$0x0], $0xffff;
	[tilespmem:v29+s13+$0x0] =	vst.idx.msk $0xffff, v21;
	v21 =	vor.u32 s31, v3;
	(pc) =	sbr.rel @!p1 .LBB2_52-.Ltmp27, $4  }
0x383: {  	[tilespmem:v25+s10+$0x0] =	vst.idx.add.s32.msk $0xffff, v4  }
0x384: {  	s16 =	simm.s32 $0x301;
	v13 =	vld.idx.msk [tilespmem:v20+s9+$0x0], $0xffff  }
0x385: {  	v16 =	vld.idx.msk [tilespmem:v20+s11+$0x0], $0xffff;
	v20 =	vor.u32 s16, v3  }
0x386: {  	s15 =	simm.s32 $0x2;
	p0 =	por $0x1, $0x1;
	[tilespmem:v26+s10+$0x0] =	vst.idx.add.s32.msk $0xffff, v4  }
.LBB2_51:
0x387: {  	p1 =	sne.s32 s15, $0xFF;
	v23 =	vshrl.u32 v14, $0xA;
	v24 =	vld.idx.msk [tilespmem:v21+s9+$0x0], $0xffff;
	[tilespmem:v22+s12+$0x0] =	vst.idx.msk $0xffff, v17  }
0x388: {  	v17 =	vand.u32 $0x3FC0, v23;
	v23 =	vld.idx.msk [tilespmem:v21+s11+$0x0], $0xffff;
	[tilespmem:v22+s13+$0x0] =	vst.idx.msk $0xffff, v18  }
0x389: {  	v21 =	vor.u32 v1, v17;
	[tilespmem:v19+s10+$0x0] =	vst.idx.add.s32.msk $0xffff, v4  }
0x38a: {  	v18 =	vshrl.u32 v13, $0xA;
	v17 =	vld.idx.msk [tilespmem:v20+s9+$0x0], $0xffff  }
0x38b: {  	v19 =	vand.u32 $0x3FC0, v18;
	v18 =	vld.idx.msk [tilespmem:v20+s11+$0x0], $0xffff  }
0x38c: {  	v20 =	vor.u32 v5, v19  }
0x38d: {  	v19 =	vshrl.u32 v24, $0xA  }
0x38e: {  	v19 =	vand.u32 $0x3FC0, v19;
	v22 =	vld.idx.msk [tilespmem:v21+s10+$0x0], $0xffff  }
0x38f: {  	v25 =	vor.u32 v6, v19  }
0x390: {  	v19 =	vshrl.u32 v17, $0xA  }
0x391: {  	v19 =	vand.u32 $0x3FC0, v19;
	v26 =	vld.idx.msk [tilespmem:v20+s10+$0x0], $0xffff  }
0x392: {  	v19 =	vor.u32 v7, v19;
	_ =	sdelay $0x1  }
0x393: {  	v27 =	vor.u32 s15, v3;
	v28 =	vld.idx.msk [tilespmem:v25+s10+$0x0], $0xffff;
	_ =	sdelay $0x1  }
0x394: {  	s16 =	sadd.s32 $0x100, s15;
	[tilespmem:v22+s12+$0x0] =	vst.idx.msk $0xffff, v14  }
0x395: {  	v29 =	vor.u32 s16, v3;
	[tilespmem:v22+s13+$0x0] =	vst.idx.msk $0xffff, v15;
	v22 =	vld.idx.msk [tilespmem:v19+s10+$0x0], $0xffff  }
0x396: {  	[tilespmem:v21+s10+$0x0] =	vst.idx.add.s32.msk $0xffff, v4  }
0x397: {  	s16 =	sadd.s32 $0x200, s15;
	v14 =	vld.idx.msk [tilespmem:v27+s9+$0x0], $0xffff;
	[tilespmem:v26+s12+$0x0] =	vst.idx.msk $0xffff, v13  }
.Ltmp28:
0x398: {  	v21 =	vor.u32 s16, v3;
	v15 =	vld.idx.msk [tilespmem:v27+s11+$0x0], $0xffff;
	[tilespmem:v26+s13+$0x0] =	vst.idx.msk $0xffff, v16;
	(pc) =	sbr.rel @p1 .LBB2_51-.Ltmp28, $4  }
0x399: {  	[tilespmem:v20+s10+$0x0] =	vst.idx.add.s32.msk $0xffff, v4  }
0x39a: {  	s16 =	sadd.s32 $0x300, s15;
	v13 =	vld.idx.msk [tilespmem:v29+s9+$0x0], $0xffff;
	[tilespmem:v28+s12+$0x0] =	vst.idx.msk $0xffff, v24  }
0x39b: {  	v20 =	vor.u32 s16, v3;
	v16 =	vld.idx.msk [tilespmem:v29+s11+$0x0], $0xffff;
	[tilespmem:v28+s13+$0x0] =	vst.idx.msk $0xffff, v23  }
0x39c: {  	s15 =	sadd.s32 $0x1, s15;
	[tilespmem:v25+s10+$0x0] =	vst.idx.add.s32.msk $0xffff, v4  }
.LBB2_52:
0x39d: {  	_ =	sdelay $0x2  }
0x39e: {  	v23 =	vshrl.u32 v14, $0xA  }
0x39f: {  	v24 =	vld.idx.msk [tilespmem:v21+s9+$0x0], $0xffff;
	[tilespmem:v22+s12+$0x0] =	vst.idx.msk @p0 $0xffff, v17;
	v59 =	vand.u32 $0x3FC0, v23  }
0x3a0: {  	[tilespmem:v22+s13+$0x0] =	vst.idx.msk @p0 $0xffff, v18;
	v17 =	vor.u32 v1, v59  }
0x3a1: {  	[tilespmem:v19+s10+$0x0] =	vst.idx.add.s32.msk @p0 $0xffff, v4;
	v60 =	vshrl.u32 v13, $0xA  }
0x3a2: {  	v19 =	vld.idx.msk [tilespmem:v20+s9+$0x0], $0xffff;
	v18 =	vand.u32 $0x3FC0, v60  }
0x3a3: {  	v18 =	vor.u32 v5, v18  }
0x3a4: {  	v61 =	vshrl.u32 v24, $0xA  }
0x3a5: {  	v22 =	vand.u32 $0x3FC0, v61;
	v62 =	vld.idx.msk [tilespmem:v17+s10+$0x0], $0xffff  }
0x3a6: {  	v22 =	vor.u32 v6, v22  }
0x3a7: {  	v25 =	vshrl.u32 v19, $0xA  }
0x3a8: {  	v26 =	vld.idx.msk [tilespmem:v18+s10+$0x0], $0xffff;
	v25 =	vand.u32 $0x3FC0, v25  }
0x3a9: {  	v25 =	vor.u32 v7, v25;
	_ =	sdelay $0x1  }
0x3aa: {  	v27 =	vld.idx.msk [tilespmem:v22+s10+$0x0], $0xffff;
	_ =	sdelay $0x1  }
0x3ab: {  	v63 =	vld.idx.msk [tilespmem:v21+s11+$0x0], $0xffff;
	[tilespmem:v62+s12+$0x0] =	vst.idx.msk $0xffff, v14  }
0x3ac: {  	v14 =	vld.idx.msk [tilespmem:v25+s10+$0x0], $0xffff;
	[tilespmem:v62+s13+$0x0] =	vst.idx.msk $0xffff, v15  }
0x3ad: {  	[tilespmem:v17+s10+$0x0] =	vst.idx.add.s32.msk $0xffff, v4  }
0x3ae: {  	[tilespmem:v26+s12+$0x0] =	vst.idx.msk $0xffff, v13  }
0x3af: {  	v13 =	vld.idx.msk [tilespmem:v20+s11+$0x0], $0xffff;
	[tilespmem:v26+s13+$0x0] =	vst.idx.msk $0xffff, v16  }
0x3b0: {  	[tilespmem:v18+s10+$0x0] =	vst.idx.add.s32.msk $0xffff, v4  }
0x3b1: {  	[tilespmem:v27+s12+$0x0] =	vst.idx.msk $0xffff, v24  }
0x3b2: {  	[tilespmem:v27+s13+$0x0] =	vst.idx.msk $0xffff, v63  }
0x3b3: {  	[tilespmem:v22+s10+$0x0] =	vst.idx.add.s32.msk $0xffff, v4  }
0x3b4: {  	[tilespmem:v14+s12+$0x0] =	vst.idx.msk $0xffff, v19  }
0x3b5: {  	[tilespmem:v14+s13+$0x0] =	vst.idx.msk $0xffff, v13  }
0x3b6: {  	s16 =	simm.s32 $0x18020;
	[tilespmem:v25+s10+$0x0] =	vst.idx.add.s32.msk $0xffff, v4  }
0x3b7: {  	[tilespmem:s16+$0xFFFFFFE0] =	vst v2  }
0x3b8: {  	[tilespmem:s16+$0x10] =	vst v2  }
0x3b9: {  	s15 =	simm.s32 $0x0;
	[tilespmem:s16+$0x0] =	vst v2  }
.LBB2_53:
0x3ba: {  	s15 =	sadd.s32 $0x4, s15  }
0x3bb: {  	[tilespmem:s16+$0xFFFFFFF0] =	vst v2;
	s16 =	sadd.s32 $0x40, s16;
	p0 =	slt.u32 s15, $0x3FC  }
.Ltmp29:
0x3bc: {  	[tilespmem:s16+$0xFFFFFFE0] =	vst v2;
	(pc) =	sbr.rel @p0 .LBB2_53-.Ltmp29, $3  }
0x3bd: {  	_ =	sdelay $0x1  }
0x3be: {  	[tilespmem:s16+$0x10] =	vst v2  }
0x3bf: {  	[tilespmem:s16+$0x0] =	vst v2  }
0x3c0: {  	s15 =	simm.s32 $0x0  }
0x3c1: {  	v13 =	vor.u32 s15, v3  }
0x3c2: {  	[tilespmem:s16+$0xFFFFFFF0] =	vst v2;
	s16 =	simm.s32 $0x2  }
0x3c3: {  	v15 =	vor.u32 s16, v3  }
0x3c4: {  	s17 =	simm.s32 $0x1  }
0x3c5: {  	v14 =	vor.u32 s17, v3  }
0x3c6: {  	v13 =	vld.idx.msk [tilespmem:v13+s12+$0x0], $0xffff;
	_ =	sdelay $0x1  }
0x3c7: {  	v15 =	vld.idx.msk [tilespmem:v15+s12+$0x0], $0xffff  }
0x3c8: {  	s29 =	simm.s32 $0x3  }
0x3c9: {  	v17 =	vor.u32 s29, v3;
	v14 =	vld.idx.msk [tilespmem:v14+s12+$0x0], $0xffff  }
0x3ca: {  	v13 =	vshrl.u32 v13, $0x12  }
0x3cb: {  	v13 =	vand.u32 $0x3FC0, v13  }
0x3cc: {  	s28 =	simm.s32 $0x100;
	v15 =	vshrl.u32 v15, $0x12;
	v13 =	vor.u32 v1, v13  }
0x3cd: {  	v16 =	vor.u32 s28, v3;
	v15 =	vand.u32 $0x3FC0, v15  }
0x3ce: {  	s17 =	simm.s32 $0x4;
	v17 =	vld.idx.msk [tilespmem:v17+s12+$0x0], $0xffff;
	v14 =	vshrl.u32 v14, $0x12;
	v15 =	vor.u32 v1, v15  }
0x3cf: {  	v18 =	vor.u32 s17, v3;
	v14 =	vand.u32 $0x3FC0, v14  }
0x3d0: {  	s30 =	simm.s32 $0x101;
	v14 =	vor.u32 v1, v14  }
0x3d1: {  	[tilespmem:v13+s10+$0x0] =	vst.idx.add.s32.msk $0xffff, v4;
	v13 =	vor.u32 s30, v3  }
0x3d2: {  	v16 =	vld.idx.msk [tilespmem:v16+s12+$0x0], $0xffff  }
0x3d3: {  	[tilespmem:v15+s10+$0x0] =	vst.idx.add.s32.msk $0xffff, v4;
	v15 =	vshrl.u32 v17, $0x12  }
0x3d4: {  	v18 =	vld.idx.msk [tilespmem:v18+s12+$0x0], $0xffff;
	v15 =	vand.u32 $0x3FC0, v15  }
0x3d5: {  	s18 =	simm.s32 $0x102;
	[tilespmem:v14+s10+$0x0] =	vst.idx.add.s32.msk $0xffff, v4;
	v15 =	vor.u32 v1, v15  }
0x3d6: {  	v14 =	vor.u32 s18, v3;
	v13 =	vld.idx.msk [tilespmem:v13+s12+$0x0], $0xffff  }
0x3d7: {  	v16 =	vshrl.u32 v16, $0x12  }
0x3d8: {  	v16 =	vand.u32 $0x3FC0, v16  }
0x3d9: {  	v18 =	vshrl.u32 v18, $0x12;
	s18 =	simm.s32 $0x6;
	v16 =	vor.u32 v5, v16  }
0x3da: {  	s31 =	simm.s32 $0x200;
	[tilespmem:v15+s10+$0x0] =	vst.idx.add.s32.msk $0xffff, v4;
	v15 =	vand.u32 $0x3FC0, v18;
	v18 =	vor.u32 s18, v3  }
0x3db: {  	s19 =	simm.s32 $0x5;
	v17 =	vor.u32 s31, v3;
	v14 =	vld.idx.msk [tilespmem:v14+s12+$0x0], $0xffff;
	v13 =	vshrl.u32 v13, $0x12  }
0x3dc: {  	v19 =	vor.u32 s19, v3;
	v13 =	vand.u32 $0x3FC0, v13  }
0x3dd: {  	s19 =	simm.s32 $0x201;
	v13 =	vor.u32 v5, v13  }
0x3de: {  	[tilespmem:v16+s10+$0x0] =	vst.idx.add.s32.msk $0xffff, v4;
	v16 =	vor.u32 s19, v3  }
0x3df: {  	s20 =	simm.s32 $0x103;
	v18 =	vld.idx.msk [tilespmem:v18+s12+$0x0], $0xffff  }
0x3e0: {  	v20 =	vor.u32 s20, v3;
	v14 =	vshrl.u32 v14, $0x12;
	v17 =	vld.idx.msk [tilespmem:v17+s12+$0x0], $0xffff  }
0x3e1: {  	v19 =	vld.idx.msk [tilespmem:v19+s12+$0x0], $0xffff;
	v15 =	vor.u32 v1, v15;
	v14 =	vand.u32 $0x3FC0, v14  }
0x3e2: {  	s22 =	simm.s32 $0x104;
	v14 =	vor.u32 v5, v14;
	[tilespmem:v13+s10+$0x0] =	vst.idx.add.s32.msk $0xffff, v4  }
0x3e3: {  	s21 =	simm.s32 $0x7;
	v13 =	vld.idx.msk [tilespmem:v16+s12+$0x0], $0xffff;
	v16 =	vor.u32 s22, v3  }
0x3e4: {  	s23 =	simm.s32 $0x202;
	v21 =	vor.u32 s21, v3;
	v18 =	vshrl.u32 v18, $0x12  }
0x3e5: {  	v22 =	vor.u32 s23, v3;
	v20 =	vld.idx.msk [tilespmem:v20+s12+$0x0], $0xffff;
	v18 =	vand.u32 $0x3FC0, v18;
	v17 =	vshrl.u32 v17, $0x12  }
0x3e6: {  	[tilespmem:v15+s10+$0x0] =	vst.idx.add.s32.msk $0xffff, v4;
	v18 =	vor.u32 v1, v18;
	v17 =	vand.u32 $0x3FC0, v17  }
0x3e7: {  	s24 =	simm.s32 $0x300;
	v19 =	vshrl.u32 v19, $0x12;
	[tilespmem:v14+s10+$0x0] =	vst.idx.add.s32.msk $0xffff, v4;
	v14 =	vor.u32 v6, v17  }
0x3e8: {  	v19 =	vand.u32 $0x3FC0, v19;
	v15 =	vld.idx.msk [tilespmem:v16+s12+$0x0], $0xffff;
	v16 =	vor.u32 s24, v3;
	v13 =	vshrl.u32 v13, $0x12  }
0x3e9: {  	v21 =	vld.idx.msk [tilespmem:v21+s12+$0x0], $0xffff;
	v17 =	vor.u32 v1, v19;
	v13 =	vand.u32 $0x3FC0, v13  }
0x3ea: {  	s20 =	simm.s32 $0x105;
	v22 =	vld.idx.msk [tilespmem:v22+s12+$0x0], $0xffff;
	v19 =	vshrl.u32 v20, $0x12;
	v13 =	vor.u32 v6, v13  }
0x3eb: {  	v20 =	vor.u32 s20, v3;
	v19 =	vand.u32 $0x3FC0, v19;
	[tilespmem:v18+s10+$0x0] =	vst.idx.add.s32.msk $0xffff, v4  }
0x3ec: {  	s25 =	simm.s32 $0x203;
	v19 =	vor.u32 v5, v19;
	[tilespmem:v14+s10+$0x0] =	vst.idx.add.s32.msk $0xffff, v4  }
0x3ed: {  	s28 =	simm.s32 $0x301;
	v14 =	vor.u32 s25, v3;
	v16 =	vld.idx.msk [tilespmem:v16+s12+$0x0], $0xffff;
	v15 =	vshrl.u32 v15, $0x12  }
0x3ee: {  	v23 =	vor.u32 s28, v3;
	[tilespmem:v17+s10+$0x0] =	vst.idx.add.s32.msk $0xffff, v4;
	v15 =	vand.u32 $0x3FC0, v15  }
0x3ef: {  	s19 =	simm.s32 $0x8;
	[tilespmem:v13+s10+$0x0] =	vst.idx.add.s32.msk $0xffff, v4;
	v13 =	vor.u32 v5, v15  }
0x3f0: {  	s26 =	simm.s32 $0x9;
	v20 =	vld.idx.msk [tilespmem:v20+s12+$0x0], $0xffff;
	v15 =	vor.u32 s19, v3  }
0x3f1: {  	s29 =	simm.s32 $0x106;
	v17 =	vor.u32 s26, v3;
	[tilespmem:v19+s10+$0x0] =	vst.idx.add.s32.msk $0xffff, v4  }
0x3f2: {  	s30 =	simm.s32 $0x204;
	v19 =	vor.u32 s29, v3;
	v14 =	vld.idx.msk [tilespmem:v14+s12+$0x0], $0xffff;
	v16 =	vshrl.u32 v16, $0x12  }
0x3f3: {  	v21 =	vshrl.u32 v21, $0x12;
	v24 =	vor.u32 s30, v3;
	v25 =	vld.idx.msk [tilespmem:v23+s12+$0x0], $0xffff;
	v16 =	vand.u32 $0x3FC0, v16  }
0x3f4: {  	[tilespmem:v13+s10+$0x0] =	vst.idx.add.s32.msk $0xffff, v4;
	v13 =	vor.u32 v7, v16;
	v16 =	vand.u32 $0x3FC0, v21;
	v21 =	vshrl.u32 v22, $0x12  }
0x3f5: {  	v22 =	vld.idx.msk [tilespmem:v15+s12+$0x0], $0xffff;
	v15 =	vor.u32 v1, v16;
	v16 =	vand.u32 $0x3FC0, v21  }
0x3f6: {  	s21 =	simm.s32 $0x107;
	v17 =	vld.idx.msk [tilespmem:v17+s12+$0x0], $0xffff;
	v21 =	vor.u32 v6, v16  }
0x3f7: {  	s31 =	simm.s32 $0x302;
	v23 =	vor.u32 s21, v3;
	v20 =	vshrl.u32 v20, $0x12;
	v18 =	vld.idx.msk [tilespmem:v19+s12+$0x0], $0xffff;
	v19 =	vshrl.u32 v14, $0x12  }
0x3f8: {  	v14 =	vld.idx.msk [tilespmem:v24+s12+$0x0], $0xffff;
	v16 =	vand.u32 $0x3FC0, v20;
	v20 =	vor.u32 s31, v3;
	v19 =	vand.u32 $0x3FC0, v19  }
0x3f9: {  	s20 =	simm.s32 $0xA;
	v16 =	vor.u32 v5, v16;
	v19 =	vor.u32 v6, v19;
	[tilespmem:v13+s10+$0x0] =	vst.idx.add.s32.msk $0xffff, v4;
	v13 =	vshrl.u32 v25, $0x12  }
.LBB2_55:
0x3fa: {  	s21 =	sadd.s32 $0x1, s20  }
0x3fb: {  	v24 =	vor.u32 s20, v3;
	p0 =	slt.u32 s20, $0xFE;
	[tilespmem:v21+s10+$0x0] =	vst.idx.add.s32.msk $0xffff, v4;
	v13 =	vand.u32 $0x3FC0, v13;
	s22 =	smov.u32 s20;
	s20 =	sadd.s32 $0x2, s20  }
0x3fc: {  	v17 =	vshrl.u32 v17, $0x12;
	v21 =	vor.u32 s21, v3;
	[tilespmem:v15+s10+$0x0] =	vst.idx.add.s32.msk $0xffff, v4;
	s21 =	sadd.s32 $0x201, s17;
	v13 =	vor.u32 v7, v13  }
0x3fd: {  	v15 =	vshrl.u32 v22, $0x12;
	v17 =	vand.u32 $0x3FC0, v17;
	v22 =	vor.u32 s21, v3;
	v20 =	vld.idx.msk [tilespmem:v20+s12+$0x0], $0xffff;
	s21 =	sadd.s32 $0x301, s16;
	s16 =	smov.u32 s17;
	s17 =	smov.u32 s18  }
0x3fe: {  	v25 =	vand.u32 $0x3FC0, v15;
	v15 =	vor.u32 v1, v17;
	v17 =	vshrl.u32 v18, $0x12;
	s18 =	smov.u32 s19;
	s19 =	smov.u32 s22;
	v18 =	vld.idx.msk [tilespmem:v23+s12+$0x0], $0xffff  }
0x3ff: {  	v23 =	vor.u32 v1, v25;
	v17 =	vand.u32 $0x3FC0, v17;
	[tilespmem:v19+s10+$0x0] =	vst.idx.add.s32.msk $0xffff, v4;
	v19 =	vor.u32 s21, v3  }
0x400: {  	v14 =	vshrl.u32 v14, $0x12;
	v25 =	vor.u32 v5, v17;
	[tilespmem:v16+s10+$0x0] =	vst.idx.add.s32.msk $0xffff, v4  }
0x401: {  	v14 =	vand.u32 $0x3FC0, v14;
	[tilespmem:v13+s10+$0x0] =	vst.idx.add.s32.msk $0xffff, v4  }
0x402: {  	s21 =	sadd.s32 $0x100, s18;
	v13 =	vld.idx.msk [tilespmem:v22+s12+$0x0], $0xffff  }
0x403: {  	v16 =	vor.u32 s21, v3;
	s21 =	sadd.s32 $0x200, s17;
	v20 =	vshrl.u32 v20, $0x12;
	v17 =	vld.idx.msk [tilespmem:v21+s12+$0x0], $0xffff  }
0x404: {  	v26 =	vor.u32 s21, v3;
	v20 =	vand.u32 $0x3FC0, v20;
	v27 =	vld.idx.msk [tilespmem:v19+s12+$0x0], $0xffff  }
0x405: {  	[tilespmem:v25+s10+$0x0] =	vst.idx.add.s32.msk $0xffff, v4;
	v25 =	vor.u32 v7, v20  }
.Ltmp30:
0x406: {  	v18 =	vshrl.u32 v18, $0x12;
	v21 =	vor.u32 v6, v14;
	v22 =	vld.idx.msk [tilespmem:v24+s12+$0x0], $0xffff;
	(pc) =	sbr.rel @p0 .LBB2_55-.Ltmp30, $4  }
0x407: {  	s21 =	sadd.s32 $0x300, s16;
	v14 =	vand.u32 $0x3FC0, v18;
	[tilespmem:v23+s10+$0x0] =	vst.idx.add.s32.msk $0xffff, v4  }
0x408: {  	s22 =	sadd.s32 $0x101, s18;
	v20 =	vor.u32 s21, v3;
	v13 =	vshrl.u32 v13, $0x12;
	v18 =	vld.idx.msk [tilespmem:v16+s12+$0x0], $0xffff;
	v16 =	vor.u32 v5, v14  }
0x409: {  	v23 =	vor.u32 s22, v3;
	v13 =	vand.u32 $0x3FC0, v13;
	v14 =	vld.idx.msk [tilespmem:v26+s12+$0x0], $0xffff  }
0x40a: {  	v19 =	vor.u32 v6, v13;
	v13 =	vshrl.u32 v27, $0x12;
	[tilespmem:v25+s10+$0x0] =	vst.idx.add.s32.msk $0xffff, v4  }
0x40b: {  	v22 =	vshrl.u32 v22, $0x12  }
0x40c: {  	v17 =	vshrl.u32 v17, $0x12;
	v22 =	vand.u32 $0x3FC0, v22  }
0x40d: {  	v17 =	vand.u32 $0x3FC0, v17;
	v22 =	vor.u32 v1, v22  }
0x40e: {  	s20 =	sadd.s32 $0x100, s19;
	v17 =	vor.u32 v1, v17  }
0x40f: {  	s30 =	sadd.s32 $0x101, s19;
	v24 =	vor.u32 s20, v3  }
0x410: {  	[tilespmem:v15+s10+$0x0] =	vst.idx.add.s32.msk $0xffff, v4;
	v15 =	vor.u32 s30, v3  }
0x411: {  	v23 =	vld.idx.msk [tilespmem:v23+s12+$0x0], $0xffff  }
0x412: {  	[tilespmem:v22+s10+$0x0] =	vst.idx.add.s32.msk $0xffff, v4  }
0x413: {  	[tilespmem:v17+s10+$0x0] =	vst.idx.add.s32.msk $0xffff, v4  }
0x414: {  	v18 =	vshrl.u32 v18, $0x12;
	v22 =	vld.idx.msk [tilespmem:v24+s12+$0x0], $0xffff  }
0x415: {  	v18 =	vand.u32 $0x3FC0, v18;
	v15 =	vld.idx.msk [tilespmem:v15+s12+$0x0], $0xffff  }
0x416: {  	s31 =	sadd.s32 $0x201, s17;
	v18 =	vor.u32 v5, v18  }
0x417: {  	s21 =	sadd.s32 $0x200, s18;
	v56 =	vshrl.u32 v23, $0x12;
	v17 =	vor.u32 s31, v3  }
0x418: {  	[tilespmem:v21+s10+$0x0] =	vst.idx.add.s32.msk $0xffff, v4;
	v57 =	vor.u32 s21, v3;
	v21 =	vand.u32 $0x3FC0, v56  }
0x419: {  	[tilespmem:v19+s10+$0x0] =	vst.idx.add.s32.msk $0xffff, v4;
	s22 =	sadd.s32 $0x201, s18;
	v19 =	vor.u32 v5, v21;
	v58 =	vshrl.u32 v22, $0x12  }
0x41a: {  	[tilespmem:v16+s10+$0x0] =	vst.idx.add.s32.msk $0xffff, v4;
	v16 =	vor.u32 s22, v3;
	v15 =	vshrl.u32 v15, $0x12;
	v21 =	vand.u32 $0x3FC0, v58  }
0x41b: {  	[tilespmem:v18+s10+$0x0] =	vst.idx.add.s32.msk $0xffff, v4;
	v15 =	vand.u32 $0x3FC0, v15;
	v21 =	vor.u32 v5, v21  }
0x41c: {  	s23 =	sadd.s32 $0x200, s19;
	v17 =	vld.idx.msk [tilespmem:v17+s12+$0x0], $0xffff;
	v15 =	vor.u32 v5, v15  }
0x41d: {  	s24 =	sadd.s32 $0x201, s19;
	v18 =	vor.u32 s23, v3;
	v59 =	vld.idx.msk [tilespmem:v57+s12+$0x0], $0xffff  }
0x41e: {  	v14 =	vshrl.u32 v14, $0x12;
	[tilespmem:v19+s10+$0x0] =	vst.idx.add.s32.msk $0xffff, v4;
	v19 =	vor.u32 s24, v3  }
0x41f: {  	v14 =	vand.u32 $0x3FC0, v14;
	v16 =	vld.idx.msk [tilespmem:v16+s12+$0x0], $0xffff  }
0x420: {  	s16 =	sadd.s32 $0x301, s16;
	v14 =	vor.u32 v6, v14;
	[tilespmem:v21+s10+$0x0] =	vst.idx.add.s32.msk $0xffff, v4  }
0x421: {  	s25 =	sadd.s32 $0x300, s17;
	v60 =	vor.u32 s16, v3;
	v17 =	vshrl.u32 v17, $0x12;
	[tilespmem:v15+s10+$0x0] =	vst.idx.add.s32.msk $0xffff, v4  }
0x422: {  	v61 =	vor.u32 s25, v3;
	v22 =	vshrl.u32 v59, $0x12;
	v17 =	vand.u32 $0x3FC0, v17;
	v18 =	vld.idx.msk [tilespmem:v18+s12+$0x0], $0xffff  }
0x423: {  	v22 =	vand.u32 $0x3FC0, v22;
	v17 =	vor.u32 v6, v17;
	v19 =	vld.idx.msk [tilespmem:v19+s12+$0x0], $0xffff  }
0x424: {  	s28 =	sadd.s32 $0x300, s18;
	v20 =	vld.idx.msk [tilespmem:v20+s12+$0x0], $0xffff;
	v22 =	vor.u32 v6, v22  }
0x425: {  	s26 =	sadd.s32 $0x301, s17;
	[tilespmem:v14+s10+$0x0] =	vst.idx.add.s32.msk $0xffff, v4;
	v14 =	vor.u32 s28, v3;
	v16 =	vshrl.u32 v16, $0x12  }
0x426: {  	v23 =	vld.idx.msk [tilespmem:v60+s12+$0x0], $0xffff;
	v15 =	vor.u32 s26, v3;
	v16 =	vand.u32 $0x3FC0, v16  }
0x427: {  	s29 =	sadd.s32 $0x301, s18;
	v21 =	vld.idx.msk [tilespmem:v61+s12+$0x0], $0xffff;
	v16 =	vor.u32 v6, v16;
	v18 =	vshrl.u32 v18, $0x12  }
0x428: {  	[tilespmem:v17+s10+$0x0] =	vst.idx.add.s32.msk $0xffff, v4;
	v17 =	vor.u32 s29, v3;
	v19 =	vshrl.u32 v19, $0x12;
	v18 =	vand.u32 $0x3FC0, v18  }
0x429: {  	[tilespmem:v22+s10+$0x0] =	vst.idx.add.s32.msk $0xffff, v4;
	v19 =	vand.u32 $0x3FC0, v19;
	v18 =	vor.u32 v6, v18  }
0x42a: {  	s30 =	sadd.s32 $0x300, s19;
	v14 =	vld.idx.msk [tilespmem:v14+s12+$0x0], $0xffff;
	v19 =	vor.u32 v6, v19  }
0x42b: {  	v62 =	vor.u32 s30, v3;
	s31 =	sadd.s32 $0x301, s19;
	v15 =	vld.idx.msk [tilespmem:v15+s12+$0x0], $0xffff  }
0x42c: {  	[tilespmem:v16+s10+$0x0] =	vst.idx.add.s32.msk $0xffff, v4;
	v16 =	vor.u32 s31, v3  }
0x42d: {  	v17 =	vld.idx.msk [tilespmem:v17+s12+$0x0], $0xffff  }
0x42e: {  	[tilespmem:v18+s10+$0x0] =	vst.idx.add.s32.msk $0xffff, v4  }
0x42f: {  	v13 =	vand.u32 $0x3FC0, v13;
	v18 =	vshrl.u32 v20, $0x12;
	[tilespmem:v19+s10+$0x0] =	vst.idx.add.s32.msk $0xffff, v4  }
0x430: {  	v13 =	vor.u32 v7, v13;
	v21 =	vshrl.u32 v21, $0x12;
	v20 =	vld.idx.msk [tilespmem:v62+s12+$0x0], $0xffff;
	v18 =	vand.u32 $0x3FC0, v18  }
0x431: {  	v21 =	vand.u32 $0x3FC0, v21;
	v14 =	vshrl.u32 v14, $0x12;
	v16 =	vld.idx.msk [tilespmem:v16+s12+$0x0], $0xffff;
	v18 =	vor.u32 v7, v18  }
0x432: {  	v21 =	vor.u32 v7, v21;
	v14 =	vand.u32 $0x3FC0, v14;
	v15 =	vshrl.u32 v15, $0x12  }
0x433: {  	v63 =	vshrl.u32 v23, $0x12;
	v14 =	vor.u32 v7, v14;
	v15 =	vand.u32 $0x3FC0, v15  }
0x434: {  	v15 =	vor.u32 v7, v15;
	v19 =	vand.u32 $0x3FC0, v63;
	v17 =	vshrl.u32 v17, $0x12  }
0x435: {  	[tilespmem:v13+s10+$0x0] =	vst.idx.add.s32.msk $0xffff, v4;
	v19 =	vor.u32 v7, v19;
	v13 =	vand.u32 $0x3FC0, v17;
	v17 =	vshrl.u32 v20, $0x12  }
0x436: {  	v16 =	vshrl.u32 v16, $0x12;
	[tilespmem:v18+s10+$0x0] =	vst.idx.add.s32.msk $0xffff, v4;
	v18 =	vor.u32 v7, v13;
	v13 =	vand.u32 $0x3FC0, v17  }
0x437: {  	[tilespmem:v21+s10+$0x0] =	vst.idx.add.s32.msk $0xffff, v4;
	v17 =	vor.u32 v7, v13;
	v13 =	vand.u32 $0x3FC0, v16  }
0x438: {  	[tilespmem:v14+s10+$0x0] =	vst.idx.add.s32.msk $0xffff, v4;
	v16 =	vor.u32 v7, v13  }
0x439: {  	[tilespmem:v15+s10+$0x0] =	vst.idx.add.s32.msk $0xffff, v4;
	v13 =	vor.u32 s15, v10  }
0x43a: {  	v33 =	vor.u32 s15, v8;
	[tilespmem:v19+s10+$0x0] =	vst.idx.add.s32.msk $0xffff, v4  }
0x43b: {  	v45 =	vor.u32 s15, v9;
	[tilespmem:v18+s10+$0x0] =	vst.idx.add.s32.msk $0xffff, v4  }
0x43c: {  	v14 =	vor.u32 s15, v1;
	[tilespmem:v17+s10+$0x0] =	vst.idx.add.s32.msk $0xffff, v4  }
0x43d: {  	v15 =	vor.u32 s15, v5;
	[tilespmem:v16+s10+$0x0] =	vst.idx.add.s32.msk $0xffff, v4  }
0x43e: {  	v37 =	vor.u32 s15, v6;
	v18 =	vld.idx.msk [tilespmem:v13+s10+$0x0], $0xffff  }
0x43f: {  	v38 =	vor.u32 s15, v7;
	v26 =	vld.idx.msk [tilespmem:v33+s10+$0x0], $0xffff  }
0x440: {  	p2 =	por $0x1, $0x1;
	v17 =	vor.u32 s15, v11;
	v42 =	vld.idx.msk [tilespmem:v45+s10+$0x0], $0xffff  }
.Ltmp31:
0x441: {  	v16 =	vld.idx.msk [tilespmem:v14+s10+$0x0], $0xffff;
	(pc) =	sbr.rel @!p2 .LBB2_57-.Ltmp31, $4  }
0x442: {  	v43 =	vld.idx.msk [tilespmem:v15+s10+$0x0], $0xffff  }
0x443: {  	v47 =	vld.idx.msk [tilespmem:v37+s10+$0x0], $0xffff  }
0x444: {  	v36 =	vld.idx.msk [tilespmem:v38+s10+$0x0], $0xffff  }
0x445: {  	p0 =	por $0x0, $0x0;
	p1 =	por $0x0, $0x0;
	s16 =	simm.s32 $0x80;
	v39 =	vld.idx.msk [tilespmem:v17+s10+$0x0], $0xffff  }
0x446: {  	_ = 	snop  }
0x447: {  	v32 =	vor.u32 s16, v10;
	v19 =	vadd.s32 v16, v43  }
0x448: {  	v24 =	vor.u32 s16, v8;
	v19 =	vadd.s32 v47, v19  }
0x449: {  	v20 =	vadd.s32 v26, v42;
	v25 =	vor.u32 s16, v9;
	v19 =	vadd.s32 v36, v19  }
0x44a: {  	v35 =	vor.u32 s16, v5;
	v20 =	vadd.s32 v18, v20;
	(xrf0) =	vadd.scan.msk.s32 $0xffff, v19  }
0x44b: {  	v34 =	vor.u32 s16, v1;
	v20 =	vadd.s32 v39, v20  }
0x44c: {  	v29 =	vor.u32 s16, v6;
	(xrf0) =	vadd.scan.msk.s32 $0xffff, v20;
	v31 =	vld.idx.msk [tilespmem:v32+s10+$0x0], $0xffff  }
0x44d: {  	v28 =	vor.u32 s16, v7;
	v40 =	vld.idx.msk [tilespmem:v24+s10+$0x0], $0xffff  }
0x44e: {  	v27 =	vor.u32 s16, v11;
	p2 =	por $0x1, $0x1;
	v30 =	vld.idx.msk [tilespmem:v25+s10+$0x0], $0xffff  }
.Ltmp32:
0x44f: {  	v55 =	vld.idx.msk [tilespmem:v35+s10+$0x0], $0xffff;
	(pc) =	sbr.rel @!p2 .LBB2_59-.Ltmp32, $4  }
0x450: {  	v54 =	vld.idx.msk [tilespmem:v34+s10+$0x0], $0xffff;
	v21, _, _ =	vpop (xrf0)  }
0x451: {  	v46 =	vld.idx.msk [tilespmem:v29+s10+$0x0], $0xffff;
	v19 =	vsub.s32 v21, v19  }
0x452: {  	v36 =	vld.idx.msk [tilespmem:v28+s10+$0x0], $0xffff;
	(v2sf) =	vpush v21, $0xF;
	v63, _, _ =	vpop (xrf0);
	v48 =	vadd.s32 s15, v19  }
0x453: {  	s16 =	simm.s32 $0x100;
	p0 =	por $0x1, $0x1;
	v39 =	vld.idx.msk [tilespmem:v27+s10+$0x0], $0xffff;
	v57 =	vsub.s32 v63, v20;
	(v2sf) =	vpush v63, $0xF;
	v44 =	vadd.s32 v16, v48  }
0x454: {  	_ =	sdelay $0x3  }
0x455: {  	v16 =	vadd.s32 v54, v55  }
0x456: {  	v51 =	vor.u32 s16, v10;
	v19 =	vadd.s32 v40, v30;
	v16 =	vadd.s32 v46, v16  }
0x457: {  	v41 =	vor.u32 s16, v8;
	v23 =	vadd.s32 v36, v16;
	v16 =	vadd.s32 v31, v19  }
0x458: {  	[tilespmem:v14+s10+$0x0] =	vst.idx.msk $0xffff, v48;
	v14 =	vor.u32 s16, v1;
	v63 =	vadd.s32 v39, v16;
	(xrf0) =	vadd.scan.msk.s32 $0xffff, v23  }
0x459: {  	[tilespmem:v15+s10+$0x0] =	vst.idx.msk $0xffff, v44;
	v15 =	vor.u32 s16, v5;
	(xrf0) =	vadd.scan.msk.s32 $0xffff, v63  }
0x45a: {  	v19 =	vor.u32 s16, v9  }
0x45b: {  	v52 =	vor.u32 s16, v6;
	v20 =	vld.idx.msk [tilespmem:v51+s10+$0x0], $0xffff  }
0x45c: {  	v50 =	vor.u32 s16, v7;
	v56 =	vld.idx.msk [tilespmem:v41+s10+$0x0], $0xffff  }
0x45d: {  	v49 =	vor.u32 s16, v11;
	v22 =	vadd.s32 v43, v44;
	p2 =	por $0x1, $0x1;
	v16 =	vld.idx.msk [tilespmem:v14+s10+$0x0], $0xffff  }
.Ltmp33:
0x45e: {  	v43 =	vadd.s32 v47, v22;
	[tilespmem:v37+s10+$0x0] =	vst.idx.msk $0xffff, v22;
	v22 =	vld.idx.msk [tilespmem:v15+s10+$0x0], $0xffff;
	v60, _, _ =	vpop (xrf0);
	s31 =	spop (v2sf);
	(pc) =	sbr.rel @!p2 .LBB2_61-.Ltmp33, $4  }
0x45f: {  	v21 =	vld.idx.msk [tilespmem:v19+s10+$0x0], $0xffff;
	v61 =	vsub.s32 v60, v23;
	v62, _, _ =	vpop (xrf0);
	(v2sf) =	vpush v60, $0xF;
	s16 =	sadd.s32 $0x0, s31;
	s17 =	spop (v2sf)  }
0x460: {  	[tilespmem:v38+s10+$0x0] =	vst.idx.msk $0xffff, v43;
	v23 =	vld.idx.msk [tilespmem:v52+s10+$0x0], $0xffff;
	v53 =	vsub.s32 v62, v63;
	(v2sf) =	vpush v62, $0xF;
	v63 =	vadd.s32 s16, v57;
	s16 =	sadd.s32 s16, s17  }
0x461: {  	v36 =	vld.idx.msk [tilespmem:v50+s10+$0x0], $0xffff;
	v48 =	vadd.s32 s16, v61;
	[tilespmem:v33+s10+$0x0] =	vst.idx.msk $0xffff, v63;
	v26 =	vadd.s32 v26, v63  }
0x462: {  	s18 =	simm.s32 $0x180;
	p1 =	por $0x1, $0x1;
	v39 =	vld.idx.msk [tilespmem:v49+s10+$0x0], $0xffff;
	s17 =	simm.s32 $0x4;
	v44 =	vadd.s32 v54, v48;
	[tilespmem:v45+s10+$0x0] =	vst.idx.msk $0xffff, v26;
	v54 =	vadd.s32 v42, v26  }
.LBB2_62:
0x463: {  	v26 =	vadd.s32 v16, v22;
	v33 =	vadd.s32 v55, v44;
	[tilespmem:v13+s10+$0x0] =	vst.idx.msk $0xffff, v54;
	v13 =	vmov v32  }
0x464: {  	s17 =	sadd.s32 $0x2, s17;
	v32 =	vmovc v51;
	v51 =	vor.u32 s18, v10;
	v37 =	vmovc v19;
	v38 =	vmov v40;
	v40 =	vmov v56  }
0x465: {  	v42 =	vor.u32 s18, v8;
	p2 =	slt.u32 s17, $0xFE;
	v26 =	vadd.s32 v23, v26;
	v43 =	vadd.s32 v40, v21;
	[tilespmem:v34+s10+$0x0] =	vst.idx.msk $0xffff, v48  }
0x466: {  	v19 =	vor.u32 s18, v9;
	v26 =	vadd.s32 v36, v26;
	v36 =	vadd.s32 v20, v43;
	[tilespmem:v35+s10+$0x0] =	vst.idx.msk $0xffff, v44  }
0x467: {  	v34 =	vmovc v14;
	v14 =	vor.u32 s18, v1;
	v43 =	vadd.s32 v18, v54;
	v39 =	vadd.s32 v39, v36;
	(xrf0) =	vadd.scan.msk.s32 $0xffff, v26  }
0x468: {  	v35 =	vmovc v15;
	v15 =	vor.u32 s18, v5;
	v36 =	vadd.s32 v46, v33;
	(xrf0) =	vadd.scan.msk.s32 $0xffff, v39;
	[tilespmem:v17+s10+$0x0] =	vst.idx.msk $0xffff, v43  }
0x469: {  	v18 =	vmovc v31;
	v31 =	vmov v20;
	[tilespmem:v29+s10+$0x0] =	vst.idx.msk $0xffff, v33;
	v29 =	vmov v52;
	v52 =	vor.u32 s18, v6;
	v20 =	vld.idx.msk [tilespmem:v51+s10+$0x0], $0xffff  }
0x46a: {  	v33 =	vmovc v30;
	v30 =	vmov v21;
	v56 =	vld.idx.msk [tilespmem:v42+s10+$0x0], $0xffff;
	[tilespmem:v28+s10+$0x0] =	vst.idx.msk $0xffff, v36;
	v28 =	vmov v50;
	v50 =	vor.u32 s18, v7  }
0x46b: {  	v55 =	vmovc v22;
	v17 =	vmovc v27;
	v27 =	vmov v49;
	v49 =	vor.u32 s18, v11;
	v43 =	vmov v16;
	v21 =	vld.idx.msk [tilespmem:v19+s10+$0x0], $0xffff  }
0x46c: {  	v46 =	vmov v23;
	v16 =	vld.idx.msk [tilespmem:v14+s10+$0x0], $0xffff  }
0x46d: {  	v22 =	vld.idx.msk [tilespmem:v15+s10+$0x0], $0xffff;
	v36, _, _ =	vpop (xrf0)  }
.Ltmp34:
0x46e: {  	v23 =	vld.idx.msk [tilespmem:v52+s10+$0x0], $0xffff;
	v26 =	vsub.s32 v36, v26;
	(v2sf) =	vpush v36, $0xF;
	v44, _, _ =	vpop (xrf0);
	s19 =	spop (v2sf);
	(pc) =	sbr.rel @p2 .LBB2_62-.Ltmp34, $4  }
0x46f: {  	v36 =	vld.idx.msk [tilespmem:v50+s10+$0x0], $0xffff;
	v45 =	vsub.s32 v44, v39;
	(v2sf) =	vpush v44, $0xF;
	s16 =	sadd.s32 s16, s19;
	s19 =	spop (v2sf)  }
0x470: {  	v39 =	vld.idx.msk [tilespmem:v49+s10+$0x0], $0xffff;
	v44 =	vadd.s32 s16, v53;
	s16 =	sadd.s32 s16, s19;
	v53 =	vmov v45  }
0x471: {  	v48 =	vadd.s32 s16, v26;
	[tilespmem:v24+s10+$0x0] =	vst.idx.msk $0xffff, v44;
	v26 =	vadd.s32 v38, v44;
	v24 =	vmovc v41;
	v41 =	vmov v42  }
0x472: {  	s18 =	sadd.s32 $0x80, s18;
	v44 =	vadd.s32 v43, v48;
	[tilespmem:v25+s10+$0x0] =	vst.idx.msk $0xffff, v26;
	v54 =	vadd.s32 v33, v26;
	v25 =	vmov v37  }
0x473: {  	v59 =	vmov v13;
	v60 =	vmov v18;
	v63 =	vmov v17  }
0x474: {  	v43 =	vmovc v55;
	v58 =	vmovc v32;
	v13 =	vmov v51;
	v51 =	vmov v40;
	v26 =	vmov v56  }
0x475: {  	v56 =	vmovc v34;
	v62 =	vmovc v35;
	v47 =	vmov v46;
	v61 =	vmov v29;
	v37 =	vmov v52  }
0x476: {  	v18 =	vmovc v31;
	v52 =	vmovc v28;
	v38 =	vmov v50;
	v42 =	vmov v30;
	v50 =	vmov v27  }
0x477: {  	v17 =	vmovc v49;
	v57 =	vmovc v53;
	v49 =	vmov v24;
	v33 =	vmov v41;
	v45 =	vmov v25  }
.LBB2_64:
0x478: {  	v24 =	vadd.s32 v16, v22  }
0x479: {  	v24 =	vadd.s32 v23, v24  }
0x47a: {  	v24 =	vadd.s32 v36, v24  }
0x47b: {  	(xrf0) =	vadd.scan.msk.s32 $0xffff, v24;
	_ =	sdelay $0x5  }
0x47c: {  	v27, _, _ =	vpop (xrf0)  }
0x47d: {  	(v2sf) =	vpush v27, $0xF;
	_ =	sdelay $0x3  }
0x47e: {  	v25 =	vadd.s32 v26, v21;
	[tilespmem:v59+s10+$0x0] =	vst.idx.msk @p1 $0xffff, v54  }
0x47f: {  	[tilespmem:v56+s10+$0x0] =	vst.idx.msk @p0 $0xffff, v48;
	v25 =	vadd.s32 v20, v25  }
0x480: {  	v30 =	vadd.s32 @p1 v60, v54;
	v31 =	vadd.s32 @p0 v43, v44;
	v25 =	vadd.s32 v39, v25  }
0x481: {  	[tilespmem:v62+s10+$0x0] =	vst.idx.msk @p0 $0xffff, v44;
	v32 =	vadd.s32 @p0 v47, v31;
	(xrf0) =	vadd.scan.msk.s32 $0xffff, v25;
	s17 =	spop @p0 (v2sf)  }
0x482: {  	v29 =	vmov @p0 v58;
	[tilespmem:v63+s10+$0x0] =	vst.idx.msk @p1 $0xffff, v30;
	s16 =	sadd.s32 @p0 s16, s17  }
0x483: {  	v29 =	vpsel p0, v29, v0;
	[tilespmem:v61+s10+$0x0] =	vst.idx.msk @p0 $0xffff, v31;
	v30 =	vmov @p0 v51;
	v31 =	vadd.s32 @p0 s16, v57  }
0x484: {  	v34 =	vmov @p0 v50;
	[tilespmem:v52+s10+$0x0] =	vst.idx.msk @p0 $0xffff, v32;
	v32 =	vmov @p0 v42;
	v30 =	vadd.s32 @p0 v30, v31  }
0x485: {  	s17 =	spop @p0 (v2sf);
	[tilespmem:v49+s10+$0x0] =	vst.idx.msk @p0 $0xffff, v31;
	v31 =	vadd.s32 @p0 v32, v30;
	v32 =	vpsel p0, v34, v0  }
0x486: {  	s16 =	sadd.s32 @p0 s16, s17  }
0x487: {  	s15 =	smov.u32 @p0 s16;
	[tilespmem:v45+s10+$0x0] =	vst.idx.msk @p0 $0xffff, v30;
	v28, _, _ =	vpop (xrf0);
	v24 =	vsub.s32 v27, v24;
	v27 =	vpsel p0, v31, v0  }
0x488: {  	v18 =	vpsel p0, v18, v0;
	(v2sf) =	vpush v28, $0xF;
	v24 =	vadd.s32 s15, v24;
	[tilespmem:v29+s10+$0x0] =	vst.idx.msk @p0 $0xffff, v27  }
0x489: {  	[tilespmem:v14+s10+$0x0] =	vst.idx.msk $0xffff, v24;
	v14 =	vadd.s32 @p0 v18, v27;
	s26 =	spop (v2sf)  }
0x48a: {  	v16 =	vadd.s32 v16, v24;
	[tilespmem:v32+s10+$0x0] =	vst.idx.msk @p0 $0xffff, v14;
	v14 =	vsub.s32 v28, v25;
	s15 =	sadd.s32 s15, s26  }
0x48b: {  	[tilespmem:v15+s10+$0x0] =	vst.idx.msk $0xffff, v16;
	v14 =	vadd.s32 s15, v14  }
0x48c: {  	[tilespmem:v33+s10+$0x0] =	vst.idx.msk $0xffff, v14;
	v14 =	vadd.s32 v26, v14  }
0x48d: {  	[tilespmem:v19+s10+$0x0] =	vst.idx.msk $0xffff, v14;
	v14 =	vadd.s32 v21, v14  }
0x48e: {  	s15 =	simm.s32 $0x0;
	[tilespmem:v13+s10+$0x0] =	vst.idx.msk $0xffff, v14;
	v13 =	vadd.s32 v20, v14  }
0x48f: {  	v15 =	vadd.s32 v22, v16;
	[tilespmem:v17+s10+$0x0] =	vst.idx.msk $0xffff, v13;
	v13 =	vor.u32 s15, v3  }
0x490: {  	s29 =	simm.s32 $0x100;
	v16 =	vadd.s32 v23, v15;
	[tilespmem:v37+s10+$0x0] =	vst.idx.msk $0xffff, v15  }
0x491: {  	[tilespmem:v38+s10+$0x0] =	vst.idx.msk $0xffff, v16;
	v16 =	vor.u32 s29, v3  }
0x492: {  	p1 =	por $0x0, $0x0  }
.Ltmp35:
0x493: {  	_ = 	snop;
	(pc) =	sbr.rel @p1 .LBB2_65-.Ltmp35, $4  }
0x494: {  	v14 =	vld.idx.msk [tilespmem:v13+s12+$0x0], $0xffff  }
0x495: {  	v15 =	vld.idx.msk [tilespmem:v13+s13+$0x0], $0xffff  }
0x496: {  	s30 =	simm.s32 $0x200;
	s31 =	simm.s32 $0x300;
	v13 =	vld.idx.msk [tilespmem:v16+s12+$0x0], $0xffff  }
0x497: {  	p0 =	por $0x0, $0x0;
	s28 =	spop (v2sf);
	v21 =	vor.u32 s30, v3;
	v20 =	vor.u32 s31, v3;
	s15 =	simm.s32 $0x1;
	v16 =	vld.idx.msk [tilespmem:v16+s13+$0x0], $0xffff  }
0x498: {  	_ =	sdelay $0x3  }
0x499: {  	v23 =	vld.idx.msk [tilespmem:v21+s12+$0x0], $0xffff;
	v17 =	vshrl.u32 v14, $0x12  }
0x49a: {  	v17 =	vand.u32 $0x3FC0, v17  }
0x49b: {  	v24 =	vor.u32 v1, v17  }
0x49c: {  	v18 =	vshrl.u32 v13, $0x12  }
0x49d: {  	v18 =	vand.u32 $0x3FC0, v18  }
0x49e: {  	v25 =	vor.u32 v5, v18;
	v18 =	vshrl.u32 v23, $0x12  }
0x49f: {  	v17 =	vld.idx.msk [tilespmem:v20+s12+$0x0], $0xffff;
	v18 =	vand.u32 $0x3FC0, v18  }
0x4a0: {  	v26 =	vor.u32 v6, v18;
	v22 =	vld.idx.msk [tilespmem:v24+s10+$0x0], $0xffff;
	_ =	sdelay $0x2  }
0x4a1: {  	v27 =	vld.idx.msk [tilespmem:v25+s10+$0x0], $0xffff  }
0x4a2: {  	v18 =	vshrl.u32 v17, $0x12  }
0x4a3: {  	v18 =	vand.u32 $0x3FC0, v18;
	v29 =	vld.idx.msk [tilespmem:v26+s10+$0x0], $0xffff  }
0x4a4: {  	v19 =	vor.u32 v7, v18;
	_ =	sdelay $0x1  }
0x4a5: {  	v28 =	vor.u32 s15, v3;
	v21 =	vld.idx.msk [tilespmem:v21+s13+$0x0], $0xffff;
	[tilespmem:v22+s9+$0x0] =	vst.idx.msk $0xffff, v14  }
0x4a6: {  	v18 =	vld.idx.msk [tilespmem:v20+s13+$0x0], $0xffff;
	[tilespmem:v22+s11+$0x0] =	vst.idx.msk $0xffff, v15  }
0x4a7: {  	s30 =	simm.s32 $0x101;
	[tilespmem:v24+s10+$0x0] =	vst.idx.add.s32.msk $0xffff, v4  }
0x4a8: {  	v20 =	vor.u32 s30, v3;
	v22 =	vld.idx.msk [tilespmem:v19+s10+$0x0], $0xffff;
	[tilespmem:v27+s9+$0x0] =	vst.idx.msk $0xffff, v13  }
0x4a9: {  	[tilespmem:v27+s11+$0x0] =	vst.idx.msk $0xffff, v16  }
0x4aa: {  	p1 =	por $0x0, $0x0;
	s31 =	simm.s32 $0x201;
	v14 =	vld.idx.msk [tilespmem:v28+s12+$0x0], $0xffff;
	[tilespmem:v29+s9+$0x0] =	vst.idx.msk $0xffff, v23  }
.Ltmp36:
0x4ab: {  	v15 =	vld.idx.msk [tilespmem:v28+s13+$0x0], $0xffff;
	[tilespmem:v29+s11+$0x0] =	vst.idx.msk $0xffff, v21;
	v21 =	vor.u32 s31, v3;
	(pc) =	sbr.rel @p1 .LBB2_68-.Ltmp36, $4  }
0x4ac: {  	[tilespmem:v25+s10+$0x0] =	vst.idx.add.s32.msk $0xffff, v4  }
0x4ad: {  	s16 =	simm.s32 $0x301;
	v13 =	vld.idx.msk [tilespmem:v20+s12+$0x0], $0xffff  }
0x4ae: {  	v16 =	vld.idx.msk [tilespmem:v20+s13+$0x0], $0xffff;
	v20 =	vor.u32 s16, v3  }
0x4af: {  	s15 =	simm.s32 $0x2;
	p0 =	por $0x1, $0x1;
	[tilespmem:v26+s10+$0x0] =	vst.idx.add.s32.msk $0xffff, v4  }
.LBB2_67:
0x4b0: {  	p1 =	seq.s32 s15, $0xFF;
	v23 =	vshrl.u32 v14, $0x12;
	v24 =	vld.idx.msk [tilespmem:v21+s12+$0x0], $0xffff;
	[tilespmem:v22+s9+$0x0] =	vst.idx.msk $0xffff, v17  }
0x4b1: {  	v17 =	vand.u32 $0x3FC0, v23;
	v23 =	vld.idx.msk [tilespmem:v21+s13+$0x0], $0xffff;
	[tilespmem:v22+s11+$0x0] =	vst.idx.msk $0xffff, v18  }
0x4b2: {  	v21 =	vor.u32 v1, v17;
	[tilespmem:v19+s10+$0x0] =	vst.idx.add.s32.msk $0xffff, v4  }
0x4b3: {  	v18 =	vshrl.u32 v13, $0x12;
	v17 =	vld.idx.msk [tilespmem:v20+s12+$0x0], $0xffff  }
0x4b4: {  	v19 =	vand.u32 $0x3FC0, v18;
	v18 =	vld.idx.msk [tilespmem:v20+s13+$0x0], $0xffff  }
0x4b5: {  	v20 =	vor.u32 v5, v19  }
0x4b6: {  	v19 =	vshrl.u32 v24, $0x12  }
0x4b7: {  	v19 =	vand.u32 $0x3FC0, v19;
	v22 =	vld.idx.msk [tilespmem:v21+s10+$0x0], $0xffff  }
0x4b8: {  	v25 =	vor.u32 v6, v19  }
0x4b9: {  	v19 =	vshrl.u32 v17, $0x12  }
0x4ba: {  	v19 =	vand.u32 $0x3FC0, v19;
	v26 =	vld.idx.msk [tilespmem:v20+s10+$0x0], $0xffff  }
0x4bb: {  	v19 =	vor.u32 v7, v19;
	_ =	sdelay $0x1  }
0x4bc: {  	v27 =	vor.u32 s15, v3;
	v28 =	vld.idx.msk [tilespmem:v25+s10+$0x0], $0xffff;
	_ =	sdelay $0x1  }
0x4bd: {  	s16 =	sadd.s32 $0x100, s15;
	[tilespmem:v22+s9+$0x0] =	vst.idx.msk $0xffff, v14  }
0x4be: {  	v29 =	vor.u32 s16, v3;
	[tilespmem:v22+s11+$0x0] =	vst.idx.msk $0xffff, v15;
	v22 =	vld.idx.msk [tilespmem:v19+s10+$0x0], $0xffff  }
0x4bf: {  	[tilespmem:v21+s10+$0x0] =	vst.idx.add.s32.msk $0xffff, v4  }
0x4c0: {  	s16 =	sadd.s32 $0x200, s15;
	v14 =	vld.idx.msk [tilespmem:v27+s12+$0x0], $0xffff;
	[tilespmem:v26+s9+$0x0] =	vst.idx.msk $0xffff, v13  }
.Ltmp37:
0x4c1: {  	v21 =	vor.u32 s16, v3;
	v15 =	vld.idx.msk [tilespmem:v27+s13+$0x0], $0xffff;
	[tilespmem:v26+s11+$0x0] =	vst.idx.msk $0xffff, v16;
	(pc) =	sbr.rel @!p1 .LBB2_67-.Ltmp37, $4  }
0x4c2: {  	[tilespmem:v20+s10+$0x0] =	vst.idx.add.s32.msk $0xffff, v4  }
0x4c3: {  	s16 =	sadd.s32 $0x300, s15;
	v13 =	vld.idx.msk [tilespmem:v29+s12+$0x0], $0xffff;
	[tilespmem:v28+s9+$0x0] =	vst.idx.msk $0xffff, v24  }
0x4c4: {  	v20 =	vor.u32 s16, v3;
	v16 =	vld.idx.msk [tilespmem:v29+s13+$0x0], $0xffff;
	[tilespmem:v28+s11+$0x0] =	vst.idx.msk $0xffff, v23  }
0x4c5: {  	s15 =	sadd.s32 $0x1, s15;
	[tilespmem:v25+s10+$0x0] =	vst.idx.add.s32.msk $0xffff, v4  }
.LBB2_68:
0x4c6: {  	_ =	sdelay $0x2  }
0x4c7: {  	v23 =	vshrl.u32 v14, $0x12  }
0x4c8: {  	v24 =	vld.idx.msk [tilespmem:v21+s12+$0x0], $0xffff;
	[tilespmem:v22+s9+$0x0] =	vst.idx.msk @p0 $0xffff, v17;
	v17 =	vand.u32 $0x3FC0, v23  }
0x4c9: {  	[tilespmem:v22+s11+$0x0] =	vst.idx.msk @p0 $0xffff, v18;
	v17 =	vor.u32 v1, v17  }
0x4ca: {  	[tilespmem:v19+s10+$0x0] =	vst.idx.add.s32.msk @p0 $0xffff, v4;
	v18 =	vshrl.u32 v13, $0x12  }
0x4cb: {  	v19 =	vld.idx.msk [tilespmem:v20+s12+$0x0], $0xffff;
	v18 =	vand.u32 $0x3FC0, v18  }
0x4cc: {  	v18 =	vor.u32 v5, v18  }
0x4cd: {  	v22 =	vshrl.u32 v24, $0x12  }
0x4ce: {  	v22 =	vand.u32 $0x3FC0, v22;
	v23 =	vld.idx.msk [tilespmem:v17+s10+$0x0], $0xffff  }
0x4cf: {  	v22 =	vor.u32 v6, v22  }
0x4d0: {  	v25 =	vshrl.u32 v19, $0x12  }
0x4d1: {  	v26 =	vld.idx.msk [tilespmem:v18+s10+$0x0], $0xffff;
	v25 =	vand.u32 $0x3FC0, v25  }
0x4d2: {  	v25 =	vor.u32 v7, v25;
	_ =	sdelay $0x1  }
0x4d3: {  	v27 =	vld.idx.msk [tilespmem:v22+s10+$0x0], $0xffff;
	_ =	sdelay $0x1  }
0x4d4: {  	v21 =	vld.idx.msk [tilespmem:v21+s13+$0x0], $0xffff;
	[tilespmem:v23+s9+$0x0] =	vst.idx.msk $0xffff, v14  }
0x4d5: {  	v14 =	vld.idx.msk [tilespmem:v25+s10+$0x0], $0xffff;
	[tilespmem:v23+s11+$0x0] =	vst.idx.msk $0xffff, v15  }
0x4d6: {  	[tilespmem:v17+s10+$0x0] =	vst.idx.add.s32.msk $0xffff, v4  }
0x4d7: {  	[tilespmem:v26+s9+$0x0] =	vst.idx.msk $0xffff, v13  }
0x4d8: {  	v13 =	vld.idx.msk [tilespmem:v20+s13+$0x0], $0xffff;
	[tilespmem:v26+s11+$0x0] =	vst.idx.msk $0xffff, v16  }
0x4d9: {  	[tilespmem:v18+s10+$0x0] =	vst.idx.add.s32.msk $0xffff, v4  }
0x4da: {  	[tilespmem:v27+s9+$0x0] =	vst.idx.msk $0xffff, v24  }
0x4db: {  	[tilespmem:v27+s11+$0x0] =	vst.idx.msk $0xffff, v21  }
0x4dc: {  	[tilespmem:v22+s10+$0x0] =	vst.idx.add.s32.msk $0xffff, v4  }
0x4dd: {  	(xrf1) =	vsort.ascd.msk.f32 $0xffff, v12, v12;
	[tilespmem:v14+s9+$0x0] =	vst.idx.msk $0xffff, v19  }
0x4de: {  	[tilespmem:v14+s11+$0x0] =	vst.idx.msk $0xffff, v13  }
0x4df: {  	s15 =	simm.s32 $0x10000;
	[tilespmem:v25+s10+$0x0] =	vst.idx.add.s32.msk $0xffff, v4  }
0x4e0: {  	v14 =	vld [tilespmem:s15+$0x10]  }
0x4e1: {  	s16 =	simm.s32 $0x0;
	v15 =	vld [tilespmem:s15+$0x1010]  }
0x4e2: {  	s16 =	sand.u32 $0xFE0, s16;
	v16 =	vld [tilespmem:s15+$0x0]  }
0x4e3: {  	v17 =	vld [tilespmem:s16+$0x11000]  }
0x4e4: {  	v18 =	vld [tilespmem:s16+$0x12000]  }
0x4e5: {  	s29 =	simm.s32 $0x10020;
	v19 =	vld [tilespmem:s15+$0x2010]  }
0x4e6: {  	v20 =	vld [tilespmem:s29+$0x10]  }
0x4e7: {  	v21 =	vld [tilespmem:s29+$0x1010]  }
0x4e8: {  	s30 =	simm.s32 $0x20;
	v24 =	vld [tilespmem:s29+$0x0]  }
0x4e9: {  	s16 =	sand.u32 $0xFE0, s30;
	v14 =	vld.idx.msk [tilespmem:v14+s6+$0x0], $0xffff  }
0x4ea: {  	v25 =	vld [tilespmem:s16+$0x11000]  }
0x4eb: {  	v12, _, _ =	vpop (xrf1);
	v26 =	vld [tilespmem:s16+$0x12000]  }
0x4ec: {  	v12 =	vbroadcast v12, $0xF;
	v16 =	vld.idx.msk [tilespmem:v16+s6+$0x0], $0xffff  }
0x4ed: {  	v17 =	vld.idx.msk [tilespmem:v17+s6+$0x0], $0xffff  }
0x4ee: {  	v23 =	vld.idx.msk [tilespmem:v18+s6+$0x0], $0xffff;
	v14 =	vsub.f32 v14, v12  }
0x4ef: {  	v22 =	vld.idx.msk [tilespmem:v15+s6+$0x0], $0xffff  }
0x4f0: {  	v19 =	vld.idx.msk [tilespmem:v19+s6+$0x0], $0xffff;
	v14 =	vmul.f32 $1.442695020e+00, v14  }
0x4f1: {  	s17 =	simm.s32 $0x10040;
	v27 =	vld [tilespmem:s29+$0x2010];
	v16 =	vsub.f32 v16, v12  }
0x4f2: {  	v18 =	vld [tilespmem:s17+$0x10];
	(erf) = vpow2.f32 v14;
	v14 =	vsub.f32 v17, v12  }
0x4f3: {  	v16 =	vmul.f32 $1.442695020e+00, v16;
	v17 =	vld.idx.msk [tilespmem:v21+s6+$0x0], $0xffff;
	v21 =	vsub.f32 v23, v12  }
0x4f4: {  	v15 =	vld [tilespmem:s17+$0x1010];
	v22 =	vsub.f32 v22, v12;
	v14 =	vmul.f32 $1.442695020e+00, v14  }
0x4f5: {  	v20 =	vld.idx.msk [tilespmem:v20+s6+$0x0], $0xffff;
	v19 =	vsub.f32 v19, v12;
	(erf) = vpow2.f32 v16;
	v21 =	vmul.f32 $1.442695020e+00, v21  }
0x4f6: {  	v28 =	vld.idx.msk [tilespmem:v24+s6+$0x0], $0xffff;
	v16 =	vmul.f32 $1.442695020e+00, v22;
	(erf) = vpow2.f32 v14  }
0x4f7: {  	v29 =	vld.idx.msk [tilespmem:v25+s6+$0x0], $0xffff;
	v14 =	vmul.f32 $1.442695020e+00, v19;
	(erf) = vpow2.f32 v21  }
0x4f8: {  	v24 =	vld.idx.msk [tilespmem:v26+s6+$0x0], $0xffff;
	(erf) = vpow2.f32 v16  }
0x4f9: {  	s15 =	simm.s32 $0x40;
	v23 =	vld [tilespmem:s17+$0x0];
	(erf) = vpow2.f32 v14  }
0x4fa: {  	s31 =	sand.u32 $0xFE0, s15;
	v22 =	vld.idx.msk [tilespmem:v27+s6+$0x0], $0xffff  }
0x4fb: {  	v25 =	vsub.f32 v20, v12;
	v21 =	vld [tilespmem:s31+$0x11000]  }
0x4fc: {  	v13 =	vimm.f32 $0.0e+00;
	v20 =	vld [tilespmem:s31+$0x12000];
	v27 =	vsub.f32 v28, v12;
	v26 =	vsub.f32 v17, v12  }
0x4fd: {  	s16 =	simm.s32 $0x4;
	v28 =	vsub.f32 v29, v12;
	v19 =	vld [tilespmem:s17+$0x2010];
	s17 =	simm.s32 $0x10060;
	v16 =	vimm.f32 $0.0e+00;
	v14 =	vimm.f32 $0.0e+00;
	v17 =	vpop (erf)  }
.LBB2_69:
0x4fe: {  	v29 =	vld [tilespmem:s17+$0x10];
	v34 =	vsub.f32 v24, v12;
	v25 =	vmul.f32 $1.442695020e+00, v25;
	v26 =	vmul.f32 $1.442695020e+00, v26;
	v30 =	vpop (erf)  }
0x4ff: {  	v22 =	vsub.f32 v22, v12;
	v31 =	vld [tilespmem:s17+$0x1010];
	v27 =	vmul.f32 $1.442695020e+00, v27;
	v28 =	vmul.f32 $1.442695020e+00, v28;
	v32 =	vpop (erf)  }
0x500: {  	v13 =	vadd.f32 v30, v13;
	v33 =	vld.idx.msk [tilespmem:v18+s6+$0x0], $0xffff;
	v34 =	vmul.f32 $1.442695020e+00, v34;
	(erf) = vpow2.f32 v25;
	v24 =	vpop (erf)  }
0x501: {  	v25 =	vadd.f32 v32, v16;
	v30 =	vld.idx.msk [tilespmem:v15+s6+$0x0], $0xffff;
	(erf) = vpow2.f32 v27;
	v14 =	vadd.f32 v24, v14;
	v16 =	vpop (erf)  }
0x502: {  	v13 =	vadd.f32 v17, v13;
	v27 =	vld.idx.msk [tilespmem:v23+s6+$0x0], $0xffff;
	v23 =	vmul.f32 $1.442695020e+00, v22;
	(erf) = vpow2.f32 v28;
	v17 =	vpop (erf)  }
0x503: {  	s16 =	sadd.s32 $0x2, s16;
	v16 =	vadd.f32 v16, v25;
	v28 =	vld.idx.msk [tilespmem:v21+s6+$0x0], $0xffff;
	(erf) = vpow2.f32 v34;
	v14 =	vadd.f32 v17, v14;
	v18 =	vmovc v29  }
0x504: {  	p0 =	slt.u32 s16, $0xFE;
	v24 =	vld.idx.msk [tilespmem:v20+s6+$0x0], $0xffff;
	(erf) = vpow2.f32 v26;
	v15 =	vmov v31  }
.Ltmp38:
0x505: {  	s15 =	sadd.s32 $0x20, s15;
	v22 =	vld.idx.msk [tilespmem:v19+s6+$0x0], $0xffff;
	(erf) = vpow2.f32 v23;
	(pc) =	sbr.rel @p0 .LBB2_69-.Ltmp38, $4  }
0x506: {  	s18 =	sand.u32 $0xFE0, s15;
	v23 =	vld [tilespmem:s17+$0x0]  }
0x507: {  	v21 =	vld [tilespmem:s18+$0x11000]  }
0x508: {  	v25 =	vsub.f32 v33, v12;
	v26 =	vsub.f32 v30, v12;
	v20 =	vld [tilespmem:s18+$0x12000]  }
0x509: {  	v27 =	vsub.f32 v27, v12;
	v28 =	vsub.f32 v28, v12;
	v19 =	vld [tilespmem:s17+$0x2010];
	s17 =	sadd.s32 $0x20, s17;
	v17 =	vpop (erf)  }
0x50a: {  	_ =	sdelay $0x3  }
0x50b: {  	v18 =	vld.idx.msk [tilespmem:v18+s6+$0x0], $0xffff;
	s18 =	simm.s32 $0x10000  }
0x50c: {  	v29 =	vld [tilespmem:s18+$0x10]  }
0x50d: {  	v25 =	vmul.f32 $1.442695020e+00, v25;
	v30 =	vld [tilespmem:s18+$0x0]  }
0x50e: {  	v23 =	vld.idx.msk [tilespmem:v23+s6+$0x0], $0xffff  }
0x50f: {  	v24 =	vsub.f32 v24, v12;
	v27 =	vmul.f32 $1.442695020e+00, v27;
	v21 =	vld.idx.msk [tilespmem:v21+s6+$0x0], $0xffff  }
0x510: {  	v28 =	vmul.f32 $1.442695020e+00, v28;
	(erf) = vpow2.f32 v25  }
0x511: {  	v22 =	vsub.f32 v22, v12;
	v24 =	vmul.f32 $1.442695020e+00, v24;
	v20 =	vld.idx.msk [tilespmem:v20+s6+$0x0], $0xffff;
	v25 =	vpop (erf);
	(erf) = vpow2.f32 v27  }
0x512: {  	v26 =	vmul.f32 $1.442695020e+00, v26;
	v15 =	vld.idx.msk [tilespmem:v15+s6+$0x0], $0xffff;
	(erf) = vpow2.f32 v28;
	v18 =	vsub.f32 v18, v12  }
0x513: {  	v22 =	vmul.f32 $1.442695020e+00, v22;
	(erf) = vpow2.f32 v24;
	v23 =	vsub.f32 v23, v12  }
0x514: {  	v19 =	vld.idx.msk [tilespmem:v19+s6+$0x0], $0xffff;
	(erf) = vpow2.f32 v26;
	v21 =	vsub.f32 v21, v12;
	v18 =	vmul.f32 $1.442695020e+00, v18  }
0x515: {  	v13 =	vadd.f32 v25, v13;
	v25 =	vpop (erf);
	(erf) = vpow2.f32 v22;
	v22 =	vmul.f32 $1.442695020e+00, v23;
	v24 =	vld.idx.msk [tilespmem:v29+s6+$0x0], $0xffff  }
0x516: {  	v20 =	vsub.f32 v20, v12;
	v23 =	vld.idx.msk [tilespmem:v30+s6+$0x0], $0xffff;
	v21 =	vmul.f32 $1.442695020e+00, v21  }
0x517: {  	v15 =	vsub.f32 v15, v12;
	v26 =	vpop (erf);
	(erf) = vpow2.f32 v18  }
0x518: {  	v20 =	vmul.f32 $1.442695020e+00, v20;
	v18 =	vpop (erf);
	(erf) = vpow2.f32 v22  }
0x519: {  	v15 =	vmul.f32 $1.442695020e+00, v15;
	v19 =	vsub.f32 v19, v12;
	v22 =	vpop (erf);
	(erf) = vpow2.f32 v21  }
0x51a: {  	v21 =	vpop (erf);
	(erf) = vpow2.f32 v20;
	v20 =	vsub.f32 v24, v12  }
0x51b: {  	v19 =	vmul.f32 $1.442695020e+00, v19;
	v24 =	vpop (erf);
	(erf) = vpow2.f32 v15;
	v15 =	vsub.f32 v23, v12  }
0x51c: {  	v16 =	vadd.f32 v25, v16;
	v13 =	vadd.f32 v17, v13  }
0x51d: {  	v14 =	vadd.f32 v26, v14;
	v17 =	vpop (erf);
	(erf) = vpow2.f32 v19;
	v15 =	vmul.f32 $1.442695020e+00, v15  }
0x51e: {  	v16 =	vadd.f32 v18, v16;
	v19 =	vmul.f32 $1.442695020e+00, v20;
	v20 =	vpop (erf)  }
0x51f: {  	v14 =	vadd.f32 v22, v14;
	v18 =	vpop (erf)  }
0x520: {  	v13 =	vadd.f32 v24, v13;
	v16 =	vadd.f32 v17, v16;
	(erf) = vpow2.f32 v19;
	v17 =	vpop (erf)  }
0x521: {  	v14 =	vadd.f32 v20, v14;
	(erf) = vpow2.f32 v15;
	v15 =	vpop (erf)  }
0x522: {  	v13 =	vadd.f32 v21, v13;
	v19 =	vpop (erf)  }
0x523: {  	v16 =	vadd.f32 v18, v16;
	v14 =	vadd.f32 v17, v14;
	v17 =	vpop (erf)  }
0x524: {  	v13 =	vadd.f32 v19, v13;
	v18 =	vpop (erf)  }
0x525: {  	v16 =	vadd.f32 v17, v16;
	v14 =	vadd.f32 v18, v14;
	v17 =	vpop (erf)  }
0x526: {  	v13 =	vadd.f32 v15, v13;
	v18 =	vpop (erf)  }
0x527: {  	v14 =	vadd.f32 v18, v14  }
0x528: {  	s20 =	simm.s32 $0x10020;
	v16 =	vadd.f32 v17, v16  }
0x529: {  	v15 =	vld [tilespmem:s20+$0x10];
	(xrf2) =	vadd.scan.msk.f32 $0xffff, v13  }
0x52a: {  	v17 =	vld [tilespmem:s20+$0x0];
	(xrf2) =	vadd.scan.msk.f32 $0xffff, v16;
	v13 =	vpop (erf)  }
0x52b: {  	(xrf2) =	vadd.scan.msk.f32 $0xffff, v14;
	v14 =	vpop (erf)  }
0x52c: {  	(xrf2) =	vadd.scan.msk.f32 $0xffff, v14;
	_ =	sdelay $0x4  }
0x52d: {  	v14 =	vld.idx.msk [tilespmem:v15+s6+$0x0], $0xffff;
	(xrf2) =	vadd.scan.msk.f32 $0xffff, v13  }
0x52e: {  	v16 =	vld.idx.msk [tilespmem:v17+s6+$0x0], $0xffff  }
0x52f: {  	v13, _, _ =	vpop (xrf2)  }
0x530: {  	v18, _, _ =	vpop (xrf2)  }
0x531: {  	v19, _, _ =	vpop (xrf2)  }
0x532: {  	s15 =	simm.f32 $0.0e+00;
	v14 =	vsub.f32 v14, v12;
	v20, _, _ =	vpop (xrf2)  }
0x533: {  	v16 =	vsub.f32 v16, v12;
	v20 =	vadd.f32 s15, v20  }
0x534: {  	v14 =	vmul.f32 $1.442695020e+00, v14  }
0x535: {  	v16 =	vmul.f32 $1.442695020e+00, v16  }
0x536: {  	(erf) = vpow2.f32 v14;
	v14 =	vbroadcast v20, $0xF  }
0x537: {  	[tilespmem:v30+s8+$0x0] =	vst.idx.msk $0xffff, v20;
	v20, _, _ =	vpop (xrf2)  }
0x538: {  	s28 =	simm.s32 $0x0;
	(v2sf) =	vpush v13, $0xF;
	(erf) = vpow2.f32 v16;
	v13 =	vadd.f32 v20, v14  }
0x539: {  	s22 =	sand.u32 $0xFE0, s28;
	(v2sf) =	vpush v18, $0xF  }
0x53a: {  	(v2sf) =	vpush v19, $0xF;
	v16 =	vld [tilespmem:s22+$0x11000];
	[tilespmem:v29+s8+$0x0] =	vst.idx.msk $0xffff, v13  }
0x53b: {  	(v2sf) =	vpush v13, $0xF;
	v13 =	vld [tilespmem:s18+$0x1010];
	_ =	sdelay $0x2  }
0x53c: {  	s19 =	simm.s32 $0x10040  }
0x53d: {  	v14 =	vld [tilespmem:s19+$0x10]  }
0x53e: {  	v18 =	vld [tilespmem:s19+$0x0];
	v19 =	vpop (erf)  }
0x53f: {  	v21 =	vpop (erf)  }
0x540: {  	(xrf2) =	vadd.scan.msk.f32 $0xffff, v21;
	v20 =	vld.idx.msk [tilespmem:v16+s6+$0x0], $0xffff  }
0x541: {  	v21 =	vld.idx.msk [tilespmem:v13+s6+$0x0], $0xffff;
	_ =	sdelay $0x3  }
0x542: {  	(xrf2) =	vadd.scan.msk.f32 $0xffff, v19;
	v19 =	vld.idx.msk [tilespmem:v14+s6+$0x0], $0xffff;
	v20 =	vsub.f32 v20, v12  }
0x543: {  	v22 =	vld.idx.msk [tilespmem:v18+s6+$0x0], $0xffff;
	v21 =	vsub.f32 v21, v12  }
0x544: {  	s29 =	spop (v2sf);
	v20 =	vmul.f32 $1.442695020e+00, v20  }
0x545: {  	s26 =	spop (v2sf)  }
0x546: {  	s24 =	spop (v2sf);
	(erf) = vpow2.f32 v20  }
0x547: {  	v19 =	vsub.f32 v19, v12;
	s16 =	spop (v2sf);
	v20 =	vmul.f32 $1.442695020e+00, v21;
	v21, _, _ =	vpop (xrf2)  }
0x548: {  	v22 =	vsub.f32 v22, v12;
	v21 =	vadd.f32 s16, v21  }
0x549: {  	s30 =	simm.s32 $0x20;
	v19 =	vmul.f32 $1.442695020e+00, v19;
	(erf) = vpow2.f32 v20  }
0x54a: {  	s23 =	sand.u32 $0xFE0, s30;
	v20 =	vmul.f32 $1.442695020e+00, v22;
	[tilespmem:v17+s8+$0x0] =	vst.idx.msk $0xffff, v21  }
0x54b: {  	(erf) = vpow2.f32 v19;
	v17 =	vbroadcast v21, $0xF;
	v19 =	vld [tilespmem:s23+$0x11000]  }
0x54c: {  	v21, _, _ =	vpop (xrf2)  }
0x54d: {  	(erf) = vpow2.f32 v20;
	v17 =	vadd.f32 v21, v17;
	_ =	sdelay $0x1  }
0x54e: {  	v20 =	vpop (erf);
	[tilespmem:v15+s8+$0x0] =	vst.idx.msk $0xffff, v17  }
0x54f: {  	s17 =	simm.s32 $0x10060;
	(xrf2) =	vadd.scan.msk.f32 $0xffff, v20;
	v15 =	vld [tilespmem:s20+$0x1010]  }
0x550: {  	v20 =	vld [tilespmem:s17+$0x10]  }
0x551: {  	v21 =	vld [tilespmem:s17+$0x0];
	(v2sf) =	vpush v17, $0xF;
	v17 =	vpop (erf)  }
0x552: {  	(xrf2) =	vadd.scan.msk.f32 $0xffff, v17;
	v17 =	vld.idx.msk [tilespmem:v19+s6+$0x0], $0xffff;
	_ =	sdelay $0x1  }
0x553: {  	v22 =	vpop (erf)  }
0x554: {  	v23 =	vpop (erf)  }
0x555: {  	(xrf2) =	vadd.scan.msk.f32 $0xffff, v23  }
0x556: {  	v23 =	vld.idx.msk [tilespmem:v15+s6+$0x0], $0xffff;
	v17 =	vsub.f32 v17, v12  }
0x557: {  	s28 =	sadd.f32 $0.0e+00, s29  }
0x558: {  	v24 =	vld.idx.msk [tilespmem:v20+s6+$0x0], $0xffff;
	v26, _, _ =	vpop (xrf2);
	v17 =	vmul.f32 $1.442695020e+00, v17  }
0x559: {  	v25 =	vld.idx.msk [tilespmem:v21+s6+$0x0], $0xffff;
	(xrf2) =	vadd.scan.msk.f32 $0xffff, v22;
	v26 =	vadd.f32 s28, v26;
	_ =	sdelay $0x1  }
0x55a: {  	v22 =	vbroadcast v26, $0xF;
	(erf) = vpow2.f32 v17;
	v23 =	vsub.f32 v23, v12  }
0x55b: {  	v17, _, _ =	vpop (xrf2)  }
0x55c: {  	v24 =	vsub.f32 v24, v12;
	[tilespmem:v16+s8+$0x0] =	vst.idx.msk $0xffff, v26;
	v17 =	vadd.f32 v17, v22;
	v22 =	vmul.f32 $1.442695020e+00, v23  }
0x55d: {  	v16 =	vsub.f32 v25, v12;
	v23 =	vld [tilespmem:s22+$0x12000]  }
0x55e: {  	v24 =	vmul.f32 $1.442695020e+00, v24;
	s31 =	spop (v2sf);
	[tilespmem:v13+s8+$0x0] =	vst.idx.msk $0xffff, v17;
	v13, _, _ =	vpop (xrf2);
	(erf) = vpow2.f32 v22  }
0x55f: {  	v25 =	vmul.f32 $1.442695020e+00, v16;
	(v2sf) =	vpush v17, $0xF;
	v16 =	vld [tilespmem:s18+$0x2010];
	v13 =	vadd.f32 s31, v13  }
0x560: {  	s16 =	simm.s32 $0x40;
	(erf) = vpow2.f32 v24  }
0x561: {  	s25 =	sand.u32 $0xFE0, s16;
	(erf) = vpow2.f32 v25;
	[tilespmem:v18+s8+$0x0] =	vst.idx.msk $0xffff, v13;
	v13 =	vbroadcast v13, $0xF  }
0x562: {  	v18, _, _ =	vpop (xrf2);
	v17 =	vld [tilespmem:s25+$0x11000]  }
0x563: {  	v13 =	vadd.f32 v18, v13;
	v18 =	vpop (erf)  }
0x564: {  	(xrf2) =	vadd.scan.msk.f32 $0xffff, v18  }
0x565: {  	v22 =	vld.idx.msk [tilespmem:v23+s6+$0x0], $0xffff;
	[tilespmem:v14+s8+$0x0] =	vst.idx.msk $0xffff, v13  }
0x566: {  	(v2sf) =	vpush v13, $0xF;
	v24 =	vld [tilespmem:s19+$0x1010]  }
0x567: {  	s15 =	simm.s32 $0x10080;
	v13 =	vld.idx.msk [tilespmem:v16+s6+$0x0], $0xffff;
	v14 =	vpop (erf)  }
0x568: {  	v18 =	vld [tilespmem:s15+$0x10];
	(xrf2) =	vadd.scan.msk.f32 $0xffff, v14  }
0x569: {  	v25 =	vld [tilespmem:s15+$0x0];
	v14 =	vpop (erf)  }
0x56a: {  	v26 =	vpop (erf);
	v27 =	vld.idx.msk [tilespmem:v17+s6+$0x0], $0xffff  }
0x56b: {  	(xrf2) =	vadd.scan.msk.f32 $0xffff, v26  }
0x56c: {  	v22 =	vsub.f32 v22, v12;
	v13 =	vsub.f32 v13, v12;
	_ =	sdelay $0x1  }
0x56d: {  	v22 =	vmul.f32 $1.442695020e+00, v22;
	s21 =	spop (v2sf);
	v26 =	vld.idx.msk [tilespmem:v24+s6+$0x0], $0xffff;
	v28, _, _ =	vpop (xrf2);
	v13 =	vmul.f32 $1.442695020e+00, v13  }
0x56e: {  	v28 =	vadd.f32 s21, v28;
	v27 =	vsub.f32 v27, v12  }
0x56f: {  	(xrf2) =	vadd.scan.msk.f32 $0xffff, v14;
	v14 =	vld.idx.msk [tilespmem:v18+s6+$0x0], $0xffff;
	(erf) = vpow2.f32 v22  }
0x570: {  	v22 =	vld.idx.msk [tilespmem:v25+s6+$0x0], $0xffff;
	v29 =	vbroadcast v28, $0xF;
	v27 =	vmul.f32 $1.442695020e+00, v27  }
0x571: {  	(erf) = vpow2.f32 v13;
	v13, _, _ =	vpop (xrf2)  }
0x572: {  	[tilespmem:v19+s8+$0x0] =	vst.idx.msk $0xffff, v28;
	v19 =	vadd.f32 v13, v29;
	v26 =	vsub.f32 v26, v12  }
0x573: {  	(erf) = vpow2.f32 v27  }
0x574: {  	v13 =	vld [tilespmem:s23+$0x12000];
	s29 =	spop (v2sf);
	v27, _, _ =	vpop (xrf2);
	[tilespmem:v15+s8+$0x0] =	vst.idx.msk $0xffff, v19;
	v15 =	vmul.f32 $1.442695020e+00, v26;
	v26 =	vsub.f32 v14, v12  }
0x575: {  	v22 =	vsub.f32 v22, v12;
	v27 =	vadd.f32 s29, v27;
	v14 =	vld [tilespmem:s20+$0x2010]  }
0x576: {  	(erf) = vpow2.f32 v15;
	v15 =	vmul.f32 $1.442695020e+00, v26  }
0x577: {  	(v2sf) =	vpush v19, $0xF;
	v19 =	vbroadcast v27, $0xF  }
0x578: {  	s30 =	simm.s32 $0x60;
	[tilespmem:v21+s8+$0x0] =	vst.idx.msk $0xffff, v27;
	v21 =	vmul.f32 $1.442695020e+00, v22  }
0x579: {  	s21 =	sand.u32 $0xFE0, s30;
	v22 =	vpop (erf);
	(erf) = vpow2.f32 v15  }
0x57a: {  	v29 =	vld [tilespmem:s21+$0x11000];
	(erf) = vpow2.f32 v21;
	v15, _, _ =	vpop (xrf2)  }
0x57b: {  	v15 =	vadd.f32 v15, v19;
	v19 =	vpop (erf)  }
0x57c: {  	(xrf2) =	vadd.scan.msk.f32 $0xffff, v22;
	v22 =	vld.idx.msk [tilespmem:v13+s6+$0x0], $0xffff;
	v21 =	vpop (erf)  }
0x57d: {  	[tilespmem:v20+s8+$0x0] =	vst.idx.msk $0xffff, v15;
	(xrf2) =	vadd.scan.msk.f32 $0xffff, v21;
	v26 =	vld.idx.msk [tilespmem:v14+s6+$0x0], $0xffff  }
0x57e: {  	v30 =	vld [tilespmem:s17+$0x1010]  }
0x57f: {  	(v2sf) =	vpush v15, $0xF  }
0x580: {  	s16 =	simm.s32 $0x100A0;
	v15 =	vpop (erf)  }
0x581: {  	v21 =	vld [tilespmem:s16+$0x10];
	(xrf2) =	vadd.scan.msk.f32 $0xffff, v15;
	v15 =	vsub.f32 v22, v12  }
0x582: {  	v27 =	vld.idx.msk [tilespmem:v29+s6+$0x0], $0xffff;
	v22 =	vpop (erf);
	(xrf2) =	vadd.scan.msk.f32 $0xffff, v19  }
0x583: {  	v19 =	vsub.f32 v26, v12;
	v26 =	vpop (erf);
	v15 =	vmul.f32 $1.442695020e+00, v15  }
0x584: {  	v20 =	vld [tilespmem:s16+$0x0];
	(xrf2) =	vadd.scan.msk.f32 $0xffff, v26;
	_ =	sdelay $0x1  }
0x585: {  	s26 =	sadd.f32 s26, s28;
	v28, _, _ =	vpop (xrf2);
	v26 =	vld.idx.msk [tilespmem:v30+s6+$0x0], $0xffff  }
0x586: {  	s31 =	spop (v2sf);
	v19 =	vmul.f32 $1.442695020e+00, v19;
	(erf) = vpow2.f32 v15;
	v27 =	vsub.f32 v27, v12;
	v15, _, _ =	vpop (xrf2)  }
0x587: {  	(xrf2) =	vadd.scan.msk.f32 $0xffff, v22;
	v22 =	vadd.f32 s26, v28;
	v15 =	vadd.f32 s31, v15  }
0x588: {  	(erf) = vpow2.f32 v19;
	v19 =	vmul.f32 $1.442695020e+00, v27;
	v27 =	vld.idx.msk [tilespmem:v21+s6+$0x0], $0xffff  }
0x589: {  	v28 =	vbroadcast v15, $0xF  }
0x58a: {  	(erf) = vpow2.f32 v19;
	v31 =	vbroadcast v22, $0xF;
	[tilespmem:v17+s8+$0x0] =	vst.idx.msk $0xffff, v15;
	v17, _, _ =	vpop (xrf2);
	v26 =	vsub.f32 v26, v12  }
0x58b: {  	v19 =	vld.idx.msk [tilespmem:v20+s6+$0x0], $0xffff;
	[tilespmem:v23+s8+$0x0] =	vst.idx.msk $0xffff, v22;
	v22, _, _ =	vpop (xrf2);
	v17 =	vadd.f32 v17, v28  }
0x58c: {  	v15 =	vld [tilespmem:s25+$0x12000];
	v22 =	vadd.f32 v22, v31;
	v23 =	vmul.f32 $1.442695020e+00, v26  }
0x58d: {  	s28 =	spop (v2sf);
	v26 =	vld [tilespmem:s22+$0x13000];
	[tilespmem:v24+s8+$0x0] =	vst.idx.msk $0xffff, v17;
	v24 =	vsub.f32 v27, v12;
	v27, _, _ =	vpop (xrf2)  }
0x58e: {  	[tilespmem:v16+s8+$0x0] =	vst.idx.msk $0xffff, v22;
	(erf) = vpow2.f32 v23;
	v16 =	vadd.f32 s28, v27  }
0x58f: {  	s29 =	simm.s32 $0x80;
	(v2sf) =	vpush v17, $0xF;
	v17 =	vld [tilespmem:s19+$0x2010]  }
0x590: {  	s22 =	sand.u32 $0xFE0, s29;
	v19 =	vsub.f32 v19, v12;
	v27 =	vld [tilespmem:s18+$0x3010];
	v23 =	vpop (erf);
	[tilespmem:v25+s8+$0x0] =	vst.idx.msk $0xffff, v16  }
0x591: {  	v16 =	vbroadcast v16, $0xF;
	v31 =	vpop (erf);
	(xrf2) =	vadd.scan.msk.f32 $0xffff, v23;
	v23 =	vmul.f32 $1.442695020e+00, v24;
	v28 =	vld [tilespmem:s22+$0x11000]  }
0x592: {  	(v2sf) =	vpush v22, $0xF;
	v19 =	vmul.f32 $1.442695020e+00, v19;
	v24, _, _ =	vpop (xrf2)  }
0x593: {  	v22 =	vpop (erf);
	v16 =	vadd.f32 v24, v16;
	(erf) = vpow2.f32 v23  }
0x594: {  	(xrf2) =	vadd.scan.msk.f32 $0xffff, v22;
	(erf) = vpow2.f32 v19;
	v19 =	vld.idx.msk [tilespmem:v15+s6+$0x0], $0xffff  }
0x595: {  	v23 =	vld.idx.msk [tilespmem:v26+s6+$0x0], $0xffff;
	[tilespmem:v18+s8+$0x0] =	vst.idx.msk $0xffff, v16  }
0x596: {  	v22 =	vld [tilespmem:s15+$0x1010]  }
0x597: {  	v18 =	vld.idx.msk [tilespmem:v17+s6+$0x0], $0xffff;
	v24 =	vpop (erf)  }
0x598: {  	v25 =	vld.idx.msk [tilespmem:v27+s6+$0x0], $0xffff;
	(xrf2) =	vadd.scan.msk.f32 $0xffff, v24  }
0x599: {  	(v2sf) =	vpush v16, $0xF;
	v16 =	vsub.f32 v19, v12;
	v33 =	vld.idx.msk [tilespmem:v28+s6+$0x0], $0xffff  }
0x59a: {  	v23 =	vsub.f32 v23, v12  }
0x59b: {  	v32, _, _ =	vpop (xrf2);
	v16 =	vmul.f32 $1.442695020e+00, v16  }
0x59c: {  	v23 =	vmul.f32 $1.442695020e+00, v23;
	v34 =	vpop (erf)  }
0x59d: {  	(xrf2) =	vadd.scan.msk.f32 $0xffff, v31;
	v18 =	vsub.f32 v18, v12;
	v24 =	vpop (erf);
	(erf) = vpow2.f32 v16  }
0x59e: {  	s18 =	simm.s32 $0x100C0;
	s30 =	spop (v2sf);
	v16 =	vsub.f32 v25, v12;
	v25, _, _ =	vpop (xrf2);
	(erf) = vpow2.f32 v23;
	v23 =	vld.idx.msk [tilespmem:v22+s6+$0x0], $0xffff;
	v31 =	vsub.f32 v33, v12  }
0x59f: {  	v19 =	vld [tilespmem:s18+$0x10];
	v18 =	vmul.f32 $1.442695020e+00, v18;
	(xrf2) =	vadd.scan.msk.f32 $0xffff, v24;
	v25 =	vadd.f32 s30, v25;
	_ =	sdelay $0x1  }
0x5a0: {  	s31 =	spop (v2sf);
	v24 =	vld [tilespmem:s18+$0x0];
	(erf) = vpow2.f32 v18;
	v18 =	vbroadcast v25, $0xF  }
0x5a1: {  	v16 =	vmul.f32 $1.442695020e+00, v16;
	[tilespmem:v29+s8+$0x0] =	vst.idx.msk $0xffff, v25;
	v25 =	vmul.f32 $1.442695020e+00, v31;
	v29 =	vadd.f32 s31, v32;
	v31, _, _ =	vpop (xrf2)  }
0x5a2: {  	v31 =	vadd.f32 v31, v18;
	v18 =	vsub.f32 v23, v12  }
0x5a3: {  	(xrf2) =	vadd.scan.msk.f32 $0xffff, v34;
	(erf) = vpow2.f32 v16;
	v16 =	vld [tilespmem:s21+$0x12000]  }
0x5a4: {  	[tilespmem:v30+s8+$0x0] =	vst.idx.msk $0xffff, v31;
	v30 =	vmul.f32 $1.442695020e+00, v18  }
0x5a5: {  	(erf) = vpow2.f32 v25;
	v25 =	vbroadcast v29, $0xF  }
0x5a6: {  	[tilespmem:v13+s8+$0x0] =	vst.idx.msk $0xffff, v29;
	v23 =	vld.idx.msk [tilespmem:v19+s6+$0x0], $0xffff;
	v29, _, _ =	vpop (xrf2)  }
0x5a7: {  	v13 =	vld [tilespmem:s23+$0x13000];
	v25 =	vadd.f32 v29, v25;
	v49 =	vpop (erf)  }
0x5a8: {  	s28 =	spop (v2sf);
	(v2sf) =	vpush v31, $0xF;
	v29 =	vld.idx.msk [tilespmem:v24+s6+$0x0], $0xffff;
	(erf) = vpow2.f32 v30;
	v30, _, _ =	vpop (xrf2)  }
0x5a9: {  	v50 =	vpop (erf);
	[tilespmem:v14+s8+$0x0] =	vst.idx.msk $0xffff, v25;
	(v2sf) =	vpush v25, $0xF;
	v25 =	vadd.f32 s28, v30  }
0x5aa: {  	v18 =	vld [tilespmem:s17+$0x2010];
	(xrf2) =	vadd.scan.msk.f32 $0xffff, v50  }
0x5ab: {  	v31 =	vpop (erf);
	v52 =	vsub.f32 v23, v12;
	v30 =	vld.idx.msk [tilespmem:v16+s6+$0x0], $0xffff  }
0x5ac: {  	(xrf2) =	vadd.scan.msk.f32 $0xffff, v49;
	v51 =	vpop (erf);
	[tilespmem:v20+s8+$0x0] =	vst.idx.msk $0xffff, v25;
	v20 =	vbroadcast v25, $0xF  }
0x5ad: {  	v14 =	vld [tilespmem:s20+$0x3010];
	v54 =	vmul.f32 $1.442695020e+00, v52;
	v29 =	vsub.f32 v29, v12;
	(xrf2) =	vadd.scan.msk.f32 $0xffff, v51;
	v25, _, _ =	vpop (xrf2)  }
0x5ae: {  	s29 =	simm.s32 $0xA0;
	v53 =	vpop (erf);
	v35 =	vadd.f32 v25, v20  }
0x5af: {  	s23 =	sand.u32 $0xFE0, s29;
	v55 =	vld.idx.msk [tilespmem:v13+s6+$0x0], $0xffff;
	(xrf2) =	vadd.scan.msk.f32 $0xffff, v53;
	(erf) = vpow2.f32 v54;
	v25 =	vmul.f32 $1.442695020e+00, v29  }
0x5b0: {  	v23 =	vld [tilespmem:s23+$0x11000];
	[tilespmem:v21+s8+$0x0] =	vst.idx.msk $0xffff, v35;
	v21 =	vsub.f32 v30, v12  }
0x5b1: {  	(erf) = vpow2.f32 v25;
	v30 =	vpop (erf)  }
0x5b2: {  	s20 =	simm.s32 $0x100E0;
	v29 =	vld.idx.msk [tilespmem:v18+s6+$0x0], $0xffff;
	(v2sf) =	vpush v35, $0xF;
	(xrf2) =	vadd.scan.msk.f32 $0xffff, v30;
	v30 =	vmul.f32 $1.442695020e+00, v21  }
0x5b3: {  	s24 =	sadd.f32 s24, s26;
	v20 =	vld [tilespmem:s20+$0x0]  }
0x5b4: {  	v25 =	vld [tilespmem:s16+$0x1010];
	v57, _, _ =	vpop (xrf2);
	(erf) = vpow2.f32 v30;
	v30 =	vsub.f32 v55, v12  }
0x5b5: {  	v56 =	vld.idx.msk [tilespmem:v14+s6+$0x0], $0xffff;
	v33 =	vadd.f32 s24, v57  }
0x5b6: {  	v36, _, _ =	vpop (xrf2);
	v30 =	vmul.f32 $1.442695020e+00, v30  }
0x5b7: {  	v21 =	vld [tilespmem:s20+$0x10];
	v29 =	vsub.f32 v29, v12;
	v37 =	vbroadcast v33, $0xF;
	v59, _, _ =	vpop (xrf2)  }
0x5b8: {  	(xrf2) =	vadd.scan.msk.f32 $0xffff, v31;
	v58 =	vld.idx.msk [tilespmem:v23+s6+$0x0], $0xffff;
	v31 =	vpop (erf);
	(erf) = vpow2.f32 v30  }
0x5b9: {  	s30 =	spop (v2sf);
	[tilespmem:v26+s8+$0x0] =	vst.idx.msk $0xffff, v33;
	v61, _, _ =	vpop (xrf2);
	v26 =	vadd.f32 v59, v37;
	v30 =	vmul.f32 $1.442695020e+00, v29  }
0x5ba: {  	v32 =	vsub.f32 v56, v12;
	v35 =	vadd.f32 s30, v61;
	v62 =	vpop (erf)  }
0x5bb: {  	v60 =	vld.idx.msk [tilespmem:v20+s6+$0x0], $0xffff;
	(v2sf) =	vpush v26, $0xF;
	(xrf2) =	vadd.scan.msk.f32 $0xffff, v62;
	(erf) = vpow2.f32 v30  }
0x5bc: {  	s31 =	spop (v2sf);
	v32 =	vmul.f32 $1.442695020e+00, v32;
	[tilespmem:v28+s8+$0x0] =	vst.idx.msk $0xffff, v35;
	v28 =	vbroadcast v35, $0xF;
	v29 =	vld.idx.msk [tilespmem:v25+s6+$0x0], $0xffff  }
0x5bd: {  	v36 =	vadd.f32 s31, v36;
	v34 =	vsub.f32 v58, v12  }
0x5be: {  	[tilespmem:v27+s8+$0x0] =	vst.idx.msk $0xffff, v26;
	v26 =	vld [tilespmem:s22+$0x12000];
	(erf) = vpow2.f32 v32  }
0x5bf: {  	[tilespmem:v15+s8+$0x0] =	vst.idx.msk $0xffff, v36;
	v27 =	vld.idx.msk [tilespmem:v21+s6+$0x0], $0xffff;
	v32 =	vmul.f32 $1.442695020e+00, v34;
	v63, _, _ =	vpop (xrf2);
	(xrf2) =	vadd.scan.msk.f32 $0xffff, v31  }
0x5c0: {  	s26 =	simm.s32 $0xE;
	s24 =	simm.s32 $0xC0;
	v15 =	vld [tilespmem:s25+$0x13000];
	v30 =	vbroadcast v36, $0xF;
	v33 =	vsub.f32 v60, v12;
	v31 =	vadd.f32 v63, v28;
	v28 =	vpop (erf)  }
.LBB2_71:
0x5c1: {  	s26 =	sadd.s32 $0x2, s26;
	v29 =	vsub.f32 v29, v12;
	(erf) = vpow2.f32 v32;
	s28 =	spop (v2sf);
	v32 =	vpop (erf);
	s25 =	smov.u32 s23  }
0x5c2: {  	p0 =	slt.u32 s26, $0xFE;
	v33 =	vmul.f32 $1.442695020e+00, v33;
	[tilespmem:v22+s8+$0x0] =	vst.idx.msk $0xffff, v31;
	(v2sf) =	vpush v31, $0xF;
	v22, _, _ =	vpop (xrf2);
	(xrf2) =	vadd.scan.msk.f32 $0xffff, v32  }
0x5c3: {  	v29 =	vmul.f32 $1.442695020e+00, v29;
	v31 =	vld [tilespmem:s15+$0x2010];
	v30 =	vadd.f32 v22, v30;
	v22 =	vmov v25  }
0x5c4: {  	v25 =	vsub.f32 v27, v12;
	v27 =	vpop (erf);
	v34 =	vmov v26  }
0x5c5: {  	v32, _, _ =	vpop (xrf2);
	(erf) = vpow2.f32 v29;
	(xrf2) =	vadd.scan.msk.f32 $0xffff, v28;
	[tilespmem:v17+s8+$0x0] =	vst.idx.msk $0xffff, v30;
	(v2sf) =	vpush v30, $0xF  }
0x5c6: {  	v25 =	vmul.f32 $1.442695020e+00, v25;
	v17 =	vmov v18;
	v28 =	vadd.f32 s28, v32;
	v30 =	vld [tilespmem:s19+$0x3010];
	s19 =	smov.u32 s17;
	s17 =	smov.u32 s15;
	s15 =	smov.u32 s16  }
0x5c7: {  	s16 =	smov.u32 s18;
	s18 =	smov.u32 s20;
	v26 =	vld.idx.msk [tilespmem:v26+s6+$0x0], $0xffff;
	v18 =	vpop (erf)  }
0x5c8: {  	s23 =	sand.u32 $0xFE0, s24;
	(erf) = vpow2.f32 v25;
	[tilespmem:v24+s8+$0x0] =	vst.idx.msk $0xffff, v28;
	v25 =	vbroadcast v28, $0xF;
	v28 =	vld.idx.msk [tilespmem:v15+s6+$0x0], $0xffff;
	(xrf2) =	vadd.scan.msk.f32 $0xffff, v18;
	v18 =	vmovc v31  }
0x5c9: {  	v24 =	vmov v20;
	v32 =	vld [tilespmem:s23+$0x11000];
	v29, _, _ =	vpop (xrf2)  }
0x5ca: {  	s20 =	sadd.s32 $0x20, s20;
	(erf) = vpow2.f32 v33;
	v25 =	vadd.f32 v29, v25;
	v20 =	vpop (erf);
	s28 =	spop (v2sf)  }
0x5cb: {  	(xrf2) =	vadd.scan.msk.f32 $0xffff, v20;
	v29 =	vld.idx.msk [tilespmem:v31+s6+$0x0], $0xffff  }
0x5cc: {  	v20 =	vld [tilespmem:s20+$0x0];
	[tilespmem:v19+s8+$0x0] =	vst.idx.msk $0xffff, v25;
	(v2sf) =	vpush v25, $0xF;
	v31, _, _ =	vpop (xrf2);
	v19 =	vmov v21  }
0x5cd: {  	v21 =	vsub.f32 v26, v12;
	v25 =	vld [tilespmem:s16+$0x1010];
	v26 =	vadd.f32 s28, v31  }
0x5ce: {  	v36 =	vsub.f32 v28, v12;
	v31 =	vpop (erf);
	v33 =	vld.idx.msk [tilespmem:v30+s6+$0x0], $0xffff  }
0x5cf: {  	(xrf2) =	vadd.scan.msk.f32 $0xffff, v31;
	v31 =	vmul.f32 $1.442695020e+00, v21;
	v35, _, _ =	vpop (xrf2);
	[tilespmem:v13+s8+$0x0] =	vst.idx.msk $0xffff, v26;
	v13 =	vmov v15  }
0x5d0: {  	v37 =	vmul.f32 $1.442695020e+00, v36;
	v21 =	vld [tilespmem:s20+$0x10]  }
0x5d1: {  	v26 =	vbroadcast v26, $0xF;
	v29 =	vsub.f32 v29, v12;
	v28 =	vpop (erf);
	v36 =	vld.idx.msk [tilespmem:v32+s6+$0x0], $0xffff;
	(erf) = vpow2.f32 v31;
	s28 =	spop (v2sf)  }
0x5d2: {  	(xrf2) =	vadd.scan.msk.f32 $0xffff, v27;
	(erf) = vpow2.f32 v37;
	v15, _, _ =	vpop (xrf2)  }
0x5d3: {  	v31 =	vmul.f32 $1.442695020e+00, v29;
	v27 =	vpop (erf);
	v15 =	vadd.f32 v15, v26  }
0x5d4: {  	v26 =	vsub.f32 v33, v12;
	v37 =	vld.idx.msk [tilespmem:v20+s6+$0x0], $0xffff;
	s29 =	spop (v2sf)  }
0x5d5: {  	(xrf2) =	vadd.scan.msk.f32 $0xffff, v27;
	v29 =	vld.idx.msk [tilespmem:v25+s6+$0x0], $0xffff;
	v27, _, _ =	vpop (xrf2);
	(erf) = vpow2.f32 v31;
	[tilespmem:v14+s8+$0x0] =	vst.idx.msk $0xffff, v15;
	(v2sf) =	vpush v15, $0xF  }
.Ltmp39:
0x5d6: {  	v31 =	vadd.f32 s29, v35;
	v26 =	vmul.f32 $1.442695020e+00, v26;
	v14 =	vmovc v30;
	v15 =	vadd.f32 s28, v27;
	(pc) =	sbr.rel @p0 .LBB2_71-.Ltmp39, $4  }
0x5d7: {  	v30 =	vsub.f32 v36, v12  }
0x5d8: {  	v27 =	vld.idx.msk [tilespmem:v21+s6+$0x0], $0xffff;
	[tilespmem:v23+s8+$0x0] =	vst.idx.msk $0xffff, v15;
	v15 =	vbroadcast v15, $0xF;
	(erf) = vpow2.f32 v26;
	v23 =	vmov v32  }
0x5d9: {  	v32 =	vmul.f32 $1.442695020e+00, v30;
	v30 =	vbroadcast v31, $0xF;
	(xrf2) =	vadd.scan.msk.f32 $0xffff, v28;
	v26 =	vld [tilespmem:s25+$0x12000];
	v28, _, _ =	vpop (xrf2);
	[tilespmem:v16+s8+$0x0] =	vst.idx.msk $0xffff, v31  }
0x5da: {  	s24 =	sadd.s32 $0x20, s24;
	v33 =	vsub.f32 v37, v12;
	v16 =	vmov v34;
	v31 =	vadd.f32 v28, v15;
	v28 =	vpop (erf);
	v15 =	vld [tilespmem:s21+$0x13000];
	s21 =	smov.u32 s22;
	s22 =	smov.u32 s25  }
0x5db: {  	_ = 	snop  }
0x5dc: {  	v29 =	vsub.f32 v29, v12;
	(erf) = vpow2.f32 v32  }
0x5dd: {  	v27 =	vsub.f32 v27, v12  }
0x5de: {  	v29 =	vmul.f32 $1.442695020e+00, v29  }
0x5df: {  	v40, _, _ =	vpop (xrf2);
	v34 =	vmul.f32 $1.442695020e+00, v27  }
0x5e0: {  	s25 =	spop (v2sf);
	v33 =	vmul.f32 $1.442695020e+00, v33;
	[tilespmem:v22+s8+$0x0] =	vst.idx.msk $0xffff, v31;
	v41 =	vadd.f32 v40, v30;
	v42, _, _ =	vpop (xrf2);
	(erf) = vpow2.f32 v29  }
0x5e1: {  	v43 =	vpop (erf);
	(v2sf) =	vpush v31, $0xF;
	v27 =	vld [tilespmem:s15+$0x2010];
	v30 =	vadd.f32 s25, v42;
	(erf) = vpow2.f32 v34  }
0x5e2: {  	(xrf2) =	vadd.scan.msk.f32 $0xffff, v43;
	v44 =	vpop (erf);
	[tilespmem:v17+s8+$0x0] =	vst.idx.msk $0xffff, v41;
	(v2sf) =	vpush v41, $0xF;
	(erf) = vpow2.f32 v33  }
0x5e3: {  	v17 =	vld [tilespmem:s19+$0x3010];
	s19 =	sand.u32 $0xFE0, s24;
	v45 =	vpop (erf);
	[tilespmem:v24+s8+$0x0] =	vst.idx.msk $0xffff, v30;
	v46 =	vbroadcast v30, $0xF  }
0x5e4: {  	(xrf2) =	vadd.scan.msk.f32 $0xffff, v28;
	v30 =	vld [tilespmem:s19+$0x11000];
	v47, _, _ =	vpop (xrf2)  }
0x5e5: {  	(xrf2) =	vadd.scan.msk.f32 $0xffff, v45;
	v48 =	vadd.f32 v47, v46;
	v49 =	vpop (erf)  }
0x5e6: {  	v50 =	vld.idx.msk [tilespmem:v26+s6+$0x0], $0xffff;
	(xrf2) =	vadd.scan.msk.f32 $0xffff, v49  }
0x5e7: {  	v51 =	vld.idx.msk [tilespmem:v15+s6+$0x0], $0xffff;
	[tilespmem:v19+s8+$0x0] =	vst.idx.msk $0xffff, v48;
	(v2sf) =	vpush v48, $0xF  }
0x5e8: {  	v24 =	vld [tilespmem:s18+$0x1010]  }
0x5e9: {  	v52 =	vld.idx.msk [tilespmem:v27+s6+$0x0], $0xffff;
	v53 =	vpop (erf)  }
0x5ea: {  	(xrf2) =	vadd.scan.msk.f32 $0xffff, v53;
	v54 =	vpop (erf)  }
0x5eb: {  	v56 =	vld.idx.msk [tilespmem:v17+s6+$0x0], $0xffff;
	(xrf2) =	vadd.scan.msk.f32 $0xffff, v44;
	v57 =	vpop (erf)  }
0x5ec: {  	v55 =	vsub.f32 v50, v12;
	s29 =	spop (v2sf);
	v59, _, _ =	vpop (xrf2);
	v58 =	vld.idx.msk [tilespmem:v30+s6+$0x0], $0xffff;
	(xrf2) =	vadd.scan.msk.f32 $0xffff, v57  }
0x5ed: {  	v29 =	vsub.f32 v51, v12;
	v19 =	vadd.f32 s29, v59  }
0x5ee: {  	v60 =	vmul.f32 $1.442695020e+00, v55;
	v61, _, _ =	vpop (xrf2);
	v22 =	vsub.f32 v52, v12  }
0x5ef: {  	v29 =	vmul.f32 $1.442695020e+00, v29;
	v35 =	vbroadcast v19, $0xF;
	v62, _, _ =	vpop (xrf2)  }
0x5f0: {  	(erf) = vpow2.f32 v60;
	s30 =	spop (v2sf);
	v28 =	vsub.f32 v56, v12;
	v22 =	vmul.f32 $1.442695020e+00, v22;
	v36 =	vld.idx.msk [tilespmem:v24+s6+$0x0], $0xffff;
	v37, _, _ =	vpop (xrf2);
	(xrf2) =	vadd.scan.msk.f32 $0xffff, v54  }
0x5f1: {  	(erf) = vpow2.f32 v29;
	s26 =	spop (v2sf);
	v63 =	vadd.f32 s30, v37;
	v37 =	vsub.f32 v58, v12  }
0x5f2: {  	v31 =	vadd.f32 s26, v61;
	v38 =	vmul.f32 $1.442695020e+00, v28;
	(erf) = vpow2.f32 v22  }
0x5f3: {  	v39 =	vbroadcast v63, $0xF;
	v32 =	vmul.f32 $1.442695020e+00, v37  }
0x5f4: {  	(erf) = vpow2.f32 v38;
	v41 =	vbroadcast v31, $0xF;
	[tilespmem:v23+s8+$0x0] =	vst.idx.msk $0xffff, v63;
	v40, _, _ =	vpop (xrf2)  }
0x5f5: {  	v28 =	vld [tilespmem:s23+$0x12000];
	v33 =	vadd.f32 v40, v39;
	v42 =	vsub.f32 v36, v12;
	(erf) = vpow2.f32 v32;
	v43, _, _ =	vpop (xrf2)  }
0x5f6: {  	v22 =	vadd.f32 v62, v35;
	[tilespmem:v16+s8+$0x0] =	vst.idx.msk $0xffff, v31;
	s31 =	spop (v2sf);
	v23 =	vadd.f32 v43, v41;
	v44, _, _ =	vpop (xrf2)  }
0x5f7: {  	v16 =	vld [tilespmem:s21+$0x13000];
	[tilespmem:v25+s8+$0x0] =	vst.idx.msk $0xffff, v33;
	v45 =	vmul.f32 $1.442695020e+00, v42;
	v31 =	vadd.f32 s31, v44  }
0x5f8: {  	s26 =	sadd.s32 $0x20, s24;
	(v2sf) =	vpush v22, $0xF;
	v29 =	vld [tilespmem:s16+$0x2010];
	[tilespmem:v18+s8+$0x0] =	vst.idx.msk $0xffff, v23  }
0x5f9: {  	v46 =	vpop (erf);
	(erf) = vpow2.f32 v45;
	v18 =	vld [tilespmem:s17+$0x3010];
	s17 =	sand.u32 $0xFE0, s26;
	[tilespmem:v20+s8+$0x0] =	vst.idx.msk $0xffff, v31;
	v47 =	vbroadcast v31, $0xF  }
0x5fa: {  	(v2sf) =	vpush v33, $0xF;
	v48, _, _ =	vpop (xrf2);
	v31 =	vld [tilespmem:s17+$0x11000]  }
0x5fb: {  	v49 =	vpop (erf);
	(v2sf) =	vpush v23, $0xF;
	v50 =	vadd.f32 v48, v47  }
0x5fc: {  	(xrf2) =	vadd.scan.msk.f32 $0xffff, v49;
	v51 =	vpop (erf)  }
0x5fd: {  	(xrf2) =	vadd.scan.msk.f32 $0xffff, v46;
	v53 =	vpop (erf);
	v52 =	vld.idx.msk [tilespmem:v28+s6+$0x0], $0xffff;
	[tilespmem:v21+s8+$0x0] =	vst.idx.msk $0xffff, v50  }
0x5fe: {  	(xrf2) =	vadd.scan.msk.f32 $0xffff, v53;
	v54 =	vpop (erf);
	v32 =	vld [tilespmem:s20+$0x1010]  }
0x5ff: {  	v55 =	vld.idx.msk [tilespmem:v16+s6+$0x0], $0xffff;
	(xrf2) =	vadd.scan.msk.f32 $0xffff, v54  }
0x600: {  	v56 =	vld.idx.msk [tilespmem:v29+s6+$0x0], $0xffff  }
0x601: {  	v57 =	vld.idx.msk [tilespmem:v18+s6+$0x0], $0xffff  }
0x602: {  	v58 =	vpop (erf);
	v59 =	vld.idx.msk [tilespmem:v31+s6+$0x0], $0xffff  }
0x603: {  	v25 =	vsub.f32 v52, v12;
	(xrf2) =	vadd.scan.msk.f32 $0xffff, v58  }
0x604: {  	v33 =	vsub.f32 v55, v12;
	(xrf2) =	vadd.scan.msk.f32 $0xffff, v51  }
0x605: {  	v60 =	vmul.f32 $1.442695020e+00, v25;
	v21 =	vsub.f32 v56, v12  }
0x606: {  	v61, _, _ =	vpop (xrf2);
	v33 =	vmul.f32 $1.442695020e+00, v33;
	v34 =	vsub.f32 v57, v12;
	v62 =	vld.idx.msk [tilespmem:v32+s6+$0x0], $0xffff  }
0x607: {  	s28 =	spop (v2sf);
	v63, _, _ =	vpop (xrf2);
	(erf) = vpow2.f32 v60;
	v21 =	vmul.f32 $1.442695020e+00, v21;
	v36 =	vsub.f32 v59, v12  }
0x608: {  	v20 =	vadd.f32 s28, v61;
	(erf) = vpow2.f32 v33;
	v40, _, _ =	vpop (xrf2);
	v41 =	vmul.f32 $1.442695020e+00, v34  }
0x609: {  	s29 =	spop (v2sf);
	v42, _, _ =	vpop (xrf2);
	(erf) = vpow2.f32 v21;
	v43 =	vmul.f32 $1.442695020e+00, v36  }
0x60a: {  	v44 =	vbroadcast v20, $0xF;
	s30 =	spop (v2sf);
	v34 =	vadd.f32 s29, v42;
	(erf) = vpow2.f32 v41  }
0x60b: {  	v45 =	vadd.f32 s30, v63;
	v35 =	vsub.f32 v62, v12;
	(erf) = vpow2.f32 v43  }
0x60c: {  	v46 =	vbroadcast v34, $0xF  }
0x60d: {  	v21 =	vadd.f32 v40, v44;
	v48 =	vbroadcast v45, $0xF;
	[tilespmem:v30+s8+$0x0] =	vst.idx.msk $0xffff, v34;
	v47, _, _ =	vpop (xrf2);
	v49 =	vmul.f32 $1.442695020e+00, v35  }
0x60e: {  	(v2sf) =	vpush v50, $0xF;
	[tilespmem:v26+s8+$0x0] =	vst.idx.msk $0xffff, v45;
	v30 =	vld [tilespmem:s19+$0x12000];
	v25 =	vadd.f32 v47, v46;
	v50, _, _ =	vpop (xrf2)  }
0x60f: {  	(v2sf) =	vpush v21, $0xF;
	v23 =	vld [tilespmem:s22+$0x13000];
	v26 =	vadd.f32 v50, v48;
	(erf) = vpow2.f32 v49  }
0x610: {  	v51 =	vpop (erf);
	(v2sf) =	vpush v25, $0xF  }
0x611: {  	v52 =	vpop (erf);
	[tilespmem:v24+s8+$0x0] =	vst.idx.msk $0xffff, v25;
	(v2sf) =	vpush v26, $0xF  }
0x612: {  	(xrf2) =	vadd.scan.msk.f32 $0xffff, v52;
	v34 =	vld [tilespmem:s18+$0x2010];
	[tilespmem:v27+s8+$0x0] =	vst.idx.msk $0xffff, v26;
	v53 =	vpop (erf)  }
0x613: {  	(xrf2) =	vadd.scan.msk.f32 $0xffff, v51;
	v24 =	vld [tilespmem:s15+$0x3010];
	v54 =	vpop (erf)  }
0x614: {  	(xrf2) =	vadd.scan.msk.f32 $0xffff, v54;
	v55 =	vpop (erf)  }
0x615: {  	(xrf2) =	vadd.scan.msk.f32 $0xffff, v55  }
0x616: {  	v56 =	vld.idx.msk [tilespmem:v30+s6+$0x0], $0xffff  }
0x617: {  	v57 =	vld.idx.msk [tilespmem:v23+s6+$0x0], $0xffff  }
0x618: {  	v58 =	vpop (erf)  }
0x619: {  	(xrf2) =	vadd.scan.msk.f32 $0xffff, v58  }
0x61a: {  	v59 =	vld.idx.msk [tilespmem:v34+s6+$0x0], $0xffff;
	(xrf2) =	vadd.scan.msk.f32 $0xffff, v53  }
0x61b: {  	v27 =	vsub.f32 v56, v12;
	v60 =	vld.idx.msk [tilespmem:v24+s6+$0x0], $0xffff  }
0x61c: {  	v61 =	vsub.f32 v57, v12;
	v62, _, _ =	vpop (xrf2)  }
0x61d: {  	s31 =	spop (v2sf);
	v63, _, _ =	vpop (xrf2);
	v27 =	vmul.f32 $1.442695020e+00, v27  }
0x61e: {  	s15 =	spop (v2sf);
	v40 =	vmul.f32 $1.442695020e+00, v61;
	v42, _, _ =	vpop (xrf2)  }
0x61f: {  	v25 =	vadd.f32 s15, v62;
	v41 =	vsub.f32 v59, v12;
	(erf) = vpow2.f32 v27;
	s21 =	spop (v2sf);
	v43, _, _ =	vpop (xrf2)  }
0x620: {  	(erf) = vpow2.f32 v40;
	v33 =	vsub.f32 v60, v12;
	s22 =	spop (v2sf);
	v35 =	vadd.f32 s21, v43  }
0x621: {  	v44 =	vbroadcast v25, $0xF;
	v38 =	vmul.f32 $1.442695020e+00, v41;
	v36 =	vadd.f32 s22, v63  }
0x622: {  	v33 =	vmul.f32 $1.442695020e+00, v33;
	v45 =	vbroadcast v35, $0xF  }
0x623: {  	v26 =	vadd.f32 v42, v44;
	(erf) = vpow2.f32 v38;
	[tilespmem:v31+s8+$0x0] =	vst.idx.msk $0xffff, v35;
	v47 =	vbroadcast v36, $0xF;
	v46, _, _ =	vpop (xrf2)  }
0x624: {  	(erf) = vpow2.f32 v33;
	[tilespmem:v28+s8+$0x0] =	vst.idx.msk $0xffff, v36;
	v31 =	vld [tilespmem:s17+$0x12000];
	v27 =	vadd.f32 v46, v45;
	v48, _, _ =	vpop (xrf2)  }
0x625: {  	(v2sf) =	vpush v26, $0xF;
	v33 =	vld [tilespmem:s23+$0x13000];
	v28 =	vadd.f32 v48, v47  }
0x626: {  	(v2sf) =	vpush v27, $0xF  }
0x627: {  	[tilespmem:v32+s8+$0x0] =	vst.idx.msk $0xffff, v27;
	(v2sf) =	vpush v28, $0xF  }
0x628: {  	v49 =	vpop (erf);
	v32 =	vld [tilespmem:s20+$0x2010];
	[tilespmem:v29+s8+$0x0] =	vst.idx.msk $0xffff, v28  }
0x629: {  	v50 =	vpop (erf);
	v29 =	vld [tilespmem:s16+$0x3010]  }
0x62a: {  	(xrf2) =	vadd.scan.msk.f32 $0xffff, v50;
	_ =	sdelay $0x1  }
0x62b: {  	(xrf2) =	vadd.scan.msk.f32 $0xffff, v49;
	v51 =	vpop (erf);
	v52 =	vld.idx.msk [tilespmem:v31+s6+$0x0], $0xffff  }
0x62c: {  	v53 =	vpop (erf);
	v54 =	vld.idx.msk [tilespmem:v33+s6+$0x0], $0xffff  }
0x62d: {  	(xrf2) =	vadd.scan.msk.f32 $0xffff, v53;
	_ =	sdelay $0x1  }
0x62e: {  	v55 =	vld.idx.msk [tilespmem:v32+s6+$0x0], $0xffff  }
0x62f: {  	(xrf2) =	vadd.scan.msk.f32 $0xffff, v51;
	v35 =	vsub.f32 v52, v12;
	v56 =	vld.idx.msk [tilespmem:v29+s6+$0x0], $0xffff  }
0x630: {  	v57 =	vsub.f32 v54, v12  }
0x631: {  	v35 =	vmul.f32 $1.442695020e+00, v35  }
0x632: {  	s24 =	spop (v2sf);
	v58, _, _ =	vpop (xrf2);
	v28 =	vmul.f32 $1.442695020e+00, v57  }
0x633: {  	v36 =	vadd.f32 s24, v58;
	v27 =	vsub.f32 v55, v12;
	(erf) = vpow2.f32 v35;
	s25 =	spop (v2sf)  }
0x634: {  	v60, _, _ =	vpop (xrf2);
	(erf) = vpow2.f32 v28;
	v59 =	vsub.f32 v56, v12;
	s15 =	spop (v2sf)  }
0x635: {  	v61 =	vbroadcast v36, $0xF;
	v27 =	vmul.f32 $1.442695020e+00, v27;
	v35 =	vadd.f32 s15, v60  }
0x636: {  	v62, _, _ =	vpop (xrf2);
	v28 =	vmul.f32 $1.442695020e+00, v59  }
0x637: {  	v37 =	vadd.f32 v62, v61;
	(erf) = vpow2.f32 v27  }
0x638: {  	(erf) = vpow2.f32 v28;
	[tilespmem:v30+s8+$0x0] =	vst.idx.msk $0xffff, v35;
	v63 =	vbroadcast v35, $0xF  }
0x639: {  	(v2sf) =	vpush v37, $0xF;
	v28 =	vld [tilespmem:s19+$0x13000];
	v35, _, _ =	vpop (xrf2)  }
0x63a: {  	v27 =	vadd.f32 v35, v63;
	_ =	sdelay $0x1  }
0x63b: {  	v38 =	vpop (erf);
	[tilespmem:v34+s8+$0x0] =	vst.idx.msk $0xffff, v27;
	(v2sf) =	vpush v27, $0xF  }
0x63c: {  	v39 =	vpop (erf);
	v34 =	vld [tilespmem:s18+$0x3010]  }
0x63d: {  	(xrf2) =	vadd.scan.msk.f32 $0xffff, v39;
	_ =	sdelay $0x1  }
0x63e: {  	v40 =	vpop (erf)  }
0x63f: {  	(xrf2) =	vadd.scan.msk.f32 $0xffff, v38;
	v41 =	vpop (erf);
	v42 =	vld.idx.msk [tilespmem:v28+s6+$0x0], $0xffff  }
0x640: {  	(xrf2) =	vadd.scan.msk.f32 $0xffff, v41;
	_ =	sdelay $0x2  }
0x641: {  	(xrf2) =	vadd.scan.msk.f32 $0xffff, v40;
	v43 =	vld.idx.msk [tilespmem:v34+s6+$0x0], $0xffff  }
0x642: {  	v44 =	vsub.f32 v42, v12;
	_ =	sdelay $0x1  }
0x643: {  	s26 =	spop (v2sf);
	v45, _, _ =	vpop (xrf2);
	v27 =	vmul.f32 $1.442695020e+00, v44  }
0x644: {  	v35 =	vadd.f32 s26, v45  }
0x645: {  	(erf) = vpow2.f32 v27;
	v46 =	vsub.f32 v43, v12  }
0x646: {  	v47, _, _ =	vpop (xrf2);
	v48 =	vbroadcast v35, $0xF;
	s28 =	spop (v2sf)  }
0x647: {  	v39, _, _ =	vpop (xrf2);
	v30 =	vadd.f32 s28, v47;
	v27 =	vmul.f32 $1.442695020e+00, v46  }
0x648: {  	v38 =	vadd.f32 v39, v48  }
0x649: {  	(erf) = vpow2.f32 v27;
	[tilespmem:v31+s8+$0x0] =	vst.idx.msk $0xffff, v30;
	v49 =	vbroadcast v30, $0xF  }
0x64a: {  	v51, _, _ =	vpop (xrf2);
	(v2sf) =	vpush v38, $0xF;
	v50 =	vld [tilespmem:s17+$0x13000]  }
0x64b: {  	v27 =	vadd.f32 v51, v49;
	_ =	sdelay $0x1  }
0x64c: {  	[tilespmem:v32+s8+$0x0] =	vst.idx.msk $0xffff, v27  }
0x64d: {  	v52 =	vpop (erf);
	v32 =	vld [tilespmem:s20+$0x3010]  }
0x64e: {  	(xrf2) =	vadd.scan.msk.f32 $0xffff, v52;
	_ =	sdelay $0x2  }
0x64f: {  	v53 =	vpop (erf);
	v54 =	vld.idx.msk [tilespmem:v50+s6+$0x0], $0xffff  }
0x650: {  	(xrf2) =	vadd.scan.msk.f32 $0xffff, v53;
	_ =	sdelay $0x2  }
0x651: {  	v55 =	vld.idx.msk [tilespmem:v32+s6+$0x0], $0xffff  }
0x652: {  	v39 =	vsub.f32 v54, v12;
	_ =	sdelay $0x1  }
0x653: {  	s29 =	spop (v2sf);
	v40, _, _ =	vpop (xrf2);
	v39 =	vmul.f32 $1.442695020e+00, v39  }
0x654: {  	v40 =	vadd.f32 s29, v40  }
0x655: {  	(erf) = vpow2.f32 v39;
	v56 =	vsub.f32 v55, v12  }
0x656: {  	v57 =	vbroadcast v40, $0xF  }
0x657: {  	v58, _, _ =	vpop (xrf2);
	v12 =	vmul.f32 $1.442695020e+00, v56  }
0x658: {  	v31 =	vadd.f32 v58, v57  }
0x659: {  	(v2sf) =	vpush v27, $0xF;
	(erf) = vpow2.f32 v12  }
0x65a: {  	(v2sf) =	vpush v31, $0xF;
	_ =	sdelay $0x3  }
0x65b: {  	v59 =	vpop (erf)  }
0x65c: {  	(xrf2) =	vadd.scan.msk.f32 $0xffff, v59;
	_ =	sdelay $0x2  }
0x65d: {  	v60 =	vpop (erf)  }
0x65e: {  	(xrf2) =	vadd.scan.msk.f32 $0xffff, v60;
	_ =	sdelay $0x4  }
0x65f: {  	s30 =	spop (v2sf)  }
0x660: {  	s15 =	spop (v2sf);
	v61, _, _ =	vpop (xrf2)  }
0x661: {  	v12 =	vadd.f32 s15, v61;
	_ =	sdelay $0x1  }
0x662: {  	v62 =	vbroadcast v12, $0xF  }
0x663: {  	v63, _, _ =	vpop (xrf2)  }
0x664: {  	v27 =	vadd.f32 v63, v62  }
0x665: {  	[tilespmem:v13+s8+$0x0] =	vst.idx.msk $0xffff, v19  }
0x666: {  	[tilespmem:v14+s8+$0x0] =	vst.idx.msk $0xffff, v22;
	(v2sf) =	vpush v27, $0xF  }
0x667: {  	[tilespmem:v15+s8+$0x0] =	vst.idx.msk $0xffff, v20  }
0x668: {  	[tilespmem:v17+s8+$0x0] =	vst.idx.msk $0xffff, v21  }
0x669: {  	[tilespmem:v16+s8+$0x0] =	vst.idx.msk $0xffff, v25  }
0x66a: {  	[tilespmem:v18+s8+$0x0] =	vst.idx.msk $0xffff, v26  }
0x66b: {  	[tilespmem:v23+s8+$0x0] =	vst.idx.msk $0xffff, v36  }
0x66c: {  	[tilespmem:v24+s8+$0x0] =	vst.idx.msk $0xffff, v37  }
0x66d: {  	[tilespmem:v33+s8+$0x0] =	vst.idx.msk $0xffff, v35  }
0x66e: {  	[tilespmem:v29+s8+$0x0] =	vst.idx.msk $0xffff, v38  }
0x66f: {  	[tilespmem:v28+s8+$0x0] =	vst.idx.msk $0xffff, v40  }
0x670: {  	[tilespmem:v34+s8+$0x0] =	vst.idx.msk $0xffff, v31  }
0x671: {  	s14 =	sadd.s32 $0x1, s14;
	[tilespmem:v50+s8+$0x0] =	vst.idx.msk $0xffff, v12  }
0x672: {  	p0 =	sne.s32 s14, s5;
	[tilespmem:v32+s8+$0x0] =	vst.idx.msk $0xffff, v27  }
0x673: {  	[hbm4b:s4+s6] =	stream.linear.scatter [tilespmem:s8], [sflag:$0x1], $0x4000, $0x38;
	[tilespmem:$0x1C000] =	vst v63  }
.Ltmp40:
0x674: {  	_ = 	snop;
	(pc) =	sbr.rel @p0 .LBB2_2-.Ltmp40, $4  }
.Ltmp41:
0x675: {  	s31 =	spop (v2sf);
	(pc) =	sbr.rel @!p0 .LBB2_73-.Ltmp41, $4  }
0x676: {  	_ =	swait.ge [sflag:s7], $0x4000  }
0x677: {  	[sflag:s7] =	ssyncset.done $0x0  }
0x678: {  	[sflag:s7] =	ssyncadd.s32 $0xFFFFC000  }
0x679: {  	_ = 	snop  }
.LBB2_9:
.Ltmp42:
0x67a: {  	_ = 	snop;
	(pc) =	sbr.rel .LBB2_16-.Ltmp42, $2  }
0x67b: {  	_ =	sdelay $0x2  }
0x67c: {  	v19 =	vmovc v45;
	v21 =	vmovc v42;
	v20 =	vmov v18;
	s16 =	simm.s32 $0x0;
	p2 =	por $0x0, $0x0;
	v23 =	vmov v48;
	v22 =	vmov v43  }
.LBB2_17:
.Ltmp43:
0x67d: {  	(pc) =	sbr.rel .LBB2_20-.Ltmp43, $2  }
0x67e: {  	_ =	sdelay $0x2  }
0x67f: {  	_ = 	snop  }
.LBB2_25:
.Ltmp44:
0x680: {  	(pc) =	sbr.rel .LBB2_32-.Ltmp44, $2  }
0x681: {  	_ =	sdelay $0x2  }
0x682: {  	v19 =	vmovc v45;
	v21 =	vmovc v42;
	v20 =	vmov v18;
	s16 =	simm.s32 $0x0;
	p2 =	por $0x0, $0x0;
	v22 =	vmov v43;
	v23 =	vmov v48  }
.LBB2_33:
.Ltmp45:
0x683: {  	(pc) =	sbr.rel .LBB2_36-.Ltmp45, $2  }
0x684: {  	_ =	sdelay $0x2  }
0x685: {  	_ = 	snop  }
.LBB2_41:
.Ltmp46:
0x686: {  	(pc) =	sbr.rel .LBB2_48-.Ltmp46, $2  }
0x687: {  	_ =	sdelay $0x2  }
0x688: {  	v19 =	vmovc v45;
	v21 =	vmovc v42;
	v20 =	vmov v18;
	s16 =	simm.s32 $0x0;
	p2 =	por $0x0, $0x0;
	v22 =	vmov v43;
	v23 =	vmov v48  }
.LBB2_49:
.Ltmp47:
0x689: {  	(pc) =	sbr.rel .LBB2_52-.Ltmp47, $2  }
0x68a: {  	_ =	sdelay $0x2  }
0x68b: {  	_ = 	snop  }
.LBB2_57:
.Ltmp48:
0x68c: {  	(pc) =	sbr.rel .LBB2_64-.Ltmp48, $2  }
0x68d: {  	_ =	sdelay $0x2  }
0x68e: {  	v19 =	vmovc v45;
	v21 =	vmovc v42;
	v20 =	vmov v18;
	s16 =	simm.s32 $0x0;
	v22 =	vmov v43;
	v23 =	vmov v47  }
.LBB2_65:
.Ltmp49:
0x68f: {  	(pc) =	sbr.rel .LBB2_68-.Ltmp49, $2  }
0x690: {  	_ =	sdelay $0x2  }
0x691: {  	_ = 	snop  }
.LBB2_11:
.Ltmp50:
0x692: {  	v58 =	vmov v13;
	v51 =	vmov v26;
	(pc) =	sbr.rel .LBB2_16-.Ltmp50, $4  }
0x693: {  	v56 =	vmovc v14;
	v61 =	vmovc v15;
	v62 =	vmov v39;
	v52 =	vmov v35;
	v50 =	vmov v17  }
0x694: {  	v49 =	vmovc v32;
	v22 =	vmovc v55;
	v13 =	vmov v33;
	v19 =	vmov v25;
	v26 =	vmov v40  }
0x695: {  	v21 =	vmovc v30;
	v20 =	vmovc v31;
	v14 =	vmov v36;
	v15 =	vmov v37;
	v39 =	vmov v29  }
0x696: {  	v35 =	vmovc v28;
	v17 =	vmovc v27;
	s16 =	simm.s32 $0x0;
	v32 =	vmov v24;
	p2 =	por $0x0, $0x0;
	v16 =	vmov v54;
	v23 =	vmov v46  }
.LBB2_27:
.Ltmp51:
0x697: {  	v58 =	vmov v13;
	v51 =	vmov v26;
	(pc) =	sbr.rel .LBB2_32-.Ltmp51, $4  }
0x698: {  	v56 =	vmovc v14;
	v61 =	vmovc v15;
	v62 =	vmov v39;
	v52 =	vmov v35;
	v50 =	vmov v17  }
0x699: {  	v49 =	vmovc v32;
	v22 =	vmovc v55;
	v13 =	vmov v33;
	v19 =	vmov v25;
	v26 =	vmov v40  }
0x69a: {  	v21 =	vmovc v30;
	v20 =	vmovc v31;
	v14 =	vmov v36;
	v15 =	vmov v37;
	v39 =	vmov v29  }
0x69b: {  	v35 =	vmovc v28;
	v17 =	vmovc v27;
	s16 =	simm.s32 $0x0;
	v32 =	vmov v24;
	p2 =	por $0x0, $0x0;
	v16 =	vmov v54;
	v23 =	vmov v46  }
.LBB2_43:
.Ltmp52:
0x69c: {  	v58 =	vmov v13;
	v51 =	vmov v26;
	(pc) =	sbr.rel .LBB2_48-.Ltmp52, $4  }
0x69d: {  	v56 =	vmovc v14;
	v61 =	vmovc v15;
	v62 =	vmov v39;
	v52 =	vmov v35;
	v50 =	vmov v17  }
0x69e: {  	v49 =	vmovc v32;
	v22 =	vmovc v55;
	v13 =	vmov v33;
	v19 =	vmov v25;
	v26 =	vmov v40  }
0x69f: {  	v21 =	vmovc v30;
	v20 =	vmovc v31;
	v14 =	vmov v36;
	v15 =	vmov v37;
	v39 =	vmov v29  }
0x6a0: {  	v35 =	vmovc v28;
	v17 =	vmovc v27;
	s16 =	simm.s32 $0x0;
	v32 =	vmov v24;
	p2 =	por $0x0, $0x0;
	v16 =	vmov v54;
	v23 =	vmov v46  }
.LBB2_59:
.Ltmp53:
0x6a1: {  	v58 =	vmov v13;
	v51 =	vmov v26;
	(pc) =	sbr.rel .LBB2_64-.Ltmp53, $4  }
0x6a2: {  	v56 =	vmovc v14;
	v62 =	vmovc v15;
	v61 =	vmov v37;
	v52 =	vmov v38;
	v50 =	vmov v17  }
0x6a3: {  	v49 =	vmovc v33;
	v22 =	vmovc v55;
	v13 =	vmov v32;
	v19 =	vmov v25;
	v26 =	vmov v40  }
0x6a4: {  	v21 =	vmovc v30;
	v20 =	vmovc v31;
	v14 =	vmov v34;
	v15 =	vmov v35;
	v37 =	vmov v29  }
0x6a5: {  	v38 =	vmovc v28;
	v17 =	vmovc v27;
	s16 =	simm.s32 $0x0;
	v33 =	vmov v24;
	v16 =	vmov v54;
	v23 =	vmov v46  }
.LBB2_13:
.Ltmp54:
0x6a6: {  	v59 =	vmov v13;
	v60 =	vmov v18;
	v63 =	vmov v17;
	(pc) =	sbr.rel .LBB2_16-.Ltmp54, $4  }
0x6a7: {  	v43 =	vmovc v55;
	v58 =	vmovc v33;
	v13 =	vmov v51;
	v51 =	vmov v40;
	v26 =	vmov v56  }
0x6a8: {  	v56 =	vmovc v36;
	v61 =	vmovc v37;
	v48 =	vmov v46;
	v62 =	vmov v29;
	v39 =	vmov v52  }
0x6a9: {  	v18 =	vmovc v31;
	v52 =	vmovc v28;
	v35 =	vmov v50;
	v42 =	vmov v30;
	v50 =	vmov v27  }
0x6aa: {  	v17 =	vmovc v49;
	v57 =	vmovc v53;
	v49 =	vmov v24;
	v32 =	vmov v41;
	v45 =	vmov v25  }
.LBB2_29:
.Ltmp55:
0x6ab: {  	v59 =	vmov v13;
	v60 =	vmov v18;
	v63 =	vmov v17;
	(pc) =	sbr.rel .LBB2_32-.Ltmp55, $4  }
0x6ac: {  	v43 =	vmovc v55;
	v58 =	vmovc v33;
	v13 =	vmov v51;
	v51 =	vmov v40;
	v26 =	vmov v56  }
0x6ad: {  	v56 =	vmovc v36;
	v61 =	vmovc v37;
	v48 =	vmov v46;
	v62 =	vmov v29;
	v39 =	vmov v52  }
0x6ae: {  	v18 =	vmovc v31;
	v52 =	vmovc v28;
	v35 =	vmov v50;
	v42 =	vmov v30;
	v50 =	vmov v27  }
0x6af: {  	v17 =	vmovc v49;
	v57 =	vmovc v53;
	v49 =	vmov v24;
	v32 =	vmov v41;
	v45 =	vmov v25  }
.LBB2_45:
.Ltmp56:
0x6b0: {  	v59 =	vmov v13;
	v60 =	vmov v18;
	v63 =	vmov v17;
	(pc) =	sbr.rel .LBB2_48-.Ltmp56, $4  }
0x6b1: {  	v43 =	vmovc v55;
	v58 =	vmovc v33;
	v13 =	vmov v51;
	v51 =	vmov v40;
	v26 =	vmov v56  }
0x6b2: {  	v56 =	vmovc v36;
	v61 =	vmovc v37;
	v48 =	vmov v46;
	v62 =	vmov v29;
	v39 =	vmov v52  }
0x6b3: {  	v18 =	vmovc v31;
	v52 =	vmovc v28;
	v35 =	vmov v50;
	v42 =	vmov v30;
	v50 =	vmov v27  }
0x6b4: {  	v17 =	vmovc v49;
	v57 =	vmovc v53;
	v49 =	vmov v24;
	v32 =	vmov v41;
	v45 =	vmov v25  }
.LBB2_61:
.Ltmp57:
0x6b5: {  	v59 =	vmov v13;
	v60 =	vmov v18;
	v63 =	vmov v17;
	(pc) =	sbr.rel .LBB2_64-.Ltmp57, $4  }
0x6b6: {  	v43 =	vmovc v55;
	v58 =	vmovc v32;
	v13 =	vmov v51;
	v51 =	vmov v40;
	v26 =	vmov v56  }
0x6b7: {  	v56 =	vmovc v34;
	v62 =	vmovc v35;
	v47 =	vmov v46;
	v61 =	vmov v29;
	v37 =	vmov v52  }
0x6b8: {  	v18 =	vmovc v31;
	v52 =	vmovc v28;
	v38 =	vmov v50;
	v42 =	vmov v30;
	v50 =	vmov v27  }
0x6b9: {  	v17 =	vmovc v49;
	v57 =	vmovc v53;
	v49 =	vmov v24;
	v33 =	vmov v41;
	v45 =	vmov v25  }
.Lfunc_end2:
_tile_overlayer_lowered:
.L_overlay_start_2:
0x6ba: {  	(tag) =	ssettag $0x2  }
0x6bb: {  	s0 =	rddreg [dreg:$0x0];
	s2 =	stileid.u32  }
0x6bc: {  	s1 =	rddreg [dreg:$0x1];
	p0 =	sne.s32 s2, $0x0  }
0x6bd: {  	s3 =	rddreg [dreg:$0x2];
	[bflag:$0x3] =	sbarrier.arrive $0xFFFF;
	s2 =	simm.s32 @!p0 $0x1C01  }
0x6be: {  	[timem:s3], [sflag:s2] =	dma.local @!p0 [hbm:s0], s1  }
0x6bf: {  	s0 =	simm.s32 @!p0 $0x1  }
0x6c0: {  	_ =	swait.ge @!p0 [sflag:s0], s1  }
0x6c1: {  	s1 =	ssub.s32 @!p0 $0x0, s1;
	[sflag:s0] =	ssyncset.done @!p0 $0x0  }
0x6c2: {  	[sflag:s0] =	ssyncadd.s32 @!p0 s1  }
0x6c3: {  	[bflag:$0x3] =	sbarrier.arrive $0xFFFF  }
0x6c4: {  	_ =	shalt  }

</sc_bundles>
